<compile_context>
chip_gen: v7x
topology: tpu7x:2x2x1
jax: 0.10.2.dev20260603
libtpu: 0.0.44.dev20260713+nightly
codegen_flags: <defaults>
</compile_context>

<pallas_src>
import jax
import jax.numpy as jnp
from jax import lax
from jax.experimental import pallas as pl
from jax.experimental.pallas import tpu as pltpu
from jax.experimental.pallas import tpu_sc as plsc

N = 100000
D = 128
NUM_Z = 119

_INFO = plsc.get_sparse_core_info()
_NC = _INFO.num_cores
_NS = _INFO.num_subcores
_NW = _NC * _NS

R = 160
NCHUNKS = N // R
NBUF = 2
JMAX = (NCHUNKS + _NW - 1) // _NW


def _sc_body(inp_hbm, z_hbm, scale_hbm, shift_hbm, out_hbm,
             bufin, bufout, zin0, zin1, scale_v, shift_v,
             insem0, insem1, outsem0, outsem1):
    wid = lax.axis_index("s") * _NC + lax.axis_index("c")
    insems = (insem0, insem1)
    outsems = (outsem0, outsem1)
    zins = (zin0, zin1)

    pltpu.sync_copy(scale_hbm, scale_v)
    pltpu.sync_copy(shift_hbm, shift_v)

    def valid(j):
        cid = wid + j * _NW
        return jnp.logical_and(j >= 0, cid < NCHUNKS)

    def fill(j, slot):
        cid = wid + j * _NW

        @pl.when(valid(j))
        def _():
            base = cid * R
            pltpu.async_copy(inp_hbm.at[pl.ds(base, R)], bufin.at[slot],
                             insems[slot])
            pltpu.async_copy(z_hbm.at[pl.ds(base, R)], zins[slot],
                             insems[slot])

    def wait_fill(j, slot):
        @pl.when(valid(j))
        def _():
            pltpu.make_async_copy(inp_hbm.at[pl.ds(0, R)], bufin.at[slot],
                                  insems[slot]).wait()
            pltpu.make_async_copy(z_hbm.at[pl.ds(0, R)], zins[slot],
                                  insems[slot]).wait()

    def compute(j, slot):
        @pl.when(valid(j))
        def _():
            def group_body(g, c2):
                zvec = zins[slot][pl.ds(g * 16, 16)]
                svec = plsc.load_gather(scale_v, [zvec])
                hvec = plsc.load_gather(shift_v, [zvec])
                row0 = g * 16
                for rr in range(16):
                    s = svec[rr]
                    h = hvec[rr]
                    r = row0 + rr
                    for jj in range(D // 16):
                        v = bufin[slot, r, pl.ds(jj * 16, 16)]
                        bufout[slot, r, pl.ds(jj * 16, 16)] = v * s + h
                return c2

            lax.fori_loop(0, R // 16, group_body, 0)

    def drain(j, slot):
        cid = wid + j * _NW

        @pl.when(valid(j))
        def _():
            base = cid * R
            pltpu.async_copy(bufout.at[slot], out_hbm.at[pl.ds(base, R)],
                             outsems[slot])

    def wait_drain(j, slot):
        @pl.when(valid(j))
        def _():
            pltpu.make_async_copy(bufout.at[slot], out_hbm.at[pl.ds(0, R)],
                                  outsems[slot]).wait()

    for slot in range(NBUF):
        fill(jnp.int32(slot), slot)

    NITER = (JMAX + NBUF - 1) // NBUF

    def body(i, carry):
        for slot in range(NBUF):
            j = NBUF * i + slot
            wait_fill(j, slot)
            wait_drain(j - NBUF, slot)
            compute(j, slot)
            drain(j, slot)
            fill(j + NBUF, slot)
        return carry

    lax.fori_loop(0, NITER, body, 0)
    for slot in range(NBUF):
        wait_drain(jnp.int32(NBUF * (NITER - 1) + slot), slot)


@jax.jit
def _scale_shift(inp, z, scale_flat, shift_flat):
    mesh = plsc.VectorSubcoreMesh(core_axis_name="c", subcore_axis_name="s")
    f = pl.kernel(
        _sc_body,
        out_type=jax.ShapeDtypeStruct((N, D), jnp.float32),
        mesh=mesh,
        compiler_params=pltpu.CompilerParams(needs_layout_passes=False),
        scratch_types=[
            pltpu.VMEM((NBUF, R, D), jnp.float32),
            pltpu.VMEM((NBUF, R, D), jnp.float32),
            pltpu.VMEM((R,), jnp.int32),
            pltpu.VMEM((R,), jnp.int32),
            pltpu.VMEM((NUM_Z,), jnp.float32),
            pltpu.VMEM((NUM_Z,), jnp.float32),
            pltpu.SemaphoreType.DMA,
            pltpu.SemaphoreType.DMA,
            pltpu.SemaphoreType.DMA,
            pltpu.SemaphoreType.DMA,
        ],
    )
    return f(inp, z, scale_flat, shift_flat)


def kernel(input, z, scale_table, shift_table):
    return _scale_shift(input, z, scale_table.reshape(NUM_Z),
                        shift_table.reshape(NUM_Z))

# --- scband reference (transcript-rebuilt; emitter-appended) ---
"""Pipeline reference for scband-scale-shift-22789096472643 (READ-ONLY COPY).

The authoritative reference and input builder live on the scoring server;
editing this copy changes nothing except your own understanding.
"""

import jax, jax.numpy as jnp
import numpy as np

N = 100000
D = 128
NUM_Z = 118 + 1


def setup_inputs(seed: int = 0) -> dict:
    key = jax.random.key(seed)
    k1, k2 = jax.random.split(key)
    inp = jax.random.normal(k1, (N, D), dtype=jnp.float32)
    z = jax.random.randint(k2, (N,), 0, NUM_Z, dtype=jnp.int32)
    # learned parameters, per nn.Embedding.from_pretrained initializations
    scale_table = jnp.ones((NUM_Z, 1), dtype=jnp.float32)
    shift_table = jnp.zeros((NUM_Z, 1), dtype=jnp.float32)
    return {"input": inp, "z": z, "scale_table": scale_table, "shift_table": shift_table}


def reference(input, z, scale_table, shift_table):
    # output = input * scale(z) + shift(z); embedding lookup -> gather
    output = input * jnp.take(scale_table, z, axis=0)  # [N,1] broadcasts over D
    output = output + jnp.take(shift_table, z, axis=0)
    return output

if __name__ == "__main__":
    import jax
    _d = setup_inputs()
    print(jax.jit(kernel)(*tuple(_d.values())))

</pallas_src>

<mosaic_0001>
#map = affine_map<(d0, d1) -> (0, 0)>
#map1 = affine_map<(d0, d1) -> (0)>
module attributes {stable_mosaic.version = 14 : i64} {
  func.func @_sc_body(%arg0: i32, %arg1: i32, %arg2: memref<100000x128xf32, #tpu.memory_space<hbm>>, %arg3: memref<100000xi32, #tpu.memory_space<hbm>>, %arg4: memref<119xf32, #tpu.memory_space<hbm>>, %arg5: memref<119xf32, #tpu.memory_space<hbm>>, %arg6: memref<100000x128xf32, #tpu.memory_space<hbm>>, %arg7: memref<2x160x128xf32, #tpu.memory_space<vmem>>, %arg8: memref<2x160x128xf32, #tpu.memory_space<vmem>>, %arg9: memref<160xi32, #tpu.memory_space<vmem>>, %arg10: memref<160xi32, #tpu.memory_space<vmem>>, %arg11: memref<119xf32, #tpu.memory_space<vmem>>, %arg12: memref<119xf32, #tpu.memory_space<vmem>>, %arg13: memref<!tpu.dma_semaphore, #tpu.memory_space<semaphore_mem>>, %arg14: memref<!tpu.dma_semaphore, #tpu.memory_space<semaphore_mem>>, %arg15: memref<!tpu.dma_semaphore, #tpu.memory_space<semaphore_mem>>, %arg16: memref<!tpu.dma_semaphore, #tpu.memory_space<semaphore_mem>>) attributes {dimension_semantics = [#tpu.dimension_semantics<core_parallel>, #tpu.dimension_semantics<subcore_parallel>], iteration_bounds = array<i64: 2, 16>, scalar_prefetch = 0 : i64, scratch_operands = 10 : i64, tpu.core_type = #tpu.core_type<sc_vector_subcore>, window_params = [{transform_indices = #map}, {transform_indices = #map1}, {transform_indices = #map1}, {transform_indices = #map1}, {transform_indices = #map}]} {
    %mul3A = arith.constant 2 : i32
    %mul3A_0 = arith.muli %arg1, %mul3A : i32
    %add3A = arith.addi %mul3A_0, %arg0 : i32
    "tpu.region"() ({
      %run_scoped3A = tpu.sem_alloc : memref<!tpu.dma_semaphore, #tpu.memory_space<semaphore_mem>>
      tpu.enqueue_dma source(%arg4 : memref<119xf32, #tpu.memory_space<hbm>>) target(%arg11 : memref<119xf32, #tpu.memory_space<vmem>>) target_semaphore(%run_scoped3A : memref<!tpu.dma_semaphore, #tpu.memory_space<semaphore_mem>>)
      tpu.wait_dma2 semaphore(%run_scoped3A : memref<!tpu.dma_semaphore, #tpu.memory_space<semaphore_mem>>) src(%arg4 : memref<119xf32, #tpu.memory_space<hbm>>) dst(%arg11 : memref<119xf32, #tpu.memory_space<vmem>>)
      tpu.yield
    }) : () -> ()
    "tpu.region"() ({
      %run_scoped3A = tpu.sem_alloc : memref<!tpu.dma_semaphore, #tpu.memory_space<semaphore_mem>>
      tpu.enqueue_dma source(%arg5 : memref<119xf32, #tpu.memory_space<hbm>>) target(%arg12 : memref<119xf32, #tpu.memory_space<vmem>>) target_semaphore(%run_scoped3A : memref<!tpu.dma_semaphore, #tpu.memory_space<semaphore_mem>>)
      tpu.wait_dma2 semaphore(%run_scoped3A : memref<!tpu.dma_semaphore, #tpu.memory_space<semaphore_mem>>) src(%arg5 : memref<119xf32, #tpu.memory_space<hbm>>) dst(%arg12 : memref<119xf32, #tpu.memory_space<vmem>>)
      tpu.yield
    }) : () -> ()
    %mul3A_1 = arith.constant 0 : i32
    %mul3A_2 = arith.constant 32 : i32
    %mul3A_3 = arith.muli %mul3A_1, %mul3A_2 : i32
    %add3A_4 = arith.addi %add3A, %mul3A_3 : i32
    %mul3A_5 = arith.constant 0 : i32
    %mul3A_6 = arith.constant 32 : i32
    %mul3A_7 = arith.muli %mul3A_5, %mul3A_6 : i32
    %add3A_8 = arith.addi %add3A, %mul3A_7 : i32
    %ge3A = arith.constant 0 : i32
    %ge3A_9 = arith.constant 0 : i32
    %ge3A_10 = arith.cmpi sge, %ge3A, %ge3A_9 : i32
    %lt3A = arith.constant 625 : i32
    %lt3A_11 = arith.cmpi slt, %add3A_8, %lt3A : i32
    %and3A = arith.andi %ge3A_10, %lt3A_11 : i1
    %convert_element_type3A = arith.extui %and3A : i1 to i32
    %cond3A = arith.constant 0 : i32
    %cond3A_12 = arith.cmpi ne, %convert_element_type3A, %cond3A : i32
    scf.if %cond3A_12 {
      %mul3A_61 = arith.constant 160 : i32
      %mul3A_62 = arith.muli %add3A_4, %mul3A_61 : i32
      %dma_start3A = arith.constant 0 : i32
      %dma_start3A_63 = arith.constant 0 : i32
      %dma_start3A_64 = arith.constant 0 : i32
      %dma_start3A_65 = tpu.memref_slice %arg7[%dma_start3A, %dma_start3A_63, %dma_start3A_64] : memref<2x160x128xf32, #tpu.memory_space<vmem>> -> memref<1x160x128xf32, #tpu.memory_space<vmem>>
      %dma_start3A_66 = tpu.memref_squeeze %dma_start3A_65 : memref<1x160x128xf32, #tpu.memory_space<vmem>> -> memref<160x128xf32, #tpu.memory_space<vmem>>
      %dma_start3A_67 = arith.constant 0 : i32
      %dma_start3A_68 = tpu.memref_slice %arg2[%mul3A_62, %dma_start3A_67] : memref<100000x128xf32, #tpu.memory_space<hbm>> -> memref<160x128xf32, #tpu.memory_space<hbm>>
      %dma_start3A_69 = arith.constant 0 : i32
      %dma_start3A_70 = arith.constant 0 : i32
      %dma_start3A_71 = tpu.memref_slice %arg7[%dma_start3A, %dma_start3A_69, %dma_start3A_70] : memref<2x160x128xf32, #tpu.memory_space<vmem>> -> memref<1x160x128xf32, #tpu.memory_space<vmem>>
      %dma_start3A_72 = tpu.memref_squeeze %dma_start3A_71 : memref<1x160x128xf32, #tpu.memory_space<vmem>> -> memref<160x128xf32, #tpu.memory_space<vmem>>
      %dma_start3A_73 = arith.constant 0 : i32
      %dma_start3A_74 = tpu.memref_slice %arg2[%mul3A_62, %dma_start3A_73] : memref<100000x128xf32, #tpu.memory_space<hbm>> -> memref<160x128xf32, #tpu.memory_space<hbm>>
      tpu.enqueue_dma source(%dma_start3A_74 : memref<160x128xf32, #tpu.memory_space<hbm>>) target(%dma_start3A_72 : memref<160x128xf32, #tpu.memory_space<vmem>>) target_semaphore(%arg13 : memref<!tpu.dma_semaphore, #tpu.memory_space<semaphore_mem>>)
      %dma_start3A_75 = tpu.memref_slice %arg3[%mul3A_62] : memref<100000xi32, #tpu.memory_space<hbm>> -> memref<160xi32, #tpu.memory_space<hbm>>
      %dma_start3A_76 = tpu.memref_slice %arg3[%mul3A_62] : memref<100000xi32, #tpu.memory_space<hbm>> -> memref<160xi32, #tpu.memory_space<hbm>>
      tpu.enqueue_dma source(%dma_start3A_76 : memref<160xi32, #tpu.memory_space<hbm>>) target(%arg9 : memref<160xi32, #tpu.memory_space<vmem>>) target_semaphore(%arg13 : memref<!tpu.dma_semaphore, #tpu.memory_space<semaphore_mem>>)
    } else {
    }
    %mul3A_13 = arith.constant 1 : i32
    %mul3A_14 = arith.constant 32 : i32
    %mul3A_15 = arith.muli %mul3A_13, %mul3A_14 : i32
    %add3A_16 = arith.addi %add3A, %mul3A_15 : i32
    %mul3A_17 = arith.constant 1 : i32
    %mul3A_18 = arith.constant 32 : i32
    %mul3A_19 = arith.muli %mul3A_17, %mul3A_18 : i32
    %add3A_20 = arith.addi %add3A, %mul3A_19 : i32
    %ge3A_21 = arith.constant 1 : i32
    %ge3A_22 = arith.constant 0 : i32
    %ge3A_23 = arith.cmpi sge, %ge3A_21, %ge3A_22 : i32
    %lt3A_24 = arith.constant 625 : i32
    %lt3A_25 = arith.cmpi slt, %add3A_20, %lt3A_24 : i32
    %and3A_26 = arith.andi %ge3A_23, %lt3A_25 : i1
    %convert_element_type3A_27 = arith.extui %and3A_26 : i1 to i32
    %cond3A_28 = arith.constant 0 : i32
    %cond3A_29 = arith.cmpi ne, %convert_element_type3A_27, %cond3A_28 : i32
    scf.if %cond3A_29 {
      %mul3A_61 = arith.constant 160 : i32
      %mul3A_62 = arith.muli %add3A_16, %mul3A_61 : i32
      %dma_start3A = arith.constant 1 : i32
      %dma_start3A_63 = arith.constant 0 : i32
      %dma_start3A_64 = arith.constant 0 : i32
      %dma_start3A_65 = tpu.memref_slice %arg7[%dma_start3A, %dma_start3A_63, %dma_start3A_64] : memref<2x160x128xf32, #tpu.memory_space<vmem>> -> memref<1x160x128xf32, #tpu.memory_space<vmem>>
      %dma_start3A_66 = tpu.memref_squeeze %dma_start3A_65 : memref<1x160x128xf32, #tpu.memory_space<vmem>> -> memref<160x128xf32, #tpu.memory_space<vmem>>
      %dma_start3A_67 = arith.constant 0 : i32
      %dma_start3A_68 = tpu.memref_slice %arg2[%mul3A_62, %dma_start3A_67] : memref<100000x128xf32, #tpu.memory_space<hbm>> -> memref<160x128xf32, #tpu.memory_space<hbm>>
      %dma_start3A_69 = arith.constant 0 : i32
      %dma_start3A_70 = arith.constant 0 : i32
      %dma_start3A_71 = tpu.memref_slice %arg7[%dma_start3A, %dma_start3A_69, %dma_start3A_70] : memref<2x160x128xf32, #tpu.memory_space<vmem>> -> memref<1x160x128xf32, #tpu.memory_space<vmem>>
      %dma_start3A_72 = tpu.memref_squeeze %dma_start3A_71 : memref<1x160x128xf32, #tpu.memory_space<vmem>> -> memref<160x128xf32, #tpu.memory_space<vmem>>
      %dma_start3A_73 = arith.constant 0 : i32
      %dma_start3A_74 = tpu.memref_slice %arg2[%mul3A_62, %dma_start3A_73] : memref<100000x128xf32, #tpu.memory_space<hbm>> -> memref<160x128xf32, #tpu.memory_space<hbm>>
      tpu.enqueue_dma source(%dma_start3A_74 : memref<160x128xf32, #tpu.memory_space<hbm>>) target(%dma_start3A_72 : memref<160x128xf32, #tpu.memory_space<vmem>>) target_semaphore(%arg14 : memref<!tpu.dma_semaphore, #tpu.memory_space<semaphore_mem>>)
      %dma_start3A_75 = tpu.memref_slice %arg3[%mul3A_62] : memref<100000xi32, #tpu.memory_space<hbm>> -> memref<160xi32, #tpu.memory_space<hbm>>
      %dma_start3A_76 = tpu.memref_slice %arg3[%mul3A_62] : memref<100000xi32, #tpu.memory_space<hbm>> -> memref<160xi32, #tpu.memory_space<hbm>>
      tpu.enqueue_dma source(%dma_start3A_76 : memref<160xi32, #tpu.memory_space<hbm>>) target(%arg10 : memref<160xi32, #tpu.memory_space<vmem>>) target_semaphore(%arg14 : memref<!tpu.dma_semaphore, #tpu.memory_space<semaphore_mem>>)
    } else {
    }
    %scan3A = arith.constant 0 : i32
    %scan3A_30 = arith.constant 0 : i32
    %scan3A_31 = arith.constant 10 : i32
    %scan3A_32 = arith.addi %scan3A_30, %scan3A_31 : i32
    %scan3A_33 = arith.constant 1 : i32
    scf.for %scan3A_61 = %scan3A_30 to %scan3A_32 step %scan3A_33  : i32 {
      %mul3A_62 = arith.constant 2 : i32
      %mul3A_63 = arith.muli %mul3A_62, %scan3A_61 : i32
      %add3A_64 = arith.constant 0 : i32
      %add3A_65 = arith.addi %mul3A_63, %add3A_64 : i32
      %mul3A_66 = arith.constant 32 : i32
      %mul3A_67 = arith.muli %add3A_65, %mul3A_66 : i32
      %add3A_68 = arith.addi %add3A, %mul3A_67 : i32
      %ge3A_69 = arith.constant 0 : i32
      %ge3A_70 = arith.cmpi sge, %add3A_65, %ge3A_69 : i32
      %lt3A_71 = arith.constant 625 : i32
      %lt3A_72 = arith.cmpi slt, %add3A_68, %lt3A_71 : i32
      %and3A_73 = arith.andi %ge3A_70, %lt3A_72 : i1
      %convert_element_type3A_74 = arith.extui %and3A_73 : i1 to i32
      %cond3A_75 = arith.constant 0 : i32
      %cond3A_76 = arith.cmpi ne, %convert_element_type3A_74, %cond3A_75 : i32
      scf.if %cond3A_76 {
        %dma_wait3A = arith.constant 0 : i32
        %dma_wait3A_199 = arith.constant 0 : i32
        %dma_wait3A_200 = arith.constant 0 : i32
        %dma_wait3A_201 = tpu.memref_slice %arg7[%dma_wait3A, %dma_wait3A_199, %dma_wait3A_200] : memref<2x160x128xf32, #tpu.memory_space<vmem>> -> memref<1x160x128xf32, #tpu.memory_space<vmem>>
        %dma_wait3A_202 = tpu.memref_squeeze %dma_wait3A_201 : memref<1x160x128xf32, #tpu.memory_space<vmem>> -> memref<160x128xf32, #tpu.memory_space<vmem>>
        %dma_wait3A_203 = arith.constant 0 : i32
        %dma_wait3A_204 = arith.constant 0 : i32
        %dma_wait3A_205 = tpu.memref_slice %arg2[%dma_wait3A_203, %dma_wait3A_204] : memref<100000x128xf32, #tpu.memory_space<hbm>> -> memref<160x128xf32, #tpu.memory_space<hbm>>
        %dma_wait3A_206 = arith.constant 0 : i32
        %dma_wait3A_207 = arith.constant 0 : i32
        %dma_wait3A_208 = tpu.memref_slice %arg7[%dma_wait3A, %dma_wait3A_206, %dma_wait3A_207] : memref<2x160x128xf32, #tpu.memory_space<vmem>> -> memref<1x160x128xf32, #tpu.memory_space<vmem>>
        %dma_wait3A_209 = tpu.memref_squeeze %dma_wait3A_208 : memref<1x160x128xf32, #tpu.memory_space<vmem>> -> memref<160x128xf32, #tpu.memory_space<vmem>>
        %dma_wait3A_210 = arith.constant 0 : i32
        %dma_wait3A_211 = arith.constant 0 : i32
        %dma_wait3A_212 = tpu.memref_slice %arg2[%dma_wait3A_210, %dma_wait3A_211] : memref<100000x128xf32, #tpu.memory_space<hbm>> -> memref<160x128xf32, #tpu.memory_space<hbm>>
        tpu.wait_dma2 semaphore(%arg13 : memref<!tpu.dma_semaphore, #tpu.memory_space<semaphore_mem>>) src(%dma_wait3A_212 : memref<160x128xf32, #tpu.memory_space<hbm>>) dst(%dma_wait3A_209 : memref<160x128xf32, #tpu.memory_space<vmem>>)
        %dma_wait3A_213 = arith.constant 0 : i32
        %dma_wait3A_214 = tpu.memref_slice %arg3[%dma_wait3A_213] : memref<100000xi32, #tpu.memory_space<hbm>> -> memref<160xi32, #tpu.memory_space<hbm>>
        %dma_wait3A_215 = arith.constant 0 : i32
        %dma_wait3A_216 = tpu.memref_slice %arg3[%dma_wait3A_215] : memref<100000xi32, #tpu.memory_space<hbm>> -> memref<160xi32, #tpu.memory_space<hbm>>
        tpu.wait_dma2 semaphore(%arg13 : memref<!tpu.dma_semaphore, #tpu.memory_space<semaphore_mem>>) src(%dma_wait3A_216 : memref<160xi32, #tpu.memory_space<hbm>>) dst(%arg9 : memref<160xi32, #tpu.memory_space<vmem>>)
      } else {
      }
      %sub3A = arith.constant 2 : i32
      %sub3A_77 = arith.subi %add3A_65, %sub3A : i32
      %mul3A_78 = arith.constant 32 : i32
      %mul3A_79 = arith.muli %sub3A_77, %mul3A_78 : i32
      %add3A_80 = arith.addi %add3A, %mul3A_79 : i32
      %ge3A_81 = arith.constant 0 : i32
      %ge3A_82 = arith.cmpi sge, %sub3A_77, %ge3A_81 : i32
      %lt3A_83 = arith.constant 625 : i32
      %lt3A_84 = arith.cmpi slt, %add3A_80, %lt3A_83 : i32
      %and3A_85 = arith.andi %ge3A_82, %lt3A_84 : i1
      %convert_element_type3A_86 = arith.extui %and3A_85 : i1 to i32
      %cond3A_87 = arith.constant 0 : i32
      %cond3A_88 = arith.cmpi ne, %convert_element_type3A_86, %cond3A_87 : i32
      scf.if %cond3A_88 {
        %dma_wait3A = arith.constant 0 : i32
        %dma_wait3A_199 = arith.constant 0 : i32
        %dma_wait3A_200 = arith.constant 0 : i32
        %dma_wait3A_201 = tpu.memref_slice %arg8[%dma_wait3A, %dma_wait3A_199, %dma_wait3A_200] : memref<2x160x128xf32, #tpu.memory_space<vmem>> -> memref<1x160x128xf32, #tpu.memory_space<vmem>>
        %dma_wait3A_202 = tpu.memref_squeeze %dma_wait3A_201 : memref<1x160x128xf32, #tpu.memory_space<vmem>> -> memref<160x128xf32, #tpu.memory_space<vmem>>
        %dma_wait3A_203 = arith.constant 0 : i32
        %dma_wait3A_204 = arith.constant 0 : i32
        %dma_wait3A_205 = tpu.memref_slice %arg6[%dma_wait3A_203, %dma_wait3A_204] : memref<100000x128xf32, #tpu.memory_space<hbm>> -> memref<160x128xf32, #tpu.memory_space<hbm>>
        %dma_wait3A_206 = arith.constant 0 : i32
        %dma_wait3A_207 = arith.constant 0 : i32
        %dma_wait3A_208 = tpu.memref_slice %arg6[%dma_wait3A_206, %dma_wait3A_207] : memref<100000x128xf32, #tpu.memory_space<hbm>> -> memref<160x128xf32, #tpu.memory_space<hbm>>
        %dma_wait3A_209 = arith.constant 0 : i32
        %dma_wait3A_210 = arith.constant 0 : i32
        %dma_wait3A_211 = tpu.memref_slice %arg8[%dma_wait3A, %dma_wait3A_209, %dma_wait3A_210] : memref<2x160x128xf32, #tpu.memory_space<vmem>> -> memref<1x160x128xf32, #tpu.memory_space<vmem>>
        %dma_wait3A_212 = tpu.memref_squeeze %dma_wait3A_211 : memref<1x160x128xf32, #tpu.memory_space<vmem>> -> memref<160x128xf32, #tpu.memory_space<vmem>>
        tpu.wait_dma2 semaphore(%arg15 : memref<!tpu.dma_semaphore, #tpu.memory_space<semaphore_mem>>) src(%dma_wait3A_212 : memref<160x128xf32, #tpu.memory_space<vmem>>) dst(%dma_wait3A_208 : memref<160x128xf32, #tpu.memory_space<hbm>>)
      } else {
      }
      %mul3A_89 = arith.constant 32 : i32
      %mul3A_90 = arith.muli %add3A_65, %mul3A_89 : i32
      %add3A_91 = arith.addi %add3A, %mul3A_90 : i32
      %ge3A_92 = arith.constant 0 : i32
      %ge3A_93 = arith.cmpi sge, %add3A_65, %ge3A_92 : i32
      %lt3A_94 = arith.constant 625 : i32
      %lt3A_95 = arith.cmpi slt, %add3A_91, %lt3A_94 : i32
      %and3A_96 = arith.andi %ge3A_93, %lt3A_95 : i1
      %convert_element_type3A_97 = arith.extui %and3A_96 : i1 to i32
      %cond3A_98 = arith.constant 0 : i32
      %cond3A_99 = arith.cmpi ne, %convert_element_type3A_97, %cond3A_98 : i32
      scf.if %cond3A_99 {
        %scan3A_199 = arith.constant 0 : i32
        %scan3A_200 = arith.constant 0 : i32
        %scan3A_201 = arith.constant 10 : i32
        %scan3A_202 = arith.addi %scan3A_200, %scan3A_201 : i32
        %scan3A_203 = arith.constant 1 : i32
        scf.for %scan3A_205 = %scan3A_200 to %scan3A_202 step %scan3A_203  : i32 {
          %mul3A_206 = arith.constant 16 : i32
          %mul3A_207 = arith.muli %scan3A_205, %mul3A_206 : i32
          %get3A = arith.index_cast %mul3A_207 : i32 to index
          %get3A_208 = tpu.vector_load %arg9[%get3A] {strides = array<i32>} : memref<160xi32, #tpu.memory_space<vmem>>, vector<16xi32>,
          %gather3A = tpu.vector_load_idx %arg11[%get3A_208] : memref<119xf32, #tpu.memory_space<vmem>>[vector<16xi32>], vector<16xf32>,
          %gather3A_209 = tpu.vector_load_idx %arg12[%get3A_208] : memref<119xf32, #tpu.memory_space<vmem>>[vector<16xi32>], vector<16xf32>,
          %mul3A_210 = arith.constant 16 : i32
          %mul3A_211 = arith.muli %scan3A_205, %mul3A_210 : i32
          %slice3A = vector.extract_strided_slice %gather3A {offsets = [0], sizes = [1], strides = [1]} : vector<16xf32> to vector<1xf32>
          %squeeze3A = vector.extract %slice3A[0] : f32 from vector<1xf32>
          %slice3A_212 = vector.extract_strided_slice %gather3A_209 {offsets = [0], sizes = [1], strides = [1]} : vector<16xf32> to vector<1xf32>
          %squeeze3A_213 = vector.extract %slice3A_212[0] : f32 from vector<1xf32>
          %add3A_214 = arith.constant 0 : i32
          %add3A_215 = arith.addi %mul3A_211, %add3A_214 : i32
          %get3A_216 = arith.constant 0 : i32
          %get3A_217 = arith.index_cast %get3A_216 : i32 to index
          %get3A_218 = arith.index_cast %add3A_215 : i32 to index
          %get3A_219 = arith.constant 0 : index
          %get3A_220 = tpu.vector_load %arg7[%get3A_217, %get3A_218, %get3A_219] {strides = array<i32>} : memref<2x160x128xf32, #tpu.memory_space<vmem>>, vector<16xf32>,
          %mul3A_221 = vector.broadcast %squeeze3A : f32 to vector<16xf32>
          %mul3A_222 = arith.mulf %get3A_220, %mul3A_221 : vector<16xf32>
          %add3A_223 = vector.broadcast %squeeze3A_213 : f32 to vector<16xf32>
          %add3A_224 = arith.addf %mul3A_222, %add3A_223 : vector<16xf32>
          %swap3A = arith.constant 0 : i32
          %swap3A_225 = arith.index_cast %swap3A : i32 to index
          %swap3A_226 = arith.index_cast %add3A_215 : i32 to index
          %swap3A_227 = arith.constant 0 : index
          %swap3A_228 = tpu.vector_load %arg8[%swap3A_225, %swap3A_226, %swap3A_227] {strides = array<i32>} : memref<2x160x128xf32, #tpu.memory_space<vmem>>, vector<16xf32>,
          tpu.vector_store %arg8[%swap3A_225, %swap3A_226, %swap3A_227], %add3A_224 {strides = array<i32>} : memref<2x160x128xf32, #tpu.memory_space<vmem>>, vector<16xf32>,
          %get3A_229 = arith.constant 0 : i32
          %get3A_230 = arith.index_cast %get3A_229 : i32 to index
          %get3A_231 = arith.index_cast %add3A_215 : i32 to index
          %get3A_232 = arith.constant 16 : index
          %get3A_233 = tpu.vector_load %arg7[%get3A_230, %get3A_231, %get3A_232] {strides = array<i32>} : memref<2x160x128xf32, #tpu.memory_space<vmem>>, vector<16xf32>,
          %mul3A_234 = vector.broadcast %squeeze3A : f32 to vector<16xf32>
          %mul3A_235 = arith.mulf %get3A_233, %mul3A_234 : vector<16xf32>
          %add3A_236 = vector.broadcast %squeeze3A_213 : f32 to vector<16xf32>
          %add3A_237 = arith.addf %mul3A_235, %add3A_236 : vector<16xf32>
          %swap3A_238 = arith.constant 0 : i32
          %swap3A_239 = arith.index_cast %swap3A_238 : i32 to index
          %swap3A_240 = arith.index_cast %add3A_215 : i32 to index
          %swap3A_241 = arith.constant 16 : index
          %swap3A_242 = tpu.vector_load %arg8[%swap3A_239, %swap3A_240, %swap3A_241] {strides = array<i32>} : memref<2x160x128xf32, #tpu.memory_space<vmem>>, vector<16xf32>,
          tpu.vector_store %arg8[%swap3A_239, %swap3A_240, %swap3A_241], %add3A_237 {strides = array<i32>} : memref<2x160x128xf32, #tpu.memory_space<vmem>>, vector<16xf32>,
          %get3A_243 = arith.constant 0 : i32
          %get3A_244 = arith.index_cast %get3A_243 : i32 to index
          %get3A_245 = arith.index_cast %add3A_215 : i32 to index
          %get3A_246 = arith.constant 32 : index
          %get3A_247 = tpu.vector_load %arg7[%get3A_244, %get3A_245, %get3A_246] {strides = array<i32>} : memref<2x160x128xf32, #tpu.memory_space<vmem>>, vector<16xf32>,
          %mul3A_248 = vector.broadcast %squeeze3A : f32 to vector<16xf32>
          %mul3A_249 = arith.mulf %get3A_247, %mul3A_248 : vector<16xf32>
          %add3A_250 = vector.broadcast %squeeze3A_213 : f32 to vector<16xf32>
          %add3A_251 = arith.addf %mul3A_249, %add3A_250 : vector<16xf32>
          %swap3A_252 = arith.constant 0 : i32
          %swap3A_253 = arith.index_cast %swap3A_252 : i32 to index
          %swap3A_254 = arith.index_cast %add3A_215 : i32 to index
          %swap3A_255 = arith.constant 32 : index
          %swap3A_256 = tpu.vector_load %arg8[%swap3A_253, %swap3A_254, %swap3A_255] {strides = array<i32>} : memref<2x160x128xf32, #tpu.memory_space<vmem>>, vector<16xf32>,
          tpu.vector_store %arg8[%swap3A_253, %swap3A_254, %swap3A_255], %add3A_251 {strides = array<i32>} : memref<2x160x128xf32, #tpu.memory_space<vmem>>, vector<16xf32>,
          %get3A_257 = arith.constant 0 : i32
          %get3A_258 = arith.index_cast %get3A_257 : i32 to index
          %get3A_259 = arith.index_cast %add3A_215 : i32 to index
          %get3A_260 = arith.constant 48 : index
          %get3A_261 = tpu.vector_load %arg7[%get3A_258, %get3A_259, %get3A_260] {strides = array<i32>} : memref<2x160x128xf32, #tpu.memory_space<vmem>>, vector<16xf32>,
          %mul3A_262 = vector.broadcast %squeeze3A : f32 to vector<16xf32>
          %mul3A_263 = arith.mulf %get3A_261, %mul3A_262 : vector<16xf32>
          %add3A_264 = vector.broadcast %squeeze3A_213 : f32 to vector<16xf32>
          %add3A_265 = arith.addf %mul3A_263, %add3A_264 : vector<16xf32>
          %swap3A_266 = arith.constant 0 : i32
          %swap3A_267 = arith.index_cast %swap3A_266 : i32 to index
          %swap3A_268 = arith.index_cast %add3A_215 : i32 to index
          %swap3A_269 = arith.constant 48 : index
          %swap3A_270 = tpu.vector_load %arg8[%swap3A_267, %swap3A_268, %swap3A_269] {strides = array<i32>} : memref<2x160x128xf32, #tpu.memory_space<vmem>>, vector<16xf32>,
          tpu.vector_store %arg8[%swap3A_267, %swap3A_268, %swap3A_269], %add3A_265 {strides = array<i32>} : memref<2x160x128xf32, #tpu.memory_space<vmem>>, vector<16xf32>,
          %get3A_271 = arith.constant 0 : i32
          %get3A_272 = arith.index_cast %get3A_271 : i32 to index
          %get3A_273 = arith.index_cast %add3A_215 : i32 to index
          %get3A_274 = arith.constant 64 : index
          %get3A_275 = tpu.vector_load %arg7[%get3A_272, %get3A_273, %get3A_274] {strides = array<i32>} : memref<2x160x128xf32, #tpu.memory_space<vmem>>, vector<16xf32>,
          %mul3A_276 = vector.broadcast %squeeze3A : f32 to vector<16xf32>
          %mul3A_277 = arith.mulf %get3A_275, %mul3A_276 : vector<16xf32>
          %add3A_278 = vector.broadcast %squeeze3A_213 : f32 to vector<16xf32>
          %add3A_279 = arith.addf %mul3A_277, %add3A_278 : vector<16xf32>
          %swap3A_280 = arith.constant 0 : i32
          %swap3A_281 = arith.index_cast %swap3A_280 : i32 to index
          %swap3A_282 = arith.index_cast %add3A_215 : i32 to index
          %swap3A_283 = arith.constant 64 : index
          %swap3A_284 = tpu.vector_load %arg8[%swap3A_281, %swap3A_282, %swap3A_283] {strides = array<i32>} : memref<2x160x128xf32, #tpu.memory_space<vmem>>, vector<16xf32>,
          tpu.vector_store %arg8[%swap3A_281, %swap3A_282, %swap3A_283], %add3A_279 {strides = array<i32>} : memref<2x160x128xf32, #tpu.memory_space<vmem>>, vector<16xf32>,
          %get3A_285 = arith.constant 0 : i32
          %get3A_286 = arith.index_cast %get3A_285 : i32 to index
          %get3A_287 = arith.index_cast %add3A_215 : i32 to index
          %get3A_288 = arith.constant 80 : index
          %get3A_289 = tpu.vector_load %arg7[%get3A_286, %get3A_287, %get3A_288] {strides = array<i32>} : memref<2x160x128xf32, #tpu.memory_space<vmem>>, vector<16xf32>,
          %mul3A_290 = vector.broadcast %squeeze3A : f32 to vector<16xf32>
          %mul3A_291 = arith.mulf %get3A_289, %mul3A_290 : vector<16xf32>
          %add3A_292 = vector.broadcast %squeeze3A_213 : f32 to vector<16xf32>
          %add3A_293 = arith.addf %mul3A_291, %add3A_292 : vector<16xf32>
          %swap3A_294 = arith.constant 0 : i32
          %swap3A_295 = arith.index_cast %swap3A_294 : i32 to index
          %swap3A_296 = arith.index_cast %add3A_215 : i32 to index
          %swap3A_297 = arith.constant 80 : index
          %swap3A_298 = tpu.vector_load %arg8[%swap3A_295, %swap3A_296, %swap3A_297] {strides = array<i32>} : memref<2x160x128xf32, #tpu.memory_space<vmem>>, vector<16xf32>,
          tpu.vector_store %arg8[%swap3A_295, %swap3A_296, %swap3A_297], %add3A_293 {strides = array<i32>} : memref<2x160x128xf32, #tpu.memory_space<vmem>>, vector<16xf32>,
          %get3A_299 = arith.constant 0 : i32
          %get3A_300 = arith.index_cast %get3A_299 : i32 to index
          %get3A_301 = arith.index_cast %add3A_215 : i32 to index
          %get3A_302 = arith.constant 96 : index
          %get3A_303 = tpu.vector_load %arg7[%get3A_300, %get3A_301, %get3A_302] {strides = array<i32>} : memref<2x160x128xf32, #tpu.memory_space<vmem>>, vector<16xf32>,
          %mul3A_304 = vector.broadcast %squeeze3A : f32 to vector<16xf32>
          %mul3A_305 = arith.mulf %get3A_303, %mul3A_304 : vector<16xf32>
          %add3A_306 = vector.broadcast %squeeze3A_213 : f32 to vector<16xf32>
          %add3A_307 = arith.addf %mul3A_305, %add3A_306 : vector<16xf32>
          %swap3A_308 = arith.constant 0 : i32
          %swap3A_309 = arith.index_cast %swap3A_308 : i32 to index
          %swap3A_310 = arith.index_cast %add3A_215 : i32 to index
          %swap3A_311 = arith.constant 96 : index
          %swap3A_312 = tpu.vector_load %arg8[%swap3A_309, %swap3A_310, %swap3A_311] {strides = array<i32>} : memref<2x160x128xf32, #tpu.memory_space<vmem>>, vector<16xf32>,
          tpu.vector_store %arg8[%swap3A_309, %swap3A_310, %swap3A_311], %add3A_307 {strides = array<i32>} : memref<2x160x128xf32, #tpu.memory_space<vmem>>, vector<16xf32>,
          %get3A_313 = arith.constant 0 : i32
          %get3A_314 = arith.index_cast %get3A_313 : i32 to index
          %get3A_315 = arith.index_cast %add3A_215 : i32 to index
          %get3A_316 = arith.constant 112 : index
          %get3A_317 = tpu.vector_load %arg7[%get3A_314, %get3A_315, %get3A_316] {strides = array<i32>} : memref<2x160x128xf32, #tpu.memory_space<vmem>>, vector<16xf32>,
          %mul3A_318 = vector.broadcast %squeeze3A : f32 to vector<16xf32>
          %mul3A_319 = arith.mulf %get3A_317, %mul3A_318 : vector<16xf32>
          %add3A_320 = vector.broadcast %squeeze3A_213 : f32 to vector<16xf32>
          %add3A_321 = arith.addf %mul3A_319, %add3A_320 : vector<16xf32>
          %swap3A_322 = arith.constant 0 : i32
          %swap3A_323 = arith.index_cast %swap3A_322 : i32 to index
          %swap3A_324 = arith.index_cast %add3A_215 : i32 to index
          %swap3A_325 = arith.constant 112 : index
          %swap3A_326 = tpu.vector_load %arg8[%swap3A_323, %swap3A_324, %swap3A_325] {strides = array<i32>} : memref<2x160x128xf32, #tpu.memory_space<vmem>>, vector<16xf32>,
          tpu.vector_store %arg8[%swap3A_323, %swap3A_324, %swap3A_325], %add3A_321 {strides = array<i32>} : memref<2x160x128xf32, #tpu.memory_space<vmem>>, vector<16xf32>,
          %slice3A_327 = vector.extract_strided_slice %gather3A {offsets = [1], sizes = [1], strides = [1]} : vector<16xf32> to vector<1xf32>
          %squeeze3A_328 = vector.extract %slice3A_327[0] : f32 from vector<1xf32>
          %slice3A_329 = vector.extract_strided_slice %gather3A_209 {offsets = [1], sizes = [1], strides = [1]} : vector<16xf32> to vector<1xf32>
          %squeeze3A_330 = vector.extract %slice3A_329[0] : f32 from vector<1xf32>
          %add3A_331 = arith.constant 1 : i32
          %add3A_332 = arith.addi %mul3A_211, %add3A_331 : i32
          %get3A_333 = arith.constant 0 : i32
          %get3A_334 = arith.index_cast %get3A_333 : i32 to index
          %get3A_335 = arith.index_cast %add3A_332 : i32 to index
          %get3A_336 = arith.constant 0 : index
          %get3A_337 = tpu.vector_load %arg7[%get3A_334, %get3A_335, %get3A_336] {strides = array<i32>} : memref<2x160x128xf32, #tpu.memory_space<vmem>>, vector<16xf32>,
          %mul3A_338 = vector.broadcast %squeeze3A_328 : f32 to vector<16xf32>
          %mul3A_339 = arith.mulf %get3A_337, %mul3A_338 : vector<16xf32>
          %add3A_340 = vector.broadcast %squeeze3A_330 : f32 to vector<16xf32>
          %add3A_341 = arith.addf %mul3A_339, %add3A_340 : vector<16xf32>
          %swap3A_342 = arith.constant 0 : i32
          %swap3A_343 = arith.index_cast %swap3A_342 : i32 to index
          %swap3A_344 = arith.index_cast %add3A_332 : i32 to index
          %swap3A_345 = arith.constant 0 : index
          %swap3A_346 = tpu.vector_load %arg8[%swap3A_343, %swap3A_344, %swap3A_345] {strides = array<i32>} : memref<2x160x128xf32, #tpu.memory_space<vmem>>, vector<16xf32>,
          tpu.vector_store %arg8[%swap3A_343, %swap3A_344, %swap3A_345], %add3A_341 {strides = array<i32>} : memref<2x160x128xf32, #tpu.memory_space<vmem>>, vector<16xf32>,
          %get3A_347 = arith.constant 0 : i32
          %get3A_348 = arith.index_cast %get3A_347 : i32 to index
          %get3A_349 = arith.index_cast %add3A_332 : i32 to index
          %get3A_350 = arith.constant 16 : index
          %get3A_351 = tpu.vector_load %arg7[%get3A_348, %get3A_349, %get3A_350] {strides = array<i32>} : memref<2x160x128xf32, #tpu.memory_space<vmem>>, vector<16xf32>,
          %mul3A_352 = vector.broadcast %squeeze3A_328 : f32 to vector<16xf32>
          %mul3A_353 = arith.mulf %get3A_351, %mul3A_352 : vector<16xf32>
          %add3A_354 = vector.broadcast %squeeze3A_330 : f32 to vector<16xf32>
          %add3A_355 = arith.addf %mul3A_353, %add3A_354 : vector<16xf32>
          %swap3A_356 = arith.constant 0 : i32
          %swap3A_357 = arith.index_cast %swap3A_356 : i32 to index
          %swap3A_358 = arith.index_cast %add3A_332 : i32 to index
          %swap3A_359 = arith.constant 16 : index
          %swap3A_360 = tpu.vector_load %arg8[%swap3A_357, %swap3A_358, %swap3A_359] {strides = array<i32>} : memref<2x160x128xf32, #tpu.memory_space<vmem>>, vector<16xf32>,
          tpu.vector_store %arg8[%swap3A_357, %swap3A_358, %swap3A_359], %add3A_355 {strides = array<i32>} : memref<2x160x128xf32, #tpu.memory_space<vmem>>, vector<16xf32>,
          %get3A_361 = arith.constant 0 : i32
          %get3A_362 = arith.index_cast %get3A_361 : i32 to index
          %get3A_363 = arith.index_cast %add3A_332 : i32 to index
          %get3A_364 = arith.constant 32 : index
          %get3A_365 = tpu.vector_load %arg7[%get3A_362, %get3A_363, %get3A_364] {strides = array<i32>} : memref<2x160x128xf32, #tpu.memory_space<vmem>>, vector<16xf32>,
          %mul3A_366 = vector.broadcast %squeeze3A_328 : f32 to vector<16xf32>
          %mul3A_367 = arith.mulf %get3A_365, %mul3A_366 : vector<16xf32>
          %add3A_368 = vector.broadcast %squeeze3A_330 : f32 to vector<16xf32>
          %add3A_369 = arith.addf %mul3A_367, %add3A_368 : vector<16xf32>
          %swap3A_370 = arith.constant 0 : i32
          %swap3A_371 = arith.index_cast %swap3A_370 : i32 to index
          %swap3A_372 = arith.index_cast %add3A_332 : i32 to index
          %swap3A_373 = arith.constant 32 : index
          %swap3A_374 = tpu.vector_load %arg8[%swap3A_371, %swap3A_372, %swap3A_373] {strides = array<i32>} : memref<2x160x128xf32, #tpu.memory_space<vmem>>, vector<16xf32>,
          tpu.vector_store %arg8[%swap3A_371, %swap3A_372, %swap3A_373], %add3A_369 {strides = array<i32>} : memref<2x160x128xf32, #tpu.memory_space<vmem>>, vector<16xf32>,
          %get3A_375 = arith.constant 0 : i32
          %get3A_376 = arith.index_cast %get3A_375 : i32 to index
          %get3A_377 = arith.index_cast %add3A_332 : i32 to index
          %get3A_378 = arith.constant 48 : index
          %get3A_379 = tpu.vector_load %arg7[%get3A_376, %get3A_377, %get3A_378] {strides = array<i32>} : memref<2x160x128xf32, #tpu.memory_space<vmem>>, vector<16xf32>,
          %mul3A_380 = vector.broadcast %squeeze3A_328 : f32 to vector<16xf32>
          %mul3A_381 = arith.mulf %get3A_379, %mul3A_380 : vector<16xf32>
          %add3A_382 = vector.broadcast %squeeze3A_330 : f32 to vector<16xf32>
          %add3A_383 = arith.addf %mul3A_381, %add3A_382 : vector<16xf32>
          %swap3A_384 = arith.constant 0 : i32
          %swap3A_385 = arith.index_cast %swap3A_384 : i32 to index
          %swap3A_386 = arith.index_cast %add3A_332 : i32 to index
          %swap3A_387 = arith.constant 48 : index
          %swap3A_388 = tpu.vector_load %arg8[%swap3A_385, %swap3A_386, %swap3A_387] {strides = array<i32>} : memref<2x160x128xf32, #tpu.memory_space<vmem>>, vector<16xf32>,
          tpu.vector_store %arg8[%swap3A_385, %swap3A_386, %swap3A_387], %add3A_383 {strides = array<i32>} : memref<2x160x128xf32, #tpu.memory_space<vmem>>, vector<16xf32>,
          %get3A_389 = arith.constant 0 : i32
          %get3A_390 = arith.index_cast %get3A_389 : i32 to index
          %get3A_391 = arith.index_cast %add3A_332 : i32 to index
          %get3A_392 = arith.constant 64 : index
          %get3A_393 = tpu.vector_load %arg7[%get3A_390, %get3A_391, %get3A_392] {strides = array<i32>} : memref<2x160x128xf32, #tpu.memory_space<vmem>>, vector<16xf32>,
          %mul3A_394 = vector.broadcast %squeeze3A_328 : f32 to vector<16xf32>
          %mul3A_395 = arith.mulf %get3A_393, %mul3A_394 : vector<16xf32>
          %add3A_396 = vector.broadcast %squeeze3A_330 : f32 to vector<16xf32>
          %add3A_397 = arith.addf %mul3A_395, %add3A_396 : vector<16xf32>
          %swap3A_398 = arith.constant 0 : i32
          %swap3A_399 = arith.index_cast %swap3A_398 : i32 to index
          %swap3A_400 = arith.index_cast %add3A_332 : i32 to index
          %swap3A_401 = arith.constant 64 : index
          %swap3A_402 = tpu.vector_load %arg8[%swap3A_399, %swap3A_400, %swap3A_401] {strides = array<i32>} : memref<2x160x128xf32, #tpu.memory_space<vmem>>, vector<16xf32>,
          tpu.vector_store %arg8[%swap3A_399, %swap3A_400, %swap3A_401], %add3A_397 {strides = array<i32>} : memref<2x160x128xf32, #tpu.memory_space<vmem>>, vector<16xf32>,
          %get3A_403 = arith.constant 0 : i32
          %get3A_404 = arith.index_cast %get3A_403 : i32 to index
          %get3A_405 = arith.index_cast %add3A_332 : i32 to index
          %get3A_406 = arith.constant 80 : index
          %get3A_407 = tpu.vector_load %arg7[%get3A_404, %get3A_405, %get3A_406] {strides = array<i32>} : memref<2x160x128xf32, #tpu.memory_space<vmem>>, vector<16xf32>,
          %mul3A_408 = vector.broadcast %squeeze3A_328 : f32 to vector<16xf32>
          %mul3A_409 = arith.mulf %get3A_407, %mul3A_408 : vector<16xf32>
          %add3A_410 = vector.broadcast %squeeze3A_330 : f32 to vector<16xf32>
          %add3A_411 = arith.addf %mul3A_409, %add3A_410 : vector<16xf32>
          %swap3A_412 = arith.constant 0 : i32
          %swap3A_413 = arith.index_cast %swap3A_412 : i32 to index
          %swap3A_414 = arith.index_cast %add3A_332 : i32 to index
          %swap3A_415 = arith.constant 80 : index
          %swap3A_416 = tpu.vector_load %arg8[%swap3A_413, %swap3A_414, %swap3A_415] {strides = array<i32>} : memref<2x160x128xf32, #tpu.memory_space<vmem>>, vector<16xf32>,
          tpu.vector_store %arg8[%swap3A_413, %swap3A_414, %swap3A_415], %add3A_411 {strides = array<i32>} : memref<2x160x128xf32, #tpu.memory_space<vmem>>, vector<16xf32>,
          %get3A_417 = arith.constant 0 : i32
          %get3A_418 = arith.index_cast %get3A_417 : i32 to index
          %get3A_419 = arith.index_cast %add3A_332 : i32 to index
          %get3A_420 = arith.constant 96 : index
          %get3A_421 = tpu.vector_load %arg7[%get3A_418, %get3A_419, %get3A_420] {strides = array<i32>} : memref<2x160x128xf32, #tpu.memory_space<vmem>>, vector<16xf32>,
          %mul3A_422 = vector.broadcast %squeeze3A_328 : f32 to vector<16xf32>
          %mul3A_423 = arith.mulf %get3A_421, %mul3A_422 : vector<16xf32>
          %add3A_424 = vector.broadcast %squeeze3A_330 : f32 to vector<16xf32>
          %add3A_425 = arith.addf %mul3A_423, %add3A_424 : vector<16xf32>
          %swap3A_426 = arith.constant 0 : i32
          %swap3A_427 = arith.index_cast %swap3A_426 : i32 to index
          %swap3A_428 = arith.index_cast %add3A_332 : i32 to index
          %swap3A_429 = arith.constant 96 : index
          %swap3A_430 = tpu.vector_load %arg8[%swap3A_427, %swap3A_428, %swap3A_429] {strides = array<i32>} : memref<2x160x128xf32, #tpu.memory_space<vmem>>, vector<16xf32>,
          tpu.vector_store %arg8[%swap3A_427, %swap3A_428, %swap3A_429], %add3A_425 {strides = array<i32>} : memref<2x160x128xf32, #tpu.memory_space<vmem>>, vector<16xf32>,
          %get3A_431 = arith.constant 0 : i32
          %get3A_432 = arith.index_cast %get3A_431 : i32 to index
          %get3A_433 = arith.index_cast %add3A_332 : i32 to index
          %get3A_434 = arith.constant 112 : index
          %get3A_435 = tpu.vector_load %arg7[%get3A_432, %get3A_433, %get3A_434] {strides = array<i32>} : memref<2x160x128xf32, #tpu.memory_space<vmem>>, vector<16xf32>,
          %mul3A_436 = vector.broadcast %squeeze3A_328 : f32 to vector<16xf32>
          %mul3A_437 = arith.mulf %get3A_435, %mul3A_436 : vector<16xf32>
          %add3A_438 = vector.broadcast %squeeze3A_330 : f32 to vector<16xf32>
          %add3A_439 = arith.addf %mul3A_437, %add3A_438 : vector<16xf32>
          %swap3A_440 = arith.constant 0 : i32
          %swap3A_441 = arith.index_cast %swap3A_440 : i32 to index
          %swap3A_442 = arith.index_cast %add3A_332 : i32 to index
          %swap3A_443 = arith.constant 112 : index
          %swap3A_444 = tpu.vector_load %arg8[%swap3A_441, %swap3A_442, %swap3A_443] {strides = array<i32>} : memref<2x160x128xf32, #tpu.memory_space<vmem>>, vector<16xf32>,
          tpu.vector_store %arg8[%swap3A_441, %swap3A_442, %swap3A_443], %add3A_439 {strides = array<i32>} : memref<2x160x128xf32, #tpu.memory_space<vmem>>, vector<16xf32>,
          %slice3A_445 = vector.extract_strided_slice %gather3A {offsets = [2], sizes = [1], strides = [1]} : vector<16xf32> to vector<1xf32>
          %squeeze3A_446 = vector.extract %slice3A_445[0] : f32 from vector<1xf32>
          %slice3A_447 = vector.extract_strided_slice %gather3A_209 {offsets = [2], sizes = [1], strides = [1]} : vector<16xf32> to vector<1xf32>
          %squeeze3A_448 = vector.extract %slice3A_447[0] : f32 from vector<1xf32>
          %add3A_449 = arith.constant 2 : i32
          %add3A_450 = arith.addi %mul3A_211, %add3A_449 : i32
          %get3A_451 = arith.constant 0 : i32
          %get3A_452 = arith.index_cast %get3A_451 : i32 to index
          %get3A_453 = arith.index_cast %add3A_450 : i32 to index
          %get3A_454 = arith.constant 0 : index
          %get3A_455 = tpu.vector_load %arg7[%get3A_452, %get3A_453, %get3A_454] {strides = array<i32>} : memref<2x160x128xf32, #tpu.memory_space<vmem>>, vector<16xf32>,
          %mul3A_456 = vector.broadcast %squeeze3A_446 : f32 to vector<16xf32>
          %mul3A_457 = arith.mulf %get3A_455, %mul3A_456 : vector<16xf32>
          %add3A_458 = vector.broadcast %squeeze3A_448 : f32 to vector<16xf32>
          %add3A_459 = arith.addf %mul3A_457, %add3A_458 : vector<16xf32>
          %swap3A_460 = arith.constant 0 : i32
          %swap3A_461 = arith.index_cast %swap3A_460 : i32 to index
          %swap3A_462 = arith.index_cast %add3A_450 : i32 to index
          %swap3A_463 = arith.constant 0 : index
          %swap3A_464 = tpu.vector_load %arg8[%swap3A_461, %swap3A_462, %swap3A_463] {strides = array<i32>} : memref<2x160x128xf32, #tpu.memory_space<vmem>>, vector<16xf32>,
          tpu.vector_store %arg8[%swap3A_461, %swap3A_462, %swap3A_463], %add3A_459 {strides = array<i32>} : memref<2x160x128xf32, #tpu.memory_space<vmem>>, vector<16xf32>,
          %get3A_465 = arith.constant 0 : i32
          %get3A_466 = arith.index_cast %get3A_465 : i32 to index
          %get3A_467 = arith.index_cast %add3A_450 : i32 to index
          %get3A_468 = arith.constant 16 : index
          %get3A_469 = tpu.vector_load %arg7[%get3A_466, %get3A_467, %get3A_468] {strides = array<i32>} : memref<2x160x128xf32, #tpu.memory_space<vmem>>, vector<16xf32>,
          %mul3A_470 = vector.broadcast %squeeze3A_446 : f32 to vector<16xf32>
          %mul3A_471 = arith.mulf %get3A_469, %mul3A_470 : vector<16xf32>
          %add3A_472 = vector.broadcast %squeeze3A_448 : f32 to vector<16xf32>
          %add3A_473 = arith.addf %mul3A_471, %add3A_472 : vector<16xf32>
          %swap3A_474 = arith.constant 0 : i32
          %swap3A_475 = arith.index_cast %swap3A_474 : i32 to index
          %swap3A_476 = arith.index_cast %add3A_450 : i32 to index
          %swap3A_477 = arith.constant 16 : index
          %swap3A_478 = tpu.vector_load %arg8[%swap3A_475, %swap3A_476, %swap3A_477] {strides = array<i32>} : memref<2x160x128xf32, #tpu.memory_space<vmem>>, vector<16xf32>,
          tpu.vector_store %arg8[%swap3A_475, %swap3A_476, %swap3A_477], %add3A_473 {strides = array<i32>} : memref<2x160x128xf32, #tpu.memory_space<vmem>>, vector<16xf32>,
          %get3A_479 = arith.constant 0 : i32
          %get3A_480 = arith.index_cast %get3A_479 : i32 to index
          %get3A_481 = arith.index_cast %add3A_450 : i32 to index
          %get3A_482 = arith.constant 32 : index
          %get3A_483 = tpu.vector_load %arg7[%get3A_480, %get3A_481, %get3A_482] {strides = array<i32>} : memref<2x160x128xf32, #tpu.memory_space<vmem>>, vector<16xf32>,
          %mul3A_484 = vector.broadcast %squeeze3A_446 : f32 to vector<16xf32>
          %mul3A_485 = arith.mulf %get3A_483, %mul3A_484 : vector<16xf32>
          %add3A_486 = vector.broadcast %squeeze3A_448 : f32 to vector<16xf32>
          %add3A_487 = arith.addf %mul3A_485, %add3A_486 : vector<16xf32>
          %swap3A_488 = arith.constant 0 : i32
          %swap3A_489 = arith.index_cast %swap3A_488 : i32 to index
          %swap3A_490 = arith.index_cast %add3A_450 : i32 to index
          %swap3A_491 = arith.constant 32 : index
          %swap3A_492 = tpu.vector_load %arg8[%swap3A_489, %swap3A_490, %swap3A_491] {strides = array<i32>} : memref<2x160x128xf32, #tpu.memory_space<vmem>>, vector<16xf32>,
          tpu.vector_store %arg8[%swap3A_489, %swap3A_490, %swap3A_491], %add3A_487 {strides = array<i32>} : memref<2x160x128xf32, #tpu.memory_space<vmem>>, vector<16xf32>,
          %get3A_493 = arith.constant 0 : i32
          %get3A_494 = arith.index_cast %get3A_493 : i32 to index
          %get3A_495 = arith.index_cast %add3A_450 : i32 to index
          %get3A_496 = arith.constant 48 : index
          %get3A_497 = tpu.vector_load %arg7[%get3A_494, %get3A_495, %get3A_496] {strides = array<i32>} : memref<2x160x128xf32, #tpu.memory_space<vmem>>, vector<16xf32>,
          %mul3A_498 = vector.broadcast %squeeze3A_446 : f32 to vector<16xf32>
          %mul3A_499 = arith.mulf %get3A_497, %mul3A_498 : vector<16xf32>
          %add3A_500 = vector.broadcast %squeeze3A_448 : f32 to vector<16xf32>
          %add3A_501 = arith.addf %mul3A_499, %add3A_500 : vector<16xf32>
          %swap3A_502 = arith.constant 0 : i32
          %swap3A_503 = arith.index_cast %swap3A_502 : i32 to index
          %swap3A_504 = arith.index_cast %add3A_450 : i32 to index
          %swap3A_505 = arith.constant 48 : index
          %swap3A_506 = tpu.vector_load %arg8[%swap3A_503, %swap3A_504, %swap3A_505] {strides = array<i32>} : memref<2x160x128xf32, #tpu.memory_space<vmem>>, vector<16xf32>,
          tpu.vector_store %arg8[%swap3A_503, %swap3A_504, %swap3A_505], %add3A_501 {strides = array<i32>} : memref<2x160x128xf32, #tpu.memory_space<vmem>>, vector<16xf32>,
          %get3A_507 = arith.constant 0 : i32
          %get3A_508 = arith.index_cast %get3A_507 : i32 to index
          %get3A_509 = arith.index_cast %add3A_450 : i32 to index
          %get3A_510 = arith.constant 64 : index
          %get3A_511 = tpu.vector_load %arg7[%get3A_508, %get3A_509, %get3A_510] {strides = array<i32>} : memref<2x160x128xf32, #tpu.memory_space<vmem>>, vector<16xf32>,
          %mul3A_512 = vector.broadcast %squeeze3A_446 : f32 to vector<16xf32>
          %mul3A_513 = arith.mulf %get3A_511, %mul3A_512 : vector<16xf32>
          %add3A_514 = vector.broadcast %squeeze3A_448 : f32 to vector<16xf32>
          %add3A_515 = arith.addf %mul3A_513, %add3A_514 : vector<16xf32>
          %swap3A_516 = arith.constant 0 : i32
          %swap3A_517 = arith.index_cast %swap3A_516 : i32 to index
          %swap3A_518 = arith.index_cast %add3A_450 : i32 to index
          %swap3A_519 = arith.constant 64 : index
          %swap3A_520 = tpu.vector_load %arg8[%swap3A_517, %swap3A_518, %swap3A_519] {strides = array<i32>} : memref<2x160x128xf32, #tpu.memory_space<vmem>>, vector<16xf32>,
          tpu.vector_store %arg8[%swap3A_517, %swap3A_518, %swap3A_519], %add3A_515 {strides = array<i32>} : memref<2x160x128xf32, #tpu.memory_space<vmem>>, vector<16xf32>,
          %get3A_521 = arith.constant 0 : i32
          %get3A_522 = arith.index_cast %get3A_521 : i32 to index
          %get3A_523 = arith.index_cast %add3A_450 : i32 to index
          %get3A_524 = arith.constant 80 : index
          %get3A_525 = tpu.vector_load %arg7[%get3A_522, %get3A_523, %get3A_524] {strides = array<i32>} : memref<2x160x128xf32, #tpu.memory_space<vmem>>, vector<16xf32>,
          %mul3A_526 = vector.broadcast %squeeze3A_446 : f32 to vector<16xf32>
          %mul3A_527 = arith.mulf %get3A_525, %mul3A_526 : vector<16xf32>
          %add3A_528 = vector.broadcast %squeeze3A_448 : f32 to vector<16xf32>
          %add3A_529 = arith.addf %mul3A_527, %add3A_528 : vector<16xf32>
          %swap3A_530 = arith.constant 0 : i32
          %swap3A_531 = arith.index_cast %swap3A_530 : i32 to index
          %swap3A_532 = arith.index_cast %add3A_450 : i32 to index
          %swap3A_533 = arith.constant 80 : index
          %swap3A_534 = tpu.vector_load %arg8[%swap3A_531, %swap3A_532, %swap3A_533] {strides = array<i32>} : memref<2x160x128xf32, #tpu.memory_space<vmem>>, vector<16xf32>,
          tpu.vector_store %arg8[%swap3A_531, %swap3A_532, %swap3A_533], %add3A_529 {strides = array<i32>} : memref<2x160x128xf32, #tpu.memory_space<vmem>>, vector<16xf32>,
          %get3A_535 = arith.constant 0 : i32
          %get3A_536 = arith.index_cast %get3A_535 : i32 to index
          %get3A_537 = arith.index_cast %add3A_450 : i32 to index
          %get3A_538 = arith.constant 96 : index
          %get3A_539 = tpu.vector_load %arg7[%get3A_536, %get3A_537, %get3A_538] {strides = array<i32>} : memref<2x160x128xf32, #tpu.memory_space<vmem>>, vector<16xf32>,
          %mul3A_540 = vector.broadcast %squeeze3A_446 : f32 to vector<16xf32>
          %mul3A_541 = arith.mulf %get3A_539, %mul3A_540 : vector<16xf32>
          %add3A_542 = vector.broadcast %squeeze3A_448 : f32 to vector<16xf32>
          %add3A_543 = arith.addf %mul3A_541, %add3A_542 : vector<16xf32>
          %swap3A_544 = arith.constant 0 : i32
          %swap3A_545 = arith.index_cast %swap3A_544 : i32 to index
          %swap3A_546 = arith.index_cast %add3A_450 : i32 to index
          %swap3A_547 = arith.constant 96 : index
          %swap3A_548 = tpu.vector_load %arg8[%swap3A_545, %swap3A_546, %swap3A_547] {strides = array<i32>} : memref<2x160x128xf32, #tpu.memory_space<vmem>>, vector<16xf32>,
          tpu.vector_store %arg8[%swap3A_545, %swap3A_546, %swap3A_547], %add3A_543 {strides = array<i32>} : memref<2x160x128xf32, #tpu.memory_space<vmem>>, vector<16xf32>,
          %get3A_549 = arith.constant 0 : i32
          %get3A_550 = arith.index_cast %get3A_549 : i32 to index
          %get3A_551 = arith.index_cast %add3A_450 : i32 to index
          %get3A_552 = arith.constant 112 : index
          %get3A_553 = tpu.vector_load %arg7[%get3A_550, %get3A_551, %get3A_552] {strides = array<i32>} : memref<2x160x128xf32, #tpu.memory_space<vmem>>, vector<16xf32>,
          %mul3A_554 = vector.broadcast %squeeze3A_446 : f32 to vector<16xf32>
          %mul3A_555 = arith.mulf %get3A_553, %mul3A_554 : vector<16xf32>
          %add3A_556 = vector.broadcast %squeeze3A_448 : f32 to vector<16xf32>
          %add3A_557 = arith.addf %mul3A_555, %add3A_556 : vector<16xf32>
          %swap3A_558 = arith.constant 0 : i32
          %swap3A_559 = arith.index_cast %swap3A_558 : i32 to index
          %swap3A_560 = arith.index_cast %add3A_450 : i32 to index
          %swap3A_561 = arith.constant 112 : index
          %swap3A_562 = tpu.vector_load %arg8[%swap3A_559, %swap3A_560, %swap3A_561] {strides = array<i32>} : memref<2x160x128xf32, #tpu.memory_space<vmem>>, vector<16xf32>,
          tpu.vector_store %arg8[%swap3A_559, %swap3A_560, %swap3A_561], %add3A_557 {strides = array<i32>} : memref<2x160x128xf32, #tpu.memory_space<vmem>>, vector<16xf32>,
          %slice3A_563 = vector.extract_strided_slice %gather3A {offsets = [3], sizes = [1], strides = [1]} : vector<16xf32> to vector<1xf32>
          %squeeze3A_564 = vector.extract %slice3A_563[0] : f32 from vector<1xf32>
          %slice3A_565 = vector.extract_strided_slice %gather3A_209 {offsets = [3], sizes = [1], strides = [1]} : vector<16xf32> to vector<1xf32>
          %squeeze3A_566 = vector.extract %slice3A_565[0] : f32 from vector<1xf32>
          %add3A_567 = arith.constant 3 : i32
          %add3A_568 = arith.addi %mul3A_211, %add3A_567 : i32
          %get3A_569 = arith.constant 0 : i32
          %get3A_570 = arith.index_cast %get3A_569 : i32 to index
          %get3A_571 = arith.index_cast %add3A_568 : i32 to index
          %get3A_572 = arith.constant 0 : index
          %get3A_573 = tpu.vector_load %arg7[%get3A_570, %get3A_571, %get3A_572] {strides = array<i32>} : memref<2x160x128xf32, #tpu.memory_space<vmem>>, vector<16xf32>,
          %mul3A_574 = vector.broadcast %squeeze3A_564 : f32 to vector<16xf32>
          %mul3A_575 = arith.mulf %get3A_573, %mul3A_574 : vector<16xf32>
          %add3A_576 = vector.broadcast %squeeze3A_566 : f32 to vector<16xf32>
          %add3A_577 = arith.addf %mul3A_575, %add3A_576 : vector<16xf32>
          %swap3A_578 = arith.constant 0 : i32
          %swap3A_579 = arith.index_cast %swap3A_578 : i32 to index
          %swap3A_580 = arith.index_cast %add3A_568 : i32 to index
          %swap3A_581 = arith.constant 0 : index
          %swap3A_582 = tpu.vector_load %arg8[%swap3A_579, %swap3A_580, %swap3A_581] {strides = array<i32>} : memref<2x160x128xf32, #tpu.memory_space<vmem>>, vector<16xf32>,
          tpu.vector_store %arg8[%swap3A_579, %swap3A_580, %swap3A_581], %add3A_577 {strides = array<i32>} : memref<2x160x128xf32, #tpu.memory_space<vmem>>, vector<16xf32>,
          %get3A_583 = arith.constant 0 : i32
          %get3A_584 = arith.index_cast %get3A_583 : i32 to index
          %get3A_585 = arith.index_cast %add3A_568 : i32 to index
          %get3A_586 = arith.constant 16 : index
          %get3A_587 = tpu.vector_load %arg7[%get3A_584, %get3A_585, %get3A_586] {strides = array<i32>} : memref<2x160x128xf32, #tpu.memory_space<vmem>>, vector<16xf32>,
          %mul3A_588 = vector.broadcast %squeeze3A_564 : f32 to vector<16xf32>
          %mul3A_589 = arith.mulf %get3A_587, %mul3A_588 : vector<16xf32>
          %add3A_590 = vector.broadcast %squeeze3A_566 : f32 to vector<16xf32>
          %add3A_591 = arith.addf %mul3A_589, %add3A_590 : vector<16xf32>
          %swap3A_592 = arith.constant 0 : i32
          %swap3A_593 = arith.index_cast %swap3A_592 : i32 to index
          %swap3A_594 = arith.index_cast %add3A_568 : i32 to index
          %swap3A_595 = arith.constant 16 : index
          %swap3A_596 = tpu.vector_load %arg8[%swap3A_593, %swap3A_594, %swap3A_595] {strides = array<i32>} : memref<2x160x128xf32, #tpu.memory_space<vmem>>, vector<16xf32>,
          tpu.vector_store %arg8[%swap3A_593, %swap3A_594, %swap3A_595], %add3A_591 {strides = array<i32>} : memref<2x160x128xf32, #tpu.memory_space<vmem>>, vector<16xf32>,
          %get3A_597 = arith.constant 0 : i32
          %get3A_598 = arith.index_cast %get3A_597 : i32 to index
          %get3A_599 = arith.index_cast %add3A_568 : i32 to index
          %get3A_600 = arith.constant 32 : index
          %get3A_601 = tpu.vector_load %arg7[%get3A_598, %get3A_599, %get3A_600] {strides = array<i32>} : memref<2x160x128xf32, #tpu.memory_space<vmem>>, vector<16xf32>,
          %mul3A_602 = vector.broadcast %squeeze3A_564 : f32 to vector<16xf32>
          %mul3A_603 = arith.mulf %get3A_601, %mul3A_602 : vector<16xf32>
          %add3A_604 = vector.broadcast %squeeze3A_566 : f32 to vector<16xf32>
          %add3A_605 = arith.addf %mul3A_603, %add3A_604 : vector<16xf32>
          %swap3A_606 = arith.constant 0 : i32
          %swap3A_607 = arith.index_cast %swap3A_606 : i32 to index
          %swap3A_608 = arith.index_cast %add3A_568 : i32 to index
          %swap3A_609 = arith.constant 32 : index
          %swap3A_610 = tpu.vector_load %arg8[%swap3A_607, %swap3A_608, %swap3A_609] {strides = array<i32>} : memref<2x160x128xf32, #tpu.memory_space<vmem>>, vector<16xf32>,
          tpu.vector_store %arg8[%swap3A_607, %swap3A_608, %swap3A_609], %add3A_605 {strides = array<i32>} : memref<2x160x128xf32, #tpu.memory_space<vmem>>, vector<16xf32>,
          %get3A_611 = arith.constant 0 : i32
          %get3A_612 = arith.index_cast %get3A_611 : i32 to index
          %get3A_613 = arith.index_cast %add3A_568 : i32 to index
          %get3A_614 = arith.constant 48 : index
          %get3A_615 = tpu.vector_load %arg7[%get3A_612, %get3A_613, %get3A_614] {strides = array<i32>} : memref<2x160x128xf32, #tpu.memory_space<vmem>>, vector<16xf32>,
          %mul3A_616 = vector.broadcast %squeeze3A_564 : f32 to vector<16xf32>
          %mul3A_617 = arith.mulf %get3A_615, %mul3A_616 : vector<16xf32>
          %add3A_618 = vector.broadcast %squeeze3A_566 : f32 to vector<16xf32>
          %add3A_619 = arith.addf %mul3A_617, %add3A_618 : vector<16xf32>
          %swap3A_620 = arith.constant 0 : i32
          %swap3A_621 = arith.index_cast %swap3A_620 : i32 to index
          %swap3A_622 = arith.index_cast %add3A_568 : i32 to index
          %swap3A_623 = arith.constant 48 : index
          %swap3A_624 = tpu.vector_load %arg8[%swap3A_621, %swap3A_622, %swap3A_623] {strides = array<i32>} : memref<2x160x128xf32, #tpu.memory_space<vmem>>, vector<16xf32>,
          tpu.vector_store %arg8[%swap3A_621, %swap3A_622, %swap3A_623], %add3A_619 {strides = array<i32>} : memref<2x160x128xf32, #tpu.memory_space<vmem>>, vector<16xf32>,
          %get3A_625 = arith.constant 0 : i32
          %get3A_626 = arith.index_cast %get3A_625 : i32 to index
          %get3A_627 = arith.index_cast %add3A_568 : i32 to index
          %get3A_628 = arith.constant 64 : index
          %get3A_629 = tpu.vector_load %arg7[%get3A_626, %get3A_627, %get3A_628] {strides = array<i32>} : memref<2x160x128xf32, #tpu.memory_space<vmem>>, vector<16xf32>,
          %mul3A_630 = vector.broadcast %squeeze3A_564 : f32 to vector<16xf32>
          %mul3A_631 = arith.mulf %get3A_629, %mul3A_630 : vector<16xf32>
          %add3A_632 = vector.broadcast %squeeze3A_566 : f32 to vector<16xf32>
          %add3A_633 = arith.addf %mul3A_631, %add3A_632 : vector<16xf32>
          %swap3A_634 = arith.constant 0 : i32
          %swap3A_635 = arith.index_cast %swap3A_634 : i32 to index
          %swap3A_636 = arith.index_cast %add3A_568 : i32 to index
          %swap3A_637 = arith.constant 64 : index
          %swap3A_638 = tpu.vector_load %arg8[%swap3A_635, %swap3A_636, %swap3A_637] {strides = array<i32>} : memref<2x160x128xf32, #tpu.memory_space<vmem>>, vector<16xf32>,
          tpu.vector_store %arg8[%swap3A_635, %swap3A_636, %swap3A_637], %add3A_633 {strides = array<i32>} : memref<2x160x128xf32, #tpu.memory_space<vmem>>, vector<16xf32>,
          %get3A_639 = arith.constant 0 : i32
          %get3A_640 = arith.index_cast %get3A_639 : i32 to index
          %get3A_641 = arith.index_cast %add3A_568 : i32 to index
          %get3A_642 = arith.constant 80 : index
          %get3A_643 = tpu.vector_load %arg7[%get3A_640, %get3A_641, %get3A_642] {strides = array<i32>} : memref<2x160x128xf32, #tpu.memory_space<vmem>>, vector<16xf32>,
          %mul3A_644 = vector.broadcast %squeeze3A_564 : f32 to vector<16xf32>
          %mul3A_645 = arith.mulf %get3A_643, %mul3A_644 : vector<16xf32>
          %add3A_646 = vector.broadcast %squeeze3A_566 : f32 to vector<16xf32>
          %add3A_647 = arith.addf %mul3A_645, %add3A_646 : vector<16xf32>
          %swap3A_648 = arith.constant 0 : i32
          %swap3A_649 = arith.index_cast %swap3A_648 : i32 to index
          %swap3A_650 = arith.index_cast %add3A_568 : i32 to index
          %swap3A_651 = arith.constant 80 : index
          %swap3A_652 = tpu.vector_load %arg8[%swap3A_649, %swap3A_650, %swap3A_651] {strides = array<i32>} : memref<2x160x128xf32, #tpu.memory_space<vmem>>, vector<16xf32>,
          tpu.vector_store %arg8[%swap3A_649, %swap3A_650, %swap3A_651], %add3A_647 {strides = array<i32>} : memref<2x160x128xf32, #tpu.memory_space<vmem>>, vector<16xf32>,
          %get3A_653 = arith.constant 0 : i32
          %get3A_654 = arith.index_cast %get3A_653 : i32 to index
          %get3A_655 = arith.index_cast %add3A_568 : i32 to index
          %get3A_656 = arith.constant 96 : index
          %get3A_657 = tpu.vector_load %arg7[%get3A_654, %get3A_655, %get3A_656] {strides = array<i32>} : memref<2x160x128xf32, #tpu.memory_space<vmem>>, vector<16xf32>,
          %mul3A_658 = vector.broadcast %squeeze3A_564 : f32 to vector<16xf32>
          %mul3A_659 = arith.mulf %get3A_657, %mul3A_658 : vector<16xf32>
          %add3A_660 = vector.broadcast %squeeze3A_566 : f32 to vector<16xf32>
          %add3A_661 = arith.addf %mul3A_659, %add3A_660 : vector<16xf32>
          %swap3A_662 = arith.constant 0 : i32
          %swap3A_663 = arith.index_cast %swap3A_662 : i32 to index
          %swap3A_664 = arith.index_cast %add3A_568 : i32 to index
          %swap3A_665 = arith.constant 96 : index
          %swap3A_666 = tpu.vector_load %arg8[%swap3A_663, %swap3A_664, %swap3A_665] {strides = array<i32>} : memref<2x160x128xf32, #tpu.memory_space<vmem>>, vector<16xf32>,
          tpu.vector_store %arg8[%swap3A_663, %swap3A_664, %swap3A_665], %add3A_661 {strides = array<i32>} : memref<2x160x128xf32, #tpu.memory_space<vmem>>, vector<16xf32>,
          %get3A_667 = arith.constant 0 : i32
          %get3A_668 = arith.index_cast %get3A_667 : i32 to index
          %get3A_669 = arith.index_cast %add3A_568 : i32 to index
          %get3A_670 = arith.constant 112 : index
          %get3A_671 = tpu.vector_load %arg7[%get3A_668, %get3A_669, %get3A_670] {strides = array<i32>} : memref<2x160x128xf32, #tpu.memory_space<vmem>>, vector<16xf32>,
          %mul3A_672 = vector.broadcast %squeeze3A_564 : f32 to vector<16xf32>
          %mul3A_673 = arith.mulf %get3A_671, %mul3A_672 : vector<16xf32>
          %add3A_674 = vector.broadcast %squeeze3A_566 : f32 to vector<16xf32>
          %add3A_675 = arith.addf %mul3A_673, %add3A_674 : vector<16xf32>
          %swap3A_676 = arith.constant 0 : i32
          %swap3A_677 = arith.index_cast %swap3A_676 : i32 to index
          %swap3A_678 = arith.index_cast %add3A_568 : i32 to index
          %swap3A_679 = arith.constant 112 : index
          %swap3A_680 = tpu.vector_load %arg8[%swap3A_677, %swap3A_678, %swap3A_679] {strides = array<i32>} : memref<2x160x128xf32, #tpu.memory_space<vmem>>, vector<16xf32>,
          tpu.vector_store %arg8[%swap3A_677, %swap3A_678, %swap3A_679], %add3A_675 {strides = array<i32>} : memref<2x160x128xf32, #tpu.memory_space<vmem>>, vector<16xf32>,
          %slice3A_681 = vector.extract_strided_slice %gather3A {offsets = [4], sizes = [1], strides = [1]} : vector<16xf32> to vector<1xf32>
          %squeeze3A_682 = vector.extract %slice3A_681[0] : f32 from vector<1xf32>
          %slice3A_683 = vector.extract_strided_slice %gather3A_209 {offsets = [4], sizes = [1], strides = [1]} : vector<16xf32> to vector<1xf32>
          %squeeze3A_684 = vector.extract %slice3A_683[0] : f32 from vector<1xf32>
          %add3A_685 = arith.constant 4 : i32
          %add3A_686 = arith.addi %mul3A_211, %add3A_685 : i32
          %get3A_687 = arith.constant 0 : i32
          %get3A_688 = arith.index_cast %get3A_687 : i32 to index
          %get3A_689 = arith.index_cast %add3A_686 : i32 to index
          %get3A_690 = arith.constant 0 : index
          %get3A_691 = tpu.vector_load %arg7[%get3A_688, %get3A_689, %get3A_690] {strides = array<i32>} : memref<2x160x128xf32, #tpu.memory_space<vmem>>, vector<16xf32>,
          %mul3A_692 = vector.broadcast %squeeze3A_682 : f32 to vector<16xf32>
          %mul3A_693 = arith.mulf %get3A_691, %mul3A_692 : vector<16xf32>
          %add3A_694 = vector.broadcast %squeeze3A_684 : f32 to vector<16xf32>
          %add3A_695 = arith.addf %mul3A_693, %add3A_694 : vector<16xf32>
          %swap3A_696 = arith.constant 0 : i32
          %swap3A_697 = arith.index_cast %swap3A_696 : i32 to index
          %swap3A_698 = arith.index_cast %add3A_686 : i32 to index
          %swap3A_699 = arith.constant 0 : index
          %swap3A_700 = tpu.vector_load %arg8[%swap3A_697, %swap3A_698, %swap3A_699] {strides = array<i32>} : memref<2x160x128xf32, #tpu.memory_space<vmem>>, vector<16xf32>,
          tpu.vector_store %arg8[%swap3A_697, %swap3A_698, %swap3A_699], %add3A_695 {strides = array<i32>} : memref<2x160x128xf32, #tpu.memory_space<vmem>>, vector<16xf32>,
          %get3A_701 = arith.constant 0 : i32
          %get3A_702 = arith.index_cast %get3A_701 : i32 to index
          %get3A_703 = arith.index_cast %add3A_686 : i32 to index
          %get3A_704 = arith.constant 16 : index
          %get3A_705 = tpu.vector_load %arg7[%get3A_702, %get3A_703, %get3A_704] {strides = array<i32>} : memref<2x160x128xf32, #tpu.memory_space<vmem>>, vector<16xf32>,
          %mul3A_706 = vector.broadcast %squeeze3A_682 : f32 to vector<16xf32>
          %mul3A_707 = arith.mulf %get3A_705, %mul3A_706 : vector<16xf32>
          %add3A_708 = vector.broadcast %squeeze3A_684 : f32 to vector<16xf32>
          %add3A_709 = arith.addf %mul3A_707, %add3A_708 : vector<16xf32>
          %swap3A_710 = arith.constant 0 : i32
          %swap3A_711 = arith.index_cast %swap3A_710 : i32 to index
          %swap3A_712 = arith.index_cast %add3A_686 : i32 to index
          %swap3A_713 = arith.constant 16 : index
          %swap3A_714 = tpu.vector_load %arg8[%swap3A_711, %swap3A_712, %swap3A_713] {strides = array<i32>} : memref<2x160x128xf32, #tpu.memory_space<vmem>>, vector<16xf32>,
          tpu.vector_store %arg8[%swap3A_711, %swap3A_712, %swap3A_713], %add3A_709 {strides = array<i32>} : memref<2x160x128xf32, #tpu.memory_space<vmem>>, vector<16xf32>,
          %get3A_715 = arith.constant 0 : i32
          %get3A_716 = arith.index_cast %get3A_715 : i32 to index
          %get3A_717 = arith.index_cast %add3A_686 : i32 to index
          %get3A_718 = arith.constant 32 : index
          %get3A_719 = tpu.vector_load %arg7[%get3A_716, %get3A_717, %get3A_718] {strides = array<i32>} : memref<2x160x128xf32, #tpu.memory_space<vmem>>, vector<16xf32>,
          %mul3A_720 = vector.broadcast %squeeze3A_682 : f32 to vector<16xf32>
          %mul3A_721 = arith.mulf %get3A_719, %mul3A_720 : vector<16xf32>
          %add3A_722 = vector.broadcast %squeeze3A_684 : f32 to vector<16xf32>
          %add3A_723 = arith.addf %mul3A_721, %add3A_722 : vector<16xf32>
          %swap3A_724 = arith.constant 0 : i32
          %swap3A_725 = arith.index_cast %swap3A_724 : i32 to index
          %swap3A_726 = arith.index_cast %add3A_686 : i32 to index
          %swap3A_727 = arith.constant 32 : index
          %swap3A_728 = tpu.vector_load %arg8[%swap3A_725, %swap3A_726, %swap3A_727] {strides = array<i32>} : memref<2x160x128xf32, #tpu.memory_space<vmem>>, vector<16xf32>,
          tpu.vector_store %arg8[%swap3A_725, %swap3A_726, %swap3A_727], %add3A_723 {strides = array<i32>} : memref<2x160x128xf32, #tpu.memory_space<vmem>>, vector<16xf32>,
          %get3A_729 = arith.constant 0 : i32
          %get3A_730 = arith.index_cast %get3A_729 : i32 to index
          %get3A_731 = arith.index_cast %add3A_686 : i32 to index
          %get3A_732 = arith.constant 48 : index
          %get3A_733 = tpu.vector_load %arg7[%get3A_730, %get3A_731, %get3A_732] {strides = array<i32>} : memref<2x160x128xf32, #tpu.memory_space<vmem>>, vector<16xf32>,
          %mul3A_734 = vector.broadcast %squeeze3A_682 : f32 to vector<16xf32>
          %mul3A_735 = arith.mulf %get3A_733, %mul3A_734 : vector<16xf32>
          %add3A_736 = vector.broadcast %squeeze3A_684 : f32 to vector<16xf32>
          %add3A_737 = arith.addf %mul3A_735, %add3A_736 : vector<16xf32>
          %swap3A_738 = arith.constant 0 : i32
          %swap3A_739 = arith.index_cast %swap3A_738 : i32 to index
          %swap3A_740 = arith.index_cast %add3A_686 : i32 to index
          %swap3A_741 = arith.constant 48 : index
          %swap3A_742 = tpu.vector_load %arg8[%swap3A_739, %swap3A_740, %swap3A_741] {strides = array<i32>} : memref<2x160x128xf32, #tpu.memory_space<vmem>>, vector<16xf32>,
          tpu.vector_store %arg8[%swap3A_739, %swap3A_740, %swap3A_741], %add3A_737 {strides = array<i32>} : memref<2x160x128xf32, #tpu.memory_space<vmem>>, vector<16xf32>,
          %get3A_743 = arith.constant 0 : i32
          %get3A_744 = arith.index_cast %get3A_743 : i32 to index
          %get3A_745 = arith.index_cast %add3A_686 : i32 to index
          %get3A_746 = arith.constant 64 : index
          %get3A_747 = tpu.vector_load %arg7[%get3A_744, %get3A_745, %get3A_746] {strides = array<i32>} : memref<2x160x128xf32, #tpu.memory_space<vmem>>, vector<16xf32>,
          %mul3A_748 = vector.broadcast %squeeze3A_682 : f32 to vector<16xf32>
          %mul3A_749 = arith.mulf %get3A_747, %mul3A_748 : vector<16xf32>
          %add3A_750 = vector.broadcast %squeeze3A_684 : f32 to vector<16xf32>
          %add3A_751 = arith.addf %mul3A_749, %add3A_750 : vector<16xf32>
          %swap3A_752 = arith.constant 0 : i32
          %swap3A_753 = arith.index_cast %swap3A_752 : i32 to index
          %swap3A_754 = arith.index_cast %add3A_686 : i32 to index
          %swap3A_755 = arith.constant 64 : index
          %swap3A_756 = tpu.vector_load %arg8[%swap3A_753, %swap3A_754, %swap3A_755] {strides = array<i32>} : memref<2x160x128xf32, #tpu.memory_space<vmem>>, vector<16xf32>,
          tpu.vector_store %arg8[%swap3A_753, %swap3A_754, %swap3A_755], %add3A_751 {strides = array<i32>} : memref<2x160x128xf32, #tpu.memory_space<vmem>>, vector<16xf32>,
          %get3A_757 = arith.constant 0 : i32
          %get3A_758 = arith.index_cast %get3A_757 : i32 to index
          %get3A_759 = arith.index_cast %add3A_686 : i32 to index
          %get3A_760 = arith.constant 80 : index
          %get3A_761 = tpu.vector_load %arg7[%get3A_758, %get3A_759, %get3A_760] {strides = array<i32>} : memref<2x160x128xf32, #tpu.memory_space<vmem>>, vector<16xf32>,
          %mul3A_762 = vector.broadcast %squeeze3A_682 : f32 to vector<16xf32>
          %mul3A_763 = arith.mulf %get3A_761, %mul3A_762 : vector<16xf32>
          %add3A_764 = vector.broadcast %squeeze3A_684 : f32 to vector<16xf32>
          %add3A_765 = arith.addf %mul3A_763, %add3A_764 : vector<16xf32>
          %swap3A_766 = arith.constant 0 : i32
          %swap3A_767 = arith.index_cast %swap3A_766 : i32 to index
          %swap3A_768 = arith.index_cast %add3A_686 : i32 to index
          %swap3A_769 = arith.constant 80 : index
          %swap3A_770 = tpu.vector_load %arg8[%swap3A_767, %swap3A_768, %swap3A_769] {strides = array<i32>} : memref<2x160x128xf32, #tpu.memory_space<vmem>>, vector<16xf32>,
          tpu.vector_store %arg8[%swap3A_767, %swap3A_768, %swap3A_769], %add3A_765 {strides = array<i32>} : memref<2x160x128xf32, #tpu.memory_space<vmem>>, vector<16xf32>,
          %get3A_771 = arith.constant 0 : i32
          %get3A_772 = arith.index_cast %get3A_771 : i32 to index
          %get3A_773 = arith.index_cast %add3A_686 : i32 to index
          %get3A_774 = arith.constant 96 : index
          %get3A_775 = tpu.vector_load %arg7[%get3A_772, %get3A_773, %get3A_774] {strides = array<i32>} : memref<2x160x128xf32, #tpu.memory_space<vmem>>, vector<16xf32>,
          %mul3A_776 = vector.broadcast %squeeze3A_682 : f32 to vector<16xf32>
          %mul3A_777 = arith.mulf %get3A_775, %mul3A_776 : vector<16xf32>
          %add3A_778 = vector.broadcast %squeeze3A_684 : f32 to vector<16xf32>
          %add3A_779 = arith.addf %mul3A_777, %add3A_778 : vector<16xf32>
          %swap3A_780 = arith.constant 0 : i32
          %swap3A_781 = arith.index_cast %swap3A_780 : i32 to index
          %swap3A_782 = arith.index_cast %add3A_686 : i32 to index
          %swap3A_783 = arith.constant 96 : index
          %swap3A_784 = tpu.vector_load %arg8[%swap3A_781, %swap3A_782, %swap3A_783] {strides = array<i32>} : memref<2x160x128xf32, #tpu.memory_space<vmem>>, vector<16xf32>,
          tpu.vector_store %arg8[%swap3A_781, %swap3A_782, %swap3A_783], %add3A_779 {strides = array<i32>} : memref<2x160x128xf32, #tpu.memory_space<vmem>>, vector<16xf32>,
          %get3A_785 = arith.constant 0 : i32
          %get3A_786 = arith.index_cast %get3A_785 : i32 to index
          %get3A_787 = arith.index_cast %add3A_686 : i32 to index
          %get3A_788 = arith.constant 112 : index
          %get3A_789 = tpu.vector_load %arg7[%get3A_786, %get3A_787, %get3A_788] {strides = array<i32>} : memref<2x160x128xf32, #tpu.memory_space<vmem>>, vector<16xf32>,
          %mul3A_790 = vector.broadcast %squeeze3A_682 : f32 to vector<16xf32>
          %mul3A_791 = arith.mulf %get3A_789, %mul3A_790 : vector<16xf32>
          %add3A_792 = vector.broadcast %squeeze3A_684 : f32 to vector<16xf32>
          %add3A_793 = arith.addf %mul3A_791, %add3A_792 : vector<16xf32>
          %swap3A_794 = arith.constant 0 : i32
          %swap3A_795 = arith.index_cast %swap3A_794 : i32 to index
          %swap3A_796 = arith.index_cast %add3A_686 : i32 to index
          %swap3A_797 = arith.constant 112 : index
          %swap3A_798 = tpu.vector_load %arg8[%swap3A_795, %swap3A_796, %swap3A_797] {strides = array<i32>} : memref<2x160x128xf32, #tpu.memory_space<vmem>>, vector<16xf32>,
          tpu.vector_store %arg8[%swap3A_795, %swap3A_796, %swap3A_797], %add3A_793 {strides = array<i32>} : memref<2x160x128xf32, #tpu.memory_space<vmem>>, vector<16xf32>,
          %slice3A_799 = vector.extract_strided_slice %gather3A {offsets = [5], sizes = [1], strides = [1]} : vector<16xf32> to vector<1xf32>
          %squeeze3A_800 = vector.extract %slice3A_799[0] : f32 from vector<1xf32>
          %slice3A_801 = vector.extract_strided_slice %gather3A_209 {offsets = [5], sizes = [1], strides = [1]} : vector<16xf32> to vector<1xf32>
          %squeeze3A_802 = vector.extract %slice3A_801[0] : f32 from vector<1xf32>
          %add3A_803 = arith.constant 5 : i32
          %add3A_804 = arith.addi %mul3A_211, %add3A_803 : i32
          %get3A_805 = arith.constant 0 : i32
          %get3A_806 = arith.index_cast %get3A_805 : i32 to index
          %get3A_807 = arith.index_cast %add3A_804 : i32 to index
          %get3A_808 = arith.constant 0 : index
          %get3A_809 = tpu.vector_load %arg7[%get3A_806, %get3A_807, %get3A_808] {strides = array<i32>} : memref<2x160x128xf32, #tpu.memory_space<vmem>>, vector<16xf32>,
          %mul3A_810 = vector.broadcast %squeeze3A_800 : f32 to vector<16xf32>
          %mul3A_811 = arith.mulf %get3A_809, %mul3A_810 : vector<16xf32>
          %add3A_812 = vector.broadcast %squeeze3A_802 : f32 to vector<16xf32>
          %add3A_813 = arith.addf %mul3A_811, %add3A_812 : vector<16xf32>
          %swap3A_814 = arith.constant 0 : i32
          %swap3A_815 = arith.index_cast %swap3A_814 : i32 to index
          %swap3A_816 = arith.index_cast %add3A_804 : i32 to index
          %swap3A_817 = arith.constant 0 : index
          %swap3A_818 = tpu.vector_load %arg8[%swap3A_815, %swap3A_816, %swap3A_817] {strides = array<i32>} : memref<2x160x128xf32, #tpu.memory_space<vmem>>, vector<16xf32>,
          tpu.vector_store %arg8[%swap3A_815, %swap3A_816, %swap3A_817], %add3A_813 {strides = array<i32>} : memref<2x160x128xf32, #tpu.memory_space<vmem>>, vector<16xf32>,
          %get3A_819 = arith.constant 0 : i32
          %get3A_820 = arith.index_cast %get3A_819 : i32 to index
          %get3A_821 = arith.index_cast %add3A_804 : i32 to index
          %get3A_822 = arith.constant 16 : index
          %get3A_823 = tpu.vector_load %arg7[%get3A_820, %get3A_821, %get3A_822] {strides = array<i32>} : memref<2x160x128xf32, #tpu.memory_space<vmem>>, vector<16xf32>,
          %mul3A_824 = vector.broadcast %squeeze3A_800 : f32 to vector<16xf32>
          %mul3A_825 = arith.mulf %get3A_823, %mul3A_824 : vector<16xf32>
          %add3A_826 = vector.broadcast %squeeze3A_802 : f32 to vector<16xf32>
          %add3A_827 = arith.addf %mul3A_825, %add3A_826 : vector<16xf32>
          %swap3A_828 = arith.constant 0 : i32
          %swap3A_829 = arith.index_cast %swap3A_828 : i32 to index
          %swap3A_830 = arith.index_cast %add3A_804 : i32 to index
          %swap3A_831 = arith.constant 16 : index
          %swap3A_832 = tpu.vector_load %arg8[%swap3A_829, %swap3A_830, %swap3A_831] {strides = array<i32>} : memref<2x160x128xf32, #tpu.memory_space<vmem>>, vector<16xf32>,
          tpu.vector_store %arg8[%swap3A_829, %swap3A_830, %swap3A_831], %add3A_827 {strides = array<i32>} : memref<2x160x128xf32, #tpu.memory_space<vmem>>, vector<16xf32>,
          %get3A_833 = arith.constant 0 : i32
          %get3A_834 = arith.index_cast %get3A_833 : i32 to index
          %get3A_835 = arith.index_cast %add3A_804 : i32 to index
          %get3A_836 = arith.constant 32 : index
          %get3A_837 = tpu.vector_load %arg7[%get3A_834, %get3A_835, %get3A_836] {strides = array<i32>} : memref<2x160x128xf32, #tpu.memory_space<vmem>>, vector<16xf32>,
          %mul3A_838 = vector.broadcast %squeeze3A_800 : f32 to vector<16xf32>
          %mul3A_839 = arith.mulf %get3A_837, %mul3A_838 : vector<16xf32>
          %add3A_840 = vector.broadcast %squeeze3A_802 : f32 to vector<16xf32>
          %add3A_841 = arith.addf %mul3A_839, %add3A_840 : vector<16xf32>
          %swap3A_842 = arith.constant 0 : i32
          %swap3A_843 = arith.index_cast %swap3A_842 : i32 to index
          %swap3A_844 = arith.index_cast %add3A_804 : i32 to index
          %swap3A_845 = arith.constant 32 : index
          %swap3A_846 = tpu.vector_load %arg8[%swap3A_843, %swap3A_844, %swap3A_845] {strides = array<i32>} : memref<2x160x128xf32, #tpu.memory_space<vmem>>, vector<16xf32>,
          tpu.vector_store %arg8[%swap3A_843, %swap3A_844, %swap3A_845], %add3A_841 {strides = array<i32>} : memref<2x160x128xf32, #tpu.memory_space<vmem>>, vector<16xf32>,
          %get3A_847 = arith.constant 0 : i32
          %get3A_848 = arith.index_cast %get3A_847 : i32 to index
          %get3A_849 = arith.index_cast %add3A_804 : i32 to index
          %get3A_850 = arith.constant 48 : index
          %get3A_851 = tpu.vector_load %arg7[%get3A_848, %get3A_849, %get3A_850] {strides = array<i32>} : memref<2x160x128xf32, #tpu.memory_space<vmem>>, vector<16xf32>,
          %mul3A_852 = vector.broadcast %squeeze3A_800 : f32 to vector<16xf32>
          %mul3A_853 = arith.mulf %get3A_851, %mul3A_852 : vector<16xf32>
          %add3A_854 = vector.broadcast %squeeze3A_802 : f32 to vector<16xf32>
          %add3A_855 = arith.addf %mul3A_853, %add3A_854 : vector<16xf32>
          %swap3A_856 = arith.constant 0 : i32
          %swap3A_857 = arith.index_cast %swap3A_856 : i32 to index
          %swap3A_858 = arith.index_cast %add3A_804 : i32 to index
          %swap3A_859 = arith.constant 48 : index
          %swap3A_860 = tpu.vector_load %arg8[%swap3A_857, %swap3A_858, %swap3A_859] {strides = array<i32>} : memref<2x160x128xf32, #tpu.memory_space<vmem>>, vector<16xf32>,
          tpu.vector_store %arg8[%swap3A_857, %swap3A_858, %swap3A_859], %add3A_855 {strides = array<i32>} : memref<2x160x128xf32, #tpu.memory_space<vmem>>, vector<16xf32>,
          %get3A_861 = arith.constant 0 : i32
          %get3A_862 = arith.index_cast %get3A_861 : i32 to index
          %get3A_863 = arith.index_cast %add3A_804 : i32 to index
          %get3A_864 = arith.constant 64 : index
          %get3A_865 = tpu.vector_load %arg7[%get3A_862, %get3A_863, %get3A_864] {strides = array<i32>} : memref<2x160x128xf32, #tpu.memory_space<vmem>>, vector<16xf32>,
          %mul3A_866 = vector.broadcast %squeeze3A_800 : f32 to vector<16xf32>
          %mul3A_867 = arith.mulf %get3A_865, %mul3A_866 : vector<16xf32>
          %add3A_868 = vector.broadcast %squeeze3A_802 : f32 to vector<16xf32>
          %add3A_869 = arith.addf %mul3A_867, %add3A_868 : vector<16xf32>
          %swap3A_870 = arith.constant 0 : i32
          %swap3A_871 = arith.index_cast %swap3A_870 : i32 to index
          %swap3A_872 = arith.index_cast %add3A_804 : i32 to index
          %swap3A_873 = arith.constant 64 : index
          %swap3A_874 = tpu.vector_load %arg8[%swap3A_871, %swap3A_872, %swap3A_873] {strides = array<i32>} : memref<2x160x128xf32, #tpu.memory_space<vmem>>, vector<16xf32>,
          tpu.vector_store %arg8[%swap3A_871, %swap3A_872, %swap3A_873], %add3A_869 {strides = array<i32>} : memref<2x160x128xf32, #tpu.memory_space<vmem>>, vector<16xf32>,
          %get3A_875 = arith.constant 0 : i32
          %get3A_876 = arith.index_cast %get3A_875 : i32 to index
          %get3A_877 = arith.index_cast %add3A_804 : i32 to index
          %get3A_878 = arith.constant 80 : index
          %get3A_879 = tpu.vector_load %arg7[%get3A_876, %get3A_877, %get3A_878] {strides = array<i32>} : memref<2x160x128xf32, #tpu.memory_space<vmem>>, vector<16xf32>,
          %mul3A_880 = vector.broadcast %squeeze3A_800 : f32 to vector<16xf32>
          %mul3A_881 = arith.mulf %get3A_879, %mul3A_880 : vector<16xf32>
          %add3A_882 = vector.broadcast %squeeze3A_802 : f32 to vector<16xf32>
          %add3A_883 = arith.addf %mul3A_881, %add3A_882 : vector<16xf32>
          %swap3A_884 = arith.constant 0 : i32
          %swap3A_885 = arith.index_cast %swap3A_884 : i32 to index
          %swap3A_886 = arith.index_cast %add3A_804 : i32 to index
          %swap3A_887 = arith.constant 80 : index
          %swap3A_888 = tpu.vector_load %arg8[%swap3A_885, %swap3A_886, %swap3A_887] {strides = array<i32>} : memref<2x160x128xf32, #tpu.memory_space<vmem>>, vector<16xf32>,
          tpu.vector_store %arg8[%swap3A_885, %swap3A_886, %swap3A_887], %add3A_883 {strides = array<i32>} : memref<2x160x128xf32, #tpu.memory_space<vmem>>, vector<16xf32>,
          %get3A_889 = arith.constant 0 : i32
          %get3A_890 = arith.index_cast %get3A_889 : i32 to index
          %get3A_891 = arith.index_cast %add3A_804 : i32 to index
          %get3A_892 = arith.constant 96 : index
          %get3A_893 = tpu.vector_load %arg7[%get3A_890, %get3A_891, %get3A_892] {strides = array<i32>} : memref<2x160x128xf32, #tpu.memory_space<vmem>>, vector<16xf32>,
          %mul3A_894 = vector.broadcast %squeeze3A_800 : f32 to vector<16xf32>
          %mul3A_895 = arith.mulf %get3A_893, %mul3A_894 : vector<16xf32>
          %add3A_896 = vector.broadcast %squeeze3A_802 : f32 to vector<16xf32>
          %add3A_897 = arith.addf %mul3A_895, %add3A_896 : vector<16xf32>
          %swap3A_898 = arith.constant 0 : i32
          %swap3A_899 = arith.index_cast %swap3A_898 : i32 to index
          %swap3A_900 = arith.index_cast %add3A_804 : i32 to index
          %swap3A_901 = arith.constant 96 : index
          %swap3A_902 = tpu.vector_load %arg8[%swap3A_899, %swap3A_900, %swap3A_901] {strides = array<i32>} : memref<2x160x128xf32, #tpu.memory_space<vmem>>, vector<16xf32>,
          tpu.vector_store %arg8[%swap3A_899, %swap3A_900, %swap3A_901], %add3A_897 {strides = array<i32>} : memref<2x160x128xf32, #tpu.memory_space<vmem>>, vector<16xf32>,
          %get3A_903 = arith.constant 0 : i32
          %get3A_904 = arith.index_cast %get3A_903 : i32 to index
          %get3A_905 = arith.index_cast %add3A_804 : i32 to index
          %get3A_906 = arith.constant 112 : index
          %get3A_907 = tpu.vector_load %arg7[%get3A_904, %get3A_905, %get3A_906] {strides = array<i32>} : memref<2x160x128xf32, #tpu.memory_space<vmem>>, vector<16xf32>,
          %mul3A_908 = vector.broadcast %squeeze3A_800 : f32 to vector<16xf32>
          %mul3A_909 = arith.mulf %get3A_907, %mul3A_908 : vector<16xf32>
          %add3A_910 = vector.broadcast %squeeze3A_802 : f32 to vector<16xf32>
          %add3A_911 = arith.addf %mul3A_909, %add3A_910 : vector<16xf32>
          %swap3A_912 = arith.constant 0 : i32
          %swap3A_913 = arith.index_cast %swap3A_912 : i32 to index
          %swap3A_914 = arith.index_cast %add3A_804 : i32 to index
          %swap3A_915 = arith.constant 112 : index
          %swap3A_916 = tpu.vector_load %arg8[%swap3A_913, %swap3A_914, %swap3A_915] {strides = array<i32>} : memref<2x160x128xf32, #tpu.memory_space<vmem>>, vector<16xf32>,
          tpu.vector_store %arg8[%swap3A_913, %swap3A_914, %swap3A_915], %add3A_911 {strides = array<i32>} : memref<2x160x128xf32, #tpu.memory_space<vmem>>, vector<16xf32>,
          %slice3A_917 = vector.extract_strided_slice %gather3A {offsets = [6], sizes = [1], strides = [1]} : vector<16xf32> to vector<1xf32>
          %squeeze3A_918 = vector.extract %slice3A_917[0] : f32 from vector<1xf32>
          %slice3A_919 = vector.extract_strided_slice %gather3A_209 {offsets = [6], sizes = [1], strides = [1]} : vector<16xf32> to vector<1xf32>
          %squeeze3A_920 = vector.extract %slice3A_919[0] : f32 from vector<1xf32>
          %add3A_921 = arith.constant 6 : i32
          %add3A_922 = arith.addi %mul3A_211, %add3A_921 : i32
          %get3A_923 = arith.constant 0 : i32
          %get3A_924 = arith.index_cast %get3A_923 : i32 to index
          %get3A_925 = arith.index_cast %add3A_922 : i32 to index
          %get3A_926 = arith.constant 0 : index
          %get3A_927 = tpu.vector_load %arg7[%get3A_924, %get3A_925, %get3A_926] {strides = array<i32>} : memref<2x160x128xf32, #tpu.memory_space<vmem>>, vector<16xf32>,
          %mul3A_928 = vector.broadcast %squeeze3A_918 : f32 to vector<16xf32>
          %mul3A_929 = arith.mulf %get3A_927, %mul3A_928 : vector<16xf32>
          %add3A_930 = vector.broadcast %squeeze3A_920 : f32 to vector<16xf32>
          %add3A_931 = arith.addf %mul3A_929, %add3A_930 : vector<16xf32>
          %swap3A_932 = arith.constant 0 : i32
          %swap3A_933 = arith.index_cast %swap3A_932 : i32 to index
          %swap3A_934 = arith.index_cast %add3A_922 : i32 to index
          %swap3A_935 = arith.constant 0 : index
          %swap3A_936 = tpu.vector_load %arg8[%swap3A_933, %swap3A_934, %swap3A_935] {strides = array<i32>} : memref<2x160x128xf32, #tpu.memory_space<vmem>>, vector<16xf32>,
          tpu.vector_store %arg8[%swap3A_933, %swap3A_934, %swap3A_935], %add3A_931 {strides = array<i32>} : memref<2x160x128xf32, #tpu.memory_space<vmem>>, vector<16xf32>,
          %get3A_937 = arith.constant 0 : i32
          %get3A_938 = arith.index_cast %get3A_937 : i32 to index
          %get3A_939 = arith.index_cast %add3A_922 : i32 to index
          %get3A_940 = arith.constant 16 : index
          %get3A_941 = tpu.vector_load %arg7[%get3A_938, %get3A_939, %get3A_940] {strides = array<i32>} : memref<2x160x128xf32, #tpu.memory_space<vmem>>, vector<16xf32>,
          %mul3A_942 = vector.broadcast %squeeze3A_918 : f32 to vector<16xf32>
          %mul3A_943 = arith.mulf %get3A_941, %mul3A_942 : vector<16xf32>
          %add3A_944 = vector.broadcast %squeeze3A_920 : f32 to vector<16xf32>
          %add3A_945 = arith.addf %mul3A_943, %add3A_944 : vector<16xf32>
          %swap3A_946 = arith.constant 0 : i32
          %swap3A_947 = arith.index_cast %swap3A_946 : i32 to index
          %swap3A_948 = arith.index_cast %add3A_922 : i32 to index
          %swap3A_949 = arith.constant 16 : index
          %swap3A_950 = tpu.vector_load %arg8[%swap3A_947, %swap3A_948, %swap3A_949] {strides = array<i32>} : memref<2x160x128xf32, #tpu.memory_space<vmem>>, vector<16xf32>,
          tpu.vector_store %arg8[%swap3A_947, %swap3A_948, %swap3A_949], %add3A_945 {strides = array<i32>} : memref<2x160x128xf32, #tpu.memory_space<vmem>>, vector<16xf32>,
          %get3A_951 = arith.constant 0 : i32
          %get3A_952 = arith.index_cast %get3A_951 : i32 to index
          %get3A_953 = arith.index_cast %add3A_922 : i32 to index
          %get3A_954 = arith.constant 32 : index
          %get3A_955 = tpu.vector_load %arg7[%get3A_952, %get3A_953, %get3A_954] {strides = array<i32>} : memref<2x160x128xf32, #tpu.memory_space<vmem>>, vector<16xf32>,
          %mul3A_956 = vector.broadcast %squeeze3A_918 : f32 to vector<16xf32>
          %mul3A_957 = arith.mulf %get3A_955, %mul3A_956 : vector<16xf32>
          %add3A_958 = vector.broadcast %squeeze3A_920 : f32 to vector<16xf32>
          %add3A_959 = arith.addf %mul3A_957, %add3A_958 : vector<16xf32>
          %swap3A_960 = arith.constant 0 : i32
          %swap3A_961 = arith.index_cast %swap3A_960 : i32 to index
          %swap3A_962 = arith.index_cast %add3A_922 : i32 to index
          %swap3A_963 = arith.constant 32 : index
          %swap3A_964 = tpu.vector_load %arg8[%swap3A_961, %swap3A_962, %swap3A_963] {strides = array<i32>} : memref<2x160x128xf32, #tpu.memory_space<vmem>>, vector<16xf32>,
          tpu.vector_store %arg8[%swap3A_961, %swap3A_962, %swap3A_963], %add3A_959 {strides = array<i32>} : memref<2x160x128xf32, #tpu.memory_space<vmem>>, vector<16xf32>,
          %get3A_965 = arith.constant 0 : i32
          %get3A_966 = arith.index_cast %get3A_965 : i32 to index
          %get3A_967 = arith.index_cast %add3A_922 : i32 to index
          %get3A_968 = arith.constant 48 : index
          %get3A_969 = tpu.vector_load %arg7[%get3A_966, %get3A_967, %get3A_968] {strides = array<i32>} : memref<2x160x128xf32, #tpu.memory_space<vmem>>, vector<16xf32>,
          %mul3A_970 = vector.broadcast %squeeze3A_918 : f32 to vector<16xf32>
          %mul3A_971 = arith.mulf %get3A_969, %mul3A_970 : vector<16xf32>
          %add3A_972 = vector.broadcast %squeeze3A_920 : f32 to vector<16xf32>
          %add3A_973 = arith.addf %mul3A_971, %add3A_972 : vector<16xf32>
          %swap3A_974 = arith.constant 0 : i32
          %swap3A_975 = arith.index_cast %swap3A_974 : i32 to index
          %swap3A_976 = arith.index_cast %add3A_922 : i32 to index
          %swap3A_977 = arith.constant 48 : index
          %swap3A_978 = tpu.vector_load %arg8[%swap3A_975, %swap3A_976, %swap3A_977] {strides = array<i32>} : memref<2x160x128xf32, #tpu.memory_space<vmem>>, vector<16xf32>,
          tpu.vector_store %arg8[%swap3A_975, %swap3A_976, %swap3A_977], %add3A_973 {strides = array<i32>} : memref<2x160x128xf32, #tpu.memory_space<vmem>>, vector<16xf32>,
          %get3A_979 = arith.constant 0 : i32
          %get3A_980 = arith.index_cast %get3A_979 : i32 to index
          %get3A_981 = arith.index_cast %add3A_922 : i32 to index
          %get3A_982 = arith.constant 64 : index
          %get3A_983 = tpu.vector_load %arg7[%get3A_980, %get3A_981, %get3A_982] {strides = array<i32>} : memref<2x160x128xf32, #tpu.memory_space<vmem>>, vector<16xf32>,
          %mul3A_984 = vector.broadcast %squeeze3A_918 : f32 to vector<16xf32>
          %mul3A_985 = arith.mulf %get3A_983, %mul3A_984 : vector<16xf32>
          %add3A_986 = vector.broadcast %squeeze3A_920 : f32 to vector<16xf32>
          %add3A_987 = arith.addf %mul3A_985, %add3A_986 : vector<16xf32>
          %swap3A_988 = arith.constant 0 : i32
          %swap3A_989 = arith.index_cast %swap3A_988 : i32 to index
          %swap3A_990 = arith.index_cast %add3A_922 : i32 to index
          %swap3A_991 = arith.constant 64 : index
          %swap3A_992 = tpu.vector_load %arg8[%swap3A_989, %swap3A_990, %swap3A_991] {strides = array<i32>} : memref<2x160x128xf32, #tpu.memory_space<vmem>>, vector<16xf32>,
          tpu.vector_store %arg8[%swap3A_989, %swap3A_990, %swap3A_991], %add3A_987 {strides = array<i32>} : memref<2x160x128xf32, #tpu.memory_space<vmem>>, vector<16xf32>,
          %get3A_993 = arith.constant 0 : i32
          %get3A_994 = arith.index_cast %get3A_993 : i32 to index
          %get3A_995 = arith.index_cast %add3A_922 : i32 to index
          %get3A_996 = arith.constant 80 : index
          %get3A_997 = tpu.vector_load %arg7[%get3A_994, %get3A_995, %get3A_996] {strides = array<i32>} : memref<2x160x128xf32, #tpu.memory_space<vmem>>, vector<16xf32>,
          %mul3A_998 = vector.broadcast %squeeze3A_918 : f32 to vector<16xf32>
          %mul3A_999 = arith.mulf %get3A_997, %mul3A_998 : vector<16xf32>
          %add3A_1000 = vector.broadcast %squeeze3A_920 : f32 to vector<16xf32>
          %add3A_1001 = arith.addf %mul3A_999, %add3A_1000 : vector<16xf32>
          %swap3A_1002 = arith.constant 0 : i32
          %swap3A_1003 = arith.index_cast %swap3A_1002 : i32 to index
          %swap3A_1004 = arith.index_cast %add3A_922 : i32 to index
          %swap3A_1005 = arith.constant 80 : index
          %swap3A_1006 = tpu.vector_load %arg8[%swap3A_1003, %swap3A_1004, %swap3A_1005] {strides = array<i32>} : memref<2x160x128xf32, #tpu.memory_space<vmem>>, vector<16xf32>,
          tpu.vector_store %arg8[%swap3A_1003, %swap3A_1004, %swap3A_1005], %add3A_1001 {strides = array<i32>} : memref<2x160x128xf32, #tpu.memory_space<vmem>>, vector<16xf32>,
          %get3A_1007 = arith.constant 0 : i32
          %get3A_1008 = arith.index_cast %get3A_1007 : i32 to index
          %get3A_1009 = arith.index_cast %add3A_922 : i32 to index
          %get3A_1010 = arith.constant 96 : index
          %get3A_1011 = tpu.vector_load %arg7[%get3A_1008, %get3A_1009, %get3A_1010] {strides = array<i32>} : memref<2x160x128xf32, #tpu.memory_space<vmem>>, vector<16xf32>,
          %mul3A_1012 = vector.broadcast %squeeze3A_918 : f32 to vector<16xf32>
          %mul3A_1013 = arith.mulf %get3A_1011, %mul3A_1012 : vector<16xf32>
          %add3A_1014 = vector.broadcast %squeeze3A_920 : f32 to vector<16xf32>
          %add3A_1015 = arith.addf %mul3A_1013, %add3A_1014 : vector<16xf32>
          %swap3A_1016 = arith.constant 0 : i32
          %swap3A_1017 = arith.index_cast %swap3A_1016 : i32 to index
          %swap3A_1018 = arith.index_cast %add3A_922 : i32 to index
          %swap3A_1019 = arith.constant 96 : index
          %swap3A_1020 = tpu.vector_load %arg8[%swap3A_1017, %swap3A_1018, %swap3A_1019] {strides = array<i32>} : memref<2x160x128xf32, #tpu.memory_space<vmem>>, vector<16xf32>,
          tpu.vector_store %arg8[%swap3A_1017, %swap3A_1018, %swap3A_1019], %add3A_1015 {strides = array<i32>} : memref<2x160x128xf32, #tpu.memory_space<vmem>>, vector<16xf32>,
          %get3A_1021 = arith.constant 0 : i32
          %get3A_1022 = arith.index_cast %get3A_1021 : i32 to index
          %get3A_1023 = arith.index_cast %add3A_922 : i32 to index
          %get3A_1024 = arith.constant 112 : index
          %get3A_1025 = tpu.vector_load %arg7[%get3A_1022, %get3A_1023, %get3A_1024] {strides = array<i32>} : memref<2x160x128xf32, #tpu.memory_space<vmem>>, vector<16xf32>,
          %mul3A_1026 = vector.broadcast %squeeze3A_918 : f32 to vector<16xf32>
          %mul3A_1027 = arith.mulf %get3A_1025, %mul3A_1026 : vector<16xf32>
          %add3A_1028 = vector.broadcast %squeeze3A_920 : f32 to vector<16xf32>
          %add3A_1029 = arith.addf %mul3A_1027, %add3A_1028 : vector<16xf32>
          %swap3A_1030 = arith.constant 0 : i32
          %swap3A_1031 = arith.index_cast %swap3A_1030 : i32 to index
          %swap3A_1032 = arith.index_cast %add3A_922 : i32 to index
          %swap3A_1033 = arith.constant 112 : index
          %swap3A_1034 = tpu.vector_load %arg8[%swap3A_1031, %swap3A_1032, %swap3A_1033] {strides = array<i32>} : memref<2x160x128xf32, #tpu.memory_space<vmem>>, vector<16xf32>,
          tpu.vector_store %arg8[%swap3A_1031, %swap3A_1032, %swap3A_1033], %add3A_1029 {strides = array<i32>} : memref<2x160x128xf32, #tpu.memory_space<vmem>>, vector<16xf32>,
          %slice3A_1035 = vector.extract_strided_slice %gather3A {offsets = [7], sizes = [1], strides = [1]} : vector<16xf32> to vector<1xf32>
          %squeeze3A_1036 = vector.extract %slice3A_1035[0] : f32 from vector<1xf32>
          %slice3A_1037 = vector.extract_strided_slice %gather3A_209 {offsets = [7], sizes = [1], strides = [1]} : vector<16xf32> to vector<1xf32>
          %squeeze3A_1038 = vector.extract %slice3A_1037[0] : f32 from vector<1xf32>
          %add3A_1039 = arith.constant 7 : i32
          %add3A_1040 = arith.addi %mul3A_211, %add3A_1039 : i32
          %get3A_1041 = arith.constant 0 : i32
          %get3A_1042 = arith.index_cast %get3A_1041 : i32 to index
          %get3A_1043 = arith.index_cast %add3A_1040 : i32 to index
          %get3A_1044 = arith.constant 0 : index
          %get3A_1045 = tpu.vector_load %arg7[%get3A_1042, %get3A_1043, %get3A_1044] {strides = array<i32>} : memref<2x160x128xf32, #tpu.memory_space<vmem>>, vector<16xf32>,
          %mul3A_1046 = vector.broadcast %squeeze3A_1036 : f32 to vector<16xf32>
          %mul3A_1047 = arith.mulf %get3A_1045, %mul3A_1046 : vector<16xf32>
          %add3A_1048 = vector.broadcast %squeeze3A_1038 : f32 to vector<16xf32>
          %add3A_1049 = arith.addf %mul3A_1047, %add3A_1048 : vector<16xf32>
          %swap3A_1050 = arith.constant 0 : i32
          %swap3A_1051 = arith.index_cast %swap3A_1050 : i32 to index
          %swap3A_1052 = arith.index_cast %add3A_1040 : i32 to index
          %swap3A_1053 = arith.constant 0 : index
          %swap3A_1054 = tpu.vector_load %arg8[%swap3A_1051, %swap3A_1052, %swap3A_1053] {strides = array<i32>} : memref<2x160x128xf32, #tpu.memory_space<vmem>>, vector<16xf32>,
          tpu.vector_store %arg8[%swap3A_1051, %swap3A_1052, %swap3A_1053], %add3A_1049 {strides = array<i32>} : memref<2x160x128xf32, #tpu.memory_space<vmem>>, vector<16xf32>,
          %get3A_1055 = arith.constant 0 : i32
          %get3A_1056 = arith.index_cast %get3A_1055 : i32 to index
          %get3A_1057 = arith.index_cast %add3A_1040 : i32 to index
          %get3A_1058 = arith.constant 16 : index
          %get3A_1059 = tpu.vector_load %arg7[%get3A_1056, %get3A_1057, %get3A_1058] {strides = array<i32>} : memref<2x160x128xf32, #tpu.memory_space<vmem>>, vector<16xf32>,
          %mul3A_1060 = vector.broadcast %squeeze3A_1036 : f32 to vector<16xf32>
          %mul3A_1061 = arith.mulf %get3A_1059, %mul3A_1060 : vector<16xf32>
          %add3A_1062 = vector.broadcast %squeeze3A_1038 : f32 to vector<16xf32>
          %add3A_1063 = arith.addf %mul3A_1061, %add3A_1062 : vector<16xf32>
          %swap3A_1064 = arith.constant 0 : i32
          %swap3A_1065 = arith.index_cast %swap3A_1064 : i32 to index
          %swap3A_1066 = arith.index_cast %add3A_1040 : i32 to index
          %swap3A_1067 = arith.constant 16 : index
          %swap3A_1068 = tpu.vector_load %arg8[%swap3A_1065, %swap3A_1066, %swap3A_1067] {strides = array<i32>} : memref<2x160x128xf32, #tpu.memory_space<vmem>>, vector<16xf32>,
          tpu.vector_store %arg8[%swap3A_1065, %swap3A_1066, %swap3A_1067], %add3A_1063 {strides = array<i32>} : memref<2x160x128xf32, #tpu.memory_space<vmem>>, vector<16xf32>,
          %get3A_1069 = arith.constant 0 : i32
          %get3A_1070 = arith.index_cast %get3A_1069 : i32 to index
          %get3A_1071 = arith.index_cast %add3A_1040 : i32 to index
          %get3A_1072 = arith.constant 32 : index
          %get3A_1073 = tpu.vector_load %arg7[%get3A_1070, %get3A_1071, %get3A_1072] {strides = array<i32>} : memref<2x160x128xf32, #tpu.memory_space<vmem>>, vector<16xf32>,
          %mul3A_1074 = vector.broadcast %squeeze3A_1036 : f32 to vector<16xf32>
          %mul3A_1075 = arith.mulf %get3A_1073, %mul3A_1074 : vector<16xf32>
          %add3A_1076 = vector.broadcast %squeeze3A_1038 : f32 to vector<16xf32>
          %add3A_1077 = arith.addf %mul3A_1075, %add3A_1076 : vector<16xf32>
          %swap3A_1078 = arith.constant 0 : i32
          %swap3A_1079 = arith.index_cast %swap3A_1078 : i32 to index
          %swap3A_1080 = arith.index_cast %add3A_1040 : i32 to index
          %swap3A_1081 = arith.constant 32 : index
          %swap3A_1082 = tpu.vector_load %arg8[%swap3A_1079, %swap3A_1080, %swap3A_1081] {strides = array<i32>} : memref<2x160x128xf32, #tpu.memory_space<vmem>>, vector<16xf32>,
          tpu.vector_store %arg8[%swap3A_1079, %swap3A_1080, %swap3A_1081], %add3A_1077 {strides = array<i32>} : memref<2x160x128xf32, #tpu.memory_space<vmem>>, vector<16xf32>,
          %get3A_1083 = arith.constant 0 : i32
          %get3A_1084 = arith.index_cast %get3A_1083 : i32 to index
          %get3A_1085 = arith.index_cast %add3A_1040 : i32 to index
          %get3A_1086 = arith.constant 48 : index
          %get3A_1087 = tpu.vector_load %arg7[%get3A_1084, %get3A_1085, %get3A_1086] {strides = array<i32>} : memref<2x160x128xf32, #tpu.memory_space<vmem>>, vector<16xf32>,
          %mul3A_1088 = vector.broadcast %squeeze3A_1036 : f32 to vector<16xf32>
          %mul3A_1089 = arith.mulf %get3A_1087, %mul3A_1088 : vector<16xf32>
          %add3A_1090 = vector.broadcast %squeeze3A_1038 : f32 to vector<16xf32>
          %add3A_1091 = arith.addf %mul3A_1089, %add3A_1090 : vector<16xf32>
          %swap3A_1092 = arith.constant 0 : i32
          %swap3A_1093 = arith.index_cast %swap3A_1092 : i32 to index
          %swap3A_1094 = arith.index_cast %add3A_1040 : i32 to index
          %swap3A_1095 = arith.constant 48 : index
          %swap3A_1096 = tpu.vector_load %arg8[%swap3A_1093, %swap3A_1094, %swap3A_1095] {strides = array<i32>} : memref<2x160x128xf32, #tpu.memory_space<vmem>>, vector<16xf32>,
          tpu.vector_store %arg8[%swap3A_1093, %swap3A_1094, %swap3A_1095], %add3A_1091 {strides = array<i32>} : memref<2x160x128xf32, #tpu.memory_space<vmem>>, vector<16xf32>,
          %get3A_1097 = arith.constant 0 : i32
          %get3A_1098 = arith.index_cast %get3A_1097 : i32 to index
          %get3A_1099 = arith.index_cast %add3A_1040 : i32 to index
          %get3A_1100 = arith.constant 64 : index
          %get3A_1101 = tpu.vector_load %arg7[%get3A_1098, %get3A_1099, %get3A_1100] {strides = array<i32>} : memref<2x160x128xf32, #tpu.memory_space<vmem>>, vector<16xf32>,
          %mul3A_1102 = vector.broadcast %squeeze3A_1036 : f32 to vector<16xf32>
          %mul3A_1103 = arith.mulf %get3A_1101, %mul3A_1102 : vector<16xf32>
          %add3A_1104 = vector.broadcast %squeeze3A_1038 : f32 to vector<16xf32>
          %add3A_1105 = arith.addf %mul3A_1103, %add3A_1104 : vector<16xf32>
          %swap3A_1106 = arith.constant 0 : i32
          %swap3A_1107 = arith.index_cast %swap3A_1106 : i32 to index
          %swap3A_1108 = arith.index_cast %add3A_1040 : i32 to index
          %swap3A_1109 = arith.constant 64 : index
          %swap3A_1110 = tpu.vector_load %arg8[%swap3A_1107, %swap3A_1108, %swap3A_1109] {strides = array<i32>} : memref<2x160x128xf32, #tpu.memory_space<vmem>>, vector<16xf32>,
          tpu.vector_store %arg8[%swap3A_1107, %swap3A_1108, %swap3A_1109], %add3A_1105 {strides = array<i32>} : memref<2x160x128xf32, #tpu.memory_space<vmem>>, vector<16xf32>,
          %get3A_1111 = arith.constant 0 : i32
          %get3A_1112 = arith.index_cast %get3A_1111 : i32 to index
          %get3A_1113 = arith.index_cast %add3A_1040 : i32 to index
          %get3A_1114 = arith.constant 80 : index
          %get3A_1115 = tpu.vector_load %arg7[%get3A_1112, %get3A_1113, %get3A_1114] {strides = array<i32>} : memref<2x160x128xf32, #tpu.memory_space<vmem>>, vector<16xf32>,
          %mul3A_1116 = vector.broadcast %squeeze3A_1036 : f32 to vector<16xf32>
          %mul3A_1117 = arith.mulf %get3A_1115, %mul3A_1116 : vector<16xf32>
          %add3A_1118 = vector.broadcast %squeeze3A_1038 : f32 to vector<16xf32>
          %add3A_1119 = arith.addf %mul3A_1117, %add3A_1118 : vector<16xf32>
          %swap3A_1120 = arith.constant 0 : i32
          %swap3A_1121 = arith.index_cast %swap3A_1120 : i32 to index
          %swap3A_1122 = arith.index_cast %add3A_1040 : i32 to index
          %swap3A_1123 = arith.constant 80 : index
          %swap3A_1124 = tpu.vector_load %arg8[%swap3A_1121, %swap3A_1122, %swap3A_1123] {strides = array<i32>} : memref<2x160x128xf32, #tpu.memory_space<vmem>>, vector<16xf32>,
          tpu.vector_store %arg8[%swap3A_1121, %swap3A_1122, %swap3A_1123], %add3A_1119 {strides = array<i32>} : memref<2x160x128xf32, #tpu.memory_space<vmem>>, vector<16xf32>,
          %get3A_1125 = arith.constant 0 : i32
          %get3A_1126 = arith.index_cast %get3A_1125 : i32 to index
          %get3A_1127 = arith.index_cast %add3A_1040 : i32 to index
          %get3A_1128 = arith.constant 96 : index
          %get3A_1129 = tpu.vector_load %arg7[%get3A_1126, %get3A_1127, %get3A_1128] {strides = array<i32>} : memref<2x160x128xf32, #tpu.memory_space<vmem>>, vector<16xf32>,
          %mul3A_1130 = vector.broadcast %squeeze3A_1036 : f32 to vector<16xf32>
          %mul3A_1131 = arith.mulf %get3A_1129, %mul3A_1130 : vector<16xf32>
          %add3A_1132 = vector.broadcast %squeeze3A_1038 : f32 to vector<16xf32>
          %add3A_1133 = arith.addf %mul3A_1131, %add3A_1132 : vector<16xf32>
          %swap3A_1134 = arith.constant 0 : i32
          %swap3A_1135 = arith.index_cast %swap3A_1134 : i32 to index
          %swap3A_1136 = arith.index_cast %add3A_1040 : i32 to index
          %swap3A_1137 = arith.constant 96 : index
          %swap3A_1138 = tpu.vector_load %arg8[%swap3A_1135, %swap3A_1136, %swap3A_1137] {strides = array<i32>} : memref<2x160x128xf32, #tpu.memory_space<vmem>>, vector<16xf32>,
          tpu.vector_store %arg8[%swap3A_1135, %swap3A_1136, %swap3A_1137], %add3A_1133 {strides = array<i32>} : memref<2x160x128xf32, #tpu.memory_space<vmem>>, vector<16xf32>,
          %get3A_1139 = arith.constant 0 : i32
          %get3A_1140 = arith.index_cast %get3A_1139 : i32 to index
          %get3A_1141 = arith.index_cast %add3A_1040 : i32 to index
          %get3A_1142 = arith.constant 112 : index
          %get3A_1143 = tpu.vector_load %arg7[%get3A_1140, %get3A_1141, %get3A_1142] {strides = array<i32>} : memref<2x160x128xf32, #tpu.memory_space<vmem>>, vector<16xf32>,
          %mul3A_1144 = vector.broadcast %squeeze3A_1036 : f32 to vector<16xf32>
          %mul3A_1145 = arith.mulf %get3A_1143, %mul3A_1144 : vector<16xf32>
          %add3A_1146 = vector.broadcast %squeeze3A_1038 : f32 to vector<16xf32>
          %add3A_1147 = arith.addf %mul3A_1145, %add3A_1146 : vector<16xf32>
          %swap3A_1148 = arith.constant 0 : i32
          %swap3A_1149 = arith.index_cast %swap3A_1148 : i32 to index
          %swap3A_1150 = arith.index_cast %add3A_1040 : i32 to index
          %swap3A_1151 = arith.constant 112 : index
          %swap3A_1152 = tpu.vector_load %arg8[%swap3A_1149, %swap3A_1150, %swap3A_1151] {strides = array<i32>} : memref<2x160x128xf32, #tpu.memory_space<vmem>>, vector<16xf32>,
          tpu.vector_store %arg8[%swap3A_1149, %swap3A_1150, %swap3A_1151], %add3A_1147 {strides = array<i32>} : memref<2x160x128xf32, #tpu.memory_space<vmem>>, vector<16xf32>,
          %slice3A_1153 = vector.extract_strided_slice %gather3A {offsets = [8], sizes = [1], strides = [1]} : vector<16xf32> to vector<1xf32>
          %squeeze3A_1154 = vector.extract %slice3A_1153[0] : f32 from vector<1xf32>
          %slice3A_1155 = vector.extract_strided_slice %gather3A_209 {offsets = [8], sizes = [1], strides = [1]} : vector<16xf32> to vector<1xf32>
          %squeeze3A_1156 = vector.extract %slice3A_1155[0] : f32 from vector<1xf32>
          %add3A_1157 = arith.constant 8 : i32
          %add3A_1158 = arith.addi %mul3A_211, %add3A_1157 : i32
          %get3A_1159 = arith.constant 0 : i32
          %get3A_1160 = arith.index_cast %get3A_1159 : i32 to index
          %get3A_1161 = arith.index_cast %add3A_1158 : i32 to index
          %get3A_1162 = arith.constant 0 : index
          %get3A_1163 = tpu.vector_load %arg7[%get3A_1160, %get3A_1161, %get3A_1162] {strides = array<i32>} : memref<2x160x128xf32, #tpu.memory_space<vmem>>, vector<16xf32>,
          %mul3A_1164 = vector.broadcast %squeeze3A_1154 : f32 to vector<16xf32>
          %mul3A_1165 = arith.mulf %get3A_1163, %mul3A_1164 : vector<16xf32>
          %add3A_1166 = vector.broadcast %squeeze3A_1156 : f32 to vector<16xf32>
          %add3A_1167 = arith.addf %mul3A_1165, %add3A_1166 : vector<16xf32>
          %swap3A_1168 = arith.constant 0 : i32
          %swap3A_1169 = arith.index_cast %swap3A_1168 : i32 to index
          %swap3A_1170 = arith.index_cast %add3A_1158 : i32 to index
          %swap3A_1171 = arith.constant 0 : index
          %swap3A_1172 = tpu.vector_load %arg8[%swap3A_1169, %swap3A_1170, %swap3A_1171] {strides = array<i32>} : memref<2x160x128xf32, #tpu.memory_space<vmem>>, vector<16xf32>,
          tpu.vector_store %arg8[%swap3A_1169, %swap3A_1170, %swap3A_1171], %add3A_1167 {strides = array<i32>} : memref<2x160x128xf32, #tpu.memory_space<vmem>>, vector<16xf32>,
          %get3A_1173 = arith.constant 0 : i32
          %get3A_1174 = arith.index_cast %get3A_1173 : i32 to index
          %get3A_1175 = arith.index_cast %add3A_1158 : i32 to index
          %get3A_1176 = arith.constant 16 : index
          %get3A_1177 = tpu.vector_load %arg7[%get3A_1174, %get3A_1175, %get3A_1176] {strides = array<i32>} : memref<2x160x128xf32, #tpu.memory_space<vmem>>, vector<16xf32>,
          %mul3A_1178 = vector.broadcast %squeeze3A_1154 : f32 to vector<16xf32>
          %mul3A_1179 = arith.mulf %get3A_1177, %mul3A_1178 : vector<16xf32>
          %add3A_1180 = vector.broadcast %squeeze3A_1156 : f32 to vector<16xf32>
          %add3A_1181 = arith.addf %mul3A_1179, %add3A_1180 : vector<16xf32>
          %swap3A_1182 = arith.constant 0 : i32
          %swap3A_1183 = arith.index_cast %swap3A_1182 : i32 to index
          %swap3A_1184 = arith.index_cast %add3A_1158 : i32 to index
          %swap3A_1185 = arith.constant 16 : index
          %swap3A_1186 = tpu.vector_load %arg8[%swap3A_1183, %swap3A_1184, %swap3A_1185] {strides = array<i32>} : memref<2x160x128xf32, #tpu.memory_space<vmem>>, vector<16xf32>,
          tpu.vector_store %arg8[%swap3A_1183, %swap3A_1184, %swap3A_1185], %add3A_1181 {strides = array<i32>} : memref<2x160x128xf32, #tpu.memory_space<vmem>>, vector<16xf32>,
          %get3A_1187 = arith.constant 0 : i32
          %get3A_1188 = arith.index_cast %get3A_1187 : i32 to index
          %get3A_1189 = arith.index_cast %add3A_1158 : i32 to index
          %get3A_1190 = arith.constant 32 : index
          %get3A_1191 = tpu.vector_load %arg7[%get3A_1188, %get3A_1189, %get3A_1190] {strides = array<i32>} : memref<2x160x128xf32, #tpu.memory_space<vmem>>, vector<16xf32>,
          %mul3A_1192 = vector.broadcast %squeeze3A_1154 : f32 to vector<16xf32>
          %mul3A_1193 = arith.mulf %get3A_1191, %mul3A_1192 : vector<16xf32>
          %add3A_1194 = vector.broadcast %squeeze3A_1156 : f32 to vector<16xf32>
          %add3A_1195 = arith.addf %mul3A_1193, %add3A_1194 : vector<16xf32>
          %swap3A_1196 = arith.constant 0 : i32
          %swap3A_1197 = arith.index_cast %swap3A_1196 : i32 to index
          %swap3A_1198 = arith.index_cast %add3A_1158 : i32 to index
          %swap3A_1199 = arith.constant 32 : index
          %swap3A_1200 = tpu.vector_load %arg8[%swap3A_1197, %swap3A_1198, %swap3A_1199] {strides = array<i32>} : memref<2x160x128xf32, #tpu.memory_space<vmem>>, vector<16xf32>,
          tpu.vector_store %arg8[%swap3A_1197, %swap3A_1198, %swap3A_1199], %add3A_1195 {strides = array<i32>} : memref<2x160x128xf32, #tpu.memory_space<vmem>>, vector<16xf32>,
          %get3A_1201 = arith.constant 0 : i32
          %get3A_1202 = arith.index_cast %get3A_1201 : i32 to index
          %get3A_1203 = arith.index_cast %add3A_1158 : i32 to index
          %get3A_1204 = arith.constant 48 : index
          %get3A_1205 = tpu.vector_load %arg7[%get3A_1202, %get3A_1203, %get3A_1204] {strides = array<i32>} : memref<2x160x128xf32, #tpu.memory_space<vmem>>, vector<16xf32>,
          %mul3A_1206 = vector.broadcast %squeeze3A_1154 : f32 to vector<16xf32>
          %mul3A_1207 = arith.mulf %get3A_1205, %mul3A_1206 : vector<16xf32>
          %add3A_1208 = vector.broadcast %squeeze3A_1156 : f32 to vector<16xf32>
          %add3A_1209 = arith.addf %mul3A_1207, %add3A_1208 : vector<16xf32>
          %swap3A_1210 = arith.constant 0 : i32
          %swap3A_1211 = arith.index_cast %swap3A_1210 : i32 to index
          %swap3A_1212 = arith.index_cast %add3A_1158 : i32 to index
          %swap3A_1213 = arith.constant 48 : index
          %swap3A_1214 = tpu.vector_load %arg8[%swap3A_1211, %swap3A_1212, %swap3A_1213] {strides = array<i32>} : memref<2x160x128xf32, #tpu.memory_space<vmem>>, vector<16xf32>,
          tpu.vector_store %arg8[%swap3A_1211, %swap3A_1212, %swap3A_1213], %add3A_1209 {strides = array<i32>} : memref<2x160x128xf32, #tpu.memory_space<vmem>>, vector<16xf32>,
          %get3A_1215 = arith.constant 0 : i32
          %get3A_1216 = arith.index_cast %get3A_1215 : i32 to index
          %get3A_1217 = arith.index_cast %add3A_1158 : i32 to index
          %get3A_1218 = arith.constant 64 : index
          %get3A_1219 = tpu.vector_load %arg7[%get3A_1216, %get3A_1217, %get3A_1218] {strides = array<i32>} : memref<2x160x128xf32, #tpu.memory_space<vmem>>, vector<16xf32>,
          %mul3A_1220 = vector.broadcast %squeeze3A_1154 : f32 to vector<16xf32>
          %mul3A_1221 = arith.mulf %get3A_1219, %mul3A_1220 : vector<16xf32>
          %add3A_1222 = vector.broadcast %squeeze3A_1156 : f32 to vector<16xf32>
          %add3A_1223 = arith.addf %mul3A_1221, %add3A_1222 : vector<16xf32>
          %swap3A_1224 = arith.constant 0 : i32
          %swap3A_1225 = arith.index_cast %swap3A_1224 : i32 to index
          %swap3A_1226 = arith.index_cast %add3A_1158 : i32 to index
          %swap3A_1227 = arith.constant 64 : index
          %swap3A_1228 = tpu.vector_load %arg8[%swap3A_1225, %swap3A_1226, %swap3A_1227] {strides = array<i32>} : memref<2x160x128xf32, #tpu.memory_space<vmem>>, vector<16xf32>,
          tpu.vector_store %arg8[%swap3A_1225, %swap3A_1226, %swap3A_1227], %add3A_1223 {strides = array<i32>} : memref<2x160x128xf32, #tpu.memory_space<vmem>>, vector<16xf32>,
          %get3A_1229 = arith.constant 0 : i32
          %get3A_1230 = arith.index_cast %get3A_1229 : i32 to index
          %get3A_1231 = arith.index_cast %add3A_1158 : i32 to index
          %get3A_1232 = arith.constant 80 : index
          %get3A_1233 = tpu.vector_load %arg7[%get3A_1230, %get3A_1231, %get3A_1232] {strides = array<i32>} : memref<2x160x128xf32, #tpu.memory_space<vmem>>, vector<16xf32>,
          %mul3A_1234 = vector.broadcast %squeeze3A_1154 : f32 to vector<16xf32>
          %mul3A_1235 = arith.mulf %get3A_1233, %mul3A_1234 : vector<16xf32>
          %add3A_1236 = vector.broadcast %squeeze3A_1156 : f32 to vector<16xf32>
          %add3A_1237 = arith.addf %mul3A_1235, %add3A_1236 : vector<16xf32>
          %swap3A_1238 = arith.constant 0 : i32
          %swap3A_1239 = arith.index_cast %swap3A_1238 : i32 to index
          %swap3A_1240 = arith.index_cast %add3A_1158 : i32 to index
          %swap3A_1241 = arith.constant 80 : index
          %swap3A_1242 = tpu.vector_load %arg8[%swap3A_1239, %swap3A_1240, %swap3A_1241] {strides = array<i32>} : memref<2x160x128xf32, #tpu.memory_space<vmem>>, vector<16xf32>,
          tpu.vector_store %arg8[%swap3A_1239, %swap3A_1240, %swap3A_1241], %add3A_1237 {strides = array<i32>} : memref<2x160x128xf32, #tpu.memory_space<vmem>>, vector<16xf32>,
          %get3A_1243 = arith.constant 0 : i32
          %get3A_1244 = arith.index_cast %get3A_1243 : i32 to index
          %get3A_1245 = arith.index_cast %add3A_1158 : i32 to index
          %get3A_1246 = arith.constant 96 : index
          %get3A_1247 = tpu.vector_load %arg7[%get3A_1244, %get3A_1245, %get3A_1246] {strides = array<i32>} : memref<2x160x128xf32, #tpu.memory_space<vmem>>, vector<16xf32>,
          %mul3A_1248 = vector.broadcast %squeeze3A_1154 : f32 to vector<16xf32>
          %mul3A_1249 = arith.mulf %get3A_1247, %mul3A_1248 : vector<16xf32>
          %add3A_1250 = vector.broadcast %squeeze3A_1156 : f32 to vector<16xf32>
          %add3A_1251 = arith.addf %mul3A_1249, %add3A_1250 : vector<16xf32>
          %swap3A_1252 = arith.constant 0 : i32
          %swap3A_1253 = arith.index_cast %swap3A_1252 : i32 to index
          %swap3A_1254 = arith.index_cast %add3A_1158 : i32 to index
          %swap3A_1255 = arith.constant 96 : index
          %swap3A_1256 = tpu.vector_load %arg8[%swap3A_1253, %swap3A_1254, %swap3A_1255] {strides = array<i32>} : memref<2x160x128xf32, #tpu.memory_space<vmem>>, vector<16xf32>,
          tpu.vector_store %arg8[%swap3A_1253, %swap3A_1254, %swap3A_1255], %add3A_1251 {strides = array<i32>} : memref<2x160x128xf32, #tpu.memory_space<vmem>>, vector<16xf32>,
          %get3A_1257 = arith.constant 0 : i32
          %get3A_1258 = arith.index_cast %get3A_1257 : i32 to index
          %get3A_1259 = arith.index_cast %add3A_1158 : i32 to index
          %get3A_1260 = arith.constant 112 : index
          %get3A_1261 = tpu.vector_load %arg7[%get3A_1258, %get3A_1259, %get3A_1260] {strides = array<i32>} : memref<2x160x128xf32, #tpu.memory_space<vmem>>, vector<16xf32>,
          %mul3A_1262 = vector.broadcast %squeeze3A_1154 : f32 to vector<16xf32>
          %mul3A_1263 = arith.mulf %get3A_1261, %mul3A_1262 : vector<16xf32>
          %add3A_1264 = vector.broadcast %squeeze3A_1156 : f32 to vector<16xf32>
          %add3A_1265 = arith.addf %mul3A_1263, %add3A_1264 : vector<16xf32>
          %swap3A_1266 = arith.constant 0 : i32
          %swap3A_1267 = arith.index_cast %swap3A_1266 : i32 to index
          %swap3A_1268 = arith.index_cast %add3A_1158 : i32 to index
          %swap3A_1269 = arith.constant 112 : index
          %swap3A_1270 = tpu.vector_load %arg8[%swap3A_1267, %swap3A_1268, %swap3A_1269] {strides = array<i32>} : memref<2x160x128xf32, #tpu.memory_space<vmem>>, vector<16xf32>,
          tpu.vector_store %arg8[%swap3A_1267, %swap3A_1268, %swap3A_1269], %add3A_1265 {strides = array<i32>} : memref<2x160x128xf32, #tpu.memory_space<vmem>>, vector<16xf32>,
          %slice3A_1271 = vector.extract_strided_slice %gather3A {offsets = [9], sizes = [1], strides = [1]} : vector<16xf32> to vector<1xf32>
          %squeeze3A_1272 = vector.extract %slice3A_1271[0] : f32 from vector<1xf32>
          %slice3A_1273 = vector.extract_strided_slice %gather3A_209 {offsets = [9], sizes = [1], strides = [1]} : vector<16xf32> to vector<1xf32>
          %squeeze3A_1274 = vector.extract %slice3A_1273[0] : f32 from vector<1xf32>
          %add3A_1275 = arith.constant 9 : i32
          %add3A_1276 = arith.addi %mul3A_211, %add3A_1275 : i32
          %get3A_1277 = arith.constant 0 : i32
          %get3A_1278 = arith.index_cast %get3A_1277 : i32 to index
          %get3A_1279 = arith.index_cast %add3A_1276 : i32 to index
          %get3A_1280 = arith.constant 0 : index
          %get3A_1281 = tpu.vector_load %arg7[%get3A_1278, %get3A_1279, %get3A_1280] {strides = array<i32>} : memref<2x160x128xf32, #tpu.memory_space<vmem>>, vector<16xf32>,
          %mul3A_1282 = vector.broadcast %squeeze3A_1272 : f32 to vector<16xf32>
          %mul3A_1283 = arith.mulf %get3A_1281, %mul3A_1282 : vector<16xf32>
          %add3A_1284 = vector.broadcast %squeeze3A_1274 : f32 to vector<16xf32>
          %add3A_1285 = arith.addf %mul3A_1283, %add3A_1284 : vector<16xf32>
          %swap3A_1286 = arith.constant 0 : i32
          %swap3A_1287 = arith.index_cast %swap3A_1286 : i32 to index
          %swap3A_1288 = arith.index_cast %add3A_1276 : i32 to index
          %swap3A_1289 = arith.constant 0 : index
          %swap3A_1290 = tpu.vector_load %arg8[%swap3A_1287, %swap3A_1288, %swap3A_1289] {strides = array<i32>} : memref<2x160x128xf32, #tpu.memory_space<vmem>>, vector<16xf32>,
          tpu.vector_store %arg8[%swap3A_1287, %swap3A_1288, %swap3A_1289], %add3A_1285 {strides = array<i32>} : memref<2x160x128xf32, #tpu.memory_space<vmem>>, vector<16xf32>,
          %get3A_1291 = arith.constant 0 : i32
          %get3A_1292 = arith.index_cast %get3A_1291 : i32 to index
          %get3A_1293 = arith.index_cast %add3A_1276 : i32 to index
          %get3A_1294 = arith.constant 16 : index
          %get3A_1295 = tpu.vector_load %arg7[%get3A_1292, %get3A_1293, %get3A_1294] {strides = array<i32>} : memref<2x160x128xf32, #tpu.memory_space<vmem>>, vector<16xf32>,
          %mul3A_1296 = vector.broadcast %squeeze3A_1272 : f32 to vector<16xf32>
          %mul3A_1297 = arith.mulf %get3A_1295, %mul3A_1296 : vector<16xf32>
          %add3A_1298 = vector.broadcast %squeeze3A_1274 : f32 to vector<16xf32>
          %add3A_1299 = arith.addf %mul3A_1297, %add3A_1298 : vector<16xf32>
          %swap3A_1300 = arith.constant 0 : i32
          %swap3A_1301 = arith.index_cast %swap3A_1300 : i32 to index
          %swap3A_1302 = arith.index_cast %add3A_1276 : i32 to index
          %swap3A_1303 = arith.constant 16 : index
          %swap3A_1304 = tpu.vector_load %arg8[%swap3A_1301, %swap3A_1302, %swap3A_1303] {strides = array<i32>} : memref<2x160x128xf32, #tpu.memory_space<vmem>>, vector<16xf32>,
          tpu.vector_store %arg8[%swap3A_1301, %swap3A_1302, %swap3A_1303], %add3A_1299 {strides = array<i32>} : memref<2x160x128xf32, #tpu.memory_space<vmem>>, vector<16xf32>,
          %get3A_1305 = arith.constant 0 : i32
          %get3A_1306 = arith.index_cast %get3A_1305 : i32 to index
          %get3A_1307 = arith.index_cast %add3A_1276 : i32 to index
          %get3A_1308 = arith.constant 32 : index
          %get3A_1309 = tpu.vector_load %arg7[%get3A_1306, %get3A_1307, %get3A_1308] {strides = array<i32>} : memref<2x160x128xf32, #tpu.memory_space<vmem>>, vector<16xf32>,
          %mul3A_1310 = vector.broadcast %squeeze3A_1272 : f32 to vector<16xf32>
          %mul3A_1311 = arith.mulf %get3A_1309, %mul3A_1310 : vector<16xf32>
          %add3A_1312 = vector.broadcast %squeeze3A_1274 : f32 to vector<16xf32>
          %add3A_1313 = arith.addf %mul3A_1311, %add3A_1312 : vector<16xf32>
          %swap3A_1314 = arith.constant 0 : i32
          %swap3A_1315 = arith.index_cast %swap3A_1314 : i32 to index
          %swap3A_1316 = arith.index_cast %add3A_1276 : i32 to index
          %swap3A_1317 = arith.constant 32 : index
          %swap3A_1318 = tpu.vector_load %arg8[%swap3A_1315, %swap3A_1316, %swap3A_1317] {strides = array<i32>} : memref<2x160x128xf32, #tpu.memory_space<vmem>>, vector<16xf32>,
          tpu.vector_store %arg8[%swap3A_1315, %swap3A_1316, %swap3A_1317], %add3A_1313 {strides = array<i32>} : memref<2x160x128xf32, #tpu.memory_space<vmem>>, vector<16xf32>,
          %get3A_1319 = arith.constant 0 : i32
          %get3A_1320 = arith.index_cast %get3A_1319 : i32 to index
          %get3A_1321 = arith.index_cast %add3A_1276 : i32 to index
          %get3A_1322 = arith.constant 48 : index
          %get3A_1323 = tpu.vector_load %arg7[%get3A_1320, %get3A_1321, %get3A_1322] {strides = array<i32>} : memref<2x160x128xf32, #tpu.memory_space<vmem>>, vector<16xf32>,
          %mul3A_1324 = vector.broadcast %squeeze3A_1272 : f32 to vector<16xf32>
          %mul3A_1325 = arith.mulf %get3A_1323, %mul3A_1324 : vector<16xf32>
          %add3A_1326 = vector.broadcast %squeeze3A_1274 : f32 to vector<16xf32>
          %add3A_1327 = arith.addf %mul3A_1325, %add3A_1326 : vector<16xf32>
          %swap3A_1328 = arith.constant 0 : i32
          %swap3A_1329 = arith.index_cast %swap3A_1328 : i32 to index
          %swap3A_1330 = arith.index_cast %add3A_1276 : i32 to index
          %swap3A_1331 = arith.constant 48 : index
          %swap3A_1332 = tpu.vector_load %arg8[%swap3A_1329, %swap3A_1330, %swap3A_1331] {strides = array<i32>} : memref<2x160x128xf32, #tpu.memory_space<vmem>>, vector<16xf32>,
          tpu.vector_store %arg8[%swap3A_1329, %swap3A_1330, %swap3A_1331], %add3A_1327 {strides = array<i32>} : memref<2x160x128xf32, #tpu.memory_space<vmem>>, vector<16xf32>,
          %get3A_1333 = arith.constant 0 : i32
          %get3A_1334 = arith.index_cast %get3A_1333 : i32 to index
          %get3A_1335 = arith.index_cast %add3A_1276 : i32 to index
          %get3A_1336 = arith.constant 64 : index
          %get3A_1337 = tpu.vector_load %arg7[%get3A_1334, %get3A_1335, %get3A_1336] {strides = array<i32>} : memref<2x160x128xf32, #tpu.memory_space<vmem>>, vector<16xf32>,
          %mul3A_1338 = vector.broadcast %squeeze3A_1272 : f32 to vector<16xf32>
          %mul3A_1339 = arith.mulf %get3A_1337, %mul3A_1338 : vector<16xf32>
          %add3A_1340 = vector.broadcast %squeeze3A_1274 : f32 to vector<16xf32>
          %add3A_1341 = arith.addf %mul3A_1339, %add3A_1340 : vector<16xf32>
          %swap3A_1342 = arith.constant 0 : i32
          %swap3A_1343 = arith.index_cast %swap3A_1342 : i32 to index
          %swap3A_1344 = arith.index_cast %add3A_1276 : i32 to index
          %swap3A_1345 = arith.constant 64 : index
          %swap3A_1346 = tpu.vector_load %arg8[%swap3A_1343, %swap3A_1344, %swap3A_1345] {strides = array<i32>} : memref<2x160x128xf32, #tpu.memory_space<vmem>>, vector<16xf32>,
          tpu.vector_store %arg8[%swap3A_1343, %swap3A_1344, %swap3A_1345], %add3A_1341 {strides = array<i32>} : memref<2x160x128xf32, #tpu.memory_space<vmem>>, vector<16xf32>,
          %get3A_1347 = arith.constant 0 : i32
          %get3A_1348 = arith.index_cast %get3A_1347 : i32 to index
          %get3A_1349 = arith.index_cast %add3A_1276 : i32 to index
          %get3A_1350 = arith.constant 80 : index
          %get3A_1351 = tpu.vector_load %arg7[%get3A_1348, %get3A_1349, %get3A_1350] {strides = array<i32>} : memref<2x160x128xf32, #tpu.memory_space<vmem>>, vector<16xf32>,
          %mul3A_1352 = vector.broadcast %squeeze3A_1272 : f32 to vector<16xf32>
          %mul3A_1353 = arith.mulf %get3A_1351, %mul3A_1352 : vector<16xf32>
          %add3A_1354 = vector.broadcast %squeeze3A_1274 : f32 to vector<16xf32>
          %add3A_1355 = arith.addf %mul3A_1353, %add3A_1354 : vector<16xf32>
          %swap3A_1356 = arith.constant 0 : i32
          %swap3A_1357 = arith.index_cast %swap3A_1356 : i32 to index
          %swap3A_1358 = arith.index_cast %add3A_1276 : i32 to index
          %swap3A_1359 = arith.constant 80 : index
          %swap3A_1360 = tpu.vector_load %arg8[%swap3A_1357, %swap3A_1358, %swap3A_1359] {strides = array<i32>} : memref<2x160x128xf32, #tpu.memory_space<vmem>>, vector<16xf32>,
          tpu.vector_store %arg8[%swap3A_1357, %swap3A_1358, %swap3A_1359], %add3A_1355 {strides = array<i32>} : memref<2x160x128xf32, #tpu.memory_space<vmem>>, vector<16xf32>,
          %get3A_1361 = arith.constant 0 : i32
          %get3A_1362 = arith.index_cast %get3A_1361 : i32 to index
          %get3A_1363 = arith.index_cast %add3A_1276 : i32 to index
          %get3A_1364 = arith.constant 96 : index
          %get3A_1365 = tpu.vector_load %arg7[%get3A_1362, %get3A_1363, %get3A_1364] {strides = array<i32>} : memref<2x160x128xf32, #tpu.memory_space<vmem>>, vector<16xf32>,
          %mul3A_1366 = vector.broadcast %squeeze3A_1272 : f32 to vector<16xf32>
          %mul3A_1367 = arith.mulf %get3A_1365, %mul3A_1366 : vector<16xf32>
          %add3A_1368 = vector.broadcast %squeeze3A_1274 : f32 to vector<16xf32>
          %add3A_1369 = arith.addf %mul3A_1367, %add3A_1368 : vector<16xf32>
          %swap3A_1370 = arith.constant 0 : i32
          %swap3A_1371 = arith.index_cast %swap3A_1370 : i32 to index
          %swap3A_1372 = arith.index_cast %add3A_1276 : i32 to index
          %swap3A_1373 = arith.constant 96 : index
          %swap3A_1374 = tpu.vector_load %arg8[%swap3A_1371, %swap3A_1372, %swap3A_1373] {strides = array<i32>} : memref<2x160x128xf32, #tpu.memory_space<vmem>>, vector<16xf32>,
          tpu.vector_store %arg8[%swap3A_1371, %swap3A_1372, %swap3A_1373], %add3A_1369 {strides = array<i32>} : memref<2x160x128xf32, #tpu.memory_space<vmem>>, vector<16xf32>,
          %get3A_1375 = arith.constant 0 : i32
          %get3A_1376 = arith.index_cast %get3A_1375 : i32 to index
          %get3A_1377 = arith.index_cast %add3A_1276 : i32 to index
          %get3A_1378 = arith.constant 112 : index
          %get3A_1379 = tpu.vector_load %arg7[%get3A_1376, %get3A_1377, %get3A_1378] {strides = array<i32>} : memref<2x160x128xf32, #tpu.memory_space<vmem>>, vector<16xf32>,
          %mul3A_1380 = vector.broadcast %squeeze3A_1272 : f32 to vector<16xf32>
          %mul3A_1381 = arith.mulf %get3A_1379, %mul3A_1380 : vector<16xf32>
          %add3A_1382 = vector.broadcast %squeeze3A_1274 : f32 to vector<16xf32>
          %add3A_1383 = arith.addf %mul3A_1381, %add3A_1382 : vector<16xf32>
          %swap3A_1384 = arith.constant 0 : i32
          %swap3A_1385 = arith.index_cast %swap3A_1384 : i32 to index
          %swap3A_1386 = arith.index_cast %add3A_1276 : i32 to index
          %swap3A_1387 = arith.constant 112 : index
          %swap3A_1388 = tpu.vector_load %arg8[%swap3A_1385, %swap3A_1386, %swap3A_1387] {strides = array<i32>} : memref<2x160x128xf32, #tpu.memory_space<vmem>>, vector<16xf32>,
          tpu.vector_store %arg8[%swap3A_1385, %swap3A_1386, %swap3A_1387], %add3A_1383 {strides = array<i32>} : memref<2x160x128xf32, #tpu.memory_space<vmem>>, vector<16xf32>,
          %slice3A_1389 = vector.extract_strided_slice %gather3A {offsets = [10], sizes = [1], strides = [1]} : vector<16xf32> to vector<1xf32>
          %squeeze3A_1390 = vector.extract %slice3A_1389[0] : f32 from vector<1xf32>
          %slice3A_1391 = vector.extract_strided_slice %gather3A_209 {offsets = [10], sizes = [1], strides = [1]} : vector<16xf32> to vector<1xf32>
          %squeeze3A_1392 = vector.extract %slice3A_1391[0] : f32 from vector<1xf32>
          %add3A_1393 = arith.constant 10 : i32
          %add3A_1394 = arith.addi %mul3A_211, %add3A_1393 : i32
          %get3A_1395 = arith.constant 0 : i32
          %get3A_1396 = arith.index_cast %get3A_1395 : i32 to index
          %get3A_1397 = arith.index_cast %add3A_1394 : i32 to index
          %get3A_1398 = arith.constant 0 : index
          %get3A_1399 = tpu.vector_load %arg7[%get3A_1396, %get3A_1397, %get3A_1398] {strides = array<i32>} : memref<2x160x128xf32, #tpu.memory_space<vmem>>, vector<16xf32>,
          %mul3A_1400 = vector.broadcast %squeeze3A_1390 : f32 to vector<16xf32>
          %mul3A_1401 = arith.mulf %get3A_1399, %mul3A_1400 : vector<16xf32>
          %add3A_1402 = vector.broadcast %squeeze3A_1392 : f32 to vector<16xf32>
          %add3A_1403 = arith.addf %mul3A_1401, %add3A_1402 : vector<16xf32>
          %swap3A_1404 = arith.constant 0 : i32
          %swap3A_1405 = arith.index_cast %swap3A_1404 : i32 to index
          %swap3A_1406 = arith.index_cast %add3A_1394 : i32 to index
          %swap3A_1407 = arith.constant 0 : index
          %swap3A_1408 = tpu.vector_load %arg8[%swap3A_1405, %swap3A_1406, %swap3A_1407] {strides = array<i32>} : memref<2x160x128xf32, #tpu.memory_space<vmem>>, vector<16xf32>,
          tpu.vector_store %arg8[%swap3A_1405, %swap3A_1406, %swap3A_1407], %add3A_1403 {strides = array<i32>} : memref<2x160x128xf32, #tpu.memory_space<vmem>>, vector<16xf32>,
          %get3A_1409 = arith.constant 0 : i32
          %get3A_1410 = arith.index_cast %get3A_1409 : i32 to index
          %get3A_1411 = arith.index_cast %add3A_1394 : i32 to index
          %get3A_1412 = arith.constant 16 : index
          %get3A_1413 = tpu.vector_load %arg7[%get3A_1410, %get3A_1411, %get3A_1412] {strides = array<i32>} : memref<2x160x128xf32, #tpu.memory_space<vmem>>, vector<16xf32>,
          %mul3A_1414 = vector.broadcast %squeeze3A_1390 : f32 to vector<16xf32>
          %mul3A_1415 = arith.mulf %get3A_1413, %mul3A_1414 : vector<16xf32>
          %add3A_1416 = vector.broadcast %squeeze3A_1392 : f32 to vector<16xf32>
          %add3A_1417 = arith.addf %mul3A_1415, %add3A_1416 : vector<16xf32>
          %swap3A_1418 = arith.constant 0 : i32
          %swap3A_1419 = arith.index_cast %swap3A_1418 : i32 to index
          %swap3A_1420 = arith.index_cast %add3A_1394 : i32 to index
          %swap3A_1421 = arith.constant 16 : index
          %swap3A_1422 = tpu.vector_load %arg8[%swap3A_1419, %swap3A_1420, %swap3A_1421] {strides = array<i32>} : memref<2x160x128xf32, #tpu.memory_space<vmem>>, vector<16xf32>,
          tpu.vector_store %arg8[%swap3A_1419, %swap3A_1420, %swap3A_1421], %add3A_1417 {strides = array<i32>} : memref<2x160x128xf32, #tpu.memory_space<vmem>>, vector<16xf32>,
          %get3A_1423 = arith.constant 0 : i32
          %get3A_1424 = arith.index_cast %get3A_1423 : i32 to index
          %get3A_1425 = arith.index_cast %add3A_1394 : i32 to index
          %get3A_1426 = arith.constant 32 : index
          %get3A_1427 = tpu.vector_load %arg7[%get3A_1424, %get3A_1425, %get3A_1426] {strides = array<i32>} : memref<2x160x128xf32, #tpu.memory_space<vmem>>, vector<16xf32>,
          %mul3A_1428 = vector.broadcast %squeeze3A_1390 : f32 to vector<16xf32>
          %mul3A_1429 = arith.mulf %get3A_1427, %mul3A_1428 : vector<16xf32>
          %add3A_1430 = vector.broadcast %squeeze3A_1392 : f32 to vector<16xf32>
          %add3A_1431 = arith.addf %mul3A_1429, %add3A_1430 : vector<16xf32>
          %swap3A_1432 = arith.constant 0 : i32
          %swap3A_1433 = arith.index_cast %swap3A_1432 : i32 to index
          %swap3A_1434 = arith.index_cast %add3A_1394 : i32 to index
          %swap3A_1435 = arith.constant 32 : index
          %swap3A_1436 = tpu.vector_load %arg8[%swap3A_1433, %swap3A_1434, %swap3A_1435] {strides = array<i32>} : memref<2x160x128xf32, #tpu.memory_space<vmem>>, vector<16xf32>,
          tpu.vector_store %arg8[%swap3A_1433, %swap3A_1434, %swap3A_1435], %add3A_1431 {strides = array<i32>} : memref<2x160x128xf32, #tpu.memory_space<vmem>>, vector<16xf32>,
          %get3A_1437 = arith.constant 0 : i32
          %get3A_1438 = arith.index_cast %get3A_1437 : i32 to index
          %get3A_1439 = arith.index_cast %add3A_1394 : i32 to index
          %get3A_1440 = arith.constant 48 : index
          %get3A_1441 = tpu.vector_load %arg7[%get3A_1438, %get3A_1439, %get3A_1440] {strides = array<i32>} : memref<2x160x128xf32, #tpu.memory_space<vmem>>, vector<16xf32>,
          %mul3A_1442 = vector.broadcast %squeeze3A_1390 : f32 to vector<16xf32>
          %mul3A_1443 = arith.mulf %get3A_1441, %mul3A_1442 : vector<16xf32>
          %add3A_1444 = vector.broadcast %squeeze3A_1392 : f32 to vector<16xf32>
          %add3A_1445 = arith.addf %mul3A_1443, %add3A_1444 : vector<16xf32>
          %swap3A_1446 = arith.constant 0 : i32
          %swap3A_1447 = arith.index_cast %swap3A_1446 : i32 to index
          %swap3A_1448 = arith.index_cast %add3A_1394 : i32 to index
          %swap3A_1449 = arith.constant 48 : index
          %swap3A_1450 = tpu.vector_load %arg8[%swap3A_1447, %swap3A_1448, %swap3A_1449] {strides = array<i32>} : memref<2x160x128xf32, #tpu.memory_space<vmem>>, vector<16xf32>,
          tpu.vector_store %arg8[%swap3A_1447, %swap3A_1448, %swap3A_1449], %add3A_1445 {strides = array<i32>} : memref<2x160x128xf32, #tpu.memory_space<vmem>>, vector<16xf32>,
          %get3A_1451 = arith.constant 0 : i32
          %get3A_1452 = arith.index_cast %get3A_1451 : i32 to index
          %get3A_1453 = arith.index_cast %add3A_1394 : i32 to index
          %get3A_1454 = arith.constant 64 : index
          %get3A_1455 = tpu.vector_load %arg7[%get3A_1452, %get3A_1453, %get3A_1454] {strides = array<i32>} : memref<2x160x128xf32, #tpu.memory_space<vmem>>, vector<16xf32>,
          %mul3A_1456 = vector.broadcast %squeeze3A_1390 : f32 to vector<16xf32>
          %mul3A_1457 = arith.mulf %get3A_1455, %mul3A_1456 : vector<16xf32>
          %add3A_1458 = vector.broadcast %squeeze3A_1392 : f32 to vector<16xf32>
          %add3A_1459 = arith.addf %mul3A_1457, %add3A_1458 : vector<16xf32>
          %swap3A_1460 = arith.constant 0 : i32
          %swap3A_1461 = arith.index_cast %swap3A_1460 : i32 to index
          %swap3A_1462 = arith.index_cast %add3A_1394 : i32 to index
          %swap3A_1463 = arith.constant 64 : index
          %swap3A_1464 = tpu.vector_load %arg8[%swap3A_1461, %swap3A_1462, %swap3A_1463] {strides = array<i32>} : memref<2x160x128xf32, #tpu.memory_space<vmem>>, vector<16xf32>,
          tpu.vector_store %arg8[%swap3A_1461, %swap3A_1462, %swap3A_1463], %add3A_1459 {strides = array<i32>} : memref<2x160x128xf32, #tpu.memory_space<vmem>>, vector<16xf32>,
          %get3A_1465 = arith.constant 0 : i32
          %get3A_1466 = arith.index_cast %get3A_1465 : i32 to index
          %get3A_1467 = arith.index_cast %add3A_1394 : i32 to index
          %get3A_1468 = arith.constant 80 : index
          %get3A_1469 = tpu.vector_load %arg7[%get3A_1466, %get3A_1467, %get3A_1468] {strides = array<i32>} : memref<2x160x128xf32, #tpu.memory_space<vmem>>, vector<16xf32>,
          %mul3A_1470 = vector.broadcast %squeeze3A_1390 : f32 to vector<16xf32>
          %mul3A_1471 = arith.mulf %get3A_1469, %mul3A_1470 : vector<16xf32>
          %add3A_1472 = vector.broadcast %squeeze3A_1392 : f32 to vector<16xf32>
          %add3A_1473 = arith.addf %mul3A_1471, %add3A_1472 : vector<16xf32>
          %swap3A_1474 = arith.constant 0 : i32
          %swap3A_1475 = arith.index_cast %swap3A_1474 : i32 to index
          %swap3A_1476 = arith.index_cast %add3A_1394 : i32 to index
          %swap3A_1477 = arith.constant 80 : index
          %swap3A_1478 = tpu.vector_load %arg8[%swap3A_1475, %swap3A_1476, %swap3A_1477] {strides = array<i32>} : memref<2x160x128xf32, #tpu.memory_space<vmem>>, vector<16xf32>,
          tpu.vector_store %arg8[%swap3A_1475, %swap3A_1476, %swap3A_1477], %add3A_1473 {strides = array<i32>} : memref<2x160x128xf32, #tpu.memory_space<vmem>>, vector<16xf32>,
          %get3A_1479 = arith.constant 0 : i32
          %get3A_1480 = arith.index_cast %get3A_1479 : i32 to index
          %get3A_1481 = arith.index_cast %add3A_1394 : i32 to index
          %get3A_1482 = arith.constant 96 : index
          %get3A_1483 = tpu.vector_load %arg7[%get3A_1480, %get3A_1481, %get3A_1482] {strides = array<i32>} : memref<2x160x128xf32, #tpu.memory_space<vmem>>, vector<16xf32>,
          %mul3A_1484 = vector.broadcast %squeeze3A_1390 : f32 to vector<16xf32>
          %mul3A_1485 = arith.mulf %get3A_1483, %mul3A_1484 : vector<16xf32>
          %add3A_1486 = vector.broadcast %squeeze3A_1392 : f32 to vector<16xf32>
          %add3A_1487 = arith.addf %mul3A_1485, %add3A_1486 : vector<16xf32>
          %swap3A_1488 = arith.constant 0 : i32
          %swap3A_1489 = arith.index_cast %swap3A_1488 : i32 to index
          %swap3A_1490 = arith.index_cast %add3A_1394 : i32 to index
          %swap3A_1491 = arith.constant 96 : index
          %swap3A_1492 = tpu.vector_load %arg8[%swap3A_1489, %swap3A_1490, %swap3A_1491] {strides = array<i32>} : memref<2x160x128xf32, #tpu.memory_space<vmem>>, vector<16xf32>,
          tpu.vector_store %arg8[%swap3A_1489, %swap3A_1490, %swap3A_1491], %add3A_1487 {strides = array<i32>} : memref<2x160x128xf32, #tpu.memory_space<vmem>>, vector<16xf32>,
          %get3A_1493 = arith.constant 0 : i32
          %get3A_1494 = arith.index_cast %get3A_1493 : i32 to index
          %get3A_1495 = arith.index_cast %add3A_1394 : i32 to index
          %get3A_1496 = arith.constant 112 : index
          %get3A_1497 = tpu.vector_load %arg7[%get3A_1494, %get3A_1495, %get3A_1496] {strides = array<i32>} : memref<2x160x128xf32, #tpu.memory_space<vmem>>, vector<16xf32>,
          %mul3A_1498 = vector.broadcast %squeeze3A_1390 : f32 to vector<16xf32>
          %mul3A_1499 = arith.mulf %get3A_1497, %mul3A_1498 : vector<16xf32>
          %add3A_1500 = vector.broadcast %squeeze3A_1392 : f32 to vector<16xf32>
          %add3A_1501 = arith.addf %mul3A_1499, %add3A_1500 : vector<16xf32>
          %swap3A_1502 = arith.constant 0 : i32
          %swap3A_1503 = arith.index_cast %swap3A_1502 : i32 to index
          %swap3A_1504 = arith.index_cast %add3A_1394 : i32 to index
          %swap3A_1505 = arith.constant 112 : index
          %swap3A_1506 = tpu.vector_load %arg8[%swap3A_1503, %swap3A_1504, %swap3A_1505] {strides = array<i32>} : memref<2x160x128xf32, #tpu.memory_space<vmem>>, vector<16xf32>,
          tpu.vector_store %arg8[%swap3A_1503, %swap3A_1504, %swap3A_1505], %add3A_1501 {strides = array<i32>} : memref<2x160x128xf32, #tpu.memory_space<vmem>>, vector<16xf32>,
          %slice3A_1507 = vector.extract_strided_slice %gather3A {offsets = [11], sizes = [1], strides = [1]} : vector<16xf32> to vector<1xf32>
          %squeeze3A_1508 = vector.extract %slice3A_1507[0] : f32 from vector<1xf32>
          %slice3A_1509 = vector.extract_strided_slice %gather3A_209 {offsets = [11], sizes = [1], strides = [1]} : vector<16xf32> to vector<1xf32>
          %squeeze3A_1510 = vector.extract %slice3A_1509[0] : f32 from vector<1xf32>
          %add3A_1511 = arith.constant 11 : i32
          %add3A_1512 = arith.addi %mul3A_211, %add3A_1511 : i32
          %get3A_1513 = arith.constant 0 : i32
          %get3A_1514 = arith.index_cast %get3A_1513 : i32 to index
          %get3A_1515 = arith.index_cast %add3A_1512 : i32 to index
          %get3A_1516 = arith.constant 0 : index
          %get3A_1517 = tpu.vector_load %arg7[%get3A_1514, %get3A_1515, %get3A_1516] {strides = array<i32>} : memref<2x160x128xf32, #tpu.memory_space<vmem>>, vector<16xf32>,
          %mul3A_1518 = vector.broadcast %squeeze3A_1508 : f32 to vector<16xf32>
          %mul3A_1519 = arith.mulf %get3A_1517, %mul3A_1518 : vector<16xf32>
          %add3A_1520 = vector.broadcast %squeeze3A_1510 : f32 to vector<16xf32>
          %add3A_1521 = arith.addf %mul3A_1519, %add3A_1520 : vector<16xf32>
          %swap3A_1522 = arith.constant 0 : i32
          %swap3A_1523 = arith.index_cast %swap3A_1522 : i32 to index
          %swap3A_1524 = arith.index_cast %add3A_1512 : i32 to index
          %swap3A_1525 = arith.constant 0 : index
          %swap3A_1526 = tpu.vector_load %arg8[%swap3A_1523, %swap3A_1524, %swap3A_1525] {strides = array<i32>} : memref<2x160x128xf32, #tpu.memory_space<vmem>>, vector<16xf32>,
          tpu.vector_store %arg8[%swap3A_1523, %swap3A_1524, %swap3A_1525], %add3A_1521 {strides = array<i32>} : memref<2x160x128xf32, #tpu.memory_space<vmem>>, vector<16xf32>,
          %get3A_1527 = arith.constant 0 : i32
          %get3A_1528 = arith.index_cast %get3A_1527 : i32 to index
          %get3A_1529 = arith.index_cast %add3A_1512 : i32 to index
          %get3A_1530 = arith.constant 16 : index
          %get3A_1531 = tpu.vector_load %arg7[%get3A_1528, %get3A_1529, %get3A_1530] {strides = array<i32>} : memref<2x160x128xf32, #tpu.memory_space<vmem>>, vector<16xf32>,
          %mul3A_1532 = vector.broadcast %squeeze3A_1508 : f32 to vector<16xf32>
          %mul3A_1533 = arith.mulf %get3A_1531, %mul3A_1532 : vector<16xf32>
          %add3A_1534 = vector.broadcast %squeeze3A_1510 : f32 to vector<16xf32>
          %add3A_1535 = arith.addf %mul3A_1533, %add3A_1534 : vector<16xf32>
          %swap3A_1536 = arith.constant 0 : i32
          %swap3A_1537 = arith.index_cast %swap3A_1536 : i32 to index
          %swap3A_1538 = arith.index_cast %add3A_1512 : i32 to index
          %swap3A_1539 = arith.constant 16 : index
          %swap3A_1540 = tpu.vector_load %arg8[%swap3A_1537, %swap3A_1538, %swap3A_1539] {strides = array<i32>} : memref<2x160x128xf32, #tpu.memory_space<vmem>>, vector<16xf32>,
          tpu.vector_store %arg8[%swap3A_1537, %swap3A_1538, %swap3A_1539], %add3A_1535 {strides = array<i32>} : memref<2x160x128xf32, #tpu.memory_space<vmem>>, vector<16xf32>,
          %get3A_1541 = arith.constant 0 : i32
          %get3A_1542 = arith.index_cast %get3A_1541 : i32 to index
          %get3A_1543 = arith.index_cast %add3A_1512 : i32 to index
          %get3A_1544 = arith.constant 32 : index
          %get3A_1545 = tpu.vector_load %arg7[%get3A_1542, %get3A_1543, %get3A_1544] {strides = array<i32>} : memref<2x160x128xf32, #tpu.memory_space<vmem>>, vector<16xf32>,
          %mul3A_1546 = vector.broadcast %squeeze3A_1508 : f32 to vector<16xf32>
          %mul3A_1547 = arith.mulf %get3A_1545, %mul3A_1546 : vector<16xf32>
          %add3A_1548 = vector.broadcast %squeeze3A_1510 : f32 to vector<16xf32>
          %add3A_1549 = arith.addf %mul3A_1547, %add3A_1548 : vector<16xf32>
          %swap3A_1550 = arith.constant 0 : i32
          %swap3A_1551 = arith.index_cast %swap3A_1550 : i32 to index
          %swap3A_1552 = arith.index_cast %add3A_1512 : i32 to index
          %swap3A_1553 = arith.constant 32 : index
          %swap3A_1554 = tpu.vector_load %arg8[%swap3A_1551, %swap3A_1552, %swap3A_1553] {strides = array<i32>} : memref<2x160x128xf32, #tpu.memory_space<vmem>>, vector<16xf32>,
          tpu.vector_store %arg8[%swap3A_1551, %swap3A_1552, %swap3A_1553], %add3A_1549 {strides = array<i32>} : memref<2x160x128xf32, #tpu.memory_space<vmem>>, vector<16xf32>,
          %get3A_1555 = arith.constant 0 : i32
          %get3A_1556 = arith.index_cast %get3A_1555 : i32 to index
          %get3A_1557 = arith.index_cast %add3A_1512 : i32 to index
          %get3A_1558 = arith.constant 48 : index
          %get3A_1559 = tpu.vector_load %arg7[%get3A_1556, %get3A_1557, %get3A_1558] {strides = array<i32>} : memref<2x160x128xf32, #tpu.memory_space<vmem>>, vector<16xf32>,
          %mul3A_1560 = vector.broadcast %squeeze3A_1508 : f32 to vector<16xf32>
          %mul3A_1561 = arith.mulf %get3A_1559, %mul3A_1560 : vector<16xf32>
          %add3A_1562 = vector.broadcast %squeeze3A_1510 : f32 to vector<16xf32>
          %add3A_1563 = arith.addf %mul3A_1561, %add3A_1562 : vector<16xf32>
          %swap3A_1564 = arith.constant 0 : i32
          %swap3A_1565 = arith.index_cast %swap3A_1564 : i32 to index
          %swap3A_1566 = arith.index_cast %add3A_1512 : i32 to index
          %swap3A_1567 = arith.constant 48 : index
          %swap3A_1568 = tpu.vector_load %arg8[%swap3A_1565, %swap3A_1566, %swap3A_1567] {strides = array<i32>} : memref<2x160x128xf32, #tpu.memory_space<vmem>>, vector<16xf32>,
          tpu.vector_store %arg8[%swap3A_1565, %swap3A_1566, %swap3A_1567], %add3A_1563 {strides = array<i32>} : memref<2x160x128xf32, #tpu.memory_space<vmem>>, vector<16xf32>,
          %get3A_1569 = arith.constant 0 : i32
          %get3A_1570 = arith.index_cast %get3A_1569 : i32 to index
          %get3A_1571 = arith.index_cast %add3A_1512 : i32 to index
          %get3A_1572 = arith.constant 64 : index
          %get3A_1573 = tpu.vector_load %arg7[%get3A_1570, %get3A_1571, %get3A_1572] {strides = array<i32>} : memref<2x160x128xf32, #tpu.memory_space<vmem>>, vector<16xf32>,
          %mul3A_1574 = vector.broadcast %squeeze3A_1508 : f32 to vector<16xf32>
          %mul3A_1575 = arith.mulf %get3A_1573, %mul3A_1574 : vector<16xf32>
          %add3A_1576 = vector.broadcast %squeeze3A_1510 : f32 to vector<16xf32>
          %add3A_1577 = arith.addf %mul3A_1575, %add3A_1576 : vector<16xf32>
          %swap3A_1578 = arith.constant 0 : i32
          %swap3A_1579 = arith.index_cast %swap3A_1578 : i32 to index
          %swap3A_1580 = arith.index_cast %add3A_1512 : i32 to index
          %swap3A_1581 = arith.constant 64 : index
          %swap3A_1582 = tpu.vector_load %arg8[%swap3A_1579, %swap3A_1580, %swap3A_1581] {strides = array<i32>} : memref<2x160x128xf32, #tpu.memory_space<vmem>>, vector<16xf32>,
          tpu.vector_store %arg8[%swap3A_1579, %swap3A_1580, %swap3A_1581], %add3A_1577 {strides = array<i32>} : memref<2x160x128xf32, #tpu.memory_space<vmem>>, vector<16xf32>,
          %get3A_1583 = arith.constant 0 : i32
          %get3A_1584 = arith.index_cast %get3A_1583 : i32 to index
          %get3A_1585 = arith.index_cast %add3A_1512 : i32 to index
          %get3A_1586 = arith.constant 80 : index
          %get3A_1587 = tpu.vector_load %arg7[%get3A_1584, %get3A_1585, %get3A_1586] {strides = array<i32>} : memref<2x160x128xf32, #tpu.memory_space<vmem>>, vector<16xf32>,
          %mul3A_1588 = vector.broadcast %squeeze3A_1508 : f32 to vector<16xf32>
          %mul3A_1589 = arith.mulf %get3A_1587, %mul3A_1588 : vector<16xf32>
          %add3A_1590 = vector.broadcast %squeeze3A_1510 : f32 to vector<16xf32>
          %add3A_1591 = arith.addf %mul3A_1589, %add3A_1590 : vector<16xf32>
          %swap3A_1592 = arith.constant 0 : i32
          %swap3A_1593 = arith.index_cast %swap3A_1592 : i32 to index
          %swap3A_1594 = arith.index_cast %add3A_1512 : i32 to index
          %swap3A_1595 = arith.constant 80 : index
          %swap3A_1596 = tpu.vector_load %arg8[%swap3A_1593, %swap3A_1594, %swap3A_1595] {strides = array<i32>} : memref<2x160x128xf32, #tpu.memory_space<vmem>>, vector<16xf32>,
          tpu.vector_store %arg8[%swap3A_1593, %swap3A_1594, %swap3A_1595], %add3A_1591 {strides = array<i32>} : memref<2x160x128xf32, #tpu.memory_space<vmem>>, vector<16xf32>,
          %get3A_1597 = arith.constant 0 : i32
          %get3A_1598 = arith.index_cast %get3A_1597 : i32 to index
          %get3A_1599 = arith.index_cast %add3A_1512 : i32 to index
          %get3A_1600 = arith.constant 96 : index
          %get3A_1601 = tpu.vector_load %arg7[%get3A_1598, %get3A_1599, %get3A_1600] {strides = array<i32>} : memref<2x160x128xf32, #tpu.memory_space<vmem>>, vector<16xf32>,
          %mul3A_1602 = vector.broadcast %squeeze3A_1508 : f32 to vector<16xf32>
          %mul3A_1603 = arith.mulf %get3A_1601, %mul3A_1602 : vector<16xf32>
          %add3A_1604 = vector.broadcast %squeeze3A_1510 : f32 to vector<16xf32>
          %add3A_1605 = arith.addf %mul3A_1603, %add3A_1604 : vector<16xf32>
          %swap3A_1606 = arith.constant 0 : i32
          %swap3A_1607 = arith.index_cast %swap3A_1606 : i32 to index
          %swap3A_1608 = arith.index_cast %add3A_1512 : i32 to index
          %swap3A_1609 = arith.constant 96 : index
          %swap3A_1610 = tpu.vector_load %arg8[%swap3A_1607, %swap3A_1608, %swap3A_1609] {strides = array<i32>} : memref<2x160x128xf32, #tpu.memory_space<vmem>>, vector<16xf32>,
          tpu.vector_store %arg8[%swap3A_1607, %swap3A_1608, %swap3A_1609], %add3A_1605 {strides = array<i32>} : memref<2x160x128xf32, #tpu.memory_space<vmem>>, vector<16xf32>,
          %get3A_1611 = arith.constant 0 : i32
          %get3A_1612 = arith.index_cast %get3A_1611 : i32 to index
          %get3A_1613 = arith.index_cast %add3A_1512 : i32 to index
          %get3A_1614 = arith.constant 112 : index
          %get3A_1615 = tpu.vector_load %arg7[%get3A_1612, %get3A_1613, %get3A_1614] {strides = array<i32>} : memref<2x160x128xf32, #tpu.memory_space<vmem>>, vector<16xf32>,
          %mul3A_1616 = vector.broadcast %squeeze3A_1508 : f32 to vector<16xf32>
          %mul3A_1617 = arith.mulf %get3A_1615, %mul3A_1616 : vector<16xf32>
          %add3A_1618 = vector.broadcast %squeeze3A_1510 : f32 to vector<16xf32>
          %add3A_1619 = arith.addf %mul3A_1617, %add3A_1618 : vector<16xf32>
          %swap3A_1620 = arith.constant 0 : i32
          %swap3A_1621 = arith.index_cast %swap3A_1620 : i32 to index
          %swap3A_1622 = arith.index_cast %add3A_1512 : i32 to index
          %swap3A_1623 = arith.constant 112 : index
          %swap3A_1624 = tpu.vector_load %arg8[%swap3A_1621, %swap3A_1622, %swap3A_1623] {strides = array<i32>} : memref<2x160x128xf32, #tpu.memory_space<vmem>>, vector<16xf32>,
          tpu.vector_store %arg8[%swap3A_1621, %swap3A_1622, %swap3A_1623], %add3A_1619 {strides = array<i32>} : memref<2x160x128xf32, #tpu.memory_space<vmem>>, vector<16xf32>,
          %slice3A_1625 = vector.extract_strided_slice %gather3A {offsets = [12], sizes = [1], strides = [1]} : vector<16xf32> to vector<1xf32>
          %squeeze3A_1626 = vector.extract %slice3A_1625[0] : f32 from vector<1xf32>
          %slice3A_1627 = vector.extract_strided_slice %gather3A_209 {offsets = [12], sizes = [1], strides = [1]} : vector<16xf32> to vector<1xf32>
          %squeeze3A_1628 = vector.extract %slice3A_1627[0] : f32 from vector<1xf32>
          %add3A_1629 = arith.constant 12 : i32
          %add3A_1630 = arith.addi %mul3A_211, %add3A_1629 : i32
          %get3A_1631 = arith.constant 0 : i32
          %get3A_1632 = arith.index_cast %get3A_1631 : i32 to index
          %get3A_1633 = arith.index_cast %add3A_1630 : i32 to index
          %get3A_1634 = arith.constant 0 : index
          %get3A_1635 = tpu.vector_load %arg7[%get3A_1632, %get3A_1633, %get3A_1634] {strides = array<i32>} : memref<2x160x128xf32, #tpu.memory_space<vmem>>, vector<16xf32>,
          %mul3A_1636 = vector.broadcast %squeeze3A_1626 : f32 to vector<16xf32>
          %mul3A_1637 = arith.mulf %get3A_1635, %mul3A_1636 : vector<16xf32>
          %add3A_1638 = vector.broadcast %squeeze3A_1628 : f32 to vector<16xf32>
          %add3A_1639 = arith.addf %mul3A_1637, %add3A_1638 : vector<16xf32>
          %swap3A_1640 = arith.constant 0 : i32
          %swap3A_1641 = arith.index_cast %swap3A_1640 : i32 to index
          %swap3A_1642 = arith.index_cast %add3A_1630 : i32 to index
          %swap3A_1643 = arith.constant 0 : index
          %swap3A_1644 = tpu.vector_load %arg8[%swap3A_1641, %swap3A_1642, %swap3A_1643] {strides = array<i32>} : memref<2x160x128xf32, #tpu.memory_space<vmem>>, vector<16xf32>,
          tpu.vector_store %arg8[%swap3A_1641, %swap3A_1642, %swap3A_1643], %add3A_1639 {strides = array<i32>} : memref<2x160x128xf32, #tpu.memory_space<vmem>>, vector<16xf32>,
          %get3A_1645 = arith.constant 0 : i32
          %get3A_1646 = arith.index_cast %get3A_1645 : i32 to index
          %get3A_1647 = arith.index_cast %add3A_1630 : i32 to index
          %get3A_1648 = arith.constant 16 : index
          %get3A_1649 = tpu.vector_load %arg7[%get3A_1646, %get3A_1647, %get3A_1648] {strides = array<i32>} : memref<2x160x128xf32, #tpu.memory_space<vmem>>, vector<16xf32>,
          %mul3A_1650 = vector.broadcast %squeeze3A_1626 : f32 to vector<16xf32>
          %mul3A_1651 = arith.mulf %get3A_1649, %mul3A_1650 : vector<16xf32>
          %add3A_1652 = vector.broadcast %squeeze3A_1628 : f32 to vector<16xf32>
          %add3A_1653 = arith.addf %mul3A_1651, %add3A_1652 : vector<16xf32>
          %swap3A_1654 = arith.constant 0 : i32
          %swap3A_1655 = arith.index_cast %swap3A_1654 : i32 to index
          %swap3A_1656 = arith.index_cast %add3A_1630 : i32 to index
          %swap3A_1657 = arith.constant 16 : index
          %swap3A_1658 = tpu.vector_load %arg8[%swap3A_1655, %swap3A_1656, %swap3A_1657] {strides = array<i32>} : memref<2x160x128xf32, #tpu.memory_space<vmem>>, vector<16xf32>,
          tpu.vector_store %arg8[%swap3A_1655, %swap3A_1656, %swap3A_1657], %add3A_1653 {strides = array<i32>} : memref<2x160x128xf32, #tpu.memory_space<vmem>>, vector<16xf32>,
          %get3A_1659 = arith.constant 0 : i32
          %get3A_1660 = arith.index_cast %get3A_1659 : i32 to index
          %get3A_1661 = arith.index_cast %add3A_1630 : i32 to index
          %get3A_1662 = arith.constant 32 : index
          %get3A_1663 = tpu.vector_load %arg7[%get3A_1660, %get3A_1661, %get3A_1662] {strides = array<i32>} : memref<2x160x128xf32, #tpu.memory_space<vmem>>, vector<16xf32>,
          %mul3A_1664 = vector.broadcast %squeeze3A_1626 : f32 to vector<16xf32>
          %mul3A_1665 = arith.mulf %get3A_1663, %mul3A_1664 : vector<16xf32>
          %add3A_1666 = vector.broadcast %squeeze3A_1628 : f32 to vector<16xf32>
          %add3A_1667 = arith.addf %mul3A_1665, %add3A_1666 : vector<16xf32>
          %swap3A_1668 = arith.constant 0 : i32
          %swap3A_1669 = arith.index_cast %swap3A_1668 : i32 to index
          %swap3A_1670 = arith.index_cast %add3A_1630 : i32 to index
          %swap3A_1671 = arith.constant 32 : index
          %swap3A_1672 = tpu.vector_load %arg8[%swap3A_1669, %swap3A_1670, %swap3A_1671] {strides = array<i32>} : memref<2x160x128xf32, #tpu.memory_space<vmem>>, vector<16xf32>,
          tpu.vector_store %arg8[%swap3A_1669, %swap3A_1670, %swap3A_1671], %add3A_1667 {strides = array<i32>} : memref<2x160x128xf32, #tpu.memory_space<vmem>>, vector<16xf32>,
          %get3A_1673 = arith.constant 0 : i32
          %get3A_1674 = arith.index_cast %get3A_1673 : i32 to index
          %get3A_1675 = arith.index_cast %add3A_1630 : i32 to index
          %get3A_1676 = arith.constant 48 : index
          %get3A_1677 = tpu.vector_load %arg7[%get3A_1674, %get3A_1675, %get3A_1676] {strides = array<i32>} : memref<2x160x128xf32, #tpu.memory_space<vmem>>, vector<16xf32>,
          %mul3A_1678 = vector.broadcast %squeeze3A_1626 : f32 to vector<16xf32>
          %mul3A_1679 = arith.mulf %get3A_1677, %mul3A_1678 : vector<16xf32>
          %add3A_1680 = vector.broadcast %squeeze3A_1628 : f32 to vector<16xf32>
          %add3A_1681 = arith.addf %mul3A_1679, %add3A_1680 : vector<16xf32>
          %swap3A_1682 = arith.constant 0 : i32
          %swap3A_1683 = arith.index_cast %swap3A_1682 : i32 to index
          %swap3A_1684 = arith.index_cast %add3A_1630 : i32 to index
          %swap3A_1685 = arith.constant 48 : index
          %swap3A_1686 = tpu.vector_load %arg8[%swap3A_1683, %swap3A_1684, %swap3A_1685] {strides = array<i32>} : memref<2x160x128xf32, #tpu.memory_space<vmem>>, vector<16xf32>,
          tpu.vector_store %arg8[%swap3A_1683, %swap3A_1684, %swap3A_1685], %add3A_1681 {strides = array<i32>} : memref<2x160x128xf32, #tpu.memory_space<vmem>>, vector<16xf32>,
          %get3A_1687 = arith.constant 0 : i32
          %get3A_1688 = arith.index_cast %get3A_1687 : i32 to index
          %get3A_1689 = arith.index_cast %add3A_1630 : i32 to index
          %get3A_1690 = arith.constant 64 : index
          %get3A_1691 = tpu.vector_load %arg7[%get3A_1688, %get3A_1689, %get3A_1690] {strides = array<i32>} : memref<2x160x128xf32, #tpu.memory_space<vmem>>, vector<16xf32>,
          %mul3A_1692 = vector.broadcast %squeeze3A_1626 : f32 to vector<16xf32>
          %mul3A_1693 = arith.mulf %get3A_1691, %mul3A_1692 : vector<16xf32>
          %add3A_1694 = vector.broadcast %squeeze3A_1628 : f32 to vector<16xf32>
          %add3A_1695 = arith.addf %mul3A_1693, %add3A_1694 : vector<16xf32>
          %swap3A_1696 = arith.constant 0 : i32
          %swap3A_1697 = arith.index_cast %swap3A_1696 : i32 to index
          %swap3A_1698 = arith.index_cast %add3A_1630 : i32 to index
          %swap3A_1699 = arith.constant 64 : index
          %swap3A_1700 = tpu.vector_load %arg8[%swap3A_1697, %swap3A_1698, %swap3A_1699] {strides = array<i32>} : memref<2x160x128xf32, #tpu.memory_space<vmem>>, vector<16xf32>,
          tpu.vector_store %arg8[%swap3A_1697, %swap3A_1698, %swap3A_1699], %add3A_1695 {strides = array<i32>} : memref<2x160x128xf32, #tpu.memory_space<vmem>>, vector<16xf32>,
          %get3A_1701 = arith.constant 0 : i32
          %get3A_1702 = arith.index_cast %get3A_1701 : i32 to index
          %get3A_1703 = arith.index_cast %add3A_1630 : i32 to index
          %get3A_1704 = arith.constant 80 : index
          %get3A_1705 = tpu.vector_load %arg7[%get3A_1702, %get3A_1703, %get3A_1704] {strides = array<i32>} : memref<2x160x128xf32, #tpu.memory_space<vmem>>, vector<16xf32>,
          %mul3A_1706 = vector.broadcast %squeeze3A_1626 : f32 to vector<16xf32>
          %mul3A_1707 = arith.mulf %get3A_1705, %mul3A_1706 : vector<16xf32>
          %add3A_1708 = vector.broadcast %squeeze3A_1628 : f32 to vector<16xf32>
          %add3A_1709 = arith.addf %mul3A_1707, %add3A_1708 : vector<16xf32>
          %swap3A_1710 = arith.constant 0 : i32
          %swap3A_1711 = arith.index_cast %swap3A_1710 : i32 to index
          %swap3A_1712 = arith.index_cast %add3A_1630 : i32 to index
          %swap3A_1713 = arith.constant 80 : index
          %swap3A_1714 = tpu.vector_load %arg8[%swap3A_1711, %swap3A_1712, %swap3A_1713] {strides = array<i32>} : memref<2x160x128xf32, #tpu.memory_space<vmem>>, vector<16xf32>,
          tpu.vector_store %arg8[%swap3A_1711, %swap3A_1712, %swap3A_1713], %add3A_1709 {strides = array<i32>} : memref<2x160x128xf32, #tpu.memory_space<vmem>>, vector<16xf32>,
          %get3A_1715 = arith.constant 0 : i32
          %get3A_1716 = arith.index_cast %get3A_1715 : i32 to index
          %get3A_1717 = arith.index_cast %add3A_1630 : i32 to index
          %get3A_1718 = arith.constant 96 : index
          %get3A_1719 = tpu.vector_load %arg7[%get3A_1716, %get3A_1717, %get3A_1718] {strides = array<i32>} : memref<2x160x128xf32, #tpu.memory_space<vmem>>, vector<16xf32>,
          %mul3A_1720 = vector.broadcast %squeeze3A_1626 : f32 to vector<16xf32>
          %mul3A_1721 = arith.mulf %get3A_1719, %mul3A_1720 : vector<16xf32>
          %add3A_1722 = vector.broadcast %squeeze3A_1628 : f32 to vector<16xf32>
          %add3A_1723 = arith.addf %mul3A_1721, %add3A_1722 : vector<16xf32>
          %swap3A_1724 = arith.constant 0 : i32
          %swap3A_1725 = arith.index_cast %swap3A_1724 : i32 to index
          %swap3A_1726 = arith.index_cast %add3A_1630 : i32 to index
          %swap3A_1727 = arith.constant 96 : index
          %swap3A_1728 = tpu.vector_load %arg8[%swap3A_1725, %swap3A_1726, %swap3A_1727] {strides = array<i32>} : memref<2x160x128xf32, #tpu.memory_space<vmem>>, vector<16xf32>,
          tpu.vector_store %arg8[%swap3A_1725, %swap3A_1726, %swap3A_1727], %add3A_1723 {strides = array<i32>} : memref<2x160x128xf32, #tpu.memory_space<vmem>>, vector<16xf32>,
          %get3A_1729 = arith.constant 0 : i32
          %get3A_1730 = arith.index_cast %get3A_1729 : i32 to index
          %get3A_1731 = arith.index_cast %add3A_1630 : i32 to index
          %get3A_1732 = arith.constant 112 : index
          %get3A_1733 = tpu.vector_load %arg7[%get3A_1730, %get3A_1731, %get3A_1732] {strides = array<i32>} : memref<2x160x128xf32, #tpu.memory_space<vmem>>, vector<16xf32>,
          %mul3A_1734 = vector.broadcast %squeeze3A_1626 : f32 to vector<16xf32>
          %mul3A_1735 = arith.mulf %get3A_1733, %mul3A_1734 : vector<16xf32>
          %add3A_1736 = vector.broadcast %squeeze3A_1628 : f32 to vector<16xf32>
          %add3A_1737 = arith.addf %mul3A_1735, %add3A_1736 : vector<16xf32>
          %swap3A_1738 = arith.constant 0 : i32
          %swap3A_1739 = arith.index_cast %swap3A_1738 : i32 to index
          %swap3A_1740 = arith.index_cast %add3A_1630 : i32 to index
          %swap3A_1741 = arith.constant 112 : index
          %swap3A_1742 = tpu.vector_load %arg8[%swap3A_1739, %swap3A_1740, %swap3A_1741] {strides = array<i32>} : memref<2x160x128xf32, #tpu.memory_space<vmem>>, vector<16xf32>,
          tpu.vector_store %arg8[%swap3A_1739, %swap3A_1740, %swap3A_1741], %add3A_1737 {strides = array<i32>} : memref<2x160x128xf32, #tpu.memory_space<vmem>>, vector<16xf32>,
          %slice3A_1743 = vector.extract_strided_slice %gather3A {offsets = [13], sizes = [1], strides = [1]} : vector<16xf32> to vector<1xf32>
          %squeeze3A_1744 = vector.extract %slice3A_1743[0] : f32 from vector<1xf32>
          %slice3A_1745 = vector.extract_strided_slice %gather3A_209 {offsets = [13], sizes = [1], strides = [1]} : vector<16xf32> to vector<1xf32>
          %squeeze3A_1746 = vector.extract %slice3A_1745[0] : f32 from vector<1xf32>
          %add3A_1747 = arith.constant 13 : i32
          %add3A_1748 = arith.addi %mul3A_211, %add3A_1747 : i32
          %get3A_1749 = arith.constant 0 : i32
          %get3A_1750 = arith.index_cast %get3A_1749 : i32 to index
          %get3A_1751 = arith.index_cast %add3A_1748 : i32 to index
          %get3A_1752 = arith.constant 0 : index
          %get3A_1753 = tpu.vector_load %arg7[%get3A_1750, %get3A_1751, %get3A_1752] {strides = array<i32>} : memref<2x160x128xf32, #tpu.memory_space<vmem>>, vector<16xf32>,
          %mul3A_1754 = vector.broadcast %squeeze3A_1744 : f32 to vector<16xf32>
          %mul3A_1755 = arith.mulf %get3A_1753, %mul3A_1754 : vector<16xf32>
          %add3A_1756 = vector.broadcast %squeeze3A_1746 : f32 to vector<16xf32>
          %add3A_1757 = arith.addf %mul3A_1755, %add3A_1756 : vector<16xf32>
          %swap3A_1758 = arith.constant 0 : i32
          %swap3A_1759 = arith.index_cast %swap3A_1758 : i32 to index
          %swap3A_1760 = arith.index_cast %add3A_1748 : i32 to index
          %swap3A_1761 = arith.constant 0 : index
          %swap3A_1762 = tpu.vector_load %arg8[%swap3A_1759, %swap3A_1760, %swap3A_1761] {strides = array<i32>} : memref<2x160x128xf32, #tpu.memory_space<vmem>>, vector<16xf32>,
          tpu.vector_store %arg8[%swap3A_1759, %swap3A_1760, %swap3A_1761], %add3A_1757 {strides = array<i32>} : memref<2x160x128xf32, #tpu.memory_space<vmem>>, vector<16xf32>,
          %get3A_1763 = arith.constant 0 : i32
          %get3A_1764 = arith.index_cast %get3A_1763 : i32 to index
          %get3A_1765 = arith.index_cast %add3A_1748 : i32 to index
          %get3A_1766 = arith.constant 16 : index
          %get3A_1767 = tpu.vector_load %arg7[%get3A_1764, %get3A_1765, %get3A_1766] {strides = array<i32>} : memref<2x160x128xf32, #tpu.memory_space<vmem>>, vector<16xf32>,
          %mul3A_1768 = vector.broadcast %squeeze3A_1744 : f32 to vector<16xf32>
          %mul3A_1769 = arith.mulf %get3A_1767, %mul3A_1768 : vector<16xf32>
          %add3A_1770 = vector.broadcast %squeeze3A_1746 : f32 to vector<16xf32>
          %add3A_1771 = arith.addf %mul3A_1769, %add3A_1770 : vector<16xf32>
          %swap3A_1772 = arith.constant 0 : i32
          %swap3A_1773 = arith.index_cast %swap3A_1772 : i32 to index
          %swap3A_1774 = arith.index_cast %add3A_1748 : i32 to index
          %swap3A_1775 = arith.constant 16 : index
          %swap3A_1776 = tpu.vector_load %arg8[%swap3A_1773, %swap3A_1774, %swap3A_1775] {strides = array<i32>} : memref<2x160x128xf32, #tpu.memory_space<vmem>>, vector<16xf32>,
          tpu.vector_store %arg8[%swap3A_1773, %swap3A_1774, %swap3A_1775], %add3A_1771 {strides = array<i32>} : memref<2x160x128xf32, #tpu.memory_space<vmem>>, vector<16xf32>,
          %get3A_1777 = arith.constant 0 : i32
          %get3A_1778 = arith.index_cast %get3A_1777 : i32 to index
          %get3A_1779 = arith.index_cast %add3A_1748 : i32 to index
          %get3A_1780 = arith.constant 32 : index
          %get3A_1781 = tpu.vector_load %arg7[%get3A_1778, %get3A_1779, %get3A_1780] {strides = array<i32>} : memref<2x160x128xf32, #tpu.memory_space<vmem>>, vector<16xf32>,
          %mul3A_1782 = vector.broadcast %squeeze3A_1744 : f32 to vector<16xf32>
          %mul3A_1783 = arith.mulf %get3A_1781, %mul3A_1782 : vector<16xf32>
          %add3A_1784 = vector.broadcast %squeeze3A_1746 : f32 to vector<16xf32>
          %add3A_1785 = arith.addf %mul3A_1783, %add3A_1784 : vector<16xf32>
          %swap3A_1786 = arith.constant 0 : i32
          %swap3A_1787 = arith.index_cast %swap3A_1786 : i32 to index
          %swap3A_1788 = arith.index_cast %add3A_1748 : i32 to index
          %swap3A_1789 = arith.constant 32 : index
          %swap3A_1790 = tpu.vector_load %arg8[%swap3A_1787, %swap3A_1788, %swap3A_1789] {strides = array<i32>} : memref<2x160x128xf32, #tpu.memory_space<vmem>>, vector<16xf32>,
          tpu.vector_store %arg8[%swap3A_1787, %swap3A_1788, %swap3A_1789], %add3A_1785 {strides = array<i32>} : memref<2x160x128xf32, #tpu.memory_space<vmem>>, vector<16xf32>,
          %get3A_1791 = arith.constant 0 : i32
          %get3A_1792 = arith.index_cast %get3A_1791 : i32 to index
          %get3A_1793 = arith.index_cast %add3A_1748 : i32 to index
          %get3A_1794 = arith.constant 48 : index
          %get3A_1795 = tpu.vector_load %arg7[%get3A_1792, %get3A_1793, %get3A_1794] {strides = array<i32>} : memref<2x160x128xf32, #tpu.memory_space<vmem>>, vector<16xf32>,
          %mul3A_1796 = vector.broadcast %squeeze3A_1744 : f32 to vector<16xf32>
          %mul3A_1797 = arith.mulf %get3A_1795, %mul3A_1796 : vector<16xf32>
          %add3A_1798 = vector.broadcast %squeeze3A_1746 : f32 to vector<16xf32>
          %add3A_1799 = arith.addf %mul3A_1797, %add3A_1798 : vector<16xf32>
          %swap3A_1800 = arith.constant 0 : i32
          %swap3A_1801 = arith.index_cast %swap3A_1800 : i32 to index
          %swap3A_1802 = arith.index_cast %add3A_1748 : i32 to index
          %swap3A_1803 = arith.constant 48 : index
          %swap3A_1804 = tpu.vector_load %arg8[%swap3A_1801, %swap3A_1802, %swap3A_1803] {strides = array<i32>} : memref<2x160x128xf32, #tpu.memory_space<vmem>>, vector<16xf32>,
          tpu.vector_store %arg8[%swap3A_1801, %swap3A_1802, %swap3A_1803], %add3A_1799 {strides = array<i32>} : memref<2x160x128xf32, #tpu.memory_space<vmem>>, vector<16xf32>,
          %get3A_1805 = arith.constant 0 : i32
          %get3A_1806 = arith.index_cast %get3A_1805 : i32 to index
          %get3A_1807 = arith.index_cast %add3A_1748 : i32 to index
          %get3A_1808 = arith.constant 64 : index
          %get3A_1809 = tpu.vector_load %arg7[%get3A_1806, %get3A_1807, %get3A_1808] {strides = array<i32>} : memref<2x160x128xf32, #tpu.memory_space<vmem>>, vector<16xf32>,
          %mul3A_1810 = vector.broadcast %squeeze3A_1744 : f32 to vector<16xf32>
          %mul3A_1811 = arith.mulf %get3A_1809, %mul3A_1810 : vector<16xf32>
          %add3A_1812 = vector.broadcast %squeeze3A_1746 : f32 to vector<16xf32>
          %add3A_1813 = arith.addf %mul3A_1811, %add3A_1812 : vector<16xf32>
          %swap3A_1814 = arith.constant 0 : i32
          %swap3A_1815 = arith.index_cast %swap3A_1814 : i32 to index
          %swap3A_1816 = arith.index_cast %add3A_1748 : i32 to index
          %swap3A_1817 = arith.constant 64 : index
          %swap3A_1818 = tpu.vector_load %arg8[%swap3A_1815, %swap3A_1816, %swap3A_1817] {strides = array<i32>} : memref<2x160x128xf32, #tpu.memory_space<vmem>>, vector<16xf32>,
          tpu.vector_store %arg8[%swap3A_1815, %swap3A_1816, %swap3A_1817], %add3A_1813 {strides = array<i32>} : memref<2x160x128xf32, #tpu.memory_space<vmem>>, vector<16xf32>,
          %get3A_1819 = arith.constant 0 : i32
          %get3A_1820 = arith.index_cast %get3A_1819 : i32 to index
          %get3A_1821 = arith.index_cast %add3A_1748 : i32 to index
          %get3A_1822 = arith.constant 80 : index
          %get3A_1823 = tpu.vector_load %arg7[%get3A_1820, %get3A_1821, %get3A_1822] {strides = array<i32>} : memref<2x160x128xf32, #tpu.memory_space<vmem>>, vector<16xf32>,
          %mul3A_1824 = vector.broadcast %squeeze3A_1744 : f32 to vector<16xf32>
          %mul3A_1825 = arith.mulf %get3A_1823, %mul3A_1824 : vector<16xf32>
          %add3A_1826 = vector.broadcast %squeeze3A_1746 : f32 to vector<16xf32>
          %add3A_1827 = arith.addf %mul3A_1825, %add3A_1826 : vector<16xf32>
          %swap3A_1828 = arith.constant 0 : i32
          %swap3A_1829 = arith.index_cast %swap3A_1828 : i32 to index
          %swap3A_1830 = arith.index_cast %add3A_1748 : i32 to index
          %swap3A_1831 = arith.constant 80 : index
          %swap3A_1832 = tpu.vector_load %arg8[%swap3A_1829, %swap3A_1830, %swap3A_1831] {strides = array<i32>} : memref<2x160x128xf32, #tpu.memory_space<vmem>>, vector<16xf32>,
          tpu.vector_store %arg8[%swap3A_1829, %swap3A_1830, %swap3A_1831], %add3A_1827 {strides = array<i32>} : memref<2x160x128xf32, #tpu.memory_space<vmem>>, vector<16xf32>,
          %get3A_1833 = arith.constant 0 : i32
          %get3A_1834 = arith.index_cast %get3A_1833 : i32 to index
          %get3A_1835 = arith.index_cast %add3A_1748 : i32 to index
          %get3A_1836 = arith.constant 96 : index
          %get3A_1837 = tpu.vector_load %arg7[%get3A_1834, %get3A_1835, %get3A_1836] {strides = array<i32>} : memref<2x160x128xf32, #tpu.memory_space<vmem>>, vector<16xf32>,
          %mul3A_1838 = vector.broadcast %squeeze3A_1744 : f32 to vector<16xf32>
          %mul3A_1839 = arith.mulf %get3A_1837, %mul3A_1838 : vector<16xf32>
          %add3A_1840 = vector.broadcast %squeeze3A_1746 : f32 to vector<16xf32>
          %add3A_1841 = arith.addf %mul3A_1839, %add3A_1840 : vector<16xf32>
          %swap3A_1842 = arith.constant 0 : i32
          %swap3A_1843 = arith.index_cast %swap3A_1842 : i32 to index
          %swap3A_1844 = arith.index_cast %add3A_1748 : i32 to index
          %swap3A_1845 = arith.constant 96 : index
          %swap3A_1846 = tpu.vector_load %arg8[%swap3A_1843, %swap3A_1844, %swap3A_1845] {strides = array<i32>} : memref<2x160x128xf32, #tpu.memory_space<vmem>>, vector<16xf32>,
          tpu.vector_store %arg8[%swap3A_1843, %swap3A_1844, %swap3A_1845], %add3A_1841 {strides = array<i32>} : memref<2x160x128xf32, #tpu.memory_space<vmem>>, vector<16xf32>,
          %get3A_1847 = arith.constant 0 : i32
          %get3A_1848 = arith.index_cast %get3A_1847 : i32 to index
          %get3A_1849 = arith.index_cast %add3A_1748 : i32 to index
          %get3A_1850 = arith.constant 112 : index
          %get3A_1851 = tpu.vector_load %arg7[%get3A_1848, %get3A_1849, %get3A_1850] {strides = array<i32>} : memref<2x160x128xf32, #tpu.memory_space<vmem>>, vector<16xf32>,
          %mul3A_1852 = vector.broadcast %squeeze3A_1744 : f32 to vector<16xf32>
          %mul3A_1853 = arith.mulf %get3A_1851, %mul3A_1852 : vector<16xf32>
          %add3A_1854 = vector.broadcast %squeeze3A_1746 : f32 to vector<16xf32>
          %add3A_1855 = arith.addf %mul3A_1853, %add3A_1854 : vector<16xf32>
          %swap3A_1856 = arith.constant 0 : i32
          %swap3A_1857 = arith.index_cast %swap3A_1856 : i32 to index
          %swap3A_1858 = arith.index_cast %add3A_1748 : i32 to index
          %swap3A_1859 = arith.constant 112 : index
          %swap3A_1860 = tpu.vector_load %arg8[%swap3A_1857, %swap3A_1858, %swap3A_1859] {strides = array<i32>} : memref<2x160x128xf32, #tpu.memory_space<vmem>>, vector<16xf32>,
          tpu.vector_store %arg8[%swap3A_1857, %swap3A_1858, %swap3A_1859], %add3A_1855 {strides = array<i32>} : memref<2x160x128xf32, #tpu.memory_space<vmem>>, vector<16xf32>,
          %slice3A_1861 = vector.extract_strided_slice %gather3A {offsets = [14], sizes = [1], strides = [1]} : vector<16xf32> to vector<1xf32>
          %squeeze3A_1862 = vector.extract %slice3A_1861[0] : f32 from vector<1xf32>
          %slice3A_1863 = vector.extract_strided_slice %gather3A_209 {offsets = [14], sizes = [1], strides = [1]} : vector<16xf32> to vector<1xf32>
          %squeeze3A_1864 = vector.extract %slice3A_1863[0] : f32 from vector<1xf32>
          %add3A_1865 = arith.constant 14 : i32
          %add3A_1866 = arith.addi %mul3A_211, %add3A_1865 : i32
          %get3A_1867 = arith.constant 0 : i32
          %get3A_1868 = arith.index_cast %get3A_1867 : i32 to index
          %get3A_1869 = arith.index_cast %add3A_1866 : i32 to index
          %get3A_1870 = arith.constant 0 : index
          %get3A_1871 = tpu.vector_load %arg7[%get3A_1868, %get3A_1869, %get3A_1870] {strides = array<i32>} : memref<2x160x128xf32, #tpu.memory_space<vmem>>, vector<16xf32>,
          %mul3A_1872 = vector.broadcast %squeeze3A_1862 : f32 to vector<16xf32>
          %mul3A_1873 = arith.mulf %get3A_1871, %mul3A_1872 : vector<16xf32>
          %add3A_1874 = vector.broadcast %squeeze3A_1864 : f32 to vector<16xf32>
          %add3A_1875 = arith.addf %mul3A_1873, %add3A_1874 : vector<16xf32>
          %swap3A_1876 = arith.constant 0 : i32
          %swap3A_1877 = arith.index_cast %swap3A_1876 : i32 to index
          %swap3A_1878 = arith.index_cast %add3A_1866 : i32 to index
          %swap3A_1879 = arith.constant 0 : index
          %swap3A_1880 = tpu.vector_load %arg8[%swap3A_1877, %swap3A_1878, %swap3A_1879] {strides = array<i32>} : memref<2x160x128xf32, #tpu.memory_space<vmem>>, vector<16xf32>,
          tpu.vector_store %arg8[%swap3A_1877, %swap3A_1878, %swap3A_1879], %add3A_1875 {strides = array<i32>} : memref<2x160x128xf32, #tpu.memory_space<vmem>>, vector<16xf32>,
          %get3A_1881 = arith.constant 0 : i32
          %get3A_1882 = arith.index_cast %get3A_1881 : i32 to index
          %get3A_1883 = arith.index_cast %add3A_1866 : i32 to index
          %get3A_1884 = arith.constant 16 : index
          %get3A_1885 = tpu.vector_load %arg7[%get3A_1882, %get3A_1883, %get3A_1884] {strides = array<i32>} : memref<2x160x128xf32, #tpu.memory_space<vmem>>, vector<16xf32>,
          %mul3A_1886 = vector.broadcast %squeeze3A_1862 : f32 to vector<16xf32>
          %mul3A_1887 = arith.mulf %get3A_1885, %mul3A_1886 : vector<16xf32>
          %add3A_1888 = vector.broadcast %squeeze3A_1864 : f32 to vector<16xf32>
          %add3A_1889 = arith.addf %mul3A_1887, %add3A_1888 : vector<16xf32>
          %swap3A_1890 = arith.constant 0 : i32
          %swap3A_1891 = arith.index_cast %swap3A_1890 : i32 to index
          %swap3A_1892 = arith.index_cast %add3A_1866 : i32 to index
          %swap3A_1893 = arith.constant 16 : index
          %swap3A_1894 = tpu.vector_load %arg8[%swap3A_1891, %swap3A_1892, %swap3A_1893] {strides = array<i32>} : memref<2x160x128xf32, #tpu.memory_space<vmem>>, vector<16xf32>,
          tpu.vector_store %arg8[%swap3A_1891, %swap3A_1892, %swap3A_1893], %add3A_1889 {strides = array<i32>} : memref<2x160x128xf32, #tpu.memory_space<vmem>>, vector<16xf32>,
          %get3A_1895 = arith.constant 0 : i32
          %get3A_1896 = arith.index_cast %get3A_1895 : i32 to index
          %get3A_1897 = arith.index_cast %add3A_1866 : i32 to index
          %get3A_1898 = arith.constant 32 : index
          %get3A_1899 = tpu.vector_load %arg7[%get3A_1896, %get3A_1897, %get3A_1898] {strides = array<i32>} : memref<2x160x128xf32, #tpu.memory_space<vmem>>, vector<16xf32>,
          %mul3A_1900 = vector.broadcast %squeeze3A_1862 : f32 to vector<16xf32>
          %mul3A_1901 = arith.mulf %get3A_1899, %mul3A_1900 : vector<16xf32>
          %add3A_1902 = vector.broadcast %squeeze3A_1864 : f32 to vector<16xf32>
          %add3A_1903 = arith.addf %mul3A_1901, %add3A_1902 : vector<16xf32>
          %swap3A_1904 = arith.constant 0 : i32
          %swap3A_1905 = arith.index_cast %swap3A_1904 : i32 to index
          %swap3A_1906 = arith.index_cast %add3A_1866 : i32 to index
          %swap3A_1907 = arith.constant 32 : index
          %swap3A_1908 = tpu.vector_load %arg8[%swap3A_1905, %swap3A_1906, %swap3A_1907] {strides = array<i32>} : memref<2x160x128xf32, #tpu.memory_space<vmem>>, vector<16xf32>,
          tpu.vector_store %arg8[%swap3A_1905, %swap3A_1906, %swap3A_1907], %add3A_1903 {strides = array<i32>} : memref<2x160x128xf32, #tpu.memory_space<vmem>>, vector<16xf32>,
          %get3A_1909 = arith.constant 0 : i32
          %get3A_1910 = arith.index_cast %get3A_1909 : i32 to index
          %get3A_1911 = arith.index_cast %add3A_1866 : i32 to index
          %get3A_1912 = arith.constant 48 : index
          %get3A_1913 = tpu.vector_load %arg7[%get3A_1910, %get3A_1911, %get3A_1912] {strides = array<i32>} : memref<2x160x128xf32, #tpu.memory_space<vmem>>, vector<16xf32>,
          %mul3A_1914 = vector.broadcast %squeeze3A_1862 : f32 to vector<16xf32>
          %mul3A_1915 = arith.mulf %get3A_1913, %mul3A_1914 : vector<16xf32>
          %add3A_1916 = vector.broadcast %squeeze3A_1864 : f32 to vector<16xf32>
          %add3A_1917 = arith.addf %mul3A_1915, %add3A_1916 : vector<16xf32>
          %swap3A_1918 = arith.constant 0 : i32
          %swap3A_1919 = arith.index_cast %swap3A_1918 : i32 to index
          %swap3A_1920 = arith.index_cast %add3A_1866 : i32 to index
          %swap3A_1921 = arith.constant 48 : index
          %swap3A_1922 = tpu.vector_load %arg8[%swap3A_1919, %swap3A_1920, %swap3A_1921] {strides = array<i32>} : memref<2x160x128xf32, #tpu.memory_space<vmem>>, vector<16xf32>,
          tpu.vector_store %arg8[%swap3A_1919, %swap3A_1920, %swap3A_1921], %add3A_1917 {strides = array<i32>} : memref<2x160x128xf32, #tpu.memory_space<vmem>>, vector<16xf32>,
          %get3A_1923 = arith.constant 0 : i32
          %get3A_1924 = arith.index_cast %get3A_1923 : i32 to index
          %get3A_1925 = arith.index_cast %add3A_1866 : i32 to index
          %get3A_1926 = arith.constant 64 : index
          %get3A_1927 = tpu.vector_load %arg7[%get3A_1924, %get3A_1925, %get3A_1926] {strides = array<i32>} : memref<2x160x128xf32, #tpu.memory_space<vmem>>, vector<16xf32>,
          %mul3A_1928 = vector.broadcast %squeeze3A_1862 : f32 to vector<16xf32>
          %mul3A_1929 = arith.mulf %get3A_1927, %mul3A_1928 : vector<16xf32>
          %add3A_1930 = vector.broadcast %squeeze3A_1864 : f32 to vector<16xf32>
          %add3A_1931 = arith.addf %mul3A_1929, %add3A_1930 : vector<16xf32>
          %swap3A_1932 = arith.constant 0 : i32
          %swap3A_1933 = arith.index_cast %swap3A_1932 : i32 to index
          %swap3A_1934 = arith.index_cast %add3A_1866 : i32 to index
          %swap3A_1935 = arith.constant 64 : index
          %swap3A_1936 = tpu.vector_load %arg8[%swap3A_1933, %swap3A_1934, %swap3A_1935] {strides = array<i32>} : memref<2x160x128xf32, #tpu.memory_space<vmem>>, vector<16xf32>,
          tpu.vector_store %arg8[%swap3A_1933, %swap3A_1934, %swap3A_1935], %add3A_1931 {strides = array<i32>} : memref<2x160x128xf32, #tpu.memory_space<vmem>>, vector<16xf32>,
          %get3A_1937 = arith.constant 0 : i32
          %get3A_1938 = arith.index_cast %get3A_1937 : i32 to index
          %get3A_1939 = arith.index_cast %add3A_1866 : i32 to index
          %get3A_1940 = arith.constant 80 : index
          %get3A_1941 = tpu.vector_load %arg7[%get3A_1938, %get3A_1939, %get3A_1940] {strides = array<i32>} : memref<2x160x128xf32, #tpu.memory_space<vmem>>, vector<16xf32>,
          %mul3A_1942 = vector.broadcast %squeeze3A_1862 : f32 to vector<16xf32>
          %mul3A_1943 = arith.mulf %get3A_1941, %mul3A_1942 : vector<16xf32>
          %add3A_1944 = vector.broadcast %squeeze3A_1864 : f32 to vector<16xf32>
          %add3A_1945 = arith.addf %mul3A_1943, %add3A_1944 : vector<16xf32>
          %swap3A_1946 = arith.constant 0 : i32
          %swap3A_1947 = arith.index_cast %swap3A_1946 : i32 to index
          %swap3A_1948 = arith.index_cast %add3A_1866 : i32 to index
          %swap3A_1949 = arith.constant 80 : index
          %swap3A_1950 = tpu.vector_load %arg8[%swap3A_1947, %swap3A_1948, %swap3A_1949] {strides = array<i32>} : memref<2x160x128xf32, #tpu.memory_space<vmem>>, vector<16xf32>,
          tpu.vector_store %arg8[%swap3A_1947, %swap3A_1948, %swap3A_1949], %add3A_1945 {strides = array<i32>} : memref<2x160x128xf32, #tpu.memory_space<vmem>>, vector<16xf32>,
          %get3A_1951 = arith.constant 0 : i32
          %get3A_1952 = arith.index_cast %get3A_1951 : i32 to index
          %get3A_1953 = arith.index_cast %add3A_1866 : i32 to index
          %get3A_1954 = arith.constant 96 : index
          %get3A_1955 = tpu.vector_load %arg7[%get3A_1952, %get3A_1953, %get3A_1954] {strides = array<i32>} : memref<2x160x128xf32, #tpu.memory_space<vmem>>, vector<16xf32>,
          %mul3A_1956 = vector.broadcast %squeeze3A_1862 : f32 to vector<16xf32>
          %mul3A_1957 = arith.mulf %get3A_1955, %mul3A_1956 : vector<16xf32>
          %add3A_1958 = vector.broadcast %squeeze3A_1864 : f32 to vector<16xf32>
          %add3A_1959 = arith.addf %mul3A_1957, %add3A_1958 : vector<16xf32>
          %swap3A_1960 = arith.constant 0 : i32
          %swap3A_1961 = arith.index_cast %swap3A_1960 : i32 to index
          %swap3A_1962 = arith.index_cast %add3A_1866 : i32 to index
          %swap3A_1963 = arith.constant 96 : index
          %swap3A_1964 = tpu.vector_load %arg8[%swap3A_1961, %swap3A_1962, %swap3A_1963] {strides = array<i32>} : memref<2x160x128xf32, #tpu.memory_space<vmem>>, vector<16xf32>,
          tpu.vector_store %arg8[%swap3A_1961, %swap3A_1962, %swap3A_1963], %add3A_1959 {strides = array<i32>} : memref<2x160x128xf32, #tpu.memory_space<vmem>>, vector<16xf32>,
          %get3A_1965 = arith.constant 0 : i32
          %get3A_1966 = arith.index_cast %get3A_1965 : i32 to index
          %get3A_1967 = arith.index_cast %add3A_1866 : i32 to index
          %get3A_1968 = arith.constant 112 : index
          %get3A_1969 = tpu.vector_load %arg7[%get3A_1966, %get3A_1967, %get3A_1968] {strides = array<i32>} : memref<2x160x128xf32, #tpu.memory_space<vmem>>, vector<16xf32>,
          %mul3A_1970 = vector.broadcast %squeeze3A_1862 : f32 to vector<16xf32>
          %mul3A_1971 = arith.mulf %get3A_1969, %mul3A_1970 : vector<16xf32>
          %add3A_1972 = vector.broadcast %squeeze3A_1864 : f32 to vector<16xf32>
          %add3A_1973 = arith.addf %mul3A_1971, %add3A_1972 : vector<16xf32>
          %swap3A_1974 = arith.constant 0 : i32
          %swap3A_1975 = arith.index_cast %swap3A_1974 : i32 to index
          %swap3A_1976 = arith.index_cast %add3A_1866 : i32 to index
          %swap3A_1977 = arith.constant 112 : index
          %swap3A_1978 = tpu.vector_load %arg8[%swap3A_1975, %swap3A_1976, %swap3A_1977] {strides = array<i32>} : memref<2x160x128xf32, #tpu.memory_space<vmem>>, vector<16xf32>,
          tpu.vector_store %arg8[%swap3A_1975, %swap3A_1976, %swap3A_1977], %add3A_1973 {strides = array<i32>} : memref<2x160x128xf32, #tpu.memory_space<vmem>>, vector<16xf32>,
          %slice3A_1979 = vector.extract_strided_slice %gather3A {offsets = [15], sizes = [1], strides = [1]} : vector<16xf32> to vector<1xf32>
          %squeeze3A_1980 = vector.extract %slice3A_1979[0] : f32 from vector<1xf32>
          %slice3A_1981 = vector.extract_strided_slice %gather3A_209 {offsets = [15], sizes = [1], strides = [1]} : vector<16xf32> to vector<1xf32>
          %squeeze3A_1982 = vector.extract %slice3A_1981[0] : f32 from vector<1xf32>
          %add3A_1983 = arith.constant 15 : i32
          %add3A_1984 = arith.addi %mul3A_211, %add3A_1983 : i32
          %get3A_1985 = arith.constant 0 : i32
          %get3A_1986 = arith.index_cast %get3A_1985 : i32 to index
          %get3A_1987 = arith.index_cast %add3A_1984 : i32 to index
          %get3A_1988 = arith.constant 0 : index
          %get3A_1989 = tpu.vector_load %arg7[%get3A_1986, %get3A_1987, %get3A_1988] {strides = array<i32>} : memref<2x160x128xf32, #tpu.memory_space<vmem>>, vector<16xf32>,
          %mul3A_1990 = vector.broadcast %squeeze3A_1980 : f32 to vector<16xf32>
          %mul3A_1991 = arith.mulf %get3A_1989, %mul3A_1990 : vector<16xf32>
          %add3A_1992 = vector.broadcast %squeeze3A_1982 : f32 to vector<16xf32>
          %add3A_1993 = arith.addf %mul3A_1991, %add3A_1992 : vector<16xf32>
          %swap3A_1994 = arith.constant 0 : i32
          %swap3A_1995 = arith.index_cast %swap3A_1994 : i32 to index
          %swap3A_1996 = arith.index_cast %add3A_1984 : i32 to index
          %swap3A_1997 = arith.constant 0 : index
          %swap3A_1998 = tpu.vector_load %arg8[%swap3A_1995, %swap3A_1996, %swap3A_1997] {strides = array<i32>} : memref<2x160x128xf32, #tpu.memory_space<vmem>>, vector<16xf32>,
          tpu.vector_store %arg8[%swap3A_1995, %swap3A_1996, %swap3A_1997], %add3A_1993 {strides = array<i32>} : memref<2x160x128xf32, #tpu.memory_space<vmem>>, vector<16xf32>,
          %get3A_1999 = arith.constant 0 : i32
          %get3A_2000 = arith.index_cast %get3A_1999 : i32 to index
          %get3A_2001 = arith.index_cast %add3A_1984 : i32 to index
          %get3A_2002 = arith.constant 16 : index
          %get3A_2003 = tpu.vector_load %arg7[%get3A_2000, %get3A_2001, %get3A_2002] {strides = array<i32>} : memref<2x160x128xf32, #tpu.memory_space<vmem>>, vector<16xf32>,
          %mul3A_2004 = vector.broadcast %squeeze3A_1980 : f32 to vector<16xf32>
          %mul3A_2005 = arith.mulf %get3A_2003, %mul3A_2004 : vector<16xf32>
          %add3A_2006 = vector.broadcast %squeeze3A_1982 : f32 to vector<16xf32>
          %add3A_2007 = arith.addf %mul3A_2005, %add3A_2006 : vector<16xf32>
          %swap3A_2008 = arith.constant 0 : i32
          %swap3A_2009 = arith.index_cast %swap3A_2008 : i32 to index
          %swap3A_2010 = arith.index_cast %add3A_1984 : i32 to index
          %swap3A_2011 = arith.constant 16 : index
          %swap3A_2012 = tpu.vector_load %arg8[%swap3A_2009, %swap3A_2010, %swap3A_2011] {strides = array<i32>} : memref<2x160x128xf32, #tpu.memory_space<vmem>>, vector<16xf32>,
          tpu.vector_store %arg8[%swap3A_2009, %swap3A_2010, %swap3A_2011], %add3A_2007 {strides = array<i32>} : memref<2x160x128xf32, #tpu.memory_space<vmem>>, vector<16xf32>,
          %get3A_2013 = arith.constant 0 : i32
          %get3A_2014 = arith.index_cast %get3A_2013 : i32 to index
          %get3A_2015 = arith.index_cast %add3A_1984 : i32 to index
          %get3A_2016 = arith.constant 32 : index
          %get3A_2017 = tpu.vector_load %arg7[%get3A_2014, %get3A_2015, %get3A_2016] {strides = array<i32>} : memref<2x160x128xf32, #tpu.memory_space<vmem>>, vector<16xf32>,
          %mul3A_2018 = vector.broadcast %squeeze3A_1980 : f32 to vector<16xf32>
          %mul3A_2019 = arith.mulf %get3A_2017, %mul3A_2018 : vector<16xf32>
          %add3A_2020 = vector.broadcast %squeeze3A_1982 : f32 to vector<16xf32>
          %add3A_2021 = arith.addf %mul3A_2019, %add3A_2020 : vector<16xf32>
          %swap3A_2022 = arith.constant 0 : i32
          %swap3A_2023 = arith.index_cast %swap3A_2022 : i32 to index
          %swap3A_2024 = arith.index_cast %add3A_1984 : i32 to index
          %swap3A_2025 = arith.constant 32 : index
          %swap3A_2026 = tpu.vector_load %arg8[%swap3A_2023, %swap3A_2024, %swap3A_2025] {strides = array<i32>} : memref<2x160x128xf32, #tpu.memory_space<vmem>>, vector<16xf32>,
          tpu.vector_store %arg8[%swap3A_2023, %swap3A_2024, %swap3A_2025], %add3A_2021 {strides = array<i32>} : memref<2x160x128xf32, #tpu.memory_space<vmem>>, vector<16xf32>,
          %get3A_2027 = arith.constant 0 : i32
          %get3A_2028 = arith.index_cast %get3A_2027 : i32 to index
          %get3A_2029 = arith.index_cast %add3A_1984 : i32 to index
          %get3A_2030 = arith.constant 48 : index
          %get3A_2031 = tpu.vector_load %arg7[%get3A_2028, %get3A_2029, %get3A_2030] {strides = array<i32>} : memref<2x160x128xf32, #tpu.memory_space<vmem>>, vector<16xf32>,
          %mul3A_2032 = vector.broadcast %squeeze3A_1980 : f32 to vector<16xf32>
          %mul3A_2033 = arith.mulf %get3A_2031, %mul3A_2032 : vector<16xf32>
          %add3A_2034 = vector.broadcast %squeeze3A_1982 : f32 to vector<16xf32>
          %add3A_2035 = arith.addf %mul3A_2033, %add3A_2034 : vector<16xf32>
          %swap3A_2036 = arith.constant 0 : i32
          %swap3A_2037 = arith.index_cast %swap3A_2036 : i32 to index
          %swap3A_2038 = arith.index_cast %add3A_1984 : i32 to index
          %swap3A_2039 = arith.constant 48 : index
          %swap3A_2040 = tpu.vector_load %arg8[%swap3A_2037, %swap3A_2038, %swap3A_2039] {strides = array<i32>} : memref<2x160x128xf32, #tpu.memory_space<vmem>>, vector<16xf32>,
          tpu.vector_store %arg8[%swap3A_2037, %swap3A_2038, %swap3A_2039], %add3A_2035 {strides = array<i32>} : memref<2x160x128xf32, #tpu.memory_space<vmem>>, vector<16xf32>,
          %get3A_2041 = arith.constant 0 : i32
          %get3A_2042 = arith.index_cast %get3A_2041 : i32 to index
          %get3A_2043 = arith.index_cast %add3A_1984 : i32 to index
          %get3A_2044 = arith.constant 64 : index
          %get3A_2045 = tpu.vector_load %arg7[%get3A_2042, %get3A_2043, %get3A_2044] {strides = array<i32>} : memref<2x160x128xf32, #tpu.memory_space<vmem>>, vector<16xf32>,
          %mul3A_2046 = vector.broadcast %squeeze3A_1980 : f32 to vector<16xf32>
          %mul3A_2047 = arith.mulf %get3A_2045, %mul3A_2046 : vector<16xf32>
          %add3A_2048 = vector.broadcast %squeeze3A_1982 : f32 to vector<16xf32>
          %add3A_2049 = arith.addf %mul3A_2047, %add3A_2048 : vector<16xf32>
          %swap3A_2050 = arith.constant 0 : i32
          %swap3A_2051 = arith.index_cast %swap3A_2050 : i32 to index
          %swap3A_2052 = arith.index_cast %add3A_1984 : i32 to index
          %swap3A_2053 = arith.constant 64 : index
          %swap3A_2054 = tpu.vector_load %arg8[%swap3A_2051, %swap3A_2052, %swap3A_2053] {strides = array<i32>} : memref<2x160x128xf32, #tpu.memory_space<vmem>>, vector<16xf32>,
          tpu.vector_store %arg8[%swap3A_2051, %swap3A_2052, %swap3A_2053], %add3A_2049 {strides = array<i32>} : memref<2x160x128xf32, #tpu.memory_space<vmem>>, vector<16xf32>,
          %get3A_2055 = arith.constant 0 : i32
          %get3A_2056 = arith.index_cast %get3A_2055 : i32 to index
          %get3A_2057 = arith.index_cast %add3A_1984 : i32 to index
          %get3A_2058 = arith.constant 80 : index
          %get3A_2059 = tpu.vector_load %arg7[%get3A_2056, %get3A_2057, %get3A_2058] {strides = array<i32>} : memref<2x160x128xf32, #tpu.memory_space<vmem>>, vector<16xf32>,
          %mul3A_2060 = vector.broadcast %squeeze3A_1980 : f32 to vector<16xf32>
          %mul3A_2061 = arith.mulf %get3A_2059, %mul3A_2060 : vector<16xf32>
          %add3A_2062 = vector.broadcast %squeeze3A_1982 : f32 to vector<16xf32>
          %add3A_2063 = arith.addf %mul3A_2061, %add3A_2062 : vector<16xf32>
          %swap3A_2064 = arith.constant 0 : i32
          %swap3A_2065 = arith.index_cast %swap3A_2064 : i32 to index
          %swap3A_2066 = arith.index_cast %add3A_1984 : i32 to index
          %swap3A_2067 = arith.constant 80 : index
          %swap3A_2068 = tpu.vector_load %arg8[%swap3A_2065, %swap3A_2066, %swap3A_2067] {strides = array<i32>} : memref<2x160x128xf32, #tpu.memory_space<vmem>>, vector<16xf32>,
          tpu.vector_store %arg8[%swap3A_2065, %swap3A_2066, %swap3A_2067], %add3A_2063 {strides = array<i32>} : memref<2x160x128xf32, #tpu.memory_space<vmem>>, vector<16xf32>,
          %get3A_2069 = arith.constant 0 : i32
          %get3A_2070 = arith.index_cast %get3A_2069 : i32 to index
          %get3A_2071 = arith.index_cast %add3A_1984 : i32 to index
          %get3A_2072 = arith.constant 96 : index
          %get3A_2073 = tpu.vector_load %arg7[%get3A_2070, %get3A_2071, %get3A_2072] {strides = array<i32>} : memref<2x160x128xf32, #tpu.memory_space<vmem>>, vector<16xf32>,
          %mul3A_2074 = vector.broadcast %squeeze3A_1980 : f32 to vector<16xf32>
          %mul3A_2075 = arith.mulf %get3A_2073, %mul3A_2074 : vector<16xf32>
          %add3A_2076 = vector.broadcast %squeeze3A_1982 : f32 to vector<16xf32>
          %add3A_2077 = arith.addf %mul3A_2075, %add3A_2076 : vector<16xf32>
          %swap3A_2078 = arith.constant 0 : i32
          %swap3A_2079 = arith.index_cast %swap3A_2078 : i32 to index
          %swap3A_2080 = arith.index_cast %add3A_1984 : i32 to index
          %swap3A_2081 = arith.constant 96 : index
          %swap3A_2082 = tpu.vector_load %arg8[%swap3A_2079, %swap3A_2080, %swap3A_2081] {strides = array<i32>} : memref<2x160x128xf32, #tpu.memory_space<vmem>>, vector<16xf32>,
          tpu.vector_store %arg8[%swap3A_2079, %swap3A_2080, %swap3A_2081], %add3A_2077 {strides = array<i32>} : memref<2x160x128xf32, #tpu.memory_space<vmem>>, vector<16xf32>,
          %get3A_2083 = arith.constant 0 : i32
          %get3A_2084 = arith.index_cast %get3A_2083 : i32 to index
          %get3A_2085 = arith.index_cast %add3A_1984 : i32 to index
          %get3A_2086 = arith.constant 112 : index
          %get3A_2087 = tpu.vector_load %arg7[%get3A_2084, %get3A_2085, %get3A_2086] {strides = array<i32>} : memref<2x160x128xf32, #tpu.memory_space<vmem>>, vector<16xf32>,
          %mul3A_2088 = vector.broadcast %squeeze3A_1980 : f32 to vector<16xf32>
          %mul3A_2089 = arith.mulf %get3A_2087, %mul3A_2088 : vector<16xf32>
          %add3A_2090 = vector.broadcast %squeeze3A_1982 : f32 to vector<16xf32>
          %add3A_2091 = arith.addf %mul3A_2089, %add3A_2090 : vector<16xf32>
          %swap3A_2092 = arith.constant 0 : i32
          %swap3A_2093 = arith.index_cast %swap3A_2092 : i32 to index
          %swap3A_2094 = arith.index_cast %add3A_1984 : i32 to index
          %swap3A_2095 = arith.constant 112 : index
          %swap3A_2096 = tpu.vector_load %arg8[%swap3A_2093, %swap3A_2094, %swap3A_2095] {strides = array<i32>} : memref<2x160x128xf32, #tpu.memory_space<vmem>>, vector<16xf32>,
          tpu.vector_store %arg8[%swap3A_2093, %swap3A_2094, %swap3A_2095], %add3A_2091 {strides = array<i32>} : memref<2x160x128xf32, #tpu.memory_space<vmem>>, vector<16xf32>,
        }
        %scan3A_204 = arith.constant 10 : i32
      } else {
      }
      %mul3A_100 = arith.constant 32 : i32
      %mul3A_101 = arith.muli %add3A_65, %mul3A_100 : i32
      %add3A_102 = arith.addi %add3A, %mul3A_101 : i32
      %mul3A_103 = arith.constant 32 : i32
      %mul3A_104 = arith.muli %add3A_65, %mul3A_103 : i32
      %add3A_105 = arith.addi %add3A, %mul3A_104 : i32
      %ge3A_106 = arith.constant 0 : i32
      %ge3A_107 = arith.cmpi sge, %add3A_65, %ge3A_106 : i32
      %lt3A_108 = arith.constant 625 : i32
      %lt3A_109 = arith.cmpi slt, %add3A_105, %lt3A_108 : i32
      %and3A_110 = arith.andi %ge3A_107, %lt3A_109 : i1
      %convert_element_type3A_111 = arith.extui %and3A_110 : i1 to i32
      %cond3A_112 = arith.constant 0 : i32
      %cond3A_113 = arith.cmpi ne, %convert_element_type3A_111, %cond3A_112 : i32
      scf.if %cond3A_113 {
        %mul3A_199 = arith.constant 160 : i32
        %mul3A_200 = arith.muli %add3A_102, %mul3A_199 : i32
        %dma_start3A = arith.constant 0 : i32
        %dma_start3A_201 = arith.constant 0 : i32
        %dma_start3A_202 = arith.constant 0 : i32
        %dma_start3A_203 = tpu.memref_slice %arg8[%dma_start3A, %dma_start3A_201, %dma_start3A_202] : memref<2x160x128xf32, #tpu.memory_space<vmem>> -> memref<1x160x128xf32, #tpu.memory_space<vmem>>
        %dma_start3A_204 = tpu.memref_squeeze %dma_start3A_203 : memref<1x160x128xf32, #tpu.memory_space<vmem>> -> memref<160x128xf32, #tpu.memory_space<vmem>>
        %dma_start3A_205 = arith.constant 0 : i32
        %dma_start3A_206 = tpu.memref_slice %arg6[%mul3A_200, %dma_start3A_205] : memref<100000x128xf32, #tpu.memory_space<hbm>> -> memref<160x128xf32, #tpu.memory_space<hbm>>
        %dma_start3A_207 = arith.constant 0 : i32
        %dma_start3A_208 = tpu.memref_slice %arg6[%mul3A_200, %dma_start3A_207] : memref<100000x128xf32, #tpu.memory_space<hbm>> -> memref<160x128xf32, #tpu.memory_space<hbm>>
        %dma_start3A_209 = arith.constant 0 : i32
        %dma_start3A_210 = arith.constant 0 : i32
        %dma_start3A_211 = tpu.memref_slice %arg8[%dma_start3A, %dma_start3A_209, %dma_start3A_210] : memref<2x160x128xf32, #tpu.memory_space<vmem>> -> memref<1x160x128xf32, #tpu.memory_space<vmem>>
        %dma_start3A_212 = tpu.memref_squeeze %dma_start3A_211 : memref<1x160x128xf32, #tpu.memory_space<vmem>> -> memref<160x128xf32, #tpu.memory_space<vmem>>
        tpu.enqueue_dma source(%dma_start3A_212 : memref<160x128xf32, #tpu.memory_space<vmem>>) target(%dma_start3A_208 : memref<160x128xf32, #tpu.memory_space<hbm>>) target_semaphore(%arg15 : memref<!tpu.dma_semaphore, #tpu.memory_space<semaphore_mem>>)
      } else {
      }
      %add3A_114 = arith.constant 2 : i32
      %add3A_115 = arith.addi %add3A_65, %add3A_114 : i32
      %mul3A_116 = arith.constant 32 : i32
      %mul3A_117 = arith.muli %add3A_115, %mul3A_116 : i32
      %add3A_118 = arith.addi %add3A, %mul3A_117 : i32
      %mul3A_119 = arith.constant 32 : i32
      %mul3A_120 = arith.muli %add3A_115, %mul3A_119 : i32
      %add3A_121 = arith.addi %add3A, %mul3A_120 : i32
      %ge3A_122 = arith.constant 0 : i32
      %ge3A_123 = arith.cmpi sge, %add3A_115, %ge3A_122 : i32
      %lt3A_124 = arith.constant 625 : i32
      %lt3A_125 = arith.cmpi slt, %add3A_121, %lt3A_124 : i32
      %and3A_126 = arith.andi %ge3A_123, %lt3A_125 : i1
      %convert_element_type3A_127 = arith.extui %and3A_126 : i1 to i32
      %cond3A_128 = arith.constant 0 : i32
      %cond3A_129 = arith.cmpi ne, %convert_element_type3A_127, %cond3A_128 : i32
      scf.if %cond3A_129 {
        %mul3A_199 = arith.constant 160 : i32
        %mul3A_200 = arith.muli %add3A_118, %mul3A_199 : i32
        %dma_start3A = arith.constant 0 : i32
        %dma_start3A_201 = arith.constant 0 : i32
        %dma_start3A_202 = arith.constant 0 : i32
        %dma_start3A_203 = tpu.memref_slice %arg7[%dma_start3A, %dma_start3A_201, %dma_start3A_202] : memref<2x160x128xf32, #tpu.memory_space<vmem>> -> memref<1x160x128xf32, #tpu.memory_space<vmem>>
        %dma_start3A_204 = tpu.memref_squeeze %dma_start3A_203 : memref<1x160x128xf32, #tpu.memory_space<vmem>> -> memref<160x128xf32, #tpu.memory_space<vmem>>
        %dma_start3A_205 = arith.constant 0 : i32
        %dma_start3A_206 = tpu.memref_slice %arg2[%mul3A_200, %dma_start3A_205] : memref<100000x128xf32, #tpu.memory_space<hbm>> -> memref<160x128xf32, #tpu.memory_space<hbm>>
        %dma_start3A_207 = arith.constant 0 : i32
        %dma_start3A_208 = arith.constant 0 : i32
        %dma_start3A_209 = tpu.memref_slice %arg7[%dma_start3A, %dma_start3A_207, %dma_start3A_208] : memref<2x160x128xf32, #tpu.memory_space<vmem>> -> memref<1x160x128xf32, #tpu.memory_space<vmem>>
        %dma_start3A_210 = tpu.memref_squeeze %dma_start3A_209 : memref<1x160x128xf32, #tpu.memory_space<vmem>> -> memref<160x128xf32, #tpu.memory_space<vmem>>
        %dma_start3A_211 = arith.constant 0 : i32
        %dma_start3A_212 = tpu.memref_slice %arg2[%mul3A_200, %dma_start3A_211] : memref<100000x128xf32, #tpu.memory_space<hbm>> -> memref<160x128xf32, #tpu.memory_space<hbm>>
        tpu.enqueue_dma source(%dma_start3A_212 : memref<160x128xf32, #tpu.memory_space<hbm>>) target(%dma_start3A_210 : memref<160x128xf32, #tpu.memory_space<vmem>>) target_semaphore(%arg13 : memref<!tpu.dma_semaphore, #tpu.memory_space<semaphore_mem>>)
        %dma_start3A_213 = tpu.memref_slice %arg3[%mul3A_200] : memref<100000xi32, #tpu.memory_space<hbm>> -> memref<160xi32, #tpu.memory_space<hbm>>
        %dma_start3A_214 = tpu.memref_slice %arg3[%mul3A_200] : memref<100000xi32, #tpu.memory_space<hbm>> -> memref<160xi32, #tpu.memory_space<hbm>>
        tpu.enqueue_dma source(%dma_start3A_214 : memref<160xi32, #tpu.memory_space<hbm>>) target(%arg9 : memref<160xi32, #tpu.memory_space<vmem>>) target_semaphore(%arg13 : memref<!tpu.dma_semaphore, #tpu.memory_space<semaphore_mem>>)
      } else {
      }
      %mul3A_130 = arith.constant 2 : i32
      %mul3A_131 = arith.muli %mul3A_130, %scan3A_61 : i32
      %add3A_132 = arith.constant 1 : i32
      %add3A_133 = arith.addi %mul3A_131, %add3A_132 : i32
      %mul3A_134 = arith.constant 32 : i32
      %mul3A_135 = arith.muli %add3A_133, %mul3A_134 : i32
      %add3A_136 = arith.addi %add3A, %mul3A_135 : i32
      %ge3A_137 = arith.constant 0 : i32
      %ge3A_138 = arith.cmpi sge, %add3A_133, %ge3A_137 : i32
      %lt3A_139 = arith.constant 625 : i32
      %lt3A_140 = arith.cmpi slt, %add3A_136, %lt3A_139 : i32
      %and3A_141 = arith.andi %ge3A_138, %lt3A_140 : i1
      %convert_element_type3A_142 = arith.extui %and3A_141 : i1 to i32
      %cond3A_143 = arith.constant 0 : i32
      %cond3A_144 = arith.cmpi ne, %convert_element_type3A_142, %cond3A_143 : i32
      scf.if %cond3A_144 {
        %dma_wait3A = arith.constant 1 : i32
        %dma_wait3A_199 = arith.constant 0 : i32
        %dma_wait3A_200 = arith.constant 0 : i32
        %dma_wait3A_201 = tpu.memref_slice %arg7[%dma_wait3A, %dma_wait3A_199, %dma_wait3A_200] : memref<2x160x128xf32, #tpu.memory_space<vmem>> -> memref<1x160x128xf32, #tpu.memory_space<vmem>>
        %dma_wait3A_202 = tpu.memref_squeeze %dma_wait3A_201 : memref<1x160x128xf32, #tpu.memory_space<vmem>> -> memref<160x128xf32, #tpu.memory_space<vmem>>
        %dma_wait3A_203 = arith.constant 0 : i32
        %dma_wait3A_204 = arith.constant 0 : i32
        %dma_wait3A_205 = tpu.memref_slice %arg2[%dma_wait3A_203, %dma_wait3A_204] : memref<100000x128xf32, #tpu.memory_space<hbm>> -> memref<160x128xf32, #tpu.memory_space<hbm>>
        %dma_wait3A_206 = arith.constant 0 : i32
        %dma_wait3A_207 = arith.constant 0 : i32
        %dma_wait3A_208 = tpu.memref_slice %arg7[%dma_wait3A, %dma_wait3A_206, %dma_wait3A_207] : memref<2x160x128xf32, #tpu.memory_space<vmem>> -> memref<1x160x128xf32, #tpu.memory_space<vmem>>
        %dma_wait3A_209 = tpu.memref_squeeze %dma_wait3A_208 : memref<1x160x128xf32, #tpu.memory_space<vmem>> -> memref<160x128xf32, #tpu.memory_space<vmem>>
        %dma_wait3A_210 = arith.constant 0 : i32
        %dma_wait3A_211 = arith.constant 0 : i32
        %dma_wait3A_212 = tpu.memref_slice %arg2[%dma_wait3A_210, %dma_wait3A_211] : memref<100000x128xf32, #tpu.memory_space<hbm>> -> memref<160x128xf32, #tpu.memory_space<hbm>>
        tpu.wait_dma2 semaphore(%arg14 : memref<!tpu.dma_semaphore, #tpu.memory_space<semaphore_mem>>) src(%dma_wait3A_212 : memref<160x128xf32, #tpu.memory_space<hbm>>) dst(%dma_wait3A_209 : memref<160x128xf32, #tpu.memory_space<vmem>>)
        %dma_wait3A_213 = arith.constant 0 : i32
        %dma_wait3A_214 = tpu.memref_slice %arg3[%dma_wait3A_213] : memref<100000xi32, #tpu.memory_space<hbm>> -> memref<160xi32, #tpu.memory_space<hbm>>
        %dma_wait3A_215 = arith.constant 0 : i32
        %dma_wait3A_216 = tpu.memref_slice %arg3[%dma_wait3A_215] : memref<100000xi32, #tpu.memory_space<hbm>> -> memref<160xi32, #tpu.memory_space<hbm>>
        tpu.wait_dma2 semaphore(%arg14 : memref<!tpu.dma_semaphore, #tpu.memory_space<semaphore_mem>>) src(%dma_wait3A_216 : memref<160xi32, #tpu.memory_space<hbm>>) dst(%arg10 : memref<160xi32, #tpu.memory_space<vmem>>)
      } else {
      }
      %sub3A_145 = arith.constant 2 : i32
      %sub3A_146 = arith.subi %add3A_133, %sub3A_145 : i32
      %mul3A_147 = arith.constant 32 : i32
      %mul3A_148 = arith.muli %sub3A_146, %mul3A_147 : i32
      %add3A_149 = arith.addi %add3A, %mul3A_148 : i32
      %ge3A_150 = arith.constant 0 : i32
      %ge3A_151 = arith.cmpi sge, %sub3A_146, %ge3A_150 : i32
      %lt3A_152 = arith.constant 625 : i32
      %lt3A_153 = arith.cmpi slt, %add3A_149, %lt3A_152 : i32
      %and3A_154 = arith.andi %ge3A_151, %lt3A_153 : i1
      %convert_element_type3A_155 = arith.extui %and3A_154 : i1 to i32
      %cond3A_156 = arith.constant 0 : i32
      %cond3A_157 = arith.cmpi ne, %convert_element_type3A_155, %cond3A_156 : i32
      scf.if %cond3A_157 {
        %dma_wait3A = arith.constant 1 : i32
        %dma_wait3A_199 = arith.constant 0 : i32
        %dma_wait3A_200 = arith.constant 0 : i32
        %dma_wait3A_201 = tpu.memref_slice %arg8[%dma_wait3A, %dma_wait3A_199, %dma_wait3A_200] : memref<2x160x128xf32, #tpu.memory_space<vmem>> -> memref<1x160x128xf32, #tpu.memory_space<vmem>>
        %dma_wait3A_202 = tpu.memref_squeeze %dma_wait3A_201 : memref<1x160x128xf32, #tpu.memory_space<vmem>> -> memref<160x128xf32, #tpu.memory_space<vmem>>
        %dma_wait3A_203 = arith.constant 0 : i32
        %dma_wait3A_204 = arith.constant 0 : i32
        %dma_wait3A_205 = tpu.memref_slice %arg6[%dma_wait3A_203, %dma_wait3A_204] : memref<100000x128xf32, #tpu.memory_space<hbm>> -> memref<160x128xf32, #tpu.memory_space<hbm>>
        %dma_wait3A_206 = arith.constant 0 : i32
        %dma_wait3A_207 = arith.constant 0 : i32
        %dma_wait3A_208 = tpu.memref_slice %arg6[%dma_wait3A_206, %dma_wait3A_207] : memref<100000x128xf32, #tpu.memory_space<hbm>> -> memref<160x128xf32, #tpu.memory_space<hbm>>
        %dma_wait3A_209 = arith.constant 0 : i32
        %dma_wait3A_210 = arith.constant 0 : i32
        %dma_wait3A_211 = tpu.memref_slice %arg8[%dma_wait3A, %dma_wait3A_209, %dma_wait3A_210] : memref<2x160x128xf32, #tpu.memory_space<vmem>> -> memref<1x160x128xf32, #tpu.memory_space<vmem>>
        %dma_wait3A_212 = tpu.memref_squeeze %dma_wait3A_211 : memref<1x160x128xf32, #tpu.memory_space<vmem>> -> memref<160x128xf32, #tpu.memory_space<vmem>>
        tpu.wait_dma2 semaphore(%arg16 : memref<!tpu.dma_semaphore, #tpu.memory_space<semaphore_mem>>) src(%dma_wait3A_212 : memref<160x128xf32, #tpu.memory_space<vmem>>) dst(%dma_wait3A_208 : memref<160x128xf32, #tpu.memory_space<hbm>>)
      } else {
      }
      %mul3A_158 = arith.constant 32 : i32
      %mul3A_159 = arith.muli %add3A_133, %mul3A_158 : i32
      %add3A_160 = arith.addi %add3A, %mul3A_159 : i32
      %ge3A_161 = arith.constant 0 : i32
      %ge3A_162 = arith.cmpi sge, %add3A_133, %ge3A_161 : i32
      %lt3A_163 = arith.constant 625 : i32
      %lt3A_164 = arith.cmpi slt, %add3A_160, %lt3A_163 : i32
      %and3A_165 = arith.andi %ge3A_162, %lt3A_164 : i1
      %convert_element_type3A_166 = arith.extui %and3A_165 : i1 to i32
      %cond3A_167 = arith.constant 0 : i32
      %cond3A_168 = arith.cmpi ne, %convert_element_type3A_166, %cond3A_167 : i32
      scf.if %cond3A_168 {
        %scan3A_199 = arith.constant 0 : i32
        %scan3A_200 = arith.constant 0 : i32
        %scan3A_201 = arith.constant 10 : i32
        %scan3A_202 = arith.addi %scan3A_200, %scan3A_201 : i32
        %scan3A_203 = arith.constant 1 : i32
        scf.for %scan3A_205 = %scan3A_200 to %scan3A_202 step %scan3A_203  : i32 {
          %mul3A_206 = arith.constant 16 : i32
          %mul3A_207 = arith.muli %scan3A_205, %mul3A_206 : i32
          %get3A = arith.index_cast %mul3A_207 : i32 to index
          %get3A_208 = tpu.vector_load %arg10[%get3A] {strides = array<i32>} : memref<160xi32, #tpu.memory_space<vmem>>, vector<16xi32>,
          %gather3A = tpu.vector_load_idx %arg11[%get3A_208] : memref<119xf32, #tpu.memory_space<vmem>>[vector<16xi32>], vector<16xf32>,
          %gather3A_209 = tpu.vector_load_idx %arg12[%get3A_208] : memref<119xf32, #tpu.memory_space<vmem>>[vector<16xi32>], vector<16xf32>,
          %mul3A_210 = arith.constant 16 : i32
          %mul3A_211 = arith.muli %scan3A_205, %mul3A_210 : i32
          %slice3A = vector.extract_strided_slice %gather3A {offsets = [0], sizes = [1], strides = [1]} : vector<16xf32> to vector<1xf32>
          %squeeze3A = vector.extract %slice3A[0] : f32 from vector<1xf32>
          %slice3A_212 = vector.extract_strided_slice %gather3A_209 {offsets = [0], sizes = [1], strides = [1]} : vector<16xf32> to vector<1xf32>
          %squeeze3A_213 = vector.extract %slice3A_212[0] : f32 from vector<1xf32>
          %add3A_214 = arith.constant 0 : i32
          %add3A_215 = arith.addi %mul3A_211, %add3A_214 : i32
          %get3A_216 = arith.constant 1 : i32
          %get3A_217 = arith.index_cast %get3A_216 : i32 to index
          %get3A_218 = arith.index_cast %add3A_215 : i32 to index
          %get3A_219 = arith.constant 0 : index
          %get3A_220 = tpu.vector_load %arg7[%get3A_217, %get3A_218, %get3A_219] {strides = array<i32>} : memref<2x160x128xf32, #tpu.memory_space<vmem>>, vector<16xf32>,
          %mul3A_221 = vector.broadcast %squeeze3A : f32 to vector<16xf32>
          %mul3A_222 = arith.mulf %get3A_220, %mul3A_221 : vector<16xf32>
          %add3A_223 = vector.broadcast %squeeze3A_213 : f32 to vector<16xf32>
          %add3A_224 = arith.addf %mul3A_222, %add3A_223 : vector<16xf32>
          %swap3A = arith.constant 1 : i32
          %swap3A_225 = arith.index_cast %swap3A : i32 to index
          %swap3A_226 = arith.index_cast %add3A_215 : i32 to index
          %swap3A_227 = arith.constant 0 : index
          %swap3A_228 = tpu.vector_load %arg8[%swap3A_225, %swap3A_226, %swap3A_227] {strides = array<i32>} : memref<2x160x128xf32, #tpu.memory_space<vmem>>, vector<16xf32>,
          tpu.vector_store %arg8[%swap3A_225, %swap3A_226, %swap3A_227], %add3A_224 {strides = array<i32>} : memref<2x160x128xf32, #tpu.memory_space<vmem>>, vector<16xf32>,
          %get3A_229 = arith.constant 1 : i32
          %get3A_230 = arith.index_cast %get3A_229 : i32 to index
          %get3A_231 = arith.index_cast %add3A_215 : i32 to index
          %get3A_232 = arith.constant 16 : index
          %get3A_233 = tpu.vector_load %arg7[%get3A_230, %get3A_231, %get3A_232] {strides = array<i32>} : memref<2x160x128xf32, #tpu.memory_space<vmem>>, vector<16xf32>,
          %mul3A_234 = vector.broadcast %squeeze3A : f32 to vector<16xf32>
          %mul3A_235 = arith.mulf %get3A_233, %mul3A_234 : vector<16xf32>
          %add3A_236 = vector.broadcast %squeeze3A_213 : f32 to vector<16xf32>
          %add3A_237 = arith.addf %mul3A_235, %add3A_236 : vector<16xf32>
          %swap3A_238 = arith.constant 1 : i32
          %swap3A_239 = arith.index_cast %swap3A_238 : i32 to index
          %swap3A_240 = arith.index_cast %add3A_215 : i32 to index
          %swap3A_241 = arith.constant 16 : index
          %swap3A_242 = tpu.vector_load %arg8[%swap3A_239, %swap3A_240, %swap3A_241] {strides = array<i32>} : memref<2x160x128xf32, #tpu.memory_space<vmem>>, vector<16xf32>,
          tpu.vector_store %arg8[%swap3A_239, %swap3A_240, %swap3A_241], %add3A_237 {strides = array<i32>} : memref<2x160x128xf32, #tpu.memory_space<vmem>>, vector<16xf32>,
          %get3A_243 = arith.constant 1 : i32
          %get3A_244 = arith.index_cast %get3A_243 : i32 to index
          %get3A_245 = arith.index_cast %add3A_215 : i32 to index
          %get3A_246 = arith.constant 32 : index
          %get3A_247 = tpu.vector_load %arg7[%get3A_244, %get3A_245, %get3A_246] {strides = array<i32>} : memref<2x160x128xf32, #tpu.memory_space<vmem>>, vector<16xf32>,
          %mul3A_248 = vector.broadcast %squeeze3A : f32 to vector<16xf32>
          %mul3A_249 = arith.mulf %get3A_247, %mul3A_248 : vector<16xf32>
          %add3A_250 = vector.broadcast %squeeze3A_213 : f32 to vector<16xf32>
          %add3A_251 = arith.addf %mul3A_249, %add3A_250 : vector<16xf32>
          %swap3A_252 = arith.constant 1 : i32
          %swap3A_253 = arith.index_cast %swap3A_252 : i32 to index
          %swap3A_254 = arith.index_cast %add3A_215 : i32 to index
          %swap3A_255 = arith.constant 32 : index
          %swap3A_256 = tpu.vector_load %arg8[%swap3A_253, %swap3A_254, %swap3A_255] {strides = array<i32>} : memref<2x160x128xf32, #tpu.memory_space<vmem>>, vector<16xf32>,
          tpu.vector_store %arg8[%swap3A_253, %swap3A_254, %swap3A_255], %add3A_251 {strides = array<i32>} : memref<2x160x128xf32, #tpu.memory_space<vmem>>, vector<16xf32>,
          %get3A_257 = arith.constant 1 : i32
          %get3A_258 = arith.index_cast %get3A_257 : i32 to index
          %get3A_259 = arith.index_cast %add3A_215 : i32 to index
          %get3A_260 = arith.constant 48 : index
          %get3A_261 = tpu.vector_load %arg7[%get3A_258, %get3A_259, %get3A_260] {strides = array<i32>} : memref<2x160x128xf32, #tpu.memory_space<vmem>>, vector<16xf32>,
          %mul3A_262 = vector.broadcast %squeeze3A : f32 to vector<16xf32>
          %mul3A_263 = arith.mulf %get3A_261, %mul3A_262 : vector<16xf32>
          %add3A_264 = vector.broadcast %squeeze3A_213 : f32 to vector<16xf32>
          %add3A_265 = arith.addf %mul3A_263, %add3A_264 : vector<16xf32>
          %swap3A_266 = arith.constant 1 : i32
          %swap3A_267 = arith.index_cast %swap3A_266 : i32 to index
          %swap3A_268 = arith.index_cast %add3A_215 : i32 to index
          %swap3A_269 = arith.constant 48 : index
          %swap3A_270 = tpu.vector_load %arg8[%swap3A_267, %swap3A_268, %swap3A_269] {strides = array<i32>} : memref<2x160x128xf32, #tpu.memory_space<vmem>>, vector<16xf32>,
          tpu.vector_store %arg8[%swap3A_267, %swap3A_268, %swap3A_269], %add3A_265 {strides = array<i32>} : memref<2x160x128xf32, #tpu.memory_space<vmem>>, vector<16xf32>,
          %get3A_271 = arith.constant 1 : i32
          %get3A_272 = arith.index_cast %get3A_271 : i32 to index
          %get3A_273 = arith.index_cast %add3A_215 : i32 to index
          %get3A_274 = arith.constant 64 : index
          %get3A_275 = tpu.vector_load %arg7[%get3A_272, %get3A_273, %get3A_274] {strides = array<i32>} : memref<2x160x128xf32, #tpu.memory_space<vmem>>, vector<16xf32>,
          %mul3A_276 = vector.broadcast %squeeze3A : f32 to vector<16xf32>
          %mul3A_277 = arith.mulf %get3A_275, %mul3A_276 : vector<16xf32>
          %add3A_278 = vector.broadcast %squeeze3A_213 : f32 to vector<16xf32>
          %add3A_279 = arith.addf %mul3A_277, %add3A_278 : vector<16xf32>
          %swap3A_280 = arith.constant 1 : i32
          %swap3A_281 = arith.index_cast %swap3A_280 : i32 to index
          %swap3A_282 = arith.index_cast %add3A_215 : i32 to index
          %swap3A_283 = arith.constant 64 : index
          %swap3A_284 = tpu.vector_load %arg8[%swap3A_281, %swap3A_282, %swap3A_283] {strides = array<i32>} : memref<2x160x128xf32, #tpu.memory_space<vmem>>, vector<16xf32>,
          tpu.vector_store %arg8[%swap3A_281, %swap3A_282, %swap3A_283], %add3A_279 {strides = array<i32>} : memref<2x160x128xf32, #tpu.memory_space<vmem>>, vector<16xf32>,
          %get3A_285 = arith.constant 1 : i32
          %get3A_286 = arith.index_cast %get3A_285 : i32 to index
          %get3A_287 = arith.index_cast %add3A_215 : i32 to index
          %get3A_288 = arith.constant 80 : index
          %get3A_289 = tpu.vector_load %arg7[%get3A_286, %get3A_287, %get3A_288] {strides = array<i32>} : memref<2x160x128xf32, #tpu.memory_space<vmem>>, vector<16xf32>,
          %mul3A_290 = vector.broadcast %squeeze3A : f32 to vector<16xf32>
          %mul3A_291 = arith.mulf %get3A_289, %mul3A_290 : vector<16xf32>
          %add3A_292 = vector.broadcast %squeeze3A_213 : f32 to vector<16xf32>
          %add3A_293 = arith.addf %mul3A_291, %add3A_292 : vector<16xf32>
          %swap3A_294 = arith.constant 1 : i32
          %swap3A_295 = arith.index_cast %swap3A_294 : i32 to index
          %swap3A_296 = arith.index_cast %add3A_215 : i32 to index
          %swap3A_297 = arith.constant 80 : index
          %swap3A_298 = tpu.vector_load %arg8[%swap3A_295, %swap3A_296, %swap3A_297] {strides = array<i32>} : memref<2x160x128xf32, #tpu.memory_space<vmem>>, vector<16xf32>,
          tpu.vector_store %arg8[%swap3A_295, %swap3A_296, %swap3A_297], %add3A_293 {strides = array<i32>} : memref<2x160x128xf32, #tpu.memory_space<vmem>>, vector<16xf32>,
          %get3A_299 = arith.constant 1 : i32
          %get3A_300 = arith.index_cast %get3A_299 : i32 to index
          %get3A_301 = arith.index_cast %add3A_215 : i32 to index
          %get3A_302 = arith.constant 96 : index
          %get3A_303 = tpu.vector_load %arg7[%get3A_300, %get3A_301, %get3A_302] {strides = array<i32>} : memref<2x160x128xf32, #tpu.memory_space<vmem>>, vector<16xf32>,
          %mul3A_304 = vector.broadcast %squeeze3A : f32 to vector<16xf32>
          %mul3A_305 = arith.mulf %get3A_303, %mul3A_304 : vector<16xf32>
          %add3A_306 = vector.broadcast %squeeze3A_213 : f32 to vector<16xf32>
          %add3A_307 = arith.addf %mul3A_305, %add3A_306 : vector<16xf32>
          %swap3A_308 = arith.constant 1 : i32
          %swap3A_309 = arith.index_cast %swap3A_308 : i32 to index
          %swap3A_310 = arith.index_cast %add3A_215 : i32 to index
          %swap3A_311 = arith.constant 96 : index
          %swap3A_312 = tpu.vector_load %arg8[%swap3A_309, %swap3A_310, %swap3A_311] {strides = array<i32>} : memref<2x160x128xf32, #tpu.memory_space<vmem>>, vector<16xf32>,
          tpu.vector_store %arg8[%swap3A_309, %swap3A_310, %swap3A_311], %add3A_307 {strides = array<i32>} : memref<2x160x128xf32, #tpu.memory_space<vmem>>, vector<16xf32>,
          %get3A_313 = arith.constant 1 : i32
          %get3A_314 = arith.index_cast %get3A_313 : i32 to index
          %get3A_315 = arith.index_cast %add3A_215 : i32 to index
          %get3A_316 = arith.constant 112 : index
          %get3A_317 = tpu.vector_load %arg7[%get3A_314, %get3A_315, %get3A_316] {strides = array<i32>} : memref<2x160x128xf32, #tpu.memory_space<vmem>>, vector<16xf32>,
          %mul3A_318 = vector.broadcast %squeeze3A : f32 to vector<16xf32>
          %mul3A_319 = arith.mulf %get3A_317, %mul3A_318 : vector<16xf32>
          %add3A_320 = vector.broadcast %squeeze3A_213 : f32 to vector<16xf32>
          %add3A_321 = arith.addf %mul3A_319, %add3A_320 : vector<16xf32>
          %swap3A_322 = arith.constant 1 : i32
          %swap3A_323 = arith.index_cast %swap3A_322 : i32 to index
          %swap3A_324 = arith.index_cast %add3A_215 : i32 to index
          %swap3A_325 = arith.constant 112 : index
          %swap3A_326 = tpu.vector_load %arg8[%swap3A_323, %swap3A_324, %swap3A_325] {strides = array<i32>} : memref<2x160x128xf32, #tpu.memory_space<vmem>>, vector<16xf32>,
          tpu.vector_store %arg8[%swap3A_323, %swap3A_324, %swap3A_325], %add3A_321 {strides = array<i32>} : memref<2x160x128xf32, #tpu.memory_space<vmem>>, vector<16xf32>,
          %slice3A_327 = vector.extract_strided_slice %gather3A {offsets = [1], sizes = [1], strides = [1]} : vector<16xf32> to vector<1xf32>
          %squeeze3A_328 = vector.extract %slice3A_327[0] : f32 from vector<1xf32>
          %slice3A_329 = vector.extract_strided_slice %gather3A_209 {offsets = [1], sizes = [1], strides = [1]} : vector<16xf32> to vector<1xf32>
          %squeeze3A_330 = vector.extract %slice3A_329[0] : f32 from vector<1xf32>
          %add3A_331 = arith.constant 1 : i32
          %add3A_332 = arith.addi %mul3A_211, %add3A_331 : i32
          %get3A_333 = arith.constant 1 : i32
          %get3A_334 = arith.index_cast %get3A_333 : i32 to index
          %get3A_335 = arith.index_cast %add3A_332 : i32 to index
          %get3A_336 = arith.constant 0 : index
          %get3A_337 = tpu.vector_load %arg7[%get3A_334, %get3A_335, %get3A_336] {strides = array<i32>} : memref<2x160x128xf32, #tpu.memory_space<vmem>>, vector<16xf32>,
          %mul3A_338 = vector.broadcast %squeeze3A_328 : f32 to vector<16xf32>
          %mul3A_339 = arith.mulf %get3A_337, %mul3A_338 : vector<16xf32>
          %add3A_340 = vector.broadcast %squeeze3A_330 : f32 to vector<16xf32>
          %add3A_341 = arith.addf %mul3A_339, %add3A_340 : vector<16xf32>
          %swap3A_342 = arith.constant 1 : i32
          %swap3A_343 = arith.index_cast %swap3A_342 : i32 to index
          %swap3A_344 = arith.index_cast %add3A_332 : i32 to index
          %swap3A_345 = arith.constant 0 : index
          %swap3A_346 = tpu.vector_load %arg8[%swap3A_343, %swap3A_344, %swap3A_345] {strides = array<i32>} : memref<2x160x128xf32, #tpu.memory_space<vmem>>, vector<16xf32>,
          tpu.vector_store %arg8[%swap3A_343, %swap3A_344, %swap3A_345], %add3A_341 {strides = array<i32>} : memref<2x160x128xf32, #tpu.memory_space<vmem>>, vector<16xf32>,
          %get3A_347 = arith.constant 1 : i32
          %get3A_348 = arith.index_cast %get3A_347 : i32 to index
          %get3A_349 = arith.index_cast %add3A_332 : i32 to index
          %get3A_350 = arith.constant 16 : index
          %get3A_351 = tpu.vector_load %arg7[%get3A_348, %get3A_349, %get3A_350] {strides = array<i32>} : memref<2x160x128xf32, #tpu.memory_space<vmem>>, vector<16xf32>,
          %mul3A_352 = vector.broadcast %squeeze3A_328 : f32 to vector<16xf32>
          %mul3A_353 = arith.mulf %get3A_351, %mul3A_352 : vector<16xf32>
          %add3A_354 = vector.broadcast %squeeze3A_330 : f32 to vector<16xf32>
          %add3A_355 = arith.addf %mul3A_353, %add3A_354 : vector<16xf32>
          %swap3A_356 = arith.constant 1 : i32
          %swap3A_357 = arith.index_cast %swap3A_356 : i32 to index
          %swap3A_358 = arith.index_cast %add3A_332 : i32 to index
          %swap3A_359 = arith.constant 16 : index
          %swap3A_360 = tpu.vector_load %arg8[%swap3A_357, %swap3A_358, %swap3A_359] {strides = array<i32>} : memref<2x160x128xf32, #tpu.memory_space<vmem>>, vector<16xf32>,
          tpu.vector_store %arg8[%swap3A_357, %swap3A_358, %swap3A_359], %add3A_355 {strides = array<i32>} : memref<2x160x128xf32, #tpu.memory_space<vmem>>, vector<16xf32>,
          %get3A_361 = arith.constant 1 : i32
          %get3A_362 = arith.index_cast %get3A_361 : i32 to index
          %get3A_363 = arith.index_cast %add3A_332 : i32 to index
          %get3A_364 = arith.constant 32 : index
          %get3A_365 = tpu.vector_load %arg7[%get3A_362, %get3A_363, %get3A_364] {strides = array<i32>} : memref<2x160x128xf32, #tpu.memory_space<vmem>>, vector<16xf32>,
          %mul3A_366 = vector.broadcast %squeeze3A_328 : f32 to vector<16xf32>
          %mul3A_367 = arith.mulf %get3A_365, %mul3A_366 : vector<16xf32>
          %add3A_368 = vector.broadcast %squeeze3A_330 : f32 to vector<16xf32>
          %add3A_369 = arith.addf %mul3A_367, %add3A_368 : vector<16xf32>
          %swap3A_370 = arith.constant 1 : i32
          %swap3A_371 = arith.index_cast %swap3A_370 : i32 to index
          %swap3A_372 = arith.index_cast %add3A_332 : i32 to index
          %swap3A_373 = arith.constant 32 : index
          %swap3A_374 = tpu.vector_load %arg8[%swap3A_371, %swap3A_372, %swap3A_373] {strides = array<i32>} : memref<2x160x128xf32, #tpu.memory_space<vmem>>, vector<16xf32>,
          tpu.vector_store %arg8[%swap3A_371, %swap3A_372, %swap3A_373], %add3A_369 {strides = array<i32>} : memref<2x160x128xf32, #tpu.memory_space<vmem>>, vector<16xf32>,
          %get3A_375 = arith.constant 1 : i32
          %get3A_376 = arith.index_cast %get3A_375 : i32 to index
          %get3A_377 = arith.index_cast %add3A_332 : i32 to index
          %get3A_378 = arith.constant 48 : index
          %get3A_379 = tpu.vector_load %arg7[%get3A_376, %get3A_377, %get3A_378] {strides = array<i32>} : memref<2x160x128xf32, #tpu.memory_space<vmem>>, vector<16xf32>,
          %mul3A_380 = vector.broadcast %squeeze3A_328 : f32 to vector<16xf32>
          %mul3A_381 = arith.mulf %get3A_379, %mul3A_380 : vector<16xf32>
          %add3A_382 = vector.broadcast %squeeze3A_330 : f32 to vector<16xf32>
          %add3A_383 = arith.addf %mul3A_381, %add3A_382 : vector<16xf32>
          %swap3A_384 = arith.constant 1 : i32
          %swap3A_385 = arith.index_cast %swap3A_384 : i32 to index
          %swap3A_386 = arith.index_cast %add3A_332 : i32 to index
          %swap3A_387 = arith.constant 48 : index
          %swap3A_388 = tpu.vector_load %arg8[%swap3A_385, %swap3A_386, %swap3A_387] {strides = array<i32>} : memref<2x160x128xf32, #tpu.memory_space<vmem>>, vector<16xf32>,
          tpu.vector_store %arg8[%swap3A_385, %swap3A_386, %swap3A_387], %add3A_383 {strides = array<i32>} : memref<2x160x128xf32, #tpu.memory_space<vmem>>, vector<16xf32>,
          %get3A_389 = arith.constant 1 : i32
          %get3A_390 = arith.index_cast %get3A_389 : i32 to index
          %get3A_391 = arith.index_cast %add3A_332 : i32 to index
          %get3A_392 = arith.constant 64 : index
          %get3A_393 = tpu.vector_load %arg7[%get3A_390, %get3A_391, %get3A_392] {strides = array<i32>} : memref<2x160x128xf32, #tpu.memory_space<vmem>>, vector<16xf32>,
          %mul3A_394 = vector.broadcast %squeeze3A_328 : f32 to vector<16xf32>
          %mul3A_395 = arith.mulf %get3A_393, %mul3A_394 : vector<16xf32>
          %add3A_396 = vector.broadcast %squeeze3A_330 : f32 to vector<16xf32>
          %add3A_397 = arith.addf %mul3A_395, %add3A_396 : vector<16xf32>
          %swap3A_398 = arith.constant 1 : i32
          %swap3A_399 = arith.index_cast %swap3A_398 : i32 to index
          %swap3A_400 = arith.index_cast %add3A_332 : i32 to index
          %swap3A_401 = arith.constant 64 : index
          %swap3A_402 = tpu.vector_load %arg8[%swap3A_399, %swap3A_400, %swap3A_401] {strides = array<i32>} : memref<2x160x128xf32, #tpu.memory_space<vmem>>, vector<16xf32>,
          tpu.vector_store %arg8[%swap3A_399, %swap3A_400, %swap3A_401], %add3A_397 {strides = array<i32>} : memref<2x160x128xf32, #tpu.memory_space<vmem>>, vector<16xf32>,
          %get3A_403 = arith.constant 1 : i32
          %get3A_404 = arith.index_cast %get3A_403 : i32 to index
          %get3A_405 = arith.index_cast %add3A_332 : i32 to index
          %get3A_406 = arith.constant 80 : index
          %get3A_407 = tpu.vector_load %arg7[%get3A_404, %get3A_405, %get3A_406] {strides = array<i32>} : memref<2x160x128xf32, #tpu.memory_space<vmem>>, vector<16xf32>,
          %mul3A_408 = vector.broadcast %squeeze3A_328 : f32 to vector<16xf32>
          %mul3A_409 = arith.mulf %get3A_407, %mul3A_408 : vector<16xf32>
          %add3A_410 = vector.broadcast %squeeze3A_330 : f32 to vector<16xf32>
          %add3A_411 = arith.addf %mul3A_409, %add3A_410 : vector<16xf32>
          %swap3A_412 = arith.constant 1 : i32
          %swap3A_413 = arith.index_cast %swap3A_412 : i32 to index
          %swap3A_414 = arith.index_cast %add3A_332 : i32 to index
          %swap3A_415 = arith.constant 80 : index
          %swap3A_416 = tpu.vector_load %arg8[%swap3A_413, %swap3A_414, %swap3A_415] {strides = array<i32>} : memref<2x160x128xf32, #tpu.memory_space<vmem>>, vector<16xf32>,
          tpu.vector_store %arg8[%swap3A_413, %swap3A_414, %swap3A_415], %add3A_411 {strides = array<i32>} : memref<2x160x128xf32, #tpu.memory_space<vmem>>, vector<16xf32>,
          %get3A_417 = arith.constant 1 : i32
          %get3A_418 = arith.index_cast %get3A_417 : i32 to index
          %get3A_419 = arith.index_cast %add3A_332 : i32 to index
          %get3A_420 = arith.constant 96 : index
          %get3A_421 = tpu.vector_load %arg7[%get3A_418, %get3A_419, %get3A_420] {strides = array<i32>} : memref<2x160x128xf32, #tpu.memory_space<vmem>>, vector<16xf32>,
          %mul3A_422 = vector.broadcast %squeeze3A_328 : f32 to vector<16xf32>
          %mul3A_423 = arith.mulf %get3A_421, %mul3A_422 : vector<16xf32>
          %add3A_424 = vector.broadcast %squeeze3A_330 : f32 to vector<16xf32>
          %add3A_425 = arith.addf %mul3A_423, %add3A_424 : vector<16xf32>
          %swap3A_426 = arith.constant 1 : i32
          %swap3A_427 = arith.index_cast %swap3A_426 : i32 to index
          %swap3A_428 = arith.index_cast %add3A_332 : i32 to index
          %swap3A_429 = arith.constant 96 : index
          %swap3A_430 = tpu.vector_load %arg8[%swap3A_427, %swap3A_428, %swap3A_429] {strides = array<i32>} : memref<2x160x128xf32, #tpu.memory_space<vmem>>, vector<16xf32>,
          tpu.vector_store %arg8[%swap3A_427, %swap3A_428, %swap3A_429], %add3A_425 {strides = array<i32>} : memref<2x160x128xf32, #tpu.memory_space<vmem>>, vector<16xf32>,
          %get3A_431 = arith.constant 1 : i32
          %get3A_432 = arith.index_cast %get3A_431 : i32 to index
          %get3A_433 = arith.index_cast %add3A_332 : i32 to index
          %get3A_434 = arith.constant 112 : index
          %get3A_435 = tpu.vector_load %arg7[%get3A_432, %get3A_433, %get3A_434] {strides = array<i32>} : memref<2x160x128xf32, #tpu.memory_space<vmem>>, vector<16xf32>,
          %mul3A_436 = vector.broadcast %squeeze3A_328 : f32 to vector<16xf32>
          %mul3A_437 = arith.mulf %get3A_435, %mul3A_436 : vector<16xf32>
          %add3A_438 = vector.broadcast %squeeze3A_330 : f32 to vector<16xf32>
          %add3A_439 = arith.addf %mul3A_437, %add3A_438 : vector<16xf32>
          %swap3A_440 = arith.constant 1 : i32
          %swap3A_441 = arith.index_cast %swap3A_440 : i32 to index
          %swap3A_442 = arith.index_cast %add3A_332 : i32 to index
          %swap3A_443 = arith.constant 112 : index
          %swap3A_444 = tpu.vector_load %arg8[%swap3A_441, %swap3A_442, %swap3A_443] {strides = array<i32>} : memref<2x160x128xf32, #tpu.memory_space<vmem>>, vector<16xf32>,
          tpu.vector_store %arg8[%swap3A_441, %swap3A_442, %swap3A_443], %add3A_439 {strides = array<i32>} : memref<2x160x128xf32, #tpu.memory_space<vmem>>, vector<16xf32>,
          %slice3A_445 = vector.extract_strided_slice %gather3A {offsets = [2], sizes = [1], strides = [1]} : vector<16xf32> to vector<1xf32>
          %squeeze3A_446 = vector.extract %slice3A_445[0] : f32 from vector<1xf32>
          %slice3A_447 = vector.extract_strided_slice %gather3A_209 {offsets = [2], sizes = [1], strides = [1]} : vector<16xf32> to vector<1xf32>
          %squeeze3A_448 = vector.extract %slice3A_447[0] : f32 from vector<1xf32>
          %add3A_449 = arith.constant 2 : i32
          %add3A_450 = arith.addi %mul3A_211, %add3A_449 : i32
          %get3A_451 = arith.constant 1 : i32
          %get3A_452 = arith.index_cast %get3A_451 : i32 to index
          %get3A_453 = arith.index_cast %add3A_450 : i32 to index
          %get3A_454 = arith.constant 0 : index
          %get3A_455 = tpu.vector_load %arg7[%get3A_452, %get3A_453, %get3A_454] {strides = array<i32>} : memref<2x160x128xf32, #tpu.memory_space<vmem>>, vector<16xf32>,
          %mul3A_456 = vector.broadcast %squeeze3A_446 : f32 to vector<16xf32>
          %mul3A_457 = arith.mulf %get3A_455, %mul3A_456 : vector<16xf32>
          %add3A_458 = vector.broadcast %squeeze3A_448 : f32 to vector<16xf32>
          %add3A_459 = arith.addf %mul3A_457, %add3A_458 : vector<16xf32>
          %swap3A_460 = arith.constant 1 : i32
          %swap3A_461 = arith.index_cast %swap3A_460 : i32 to index
          %swap3A_462 = arith.index_cast %add3A_450 : i32 to index
          %swap3A_463 = arith.constant 0 : index
          %swap3A_464 = tpu.vector_load %arg8[%swap3A_461, %swap3A_462, %swap3A_463] {strides = array<i32>} : memref<2x160x128xf32, #tpu.memory_space<vmem>>, vector<16xf32>,
          tpu.vector_store %arg8[%swap3A_461, %swap3A_462, %swap3A_463], %add3A_459 {strides = array<i32>} : memref<2x160x128xf32, #tpu.memory_space<vmem>>, vector<16xf32>,
          %get3A_465 = arith.constant 1 : i32
          %get3A_466 = arith.index_cast %get3A_465 : i32 to index
          %get3A_467 = arith.index_cast %add3A_450 : i32 to index
          %get3A_468 = arith.constant 16 : index
          %get3A_469 = tpu.vector_load %arg7[%get3A_466, %get3A_467, %get3A_468] {strides = array<i32>} : memref<2x160x128xf32, #tpu.memory_space<vmem>>, vector<16xf32>,
          %mul3A_470 = vector.broadcast %squeeze3A_446 : f32 to vector<16xf32>
          %mul3A_471 = arith.mulf %get3A_469, %mul3A_470 : vector<16xf32>
          %add3A_472 = vector.broadcast %squeeze3A_448 : f32 to vector<16xf32>
          %add3A_473 = arith.addf %mul3A_471, %add3A_472 : vector<16xf32>
          %swap3A_474 = arith.constant 1 : i32
          %swap3A_475 = arith.index_cast %swap3A_474 : i32 to index
          %swap3A_476 = arith.index_cast %add3A_450 : i32 to index
          %swap3A_477 = arith.constant 16 : index
          %swap3A_478 = tpu.vector_load %arg8[%swap3A_475, %swap3A_476, %swap3A_477] {strides = array<i32>} : memref<2x160x128xf32, #tpu.memory_space<vmem>>, vector<16xf32>,
          tpu.vector_store %arg8[%swap3A_475, %swap3A_476, %swap3A_477], %add3A_473 {strides = array<i32>} : memref<2x160x128xf32, #tpu.memory_space<vmem>>, vector<16xf32>,
          %get3A_479 = arith.constant 1 : i32
          %get3A_480 = arith.index_cast %get3A_479 : i32 to index
          %get3A_481 = arith.index_cast %add3A_450 : i32 to index
          %get3A_482 = arith.constant 32 : index
          %get3A_483 = tpu.vector_load %arg7[%get3A_480, %get3A_481, %get3A_482] {strides = array<i32>} : memref<2x160x128xf32, #tpu.memory_space<vmem>>, vector<16xf32>,
          %mul3A_484 = vector.broadcast %squeeze3A_446 : f32 to vector<16xf32>
          %mul3A_485 = arith.mulf %get3A_483, %mul3A_484 : vector<16xf32>
          %add3A_486 = vector.broadcast %squeeze3A_448 : f32 to vector<16xf32>
          %add3A_487 = arith.addf %mul3A_485, %add3A_486 : vector<16xf32>
          %swap3A_488 = arith.constant 1 : i32
          %swap3A_489 = arith.index_cast %swap3A_488 : i32 to index
          %swap3A_490 = arith.index_cast %add3A_450 : i32 to index
          %swap3A_491 = arith.constant 32 : index
          %swap3A_492 = tpu.vector_load %arg8[%swap3A_489, %swap3A_490, %swap3A_491] {strides = array<i32>} : memref<2x160x128xf32, #tpu.memory_space<vmem>>, vector<16xf32>,
          tpu.vector_store %arg8[%swap3A_489, %swap3A_490, %swap3A_491], %add3A_487 {strides = array<i32>} : memref<2x160x128xf32, #tpu.memory_space<vmem>>, vector<16xf32>,
          %get3A_493 = arith.constant 1 : i32
          %get3A_494 = arith.index_cast %get3A_493 : i32 to index
          %get3A_495 = arith.index_cast %add3A_450 : i32 to index
          %get3A_496 = arith.constant 48 : index
          %get3A_497 = tpu.vector_load %arg7[%get3A_494, %get3A_495, %get3A_496] {strides = array<i32>} : memref<2x160x128xf32, #tpu.memory_space<vmem>>, vector<16xf32>,
          %mul3A_498 = vector.broadcast %squeeze3A_446 : f32 to vector<16xf32>
          %mul3A_499 = arith.mulf %get3A_497, %mul3A_498 : vector<16xf32>
          %add3A_500 = vector.broadcast %squeeze3A_448 : f32 to vector<16xf32>
          %add3A_501 = arith.addf %mul3A_499, %add3A_500 : vector<16xf32>
          %swap3A_502 = arith.constant 1 : i32
          %swap3A_503 = arith.index_cast %swap3A_502 : i32 to index
          %swap3A_504 = arith.index_cast %add3A_450 : i32 to index
          %swap3A_505 = arith.constant 48 : index
          %swap3A_506 = tpu.vector_load %arg8[%swap3A_503, %swap3A_504, %swap3A_505] {strides = array<i32>} : memref<2x160x128xf32, #tpu.memory_space<vmem>>, vector<16xf32>,
          tpu.vector_store %arg8[%swap3A_503, %swap3A_504, %swap3A_505], %add3A_501 {strides = array<i32>} : memref<2x160x128xf32, #tpu.memory_space<vmem>>, vector<16xf32>,
          %get3A_507 = arith.constant 1 : i32
          %get3A_508 = arith.index_cast %get3A_507 : i32 to index
          %get3A_509 = arith.index_cast %add3A_450 : i32 to index
          %get3A_510 = arith.constant 64 : index
          %get3A_511 = tpu.vector_load %arg7[%get3A_508, %get3A_509, %get3A_510] {strides = array<i32>} : memref<2x160x128xf32, #tpu.memory_space<vmem>>, vector<16xf32>,
          %mul3A_512 = vector.broadcast %squeeze3A_446 : f32 to vector<16xf32>
          %mul3A_513 = arith.mulf %get3A_511, %mul3A_512 : vector<16xf32>
          %add3A_514 = vector.broadcast %squeeze3A_448 : f32 to vector<16xf32>
          %add3A_515 = arith.addf %mul3A_513, %add3A_514 : vector<16xf32>
          %swap3A_516 = arith.constant 1 : i32
          %swap3A_517 = arith.index_cast %swap3A_516 : i32 to index
          %swap3A_518 = arith.index_cast %add3A_450 : i32 to index
          %swap3A_519 = arith.constant 64 : index
          %swap3A_520 = tpu.vector_load %arg8[%swap3A_517, %swap3A_518, %swap3A_519] {strides = array<i32>} : memref<2x160x128xf32, #tpu.memory_space<vmem>>, vector<16xf32>,
          tpu.vector_store %arg8[%swap3A_517, %swap3A_518, %swap3A_519], %add3A_515 {strides = array<i32>} : memref<2x160x128xf32, #tpu.memory_space<vmem>>, vector<16xf32>,
          %get3A_521 = arith.constant 1 : i32
          %get3A_522 = arith.index_cast %get3A_521 : i32 to index
          %get3A_523 = arith.index_cast %add3A_450 : i32 to index
          %get3A_524 = arith.constant 80 : index
          %get3A_525 = tpu.vector_load %arg7[%get3A_522, %get3A_523, %get3A_524] {strides = array<i32>} : memref<2x160x128xf32, #tpu.memory_space<vmem>>, vector<16xf32>,
          %mul3A_526 = vector.broadcast %squeeze3A_446 : f32 to vector<16xf32>
          %mul3A_527 = arith.mulf %get3A_525, %mul3A_526 : vector<16xf32>
          %add3A_528 = vector.broadcast %squeeze3A_448 : f32 to vector<16xf32>
          %add3A_529 = arith.addf %mul3A_527, %add3A_528 : vector<16xf32>
          %swap3A_530 = arith.constant 1 : i32
          %swap3A_531 = arith.index_cast %swap3A_530 : i32 to index
          %swap3A_532 = arith.index_cast %add3A_450 : i32 to index
          %swap3A_533 = arith.constant 80 : index
          %swap3A_534 = tpu.vector_load %arg8[%swap3A_531, %swap3A_532, %swap3A_533] {strides = array<i32>} : memref<2x160x128xf32, #tpu.memory_space<vmem>>, vector<16xf32>,
          tpu.vector_store %arg8[%swap3A_531, %swap3A_532, %swap3A_533], %add3A_529 {strides = array<i32>} : memref<2x160x128xf32, #tpu.memory_space<vmem>>, vector<16xf32>,
          %get3A_535 = arith.constant 1 : i32
          %get3A_536 = arith.index_cast %get3A_535 : i32 to index
          %get3A_537 = arith.index_cast %add3A_450 : i32 to index
          %get3A_538 = arith.constant 96 : index
          %get3A_539 = tpu.vector_load %arg7[%get3A_536, %get3A_537, %get3A_538] {strides = array<i32>} : memref<2x160x128xf32, #tpu.memory_space<vmem>>, vector<16xf32>,
          %mul3A_540 = vector.broadcast %squeeze3A_446 : f32 to vector<16xf32>
          %mul3A_541 = arith.mulf %get3A_539, %mul3A_540 : vector<16xf32>
          %add3A_542 = vector.broadcast %squeeze3A_448 : f32 to vector<16xf32>
          %add3A_543 = arith.addf %mul3A_541, %add3A_542 : vector<16xf32>
          %swap3A_544 = arith.constant 1 : i32
          %swap3A_545 = arith.index_cast %swap3A_544 : i32 to index
          %swap3A_546 = arith.index_cast %add3A_450 : i32 to index
          %swap3A_547 = arith.constant 96 : index
          %swap3A_548 = tpu.vector_load %arg8[%swap3A_545, %swap3A_546, %swap3A_547] {strides = array<i32>} : memref<2x160x128xf32, #tpu.memory_space<vmem>>, vector<16xf32>,
          tpu.vector_store %arg8[%swap3A_545, %swap3A_546, %swap3A_547], %add3A_543 {strides = array<i32>} : memref<2x160x128xf32, #tpu.memory_space<vmem>>, vector<16xf32>,
          %get3A_549 = arith.constant 1 : i32
          %get3A_550 = arith.index_cast %get3A_549 : i32 to index
          %get3A_551 = arith.index_cast %add3A_450 : i32 to index
          %get3A_552 = arith.constant 112 : index
          %get3A_553 = tpu.vector_load %arg7[%get3A_550, %get3A_551, %get3A_552] {strides = array<i32>} : memref<2x160x128xf32, #tpu.memory_space<vmem>>, vector<16xf32>,
          %mul3A_554 = vector.broadcast %squeeze3A_446 : f32 to vector<16xf32>
          %mul3A_555 = arith.mulf %get3A_553, %mul3A_554 : vector<16xf32>
          %add3A_556 = vector.broadcast %squeeze3A_448 : f32 to vector<16xf32>
          %add3A_557 = arith.addf %mul3A_555, %add3A_556 : vector<16xf32>
          %swap3A_558 = arith.constant 1 : i32
          %swap3A_559 = arith.index_cast %swap3A_558 : i32 to index
          %swap3A_560 = arith.index_cast %add3A_450 : i32 to index
          %swap3A_561 = arith.constant 112 : index
          %swap3A_562 = tpu.vector_load %arg8[%swap3A_559, %swap3A_560, %swap3A_561] {strides = array<i32>} : memref<2x160x128xf32, #tpu.memory_space<vmem>>, vector<16xf32>,
          tpu.vector_store %arg8[%swap3A_559, %swap3A_560, %swap3A_561], %add3A_557 {strides = array<i32>} : memref<2x160x128xf32, #tpu.memory_space<vmem>>, vector<16xf32>,
          %slice3A_563 = vector.extract_strided_slice %gather3A {offsets = [3], sizes = [1], strides = [1]} : vector<16xf32> to vector<1xf32>
          %squeeze3A_564 = vector.extract %slice3A_563[0] : f32 from vector<1xf32>
          %slice3A_565 = vector.extract_strided_slice %gather3A_209 {offsets = [3], sizes = [1], strides = [1]} : vector<16xf32> to vector<1xf32>
          %squeeze3A_566 = vector.extract %slice3A_565[0] : f32 from vector<1xf32>
          %add3A_567 = arith.constant 3 : i32
          %add3A_568 = arith.addi %mul3A_211, %add3A_567 : i32
          %get3A_569 = arith.constant 1 : i32
          %get3A_570 = arith.index_cast %get3A_569 : i32 to index
          %get3A_571 = arith.index_cast %add3A_568 : i32 to index
          %get3A_572 = arith.constant 0 : index
          %get3A_573 = tpu.vector_load %arg7[%get3A_570, %get3A_571, %get3A_572] {strides = array<i32>} : memref<2x160x128xf32, #tpu.memory_space<vmem>>, vector<16xf32>,
          %mul3A_574 = vector.broadcast %squeeze3A_564 : f32 to vector<16xf32>
          %mul3A_575 = arith.mulf %get3A_573, %mul3A_574 : vector<16xf32>
          %add3A_576 = vector.broadcast %squeeze3A_566 : f32 to vector<16xf32>
          %add3A_577 = arith.addf %mul3A_575, %add3A_576 : vector<16xf32>
          %swap3A_578 = arith.constant 1 : i32
          %swap3A_579 = arith.index_cast %swap3A_578 : i32 to index
          %swap3A_580 = arith.index_cast %add3A_568 : i32 to index
          %swap3A_581 = arith.constant 0 : index
          %swap3A_582 = tpu.vector_load %arg8[%swap3A_579, %swap3A_580, %swap3A_581] {strides = array<i32>} : memref<2x160x128xf32, #tpu.memory_space<vmem>>, vector<16xf32>,
          tpu.vector_store %arg8[%swap3A_579, %swap3A_580, %swap3A_581], %add3A_577 {strides = array<i32>} : memref<2x160x128xf32, #tpu.memory_space<vmem>>, vector<16xf32>,
          %get3A_583 = arith.constant 1 : i32
          %get3A_584 = arith.index_cast %get3A_583 : i32 to index
          %get3A_585 = arith.index_cast %add3A_568 : i32 to index
          %get3A_586 = arith.constant 16 : index
          %get3A_587 = tpu.vector_load %arg7[%get3A_584, %get3A_585, %get3A_586] {strides = array<i32>} : memref<2x160x128xf32, #tpu.memory_space<vmem>>, vector<16xf32>,
          %mul3A_588 = vector.broadcast %squeeze3A_564 : f32 to vector<16xf32>
          %mul3A_589 = arith.mulf %get3A_587, %mul3A_588 : vector<16xf32>
          %add3A_590 = vector.broadcast %squeeze3A_566 : f32 to vector<16xf32>
          %add3A_591 = arith.addf %mul3A_589, %add3A_590 : vector<16xf32>
          %swap3A_592 = arith.constant 1 : i32
          %swap3A_593 = arith.index_cast %swap3A_592 : i32 to index
          %swap3A_594 = arith.index_cast %add3A_568 : i32 to index
          %swap3A_595 = arith.constant 16 : index
          %swap3A_596 = tpu.vector_load %arg8[%swap3A_593, %swap3A_594, %swap3A_595] {strides = array<i32>} : memref<2x160x128xf32, #tpu.memory_space<vmem>>, vector<16xf32>,
          tpu.vector_store %arg8[%swap3A_593, %swap3A_594, %swap3A_595], %add3A_591 {strides = array<i32>} : memref<2x160x128xf32, #tpu.memory_space<vmem>>, vector<16xf32>,
          %get3A_597 = arith.constant 1 : i32
          %get3A_598 = arith.index_cast %get3A_597 : i32 to index
          %get3A_599 = arith.index_cast %add3A_568 : i32 to index
          %get3A_600 = arith.constant 32 : index
          %get3A_601 = tpu.vector_load %arg7[%get3A_598, %get3A_599, %get3A_600] {strides = array<i32>} : memref<2x160x128xf32, #tpu.memory_space<vmem>>, vector<16xf32>,
          %mul3A_602 = vector.broadcast %squeeze3A_564 : f32 to vector<16xf32>
          %mul3A_603 = arith.mulf %get3A_601, %mul3A_602 : vector<16xf32>
          %add3A_604 = vector.broadcast %squeeze3A_566 : f32 to vector<16xf32>
          %add3A_605 = arith.addf %mul3A_603, %add3A_604 : vector<16xf32>
          %swap3A_606 = arith.constant 1 : i32
          %swap3A_607 = arith.index_cast %swap3A_606 : i32 to index
          %swap3A_608 = arith.index_cast %add3A_568 : i32 to index
          %swap3A_609 = arith.constant 32 : index
          %swap3A_610 = tpu.vector_load %arg8[%swap3A_607, %swap3A_608, %swap3A_609] {strides = array<i32>} : memref<2x160x128xf32, #tpu.memory_space<vmem>>, vector<16xf32>,
          tpu.vector_store %arg8[%swap3A_607, %swap3A_608, %swap3A_609], %add3A_605 {strides = array<i32>} : memref<2x160x128xf32, #tpu.memory_space<vmem>>, vector<16xf32>,
          %get3A_611 = arith.constant 1 : i32
          %get3A_612 = arith.index_cast %get3A_611 : i32 to index
          %get3A_613 = arith.index_cast %add3A_568 : i32 to index
          %get3A_614 = arith.constant 48 : index
          %get3A_615 = tpu.vector_load %arg7[%get3A_612, %get3A_613, %get3A_614] {strides = array<i32>} : memref<2x160x128xf32, #tpu.memory_space<vmem>>, vector<16xf32>,
          %mul3A_616 = vector.broadcast %squeeze3A_564 : f32 to vector<16xf32>
          %mul3A_617 = arith.mulf %get3A_615, %mul3A_616 : vector<16xf32>
          %add3A_618 = vector.broadcast %squeeze3A_566 : f32 to vector<16xf32>
          %add3A_619 = arith.addf %mul3A_617, %add3A_618 : vector<16xf32>
          %swap3A_620 = arith.constant 1 : i32
          %swap3A_621 = arith.index_cast %swap3A_620 : i32 to index
          %swap3A_622 = arith.index_cast %add3A_568 : i32 to index
          %swap3A_623 = arith.constant 48 : index
          %swap3A_624 = tpu.vector_load %arg8[%swap3A_621, %swap3A_622, %swap3A_623] {strides = array<i32>} : memref<2x160x128xf32, #tpu.memory_space<vmem>>, vector<16xf32>,
          tpu.vector_store %arg8[%swap3A_621, %swap3A_622, %swap3A_623], %add3A_619 {strides = array<i32>} : memref<2x160x128xf32, #tpu.memory_space<vmem>>, vector<16xf32>,
          %get3A_625 = arith.constant 1 : i32
          %get3A_626 = arith.index_cast %get3A_625 : i32 to index
          %get3A_627 = arith.index_cast %add3A_568 : i32 to index
          %get3A_628 = arith.constant 64 : index
          %get3A_629 = tpu.vector_load %arg7[%get3A_626, %get3A_627, %get3A_628] {strides = array<i32>} : memref<2x160x128xf32, #tpu.memory_space<vmem>>, vector<16xf32>,
          %mul3A_630 = vector.broadcast %squeeze3A_564 : f32 to vector<16xf32>
          %mul3A_631 = arith.mulf %get3A_629, %mul3A_630 : vector<16xf32>
          %add3A_632 = vector.broadcast %squeeze3A_566 : f32 to vector<16xf32>
          %add3A_633 = arith.addf %mul3A_631, %add3A_632 : vector<16xf32>
          %swap3A_634 = arith.constant 1 : i32
          %swap3A_635 = arith.index_cast %swap3A_634 : i32 to index
          %swap3A_636 = arith.index_cast %add3A_568 : i32 to index
          %swap3A_637 = arith.constant 64 : index
          %swap3A_638 = tpu.vector_load %arg8[%swap3A_635, %swap3A_636, %swap3A_637] {strides = array<i32>} : memref<2x160x128xf32, #tpu.memory_space<vmem>>, vector<16xf32>,
          tpu.vector_store %arg8[%swap3A_635, %swap3A_636, %swap3A_637], %add3A_633 {strides = array<i32>} : memref<2x160x128xf32, #tpu.memory_space<vmem>>, vector<16xf32>,
          %get3A_639 = arith.constant 1 : i32
          %get3A_640 = arith.index_cast %get3A_639 : i32 to index
          %get3A_641 = arith.index_cast %add3A_568 : i32 to index
          %get3A_642 = arith.constant 80 : index
          %get3A_643 = tpu.vector_load %arg7[%get3A_640, %get3A_641, %get3A_642] {strides = array<i32>} : memref<2x160x128xf32, #tpu.memory_space<vmem>>, vector<16xf32>,
          %mul3A_644 = vector.broadcast %squeeze3A_564 : f32 to vector<16xf32>
          %mul3A_645 = arith.mulf %get3A_643, %mul3A_644 : vector<16xf32>
          %add3A_646 = vector.broadcast %squeeze3A_566 : f32 to vector<16xf32>
          %add3A_647 = arith.addf %mul3A_645, %add3A_646 : vector<16xf32>
          %swap3A_648 = arith.constant 1 : i32
          %swap3A_649 = arith.index_cast %swap3A_648 : i32 to index
          %swap3A_650 = arith.index_cast %add3A_568 : i32 to index
          %swap3A_651 = arith.constant 80 : index
          %swap3A_652 = tpu.vector_load %arg8[%swap3A_649, %swap3A_650, %swap3A_651] {strides = array<i32>} : memref<2x160x128xf32, #tpu.memory_space<vmem>>, vector<16xf32>,
          tpu.vector_store %arg8[%swap3A_649, %swap3A_650, %swap3A_651], %add3A_647 {strides = array<i32>} : memref<2x160x128xf32, #tpu.memory_space<vmem>>, vector<16xf32>,
          %get3A_653 = arith.constant 1 : i32
          %get3A_654 = arith.index_cast %get3A_653 : i32 to index
          %get3A_655 = arith.index_cast %add3A_568 : i32 to index
          %get3A_656 = arith.constant 96 : index
          %get3A_657 = tpu.vector_load %arg7[%get3A_654, %get3A_655, %get3A_656] {strides = array<i32>} : memref<2x160x128xf32, #tpu.memory_space<vmem>>, vector<16xf32>,
          %mul3A_658 = vector.broadcast %squeeze3A_564 : f32 to vector<16xf32>
          %mul3A_659 = arith.mulf %get3A_657, %mul3A_658 : vector<16xf32>
          %add3A_660 = vector.broadcast %squeeze3A_566 : f32 to vector<16xf32>
          %add3A_661 = arith.addf %mul3A_659, %add3A_660 : vector<16xf32>
          %swap3A_662 = arith.constant 1 : i32
          %swap3A_663 = arith.index_cast %swap3A_662 : i32 to index
          %swap3A_664 = arith.index_cast %add3A_568 : i32 to index
          %swap3A_665 = arith.constant 96 : index
          %swap3A_666 = tpu.vector_load %arg8[%swap3A_663, %swap3A_664, %swap3A_665] {strides = array<i32>} : memref<2x160x128xf32, #tpu.memory_space<vmem>>, vector<16xf32>,
          tpu.vector_store %arg8[%swap3A_663, %swap3A_664, %swap3A_665], %add3A_661 {strides = array<i32>} : memref<2x160x128xf32, #tpu.memory_space<vmem>>, vector<16xf32>,
          %get3A_667 = arith.constant 1 : i32
          %get3A_668 = arith.index_cast %get3A_667 : i32 to index
          %get3A_669 = arith.index_cast %add3A_568 : i32 to index
          %get3A_670 = arith.constant 112 : index
          %get3A_671 = tpu.vector_load %arg7[%get3A_668, %get3A_669, %get3A_670] {strides = array<i32>} : memref<2x160x128xf32, #tpu.memory_space<vmem>>, vector<16xf32>,
          %mul3A_672 = vector.broadcast %squeeze3A_564 : f32 to vector<16xf32>
          %mul3A_673 = arith.mulf %get3A_671, %mul3A_672 : vector<16xf32>
          %add3A_674 = vector.broadcast %squeeze3A_566 : f32 to vector<16xf32>
          %add3A_675 = arith.addf %mul3A_673, %add3A_674 : vector<16xf32>
          %swap3A_676 = arith.constant 1 : i32
          %swap3A_677 = arith.index_cast %swap3A_676 : i32 to index
          %swap3A_678 = arith.index_cast %add3A_568 : i32 to index
          %swap3A_679 = arith.constant 112 : index
          %swap3A_680 = tpu.vector_load %arg8[%swap3A_677, %swap3A_678, %swap3A_679] {strides = array<i32>} : memref<2x160x128xf32, #tpu.memory_space<vmem>>, vector<16xf32>,
          tpu.vector_store %arg8[%swap3A_677, %swap3A_678, %swap3A_679], %add3A_675 {strides = array<i32>} : memref<2x160x128xf32, #tpu.memory_space<vmem>>, vector<16xf32>,
          %slice3A_681 = vector.extract_strided_slice %gather3A {offsets = [4], sizes = [1], strides = [1]} : vector<16xf32> to vector<1xf32>
          %squeeze3A_682 = vector.extract %slice3A_681[0] : f32 from vector<1xf32>
          %slice3A_683 = vector.extract_strided_slice %gather3A_209 {offsets = [4], sizes = [1], strides = [1]} : vector<16xf32> to vector<1xf32>
          %squeeze3A_684 = vector.extract %slice3A_683[0] : f32 from vector<1xf32>
          %add3A_685 = arith.constant 4 : i32
          %add3A_686 = arith.addi %mul3A_211, %add3A_685 : i32
          %get3A_687 = arith.constant 1 : i32
          %get3A_688 = arith.index_cast %get3A_687 : i32 to index
          %get3A_689 = arith.index_cast %add3A_686 : i32 to index
          %get3A_690 = arith.constant 0 : index
          %get3A_691 = tpu.vector_load %arg7[%get3A_688, %get3A_689, %get3A_690] {strides = array<i32>} : memref<2x160x128xf32, #tpu.memory_space<vmem>>, vector<16xf32>,
          %mul3A_692 = vector.broadcast %squeeze3A_682 : f32 to vector<16xf32>
          %mul3A_693 = arith.mulf %get3A_691, %mul3A_692 : vector<16xf32>
          %add3A_694 = vector.broadcast %squeeze3A_684 : f32 to vector<16xf32>
          %add3A_695 = arith.addf %mul3A_693, %add3A_694 : vector<16xf32>
          %swap3A_696 = arith.constant 1 : i32
          %swap3A_697 = arith.index_cast %swap3A_696 : i32 to index
          %swap3A_698 = arith.index_cast %add3A_686 : i32 to index
          %swap3A_699 = arith.constant 0 : index
          %swap3A_700 = tpu.vector_load %arg8[%swap3A_697, %swap3A_698, %swap3A_699] {strides = array<i32>} : memref<2x160x128xf32, #tpu.memory_space<vmem>>, vector<16xf32>,
          tpu.vector_store %arg8[%swap3A_697, %swap3A_698, %swap3A_699], %add3A_695 {strides = array<i32>} : memref<2x160x128xf32, #tpu.memory_space<vmem>>, vector<16xf32>,
          %get3A_701 = arith.constant 1 : i32
          %get3A_702 = arith.index_cast %get3A_701 : i32 to index
          %get3A_703 = arith.index_cast %add3A_686 : i32 to index
          %get3A_704 = arith.constant 16 : index
          %get3A_705 = tpu.vector_load %arg7[%get3A_702, %get3A_703, %get3A_704] {strides = array<i32>} : memref<2x160x128xf32, #tpu.memory_space<vmem>>, vector<16xf32>,
          %mul3A_706 = vector.broadcast %squeeze3A_682 : f32 to vector<16xf32>
          %mul3A_707 = arith.mulf %get3A_705, %mul3A_706 : vector<16xf32>
          %add3A_708 = vector.broadcast %squeeze3A_684 : f32 to vector<16xf32>
          %add3A_709 = arith.addf %mul3A_707, %add3A_708 : vector<16xf32>
          %swap3A_710 = arith.constant 1 : i32
          %swap3A_711 = arith.index_cast %swap3A_710 : i32 to index
          %swap3A_712 = arith.index_cast %add3A_686 : i32 to index
          %swap3A_713 = arith.constant 16 : index
          %swap3A_714 = tpu.vector_load %arg8[%swap3A_711, %swap3A_712, %swap3A_713] {strides = array<i32>} : memref<2x160x128xf32, #tpu.memory_space<vmem>>, vector<16xf32>,
          tpu.vector_store %arg8[%swap3A_711, %swap3A_712, %swap3A_713], %add3A_709 {strides = array<i32>} : memref<2x160x128xf32, #tpu.memory_space<vmem>>, vector<16xf32>,
          %get3A_715 = arith.constant 1 : i32
          %get3A_716 = arith.index_cast %get3A_715 : i32 to index
          %get3A_717 = arith.index_cast %add3A_686 : i32 to index
          %get3A_718 = arith.constant 32 : index
          %get3A_719 = tpu.vector_load %arg7[%get3A_716, %get3A_717, %get3A_718] {strides = array<i32>} : memref<2x160x128xf32, #tpu.memory_space<vmem>>, vector<16xf32>,
          %mul3A_720 = vector.broadcast %squeeze3A_682 : f32 to vector<16xf32>
          %mul3A_721 = arith.mulf %get3A_719, %mul3A_720 : vector<16xf32>
          %add3A_722 = vector.broadcast %squeeze3A_684 : f32 to vector<16xf32>
          %add3A_723 = arith.addf %mul3A_721, %add3A_722 : vector<16xf32>
          %swap3A_724 = arith.constant 1 : i32
          %swap3A_725 = arith.index_cast %swap3A_724 : i32 to index
          %swap3A_726 = arith.index_cast %add3A_686 : i32 to index
          %swap3A_727 = arith.constant 32 : index
          %swap3A_728 = tpu.vector_load %arg8[%swap3A_725, %swap3A_726, %swap3A_727] {strides = array<i32>} : memref<2x160x128xf32, #tpu.memory_space<vmem>>, vector<16xf32>,
          tpu.vector_store %arg8[%swap3A_725, %swap3A_726, %swap3A_727], %add3A_723 {strides = array<i32>} : memref<2x160x128xf32, #tpu.memory_space<vmem>>, vector<16xf32>,
          %get3A_729 = arith.constant 1 : i32
          %get3A_730 = arith.index_cast %get3A_729 : i32 to index
          %get3A_731 = arith.index_cast %add3A_686 : i32 to index
          %get3A_732 = arith.constant 48 : index
          %get3A_733 = tpu.vector_load %arg7[%get3A_730, %get3A_731, %get3A_732] {strides = array<i32>} : memref<2x160x128xf32, #tpu.memory_space<vmem>>, vector<16xf32>,
          %mul3A_734 = vector.broadcast %squeeze3A_682 : f32 to vector<16xf32>
          %mul3A_735 = arith.mulf %get3A_733, %mul3A_734 : vector<16xf32>
          %add3A_736 = vector.broadcast %squeeze3A_684 : f32 to vector<16xf32>
          %add3A_737 = arith.addf %mul3A_735, %add3A_736 : vector<16xf32>
          %swap3A_738 = arith.constant 1 : i32
          %swap3A_739 = arith.index_cast %swap3A_738 : i32 to index
          %swap3A_740 = arith.index_cast %add3A_686 : i32 to index
          %swap3A_741 = arith.constant 48 : index
          %swap3A_742 = tpu.vector_load %arg8[%swap3A_739, %swap3A_740, %swap3A_741] {strides = array<i32>} : memref<2x160x128xf32, #tpu.memory_space<vmem>>, vector<16xf32>,
          tpu.vector_store %arg8[%swap3A_739, %swap3A_740, %swap3A_741], %add3A_737 {strides = array<i32>} : memref<2x160x128xf32, #tpu.memory_space<vmem>>, vector<16xf32>,
          %get3A_743 = arith.constant 1 : i32
          %get3A_744 = arith.index_cast %get3A_743 : i32 to index
          %get3A_745 = arith.index_cast %add3A_686 : i32 to index
          %get3A_746 = arith.constant 64 : index
          %get3A_747 = tpu.vector_load %arg7[%get3A_744, %get3A_745, %get3A_746] {strides = array<i32>} : memref<2x160x128xf32, #tpu.memory_space<vmem>>, vector<16xf32>,
          %mul3A_748 = vector.broadcast %squeeze3A_682 : f32 to vector<16xf32>
          %mul3A_749 = arith.mulf %get3A_747, %mul3A_748 : vector<16xf32>
          %add3A_750 = vector.broadcast %squeeze3A_684 : f32 to vector<16xf32>
          %add3A_751 = arith.addf %mul3A_749, %add3A_750 : vector<16xf32>
          %swap3A_752 = arith.constant 1 : i32
          %swap3A_753 = arith.index_cast %swap3A_752 : i32 to index
          %swap3A_754 = arith.index_cast %add3A_686 : i32 to index
          %swap3A_755 = arith.constant 64 : index
          %swap3A_756 = tpu.vector_load %arg8[%swap3A_753, %swap3A_754, %swap3A_755] {strides = array<i32>} : memref<2x160x128xf32, #tpu.memory_space<vmem>>, vector<16xf32>,
          tpu.vector_store %arg8[%swap3A_753, %swap3A_754, %swap3A_755], %add3A_751 {strides = array<i32>} : memref<2x160x128xf32, #tpu.memory_space<vmem>>, vector<16xf32>,
          %get3A_757 = arith.constant 1 : i32
          %get3A_758 = arith.index_cast %get3A_757 : i32 to index
          %get3A_759 = arith.index_cast %add3A_686 : i32 to index
          %get3A_760 = arith.constant 80 : index
          %get3A_761 = tpu.vector_load %arg7[%get3A_758, %get3A_759, %get3A_760] {strides = array<i32>} : memref<2x160x128xf32, #tpu.memory_space<vmem>>, vector<16xf32>,
          %mul3A_762 = vector.broadcast %squeeze3A_682 : f32 to vector<16xf32>
          %mul3A_763 = arith.mulf %get3A_761, %mul3A_762 : vector<16xf32>
          %add3A_764 = vector.broadcast %squeeze3A_684 : f32 to vector<16xf32>
          %add3A_765 = arith.addf %mul3A_763, %add3A_764 : vector<16xf32>
          %swap3A_766 = arith.constant 1 : i32
          %swap3A_767 = arith.index_cast %swap3A_766 : i32 to index
          %swap3A_768 = arith.index_cast %add3A_686 : i32 to index
          %swap3A_769 = arith.constant 80 : index
          %swap3A_770 = tpu.vector_load %arg8[%swap3A_767, %swap3A_768, %swap3A_769] {strides = array<i32>} : memref<2x160x128xf32, #tpu.memory_space<vmem>>, vector<16xf32>,
          tpu.vector_store %arg8[%swap3A_767, %swap3A_768, %swap3A_769], %add3A_765 {strides = array<i32>} : memref<2x160x128xf32, #tpu.memory_space<vmem>>, vector<16xf32>,
          %get3A_771 = arith.constant 1 : i32
          %get3A_772 = arith.index_cast %get3A_771 : i32 to index
          %get3A_773 = arith.index_cast %add3A_686 : i32 to index
          %get3A_774 = arith.constant 96 : index
          %get3A_775 = tpu.vector_load %arg7[%get3A_772, %get3A_773, %get3A_774] {strides = array<i32>} : memref<2x160x128xf32, #tpu.memory_space<vmem>>, vector<16xf32>,
          %mul3A_776 = vector.broadcast %squeeze3A_682 : f32 to vector<16xf32>
          %mul3A_777 = arith.mulf %get3A_775, %mul3A_776 : vector<16xf32>
          %add3A_778 = vector.broadcast %squeeze3A_684 : f32 to vector<16xf32>
          %add3A_779 = arith.addf %mul3A_777, %add3A_778 : vector<16xf32>
          %swap3A_780 = arith.constant 1 : i32
          %swap3A_781 = arith.index_cast %swap3A_780 : i32 to index
          %swap3A_782 = arith.index_cast %add3A_686 : i32 to index
          %swap3A_783 = arith.constant 96 : index
          %swap3A_784 = tpu.vector_load %arg8[%swap3A_781, %swap3A_782, %swap3A_783] {strides = array<i32>} : memref<2x160x128xf32, #tpu.memory_space<vmem>>, vector<16xf32>,
          tpu.vector_store %arg8[%swap3A_781, %swap3A_782, %swap3A_783], %add3A_779 {strides = array<i32>} : memref<2x160x128xf32, #tpu.memory_space<vmem>>, vector<16xf32>,
          %get3A_785 = arith.constant 1 : i32
          %get3A_786 = arith.index_cast %get3A_785 : i32 to index
          %get3A_787 = arith.index_cast %add3A_686 : i32 to index
          %get3A_788 = arith.constant 112 : index
          %get3A_789 = tpu.vector_load %arg7[%get3A_786, %get3A_787, %get3A_788] {strides = array<i32>} : memref<2x160x128xf32, #tpu.memory_space<vmem>>, vector<16xf32>,
          %mul3A_790 = vector.broadcast %squeeze3A_682 : f32 to vector<16xf32>
          %mul3A_791 = arith.mulf %get3A_789, %mul3A_790 : vector<16xf32>
          %add3A_792 = vector.broadcast %squeeze3A_684 : f32 to vector<16xf32>
          %add3A_793 = arith.addf %mul3A_791, %add3A_792 : vector<16xf32>
          %swap3A_794 = arith.constant 1 : i32
          %swap3A_795 = arith.index_cast %swap3A_794 : i32 to index
          %swap3A_796 = arith.index_cast %add3A_686 : i32 to index
          %swap3A_797 = arith.constant 112 : index
          %swap3A_798 = tpu.vector_load %arg8[%swap3A_795, %swap3A_796, %swap3A_797] {strides = array<i32>} : memref<2x160x128xf32, #tpu.memory_space<vmem>>, vector<16xf32>,
          tpu.vector_store %arg8[%swap3A_795, %swap3A_796, %swap3A_797], %add3A_793 {strides = array<i32>} : memref<2x160x128xf32, #tpu.memory_space<vmem>>, vector<16xf32>,
          %slice3A_799 = vector.extract_strided_slice %gather3A {offsets = [5], sizes = [1], strides = [1]} : vector<16xf32> to vector<1xf32>
          %squeeze3A_800 = vector.extract %slice3A_799[0] : f32 from vector<1xf32>
          %slice3A_801 = vector.extract_strided_slice %gather3A_209 {offsets = [5], sizes = [1], strides = [1]} : vector<16xf32> to vector<1xf32>
          %squeeze3A_802 = vector.extract %slice3A_801[0] : f32 from vector<1xf32>
          %add3A_803 = arith.constant 5 : i32
          %add3A_804 = arith.addi %mul3A_211, %add3A_803 : i32
          %get3A_805 = arith.constant 1 : i32
          %get3A_806 = arith.index_cast %get3A_805 : i32 to index
          %get3A_807 = arith.index_cast %add3A_804 : i32 to index
          %get3A_808 = arith.constant 0 : index
          %get3A_809 = tpu.vector_load %arg7[%get3A_806, %get3A_807, %get3A_808] {strides = array<i32>} : memref<2x160x128xf32, #tpu.memory_space<vmem>>, vector<16xf32>,
          %mul3A_810 = vector.broadcast %squeeze3A_800 : f32 to vector<16xf32>
          %mul3A_811 = arith.mulf %get3A_809, %mul3A_810 : vector<16xf32>
          %add3A_812 = vector.broadcast %squeeze3A_802 : f32 to vector<16xf32>
          %add3A_813 = arith.addf %mul3A_811, %add3A_812 : vector<16xf32>
          %swap3A_814 = arith.constant 1 : i32
          %swap3A_815 = arith.index_cast %swap3A_814 : i32 to index
          %swap3A_816 = arith.index_cast %add3A_804 : i32 to index
          %swap3A_817 = arith.constant 0 : index
          %swap3A_818 = tpu.vector_load %arg8[%swap3A_815, %swap3A_816, %swap3A_817] {strides = array<i32>} : memref<2x160x128xf32, #tpu.memory_space<vmem>>, vector<16xf32>,
          tpu.vector_store %arg8[%swap3A_815, %swap3A_816, %swap3A_817], %add3A_813 {strides = array<i32>} : memref<2x160x128xf32, #tpu.memory_space<vmem>>, vector<16xf32>,
          %get3A_819 = arith.constant 1 : i32
          %get3A_820 = arith.index_cast %get3A_819 : i32 to index
          %get3A_821 = arith.index_cast %add3A_804 : i32 to index
          %get3A_822 = arith.constant 16 : index
          %get3A_823 = tpu.vector_load %arg7[%get3A_820, %get3A_821, %get3A_822] {strides = array<i32>} : memref<2x160x128xf32, #tpu.memory_space<vmem>>, vector<16xf32>,
          %mul3A_824 = vector.broadcast %squeeze3A_800 : f32 to vector<16xf32>
          %mul3A_825 = arith.mulf %get3A_823, %mul3A_824 : vector<16xf32>
          %add3A_826 = vector.broadcast %squeeze3A_802 : f32 to vector<16xf32>
          %add3A_827 = arith.addf %mul3A_825, %add3A_826 : vector<16xf32>
          %swap3A_828 = arith.constant 1 : i32
          %swap3A_829 = arith.index_cast %swap3A_828 : i32 to index
          %swap3A_830 = arith.index_cast %add3A_804 : i32 to index
          %swap3A_831 = arith.constant 16 : index
          %swap3A_832 = tpu.vector_load %arg8[%swap3A_829, %swap3A_830, %swap3A_831] {strides = array<i32>} : memref<2x160x128xf32, #tpu.memory_space<vmem>>, vector<16xf32>,
          tpu.vector_store %arg8[%swap3A_829, %swap3A_830, %swap3A_831], %add3A_827 {strides = array<i32>} : memref<2x160x128xf32, #tpu.memory_space<vmem>>, vector<16xf32>,
          %get3A_833 = arith.constant 1 : i32
          %get3A_834 = arith.index_cast %get3A_833 : i32 to index
          %get3A_835 = arith.index_cast %add3A_804 : i32 to index
          %get3A_836 = arith.constant 32 : index
          %get3A_837 = tpu.vector_load %arg7[%get3A_834, %get3A_835, %get3A_836] {strides = array<i32>} : memref<2x160x128xf32, #tpu.memory_space<vmem>>, vector<16xf32>,
          %mul3A_838 = vector.broadcast %squeeze3A_800 : f32 to vector<16xf32>
          %mul3A_839 = arith.mulf %get3A_837, %mul3A_838 : vector<16xf32>
          %add3A_840 = vector.broadcast %squeeze3A_802 : f32 to vector<16xf32>
          %add3A_841 = arith.addf %mul3A_839, %add3A_840 : vector<16xf32>
          %swap3A_842 = arith.constant 1 : i32
          %swap3A_843 = arith.index_cast %swap3A_842 : i32 to index
          %swap3A_844 = arith.index_cast %add3A_804 : i32 to index
          %swap3A_845 = arith.constant 32 : index
          %swap3A_846 = tpu.vector_load %arg8[%swap3A_843, %swap3A_844, %swap3A_845] {strides = array<i32>} : memref<2x160x128xf32, #tpu.memory_space<vmem>>, vector<16xf32>,
          tpu.vector_store %arg8[%swap3A_843, %swap3A_844, %swap3A_845], %add3A_841 {strides = array<i32>} : memref<2x160x128xf32, #tpu.memory_space<vmem>>, vector<16xf32>,
          %get3A_847 = arith.constant 1 : i32
          %get3A_848 = arith.index_cast %get3A_847 : i32 to index
          %get3A_849 = arith.index_cast %add3A_804 : i32 to index
          %get3A_850 = arith.constant 48 : index
          %get3A_851 = tpu.vector_load %arg7[%get3A_848, %get3A_849, %get3A_850] {strides = array<i32>} : memref<2x160x128xf32, #tpu.memory_space<vmem>>, vector<16xf32>,
          %mul3A_852 = vector.broadcast %squeeze3A_800 : f32 to vector<16xf32>
          %mul3A_853 = arith.mulf %get3A_851, %mul3A_852 : vector<16xf32>
          %add3A_854 = vector.broadcast %squeeze3A_802 : f32 to vector<16xf32>
          %add3A_855 = arith.addf %mul3A_853, %add3A_854 : vector<16xf32>
          %swap3A_856 = arith.constant 1 : i32
          %swap3A_857 = arith.index_cast %swap3A_856 : i32 to index
          %swap3A_858 = arith.index_cast %add3A_804 : i32 to index
          %swap3A_859 = arith.constant 48 : index
          %swap3A_860 = tpu.vector_load %arg8[%swap3A_857, %swap3A_858, %swap3A_859] {strides = array<i32>} : memref<2x160x128xf32, #tpu.memory_space<vmem>>, vector<16xf32>,
          tpu.vector_store %arg8[%swap3A_857, %swap3A_858, %swap3A_859], %add3A_855 {strides = array<i32>} : memref<2x160x128xf32, #tpu.memory_space<vmem>>, vector<16xf32>,
          %get3A_861 = arith.constant 1 : i32
          %get3A_862 = arith.index_cast %get3A_861 : i32 to index
          %get3A_863 = arith.index_cast %add3A_804 : i32 to index
          %get3A_864 = arith.constant 64 : index
          %get3A_865 = tpu.vector_load %arg7[%get3A_862, %get3A_863, %get3A_864] {strides = array<i32>} : memref<2x160x128xf32, #tpu.memory_space<vmem>>, vector<16xf32>,
          %mul3A_866 = vector.broadcast %squeeze3A_800 : f32 to vector<16xf32>
          %mul3A_867 = arith.mulf %get3A_865, %mul3A_866 : vector<16xf32>
          %add3A_868 = vector.broadcast %squeeze3A_802 : f32 to vector<16xf32>
          %add3A_869 = arith.addf %mul3A_867, %add3A_868 : vector<16xf32>
          %swap3A_870 = arith.constant 1 : i32
          %swap3A_871 = arith.index_cast %swap3A_870 : i32 to index
          %swap3A_872 = arith.index_cast %add3A_804 : i32 to index
          %swap3A_873 = arith.constant 64 : index
          %swap3A_874 = tpu.vector_load %arg8[%swap3A_871, %swap3A_872, %swap3A_873] {strides = array<i32>} : memref<2x160x128xf32, #tpu.memory_space<vmem>>, vector<16xf32>,
          tpu.vector_store %arg8[%swap3A_871, %swap3A_872, %swap3A_873], %add3A_869 {strides = array<i32>} : memref<2x160x128xf32, #tpu.memory_space<vmem>>, vector<16xf32>,
          %get3A_875 = arith.constant 1 : i32
          %get3A_876 = arith.index_cast %get3A_875 : i32 to index
          %get3A_877 = arith.index_cast %add3A_804 : i32 to index
          %get3A_878 = arith.constant 80 : index
          %get3A_879 = tpu.vector_load %arg7[%get3A_876, %get3A_877, %get3A_878] {strides = array<i32>} : memref<2x160x128xf32, #tpu.memory_space<vmem>>, vector<16xf32>,
          %mul3A_880 = vector.broadcast %squeeze3A_800 : f32 to vector<16xf32>
          %mul3A_881 = arith.mulf %get3A_879, %mul3A_880 : vector<16xf32>
          %add3A_882 = vector.broadcast %squeeze3A_802 : f32 to vector<16xf32>
          %add3A_883 = arith.addf %mul3A_881, %add3A_882 : vector<16xf32>
          %swap3A_884 = arith.constant 1 : i32
          %swap3A_885 = arith.index_cast %swap3A_884 : i32 to index
          %swap3A_886 = arith.index_cast %add3A_804 : i32 to index
          %swap3A_887 = arith.constant 80 : index
          %swap3A_888 = tpu.vector_load %arg8[%swap3A_885, %swap3A_886, %swap3A_887] {strides = array<i32>} : memref<2x160x128xf32, #tpu.memory_space<vmem>>, vector<16xf32>,
          tpu.vector_store %arg8[%swap3A_885, %swap3A_886, %swap3A_887], %add3A_883 {strides = array<i32>} : memref<2x160x128xf32, #tpu.memory_space<vmem>>, vector<16xf32>,
          %get3A_889 = arith.constant 1 : i32
          %get3A_890 = arith.index_cast %get3A_889 : i32 to index
          %get3A_891 = arith.index_cast %add3A_804 : i32 to index
          %get3A_892 = arith.constant 96 : index
          %get3A_893 = tpu.vector_load %arg7[%get3A_890, %get3A_891, %get3A_892] {strides = array<i32>} : memref<2x160x128xf32, #tpu.memory_space<vmem>>, vector<16xf32>,
          %mul3A_894 = vector.broadcast %squeeze3A_800 : f32 to vector<16xf32>
          %mul3A_895 = arith.mulf %get3A_893, %mul3A_894 : vector<16xf32>
          %add3A_896 = vector.broadcast %squeeze3A_802 : f32 to vector<16xf32>
          %add3A_897 = arith.addf %mul3A_895, %add3A_896 : vector<16xf32>
          %swap3A_898 = arith.constant 1 : i32
          %swap3A_899 = arith.index_cast %swap3A_898 : i32 to index
          %swap3A_900 = arith.index_cast %add3A_804 : i32 to index
          %swap3A_901 = arith.constant 96 : index
          %swap3A_902 = tpu.vector_load %arg8[%swap3A_899, %swap3A_900, %swap3A_901] {strides = array<i32>} : memref<2x160x128xf32, #tpu.memory_space<vmem>>, vector<16xf32>,
          tpu.vector_store %arg8[%swap3A_899, %swap3A_900, %swap3A_901], %add3A_897 {strides = array<i32>} : memref<2x160x128xf32, #tpu.memory_space<vmem>>, vector<16xf32>,
          %get3A_903 = arith.constant 1 : i32
          %get3A_904 = arith.index_cast %get3A_903 : i32 to index
          %get3A_905 = arith.index_cast %add3A_804 : i32 to index
          %get3A_906 = arith.constant 112 : index
          %get3A_907 = tpu.vector_load %arg7[%get3A_904, %get3A_905, %get3A_906] {strides = array<i32>} : memref<2x160x128xf32, #tpu.memory_space<vmem>>, vector<16xf32>,
          %mul3A_908 = vector.broadcast %squeeze3A_800 : f32 to vector<16xf32>
          %mul3A_909 = arith.mulf %get3A_907, %mul3A_908 : vector<16xf32>
          %add3A_910 = vector.broadcast %squeeze3A_802 : f32 to vector<16xf32>
          %add3A_911 = arith.addf %mul3A_909, %add3A_910 : vector<16xf32>
          %swap3A_912 = arith.constant 1 : i32
          %swap3A_913 = arith.index_cast %swap3A_912 : i32 to index
          %swap3A_914 = arith.index_cast %add3A_804 : i32 to index
          %swap3A_915 = arith.constant 112 : index
          %swap3A_916 = tpu.vector_load %arg8[%swap3A_913, %swap3A_914, %swap3A_915] {strides = array<i32>} : memref<2x160x128xf32, #tpu.memory_space<vmem>>, vector<16xf32>,
          tpu.vector_store %arg8[%swap3A_913, %swap3A_914, %swap3A_915], %add3A_911 {strides = array<i32>} : memref<2x160x128xf32, #tpu.memory_space<vmem>>, vector<16xf32>,
          %slice3A_917 = vector.extract_strided_slice %gather3A {offsets = [6], sizes = [1], strides = [1]} : vector<16xf32> to vector<1xf32>
          %squeeze3A_918 = vector.extract %slice3A_917[0] : f32 from vector<1xf32>
          %slice3A_919 = vector.extract_strided_slice %gather3A_209 {offsets = [6], sizes = [1], strides = [1]} : vector<16xf32> to vector<1xf32>
          %squeeze3A_920 = vector.extract %slice3A_919[0] : f32 from vector<1xf32>
          %add3A_921 = arith.constant 6 : i32
          %add3A_922 = arith.addi %mul3A_211, %add3A_921 : i32
          %get3A_923 = arith.constant 1 : i32
          %get3A_924 = arith.index_cast %get3A_923 : i32 to index
          %get3A_925 = arith.index_cast %add3A_922 : i32 to index
          %get3A_926 = arith.constant 0 : index
          %get3A_927 = tpu.vector_load %arg7[%get3A_924, %get3A_925, %get3A_926] {strides = array<i32>} : memref<2x160x128xf32, #tpu.memory_space<vmem>>, vector<16xf32>,
          %mul3A_928 = vector.broadcast %squeeze3A_918 : f32 to vector<16xf32>
          %mul3A_929 = arith.mulf %get3A_927, %mul3A_928 : vector<16xf32>
          %add3A_930 = vector.broadcast %squeeze3A_920 : f32 to vector<16xf32>
          %add3A_931 = arith.addf %mul3A_929, %add3A_930 : vector<16xf32>
          %swap3A_932 = arith.constant 1 : i32
          %swap3A_933 = arith.index_cast %swap3A_932 : i32 to index
          %swap3A_934 = arith.index_cast %add3A_922 : i32 to index
          %swap3A_935 = arith.constant 0 : index
          %swap3A_936 = tpu.vector_load %arg8[%swap3A_933, %swap3A_934, %swap3A_935] {strides = array<i32>} : memref<2x160x128xf32, #tpu.memory_space<vmem>>, vector<16xf32>,
          tpu.vector_store %arg8[%swap3A_933, %swap3A_934, %swap3A_935], %add3A_931 {strides = array<i32>} : memref<2x160x128xf32, #tpu.memory_space<vmem>>, vector<16xf32>,
          %get3A_937 = arith.constant 1 : i32
          %get3A_938 = arith.index_cast %get3A_937 : i32 to index
          %get3A_939 = arith.index_cast %add3A_922 : i32 to index
          %get3A_940 = arith.constant 16 : index
          %get3A_941 = tpu.vector_load %arg7[%get3A_938, %get3A_939, %get3A_940] {strides = array<i32>} : memref<2x160x128xf32, #tpu.memory_space<vmem>>, vector<16xf32>,
          %mul3A_942 = vector.broadcast %squeeze3A_918 : f32 to vector<16xf32>
          %mul3A_943 = arith.mulf %get3A_941, %mul3A_942 : vector<16xf32>
          %add3A_944 = vector.broadcast %squeeze3A_920 : f32 to vector<16xf32>
          %add3A_945 = arith.addf %mul3A_943, %add3A_944 : vector<16xf32>
          %swap3A_946 = arith.constant 1 : i32
          %swap3A_947 = arith.index_cast %swap3A_946 : i32 to index
          %swap3A_948 = arith.index_cast %add3A_922 : i32 to index
          %swap3A_949 = arith.constant 16 : index
          %swap3A_950 = tpu.vector_load %arg8[%swap3A_947, %swap3A_948, %swap3A_949] {strides = array<i32>} : memref<2x160x128xf32, #tpu.memory_space<vmem>>, vector<16xf32>,
          tpu.vector_store %arg8[%swap3A_947, %swap3A_948, %swap3A_949], %add3A_945 {strides = array<i32>} : memref<2x160x128xf32, #tpu.memory_space<vmem>>, vector<16xf32>,
          %get3A_951 = arith.constant 1 : i32
          %get3A_952 = arith.index_cast %get3A_951 : i32 to index
          %get3A_953 = arith.index_cast %add3A_922 : i32 to index
          %get3A_954 = arith.constant 32 : index
          %get3A_955 = tpu.vector_load %arg7[%get3A_952, %get3A_953, %get3A_954] {strides = array<i32>} : memref<2x160x128xf32, #tpu.memory_space<vmem>>, vector<16xf32>,
          %mul3A_956 = vector.broadcast %squeeze3A_918 : f32 to vector<16xf32>
          %mul3A_957 = arith.mulf %get3A_955, %mul3A_956 : vector<16xf32>
          %add3A_958 = vector.broadcast %squeeze3A_920 : f32 to vector<16xf32>
          %add3A_959 = arith.addf %mul3A_957, %add3A_958 : vector<16xf32>
          %swap3A_960 = arith.constant 1 : i32
          %swap3A_961 = arith.index_cast %swap3A_960 : i32 to index
          %swap3A_962 = arith.index_cast %add3A_922 : i32 to index
          %swap3A_963 = arith.constant 32 : index
          %swap3A_964 = tpu.vector_load %arg8[%swap3A_961, %swap3A_962, %swap3A_963] {strides = array<i32>} : memref<2x160x128xf32, #tpu.memory_space<vmem>>, vector<16xf32>,
          tpu.vector_store %arg8[%swap3A_961, %swap3A_962, %swap3A_963], %add3A_959 {strides = array<i32>} : memref<2x160x128xf32, #tpu.memory_space<vmem>>, vector<16xf32>,
          %get3A_965 = arith.constant 1 : i32
          %get3A_966 = arith.index_cast %get3A_965 : i32 to index
          %get3A_967 = arith.index_cast %add3A_922 : i32 to index
          %get3A_968 = arith.constant 48 : index
          %get3A_969 = tpu.vector_load %arg7[%get3A_966, %get3A_967, %get3A_968] {strides = array<i32>} : memref<2x160x128xf32, #tpu.memory_space<vmem>>, vector<16xf32>,
          %mul3A_970 = vector.broadcast %squeeze3A_918 : f32 to vector<16xf32>
          %mul3A_971 = arith.mulf %get3A_969, %mul3A_970 : vector<16xf32>
          %add3A_972 = vector.broadcast %squeeze3A_920 : f32 to vector<16xf32>
          %add3A_973 = arith.addf %mul3A_971, %add3A_972 : vector<16xf32>
          %swap3A_974 = arith.constant 1 : i32
          %swap3A_975 = arith.index_cast %swap3A_974 : i32 to index
          %swap3A_976 = arith.index_cast %add3A_922 : i32 to index
          %swap3A_977 = arith.constant 48 : index
          %swap3A_978 = tpu.vector_load %arg8[%swap3A_975, %swap3A_976, %swap3A_977] {strides = array<i32>} : memref<2x160x128xf32, #tpu.memory_space<vmem>>, vector<16xf32>,
          tpu.vector_store %arg8[%swap3A_975, %swap3A_976, %swap3A_977], %add3A_973 {strides = array<i32>} : memref<2x160x128xf32, #tpu.memory_space<vmem>>, vector<16xf32>,
          %get3A_979 = arith.constant 1 : i32
          %get3A_980 = arith.index_cast %get3A_979 : i32 to index
          %get3A_981 = arith.index_cast %add3A_922 : i32 to index
          %get3A_982 = arith.constant 64 : index
          %get3A_983 = tpu.vector_load %arg7[%get3A_980, %get3A_981, %get3A_982] {strides = array<i32>} : memref<2x160x128xf32, #tpu.memory_space<vmem>>, vector<16xf32>,
          %mul3A_984 = vector.broadcast %squeeze3A_918 : f32 to vector<16xf32>
          %mul3A_985 = arith.mulf %get3A_983, %mul3A_984 : vector<16xf32>
          %add3A_986 = vector.broadcast %squeeze3A_920 : f32 to vector<16xf32>
          %add3A_987 = arith.addf %mul3A_985, %add3A_986 : vector<16xf32>
          %swap3A_988 = arith.constant 1 : i32
          %swap3A_989 = arith.index_cast %swap3A_988 : i32 to index
          %swap3A_990 = arith.index_cast %add3A_922 : i32 to index
          %swap3A_991 = arith.constant 64 : index
          %swap3A_992 = tpu.vector_load %arg8[%swap3A_989, %swap3A_990, %swap3A_991] {strides = array<i32>} : memref<2x160x128xf32, #tpu.memory_space<vmem>>, vector<16xf32>,
          tpu.vector_store %arg8[%swap3A_989, %swap3A_990, %swap3A_991], %add3A_987 {strides = array<i32>} : memref<2x160x128xf32, #tpu.memory_space<vmem>>, vector<16xf32>,
          %get3A_993 = arith.constant 1 : i32
          %get3A_994 = arith.index_cast %get3A_993 : i32 to index
          %get3A_995 = arith.index_cast %add3A_922 : i32 to index
          %get3A_996 = arith.constant 80 : index
          %get3A_997 = tpu.vector_load %arg7[%get3A_994, %get3A_995, %get3A_996] {strides = array<i32>} : memref<2x160x128xf32, #tpu.memory_space<vmem>>, vector<16xf32>,
          %mul3A_998 = vector.broadcast %squeeze3A_918 : f32 to vector<16xf32>
          %mul3A_999 = arith.mulf %get3A_997, %mul3A_998 : vector<16xf32>
          %add3A_1000 = vector.broadcast %squeeze3A_920 : f32 to vector<16xf32>
          %add3A_1001 = arith.addf %mul3A_999, %add3A_1000 : vector<16xf32>
          %swap3A_1002 = arith.constant 1 : i32
          %swap3A_1003 = arith.index_cast %swap3A_1002 : i32 to index
          %swap3A_1004 = arith.index_cast %add3A_922 : i32 to index
          %swap3A_1005 = arith.constant 80 : index
          %swap3A_1006 = tpu.vector_load %arg8[%swap3A_1003, %swap3A_1004, %swap3A_1005] {strides = array<i32>} : memref<2x160x128xf32, #tpu.memory_space<vmem>>, vector<16xf32>,
          tpu.vector_store %arg8[%swap3A_1003, %swap3A_1004, %swap3A_1005], %add3A_1001 {strides = array<i32>} : memref<2x160x128xf32, #tpu.memory_space<vmem>>, vector<16xf32>,
          %get3A_1007 = arith.constant 1 : i32
          %get3A_1008 = arith.index_cast %get3A_1007 : i32 to index
          %get3A_1009 = arith.index_cast %add3A_922 : i32 to index
          %get3A_1010 = arith.constant 96 : index
          %get3A_1011 = tpu.vector_load %arg7[%get3A_1008, %get3A_1009, %get3A_1010] {strides = array<i32>} : memref<2x160x128xf32, #tpu.memory_space<vmem>>, vector<16xf32>,
          %mul3A_1012 = vector.broadcast %squeeze3A_918 : f32 to vector<16xf32>
          %mul3A_1013 = arith.mulf %get3A_1011, %mul3A_1012 : vector<16xf32>
          %add3A_1014 = vector.broadcast %squeeze3A_920 : f32 to vector<16xf32>
          %add3A_1015 = arith.addf %mul3A_1013, %add3A_1014 : vector<16xf32>
          %swap3A_1016 = arith.constant 1 : i32
          %swap3A_1017 = arith.index_cast %swap3A_1016 : i32 to index
          %swap3A_1018 = arith.index_cast %add3A_922 : i32 to index
          %swap3A_1019 = arith.constant 96 : index
          %swap3A_1020 = tpu.vector_load %arg8[%swap3A_1017, %swap3A_1018, %swap3A_1019] {strides = array<i32>} : memref<2x160x128xf32, #tpu.memory_space<vmem>>, vector<16xf32>,
          tpu.vector_store %arg8[%swap3A_1017, %swap3A_1018, %swap3A_1019], %add3A_1015 {strides = array<i32>} : memref<2x160x128xf32, #tpu.memory_space<vmem>>, vector<16xf32>,
          %get3A_1021 = arith.constant 1 : i32
          %get3A_1022 = arith.index_cast %get3A_1021 : i32 to index
          %get3A_1023 = arith.index_cast %add3A_922 : i32 to index
          %get3A_1024 = arith.constant 112 : index
          %get3A_1025 = tpu.vector_load %arg7[%get3A_1022, %get3A_1023, %get3A_1024] {strides = array<i32>} : memref<2x160x128xf32, #tpu.memory_space<vmem>>, vector<16xf32>,
          %mul3A_1026 = vector.broadcast %squeeze3A_918 : f32 to vector<16xf32>
          %mul3A_1027 = arith.mulf %get3A_1025, %mul3A_1026 : vector<16xf32>
          %add3A_1028 = vector.broadcast %squeeze3A_920 : f32 to vector<16xf32>
          %add3A_1029 = arith.addf %mul3A_1027, %add3A_1028 : vector<16xf32>
          %swap3A_1030 = arith.constant 1 : i32
          %swap3A_1031 = arith.index_cast %swap3A_1030 : i32 to index
          %swap3A_1032 = arith.index_cast %add3A_922 : i32 to index
          %swap3A_1033 = arith.constant 112 : index
          %swap3A_1034 = tpu.vector_load %arg8[%swap3A_1031, %swap3A_1032, %swap3A_1033] {strides = array<i32>} : memref<2x160x128xf32, #tpu.memory_space<vmem>>, vector<16xf32>,
          tpu.vector_store %arg8[%swap3A_1031, %swap3A_1032, %swap3A_1033], %add3A_1029 {strides = array<i32>} : memref<2x160x128xf32, #tpu.memory_space<vmem>>, vector<16xf32>,
          %slice3A_1035 = vector.extract_strided_slice %gather3A {offsets = [7], sizes = [1], strides = [1]} : vector<16xf32> to vector<1xf32>
          %squeeze3A_1036 = vector.extract %slice3A_1035[0] : f32 from vector<1xf32>
          %slice3A_1037 = vector.extract_strided_slice %gather3A_209 {offsets = [7], sizes = [1], strides = [1]} : vector<16xf32> to vector<1xf32>
          %squeeze3A_1038 = vector.extract %slice3A_1037[0] : f32 from vector<1xf32>
          %add3A_1039 = arith.constant 7 : i32
          %add3A_1040 = arith.addi %mul3A_211, %add3A_1039 : i32
          %get3A_1041 = arith.constant 1 : i32
          %get3A_1042 = arith.index_cast %get3A_1041 : i32 to index
          %get3A_1043 = arith.index_cast %add3A_1040 : i32 to index
          %get3A_1044 = arith.constant 0 : index
          %get3A_1045 = tpu.vector_load %arg7[%get3A_1042, %get3A_1043, %get3A_1044] {strides = array<i32>} : memref<2x160x128xf32, #tpu.memory_space<vmem>>, vector<16xf32>,
          %mul3A_1046 = vector.broadcast %squeeze3A_1036 : f32 to vector<16xf32>
          %mul3A_1047 = arith.mulf %get3A_1045, %mul3A_1046 : vector<16xf32>
          %add3A_1048 = vector.broadcast %squeeze3A_1038 : f32 to vector<16xf32>
          %add3A_1049 = arith.addf %mul3A_1047, %add3A_1048 : vector<16xf32>
          %swap3A_1050 = arith.constant 1 : i32
          %swap3A_1051 = arith.index_cast %swap3A_1050 : i32 to index
          %swap3A_1052 = arith.index_cast %add3A_1040 : i32 to index
          %swap3A_1053 = arith.constant 0 : index
          %swap3A_1054 = tpu.vector_load %arg8[%swap3A_1051, %swap3A_1052, %swap3A_1053] {strides = array<i32>} : memref<2x160x128xf32, #tpu.memory_space<vmem>>, vector<16xf32>,
          tpu.vector_store %arg8[%swap3A_1051, %swap3A_1052, %swap3A_1053], %add3A_1049 {strides = array<i32>} : memref<2x160x128xf32, #tpu.memory_space<vmem>>, vector<16xf32>,
          %get3A_1055 = arith.constant 1 : i32
          %get3A_1056 = arith.index_cast %get3A_1055 : i32 to index
          %get3A_1057 = arith.index_cast %add3A_1040 : i32 to index
          %get3A_1058 = arith.constant 16 : index
          %get3A_1059 = tpu.vector_load %arg7[%get3A_1056, %get3A_1057, %get3A_1058] {strides = array<i32>} : memref<2x160x128xf32, #tpu.memory_space<vmem>>, vector<16xf32>,
          %mul3A_1060 = vector.broadcast %squeeze3A_1036 : f32 to vector<16xf32>
          %mul3A_1061 = arith.mulf %get3A_1059, %mul3A_1060 : vector<16xf32>
          %add3A_1062 = vector.broadcast %squeeze3A_1038 : f32 to vector<16xf32>
          %add3A_1063 = arith.addf %mul3A_1061, %add3A_1062 : vector<16xf32>
          %swap3A_1064 = arith.constant 1 : i32
          %swap3A_1065 = arith.index_cast %swap3A_1064 : i32 to index
          %swap3A_1066 = arith.index_cast %add3A_1040 : i32 to index
          %swap3A_1067 = arith.constant 16 : index
          %swap3A_1068 = tpu.vector_load %arg8[%swap3A_1065, %swap3A_1066, %swap3A_1067] {strides = array<i32>} : memref<2x160x128xf32, #tpu.memory_space<vmem>>, vector<16xf32>,
          tpu.vector_store %arg8[%swap3A_1065, %swap3A_1066, %swap3A_1067], %add3A_1063 {strides = array<i32>} : memref<2x160x128xf32, #tpu.memory_space<vmem>>, vector<16xf32>,
          %get3A_1069 = arith.constant 1 : i32
          %get3A_1070 = arith.index_cast %get3A_1069 : i32 to index
          %get3A_1071 = arith.index_cast %add3A_1040 : i32 to index
          %get3A_1072 = arith.constant 32 : index
          %get3A_1073 = tpu.vector_load %arg7[%get3A_1070, %get3A_1071, %get3A_1072] {strides = array<i32>} : memref<2x160x128xf32, #tpu.memory_space<vmem>>, vector<16xf32>,
          %mul3A_1074 = vector.broadcast %squeeze3A_1036 : f32 to vector<16xf32>
          %mul3A_1075 = arith.mulf %get3A_1073, %mul3A_1074 : vector<16xf32>
          %add3A_1076 = vector.broadcast %squeeze3A_1038 : f32 to vector<16xf32>
          %add3A_1077 = arith.addf %mul3A_1075, %add3A_1076 : vector<16xf32>
          %swap3A_1078 = arith.constant 1 : i32
          %swap3A_1079 = arith.index_cast %swap3A_1078 : i32 to index
          %swap3A_1080 = arith.index_cast %add3A_1040 : i32 to index
          %swap3A_1081 = arith.constant 32 : index
          %swap3A_1082 = tpu.vector_load %arg8[%swap3A_1079, %swap3A_1080, %swap3A_1081] {strides = array<i32>} : memref<2x160x128xf32, #tpu.memory_space<vmem>>, vector<16xf32>,
          tpu.vector_store %arg8[%swap3A_1079, %swap3A_1080, %swap3A_1081], %add3A_1077 {strides = array<i32>} : memref<2x160x128xf32, #tpu.memory_space<vmem>>, vector<16xf32>,
          %get3A_1083 = arith.constant 1 : i32
          %get3A_1084 = arith.index_cast %get3A_1083 : i32 to index
          %get3A_1085 = arith.index_cast %add3A_1040 : i32 to index
          %get3A_1086 = arith.constant 48 : index
          %get3A_1087 = tpu.vector_load %arg7[%get3A_1084, %get3A_1085, %get3A_1086] {strides = array<i32>} : memref<2x160x128xf32, #tpu.memory_space<vmem>>, vector<16xf32>,
          %mul3A_1088 = vector.broadcast %squeeze3A_1036 : f32 to vector<16xf32>
          %mul3A_1089 = arith.mulf %get3A_1087, %mul3A_1088 : vector<16xf32>
          %add3A_1090 = vector.broadcast %squeeze3A_1038 : f32 to vector<16xf32>
          %add3A_1091 = arith.addf %mul3A_1089, %add3A_1090 : vector<16xf32>
          %swap3A_1092 = arith.constant 1 : i32
          %swap3A_1093 = arith.index_cast %swap3A_1092 : i32 to index
          %swap3A_1094 = arith.index_cast %add3A_1040 : i32 to index
          %swap3A_1095 = arith.constant 48 : index
          %swap3A_1096 = tpu.vector_load %arg8[%swap3A_1093, %swap3A_1094, %swap3A_1095] {strides = array<i32>} : memref<2x160x128xf32, #tpu.memory_space<vmem>>, vector<16xf32>,
          tpu.vector_store %arg8[%swap3A_1093, %swap3A_1094, %swap3A_1095], %add3A_1091 {strides = array<i32>} : memref<2x160x128xf32, #tpu.memory_space<vmem>>, vector<16xf32>,
          %get3A_1097 = arith.constant 1 : i32
          %get3A_1098 = arith.index_cast %get3A_1097 : i32 to index
          %get3A_1099 = arith.index_cast %add3A_1040 : i32 to index
          %get3A_1100 = arith.constant 64 : index
          %get3A_1101 = tpu.vector_load %arg7[%get3A_1098, %get3A_1099, %get3A_1100] {strides = array<i32>} : memref<2x160x128xf32, #tpu.memory_space<vmem>>, vector<16xf32>,
          %mul3A_1102 = vector.broadcast %squeeze3A_1036 : f32 to vector<16xf32>
          %mul3A_1103 = arith.mulf %get3A_1101, %mul3A_1102 : vector<16xf32>
          %add3A_1104 = vector.broadcast %squeeze3A_1038 : f32 to vector<16xf32>
          %add3A_1105 = arith.addf %mul3A_1103, %add3A_1104 : vector<16xf32>
          %swap3A_1106 = arith.constant 1 : i32
          %swap3A_1107 = arith.index_cast %swap3A_1106 : i32 to index
          %swap3A_1108 = arith.index_cast %add3A_1040 : i32 to index
          %swap3A_1109 = arith.constant 64 : index
          %swap3A_1110 = tpu.vector_load %arg8[%swap3A_1107, %swap3A_1108, %swap3A_1109] {strides = array<i32>} : memref<2x160x128xf32, #tpu.memory_space<vmem>>, vector<16xf32>,
          tpu.vector_store %arg8[%swap3A_1107, %swap3A_1108, %swap3A_1109], %add3A_1105 {strides = array<i32>} : memref<2x160x128xf32, #tpu.memory_space<vmem>>, vector<16xf32>,
          %get3A_1111 = arith.constant 1 : i32
          %get3A_1112 = arith.index_cast %get3A_1111 : i32 to index
          %get3A_1113 = arith.index_cast %add3A_1040 : i32 to index
          %get3A_1114 = arith.constant 80 : index
          %get3A_1115 = tpu.vector_load %arg7[%get3A_1112, %get3A_1113, %get3A_1114] {strides = array<i32>} : memref<2x160x128xf32, #tpu.memory_space<vmem>>, vector<16xf32>,
          %mul3A_1116 = vector.broadcast %squeeze3A_1036 : f32 to vector<16xf32>
          %mul3A_1117 = arith.mulf %get3A_1115, %mul3A_1116 : vector<16xf32>
          %add3A_1118 = vector.broadcast %squeeze3A_1038 : f32 to vector<16xf32>
          %add3A_1119 = arith.addf %mul3A_1117, %add3A_1118 : vector<16xf32>
          %swap3A_1120 = arith.constant 1 : i32
          %swap3A_1121 = arith.index_cast %swap3A_1120 : i32 to index
          %swap3A_1122 = arith.index_cast %add3A_1040 : i32 to index
          %swap3A_1123 = arith.constant 80 : index
          %swap3A_1124 = tpu.vector_load %arg8[%swap3A_1121, %swap3A_1122, %swap3A_1123] {strides = array<i32>} : memref<2x160x128xf32, #tpu.memory_space<vmem>>, vector<16xf32>,
          tpu.vector_store %arg8[%swap3A_1121, %swap3A_1122, %swap3A_1123], %add3A_1119 {strides = array<i32>} : memref<2x160x128xf32, #tpu.memory_space<vmem>>, vector<16xf32>,
          %get3A_1125 = arith.constant 1 : i32
          %get3A_1126 = arith.index_cast %get3A_1125 : i32 to index
          %get3A_1127 = arith.index_cast %add3A_1040 : i32 to index
          %get3A_1128 = arith.constant 96 : index
          %get3A_1129 = tpu.vector_load %arg7[%get3A_1126, %get3A_1127, %get3A_1128] {strides = array<i32>} : memref<2x160x128xf32, #tpu.memory_space<vmem>>, vector<16xf32>,
          %mul3A_1130 = vector.broadcast %squeeze3A_1036 : f32 to vector<16xf32>
          %mul3A_1131 = arith.mulf %get3A_1129, %mul3A_1130 : vector<16xf32>
          %add3A_1132 = vector.broadcast %squeeze3A_1038 : f32 to vector<16xf32>
          %add3A_1133 = arith.addf %mul3A_1131, %add3A_1132 : vector<16xf32>
          %swap3A_1134 = arith.constant 1 : i32
          %swap3A_1135 = arith.index_cast %swap3A_1134 : i32 to index
          %swap3A_1136 = arith.index_cast %add3A_1040 : i32 to index
          %swap3A_1137 = arith.constant 96 : index
          %swap3A_1138 = tpu.vector_load %arg8[%swap3A_1135, %swap3A_1136, %swap3A_1137] {strides = array<i32>} : memref<2x160x128xf32, #tpu.memory_space<vmem>>, vector<16xf32>,
          tpu.vector_store %arg8[%swap3A_1135, %swap3A_1136, %swap3A_1137], %add3A_1133 {strides = array<i32>} : memref<2x160x128xf32, #tpu.memory_space<vmem>>, vector<16xf32>,
          %get3A_1139 = arith.constant 1 : i32
          %get3A_1140 = arith.index_cast %get3A_1139 : i32 to index
          %get3A_1141 = arith.index_cast %add3A_1040 : i32 to index
          %get3A_1142 = arith.constant 112 : index
          %get3A_1143 = tpu.vector_load %arg7[%get3A_1140, %get3A_1141, %get3A_1142] {strides = array<i32>} : memref<2x160x128xf32, #tpu.memory_space<vmem>>, vector<16xf32>,
          %mul3A_1144 = vector.broadcast %squeeze3A_1036 : f32 to vector<16xf32>
          %mul3A_1145 = arith.mulf %get3A_1143, %mul3A_1144 : vector<16xf32>
          %add3A_1146 = vector.broadcast %squeeze3A_1038 : f32 to vector<16xf32>
          %add3A_1147 = arith.addf %mul3A_1145, %add3A_1146 : vector<16xf32>
          %swap3A_1148 = arith.constant 1 : i32
          %swap3A_1149 = arith.index_cast %swap3A_1148 : i32 to index
          %swap3A_1150 = arith.index_cast %add3A_1040 : i32 to index
          %swap3A_1151 = arith.constant 112 : index
          %swap3A_1152 = tpu.vector_load %arg8[%swap3A_1149, %swap3A_1150, %swap3A_1151] {strides = array<i32>} : memref<2x160x128xf32, #tpu.memory_space<vmem>>, vector<16xf32>,
          tpu.vector_store %arg8[%swap3A_1149, %swap3A_1150, %swap3A_1151], %add3A_1147 {strides = array<i32>} : memref<2x160x128xf32, #tpu.memory_space<vmem>>, vector<16xf32>,
          %slice3A_1153 = vector.extract_strided_slice %gather3A {offsets = [8], sizes = [1], strides = [1]} : vector<16xf32> to vector<1xf32>
          %squeeze3A_1154 = vector.extract %slice3A_1153[0] : f32 from vector<1xf32>
          %slice3A_1155 = vector.extract_strided_slice %gather3A_209 {offsets = [8], sizes = [1], strides = [1]} : vector<16xf32> to vector<1xf32>
          %squeeze3A_1156 = vector.extract %slice3A_1155[0] : f32 from vector<1xf32>
          %add3A_1157 = arith.constant 8 : i32
          %add3A_1158 = arith.addi %mul3A_211, %add3A_1157 : i32
          %get3A_1159 = arith.constant 1 : i32
          %get3A_1160 = arith.index_cast %get3A_1159 : i32 to index
          %get3A_1161 = arith.index_cast %add3A_1158 : i32 to index
          %get3A_1162 = arith.constant 0 : index
          %get3A_1163 = tpu.vector_load %arg7[%get3A_1160, %get3A_1161, %get3A_1162] {strides = array<i32>} : memref<2x160x128xf32, #tpu.memory_space<vmem>>, vector<16xf32>,
          %mul3A_1164 = vector.broadcast %squeeze3A_1154 : f32 to vector<16xf32>
          %mul3A_1165 = arith.mulf %get3A_1163, %mul3A_1164 : vector<16xf32>
          %add3A_1166 = vector.broadcast %squeeze3A_1156 : f32 to vector<16xf32>
          %add3A_1167 = arith.addf %mul3A_1165, %add3A_1166 : vector<16xf32>
          %swap3A_1168 = arith.constant 1 : i32
          %swap3A_1169 = arith.index_cast %swap3A_1168 : i32 to index
          %swap3A_1170 = arith.index_cast %add3A_1158 : i32 to index
          %swap3A_1171 = arith.constant 0 : index
          %swap3A_1172 = tpu.vector_load %arg8[%swap3A_1169, %swap3A_1170, %swap3A_1171] {strides = array<i32>} : memref<2x160x128xf32, #tpu.memory_space<vmem>>, vector<16xf32>,
          tpu.vector_store %arg8[%swap3A_1169, %swap3A_1170, %swap3A_1171], %add3A_1167 {strides = array<i32>} : memref<2x160x128xf32, #tpu.memory_space<vmem>>, vector<16xf32>,
          %get3A_1173 = arith.constant 1 : i32
          %get3A_1174 = arith.index_cast %get3A_1173 : i32 to index
          %get3A_1175 = arith.index_cast %add3A_1158 : i32 to index
          %get3A_1176 = arith.constant 16 : index
          %get3A_1177 = tpu.vector_load %arg7[%get3A_1174, %get3A_1175, %get3A_1176] {strides = array<i32>} : memref<2x160x128xf32, #tpu.memory_space<vmem>>, vector<16xf32>,
          %mul3A_1178 = vector.broadcast %squeeze3A_1154 : f32 to vector<16xf32>
          %mul3A_1179 = arith.mulf %get3A_1177, %mul3A_1178 : vector<16xf32>
          %add3A_1180 = vector.broadcast %squeeze3A_1156 : f32 to vector<16xf32>
          %add3A_1181 = arith.addf %mul3A_1179, %add3A_1180 : vector<16xf32>
          %swap3A_1182 = arith.constant 1 : i32
          %swap3A_1183 = arith.index_cast %swap3A_1182 : i32 to index
          %swap3A_1184 = arith.index_cast %add3A_1158 : i32 to index
          %swap3A_1185 = arith.constant 16 : index
          %swap3A_1186 = tpu.vector_load %arg8[%swap3A_1183, %swap3A_1184, %swap3A_1185] {strides = array<i32>} : memref<2x160x128xf32, #tpu.memory_space<vmem>>, vector<16xf32>,
          tpu.vector_store %arg8[%swap3A_1183, %swap3A_1184, %swap3A_1185], %add3A_1181 {strides = array<i32>} : memref<2x160x128xf32, #tpu.memory_space<vmem>>, vector<16xf32>,
          %get3A_1187 = arith.constant 1 : i32
          %get3A_1188 = arith.index_cast %get3A_1187 : i32 to index
          %get3A_1189 = arith.index_cast %add3A_1158 : i32 to index
          %get3A_1190 = arith.constant 32 : index
          %get3A_1191 = tpu.vector_load %arg7[%get3A_1188, %get3A_1189, %get3A_1190] {strides = array<i32>} : memref<2x160x128xf32, #tpu.memory_space<vmem>>, vector<16xf32>,
          %mul3A_1192 = vector.broadcast %squeeze3A_1154 : f32 to vector<16xf32>
          %mul3A_1193 = arith.mulf %get3A_1191, %mul3A_1192 : vector<16xf32>
          %add3A_1194 = vector.broadcast %squeeze3A_1156 : f32 to vector<16xf32>
          %add3A_1195 = arith.addf %mul3A_1193, %add3A_1194 : vector<16xf32>
          %swap3A_1196 = arith.constant 1 : i32
          %swap3A_1197 = arith.index_cast %swap3A_1196 : i32 to index
          %swap3A_1198 = arith.index_cast %add3A_1158 : i32 to index
          %swap3A_1199 = arith.constant 32 : index
          %swap3A_1200 = tpu.vector_load %arg8[%swap3A_1197, %swap3A_1198, %swap3A_1199] {strides = array<i32>} : memref<2x160x128xf32, #tpu.memory_space<vmem>>, vector<16xf32>,
          tpu.vector_store %arg8[%swap3A_1197, %swap3A_1198, %swap3A_1199], %add3A_1195 {strides = array<i32>} : memref<2x160x128xf32, #tpu.memory_space<vmem>>, vector<16xf32>,
          %get3A_1201 = arith.constant 1 : i32
          %get3A_1202 = arith.index_cast %get3A_1201 : i32 to index
          %get3A_1203 = arith.index_cast %add3A_1158 : i32 to index
          %get3A_1204 = arith.constant 48 : index
          %get3A_1205 = tpu.vector_load %arg7[%get3A_1202, %get3A_1203, %get3A_1204] {strides = array<i32>} : memref<2x160x128xf32, #tpu.memory_space<vmem>>, vector<16xf32>,
          %mul3A_1206 = vector.broadcast %squeeze3A_1154 : f32 to vector<16xf32>
          %mul3A_1207 = arith.mulf %get3A_1205, %mul3A_1206 : vector<16xf32>
          %add3A_1208 = vector.broadcast %squeeze3A_1156 : f32 to vector<16xf32>
          %add3A_1209 = arith.addf %mul3A_1207, %add3A_1208 : vector<16xf32>
          %swap3A_1210 = arith.constant 1 : i32
          %swap3A_1211 = arith.index_cast %swap3A_1210 : i32 to index
          %swap3A_1212 = arith.index_cast %add3A_1158 : i32 to index
          %swap3A_1213 = arith.constant 48 : index
          %swap3A_1214 = tpu.vector_load %arg8[%swap3A_1211, %swap3A_1212, %swap3A_1213] {strides = array<i32>} : memref<2x160x128xf32, #tpu.memory_space<vmem>>, vector<16xf32>,
          tpu.vector_store %arg8[%swap3A_1211, %swap3A_1212, %swap3A_1213], %add3A_1209 {strides = array<i32>} : memref<2x160x128xf32, #tpu.memory_space<vmem>>, vector<16xf32>,
          %get3A_1215 = arith.constant 1 : i32
          %get3A_1216 = arith.index_cast %get3A_1215 : i32 to index
          %get3A_1217 = arith.index_cast %add3A_1158 : i32 to index
          %get3A_1218 = arith.constant 64 : index
          %get3A_1219 = tpu.vector_load %arg7[%get3A_1216, %get3A_1217, %get3A_1218] {strides = array<i32>} : memref<2x160x128xf32, #tpu.memory_space<vmem>>, vector<16xf32>,
          %mul3A_1220 = vector.broadcast %squeeze3A_1154 : f32 to vector<16xf32>
          %mul3A_1221 = arith.mulf %get3A_1219, %mul3A_1220 : vector<16xf32>
          %add3A_1222 = vector.broadcast %squeeze3A_1156 : f32 to vector<16xf32>
          %add3A_1223 = arith.addf %mul3A_1221, %add3A_1222 : vector<16xf32>
          %swap3A_1224 = arith.constant 1 : i32
          %swap3A_1225 = arith.index_cast %swap3A_1224 : i32 to index
          %swap3A_1226 = arith.index_cast %add3A_1158 : i32 to index
          %swap3A_1227 = arith.constant 64 : index
          %swap3A_1228 = tpu.vector_load %arg8[%swap3A_1225, %swap3A_1226, %swap3A_1227] {strides = array<i32>} : memref<2x160x128xf32, #tpu.memory_space<vmem>>, vector<16xf32>,
          tpu.vector_store %arg8[%swap3A_1225, %swap3A_1226, %swap3A_1227], %add3A_1223 {strides = array<i32>} : memref<2x160x128xf32, #tpu.memory_space<vmem>>, vector<16xf32>,
          %get3A_1229 = arith.constant 1 : i32
          %get3A_1230 = arith.index_cast %get3A_1229 : i32 to index
          %get3A_1231 = arith.index_cast %add3A_1158 : i32 to index
          %get3A_1232 = arith.constant 80 : index
          %get3A_1233 = tpu.vector_load %arg7[%get3A_1230, %get3A_1231, %get3A_1232] {strides = array<i32>} : memref<2x160x128xf32, #tpu.memory_space<vmem>>, vector<16xf32>,
          %mul3A_1234 = vector.broadcast %squeeze3A_1154 : f32 to vector<16xf32>
          %mul3A_1235 = arith.mulf %get3A_1233, %mul3A_1234 : vector<16xf32>
          %add3A_1236 = vector.broadcast %squeeze3A_1156 : f32 to vector<16xf32>
          %add3A_1237 = arith.addf %mul3A_1235, %add3A_1236 : vector<16xf32>
          %swap3A_1238 = arith.constant 1 : i32
          %swap3A_1239 = arith.index_cast %swap3A_1238 : i32 to index
          %swap3A_1240 = arith.index_cast %add3A_1158 : i32 to index
          %swap3A_1241 = arith.constant 80 : index
          %swap3A_1242 = tpu.vector_load %arg8[%swap3A_1239, %swap3A_1240, %swap3A_1241] {strides = array<i32>} : memref<2x160x128xf32, #tpu.memory_space<vmem>>, vector<16xf32>,
          tpu.vector_store %arg8[%swap3A_1239, %swap3A_1240, %swap3A_1241], %add3A_1237 {strides = array<i32>} : memref<2x160x128xf32, #tpu.memory_space<vmem>>, vector<16xf32>,
          %get3A_1243 = arith.constant 1 : i32
          %get3A_1244 = arith.index_cast %get3A_1243 : i32 to index
          %get3A_1245 = arith.index_cast %add3A_1158 : i32 to index
          %get3A_1246 = arith.constant 96 : index
          %get3A_1247 = tpu.vector_load %arg7[%get3A_1244, %get3A_1245, %get3A_1246] {strides = array<i32>} : memref<2x160x128xf32, #tpu.memory_space<vmem>>, vector<16xf32>,
          %mul3A_1248 = vector.broadcast %squeeze3A_1154 : f32 to vector<16xf32>
          %mul3A_1249 = arith.mulf %get3A_1247, %mul3A_1248 : vector<16xf32>
          %add3A_1250 = vector.broadcast %squeeze3A_1156 : f32 to vector<16xf32>
          %add3A_1251 = arith.addf %mul3A_1249, %add3A_1250 : vector<16xf32>
          %swap3A_1252 = arith.constant 1 : i32
          %swap3A_1253 = arith.index_cast %swap3A_1252 : i32 to index
          %swap3A_1254 = arith.index_cast %add3A_1158 : i32 to index
          %swap3A_1255 = arith.constant 96 : index
          %swap3A_1256 = tpu.vector_load %arg8[%swap3A_1253, %swap3A_1254, %swap3A_1255] {strides = array<i32>} : memref<2x160x128xf32, #tpu.memory_space<vmem>>, vector<16xf32>,
          tpu.vector_store %arg8[%swap3A_1253, %swap3A_1254, %swap3A_1255], %add3A_1251 {strides = array<i32>} : memref<2x160x128xf32, #tpu.memory_space<vmem>>, vector<16xf32>,
          %get3A_1257 = arith.constant 1 : i32
          %get3A_1258 = arith.index_cast %get3A_1257 : i32 to index
          %get3A_1259 = arith.index_cast %add3A_1158 : i32 to index
          %get3A_1260 = arith.constant 112 : index
          %get3A_1261 = tpu.vector_load %arg7[%get3A_1258, %get3A_1259, %get3A_1260] {strides = array<i32>} : memref<2x160x128xf32, #tpu.memory_space<vmem>>, vector<16xf32>,
          %mul3A_1262 = vector.broadcast %squeeze3A_1154 : f32 to vector<16xf32>
          %mul3A_1263 = arith.mulf %get3A_1261, %mul3A_1262 : vector<16xf32>
          %add3A_1264 = vector.broadcast %squeeze3A_1156 : f32 to vector<16xf32>
          %add3A_1265 = arith.addf %mul3A_1263, %add3A_1264 : vector<16xf32>
          %swap3A_1266 = arith.constant 1 : i32
          %swap3A_1267 = arith.index_cast %swap3A_1266 : i32 to index
          %swap3A_1268 = arith.index_cast %add3A_1158 : i32 to index
          %swap3A_1269 = arith.constant 112 : index
          %swap3A_1270 = tpu.vector_load %arg8[%swap3A_1267, %swap3A_1268, %swap3A_1269] {strides = array<i32>} : memref<2x160x128xf32, #tpu.memory_space<vmem>>, vector<16xf32>,
          tpu.vector_store %arg8[%swap3A_1267, %swap3A_1268, %swap3A_1269], %add3A_1265 {strides = array<i32>} : memref<2x160x128xf32, #tpu.memory_space<vmem>>, vector<16xf32>,
          %slice3A_1271 = vector.extract_strided_slice %gather3A {offsets = [9], sizes = [1], strides = [1]} : vector<16xf32> to vector<1xf32>
          %squeeze3A_1272 = vector.extract %slice3A_1271[0] : f32 from vector<1xf32>
          %slice3A_1273 = vector.extract_strided_slice %gather3A_209 {offsets = [9], sizes = [1], strides = [1]} : vector<16xf32> to vector<1xf32>
          %squeeze3A_1274 = vector.extract %slice3A_1273[0] : f32 from vector<1xf32>
          %add3A_1275 = arith.constant 9 : i32
          %add3A_1276 = arith.addi %mul3A_211, %add3A_1275 : i32
          %get3A_1277 = arith.constant 1 : i32
          %get3A_1278 = arith.index_cast %get3A_1277 : i32 to index
          %get3A_1279 = arith.index_cast %add3A_1276 : i32 to index
          %get3A_1280 = arith.constant 0 : index
          %get3A_1281 = tpu.vector_load %arg7[%get3A_1278, %get3A_1279, %get3A_1280] {strides = array<i32>} : memref<2x160x128xf32, #tpu.memory_space<vmem>>, vector<16xf32>,
          %mul3A_1282 = vector.broadcast %squeeze3A_1272 : f32 to vector<16xf32>
          %mul3A_1283 = arith.mulf %get3A_1281, %mul3A_1282 : vector<16xf32>
          %add3A_1284 = vector.broadcast %squeeze3A_1274 : f32 to vector<16xf32>
          %add3A_1285 = arith.addf %mul3A_1283, %add3A_1284 : vector<16xf32>
          %swap3A_1286 = arith.constant 1 : i32
          %swap3A_1287 = arith.index_cast %swap3A_1286 : i32 to index
          %swap3A_1288 = arith.index_cast %add3A_1276 : i32 to index
          %swap3A_1289 = arith.constant 0 : index
          %swap3A_1290 = tpu.vector_load %arg8[%swap3A_1287, %swap3A_1288, %swap3A_1289] {strides = array<i32>} : memref<2x160x128xf32, #tpu.memory_space<vmem>>, vector<16xf32>,
          tpu.vector_store %arg8[%swap3A_1287, %swap3A_1288, %swap3A_1289], %add3A_1285 {strides = array<i32>} : memref<2x160x128xf32, #tpu.memory_space<vmem>>, vector<16xf32>,
          %get3A_1291 = arith.constant 1 : i32
          %get3A_1292 = arith.index_cast %get3A_1291 : i32 to index
          %get3A_1293 = arith.index_cast %add3A_1276 : i32 to index
          %get3A_1294 = arith.constant 16 : index
          %get3A_1295 = tpu.vector_load %arg7[%get3A_1292, %get3A_1293, %get3A_1294] {strides = array<i32>} : memref<2x160x128xf32, #tpu.memory_space<vmem>>, vector<16xf32>,
          %mul3A_1296 = vector.broadcast %squeeze3A_1272 : f32 to vector<16xf32>
          %mul3A_1297 = arith.mulf %get3A_1295, %mul3A_1296 : vector<16xf32>
          %add3A_1298 = vector.broadcast %squeeze3A_1274 : f32 to vector<16xf32>
          %add3A_1299 = arith.addf %mul3A_1297, %add3A_1298 : vector<16xf32>
          %swap3A_1300 = arith.constant 1 : i32
          %swap3A_1301 = arith.index_cast %swap3A_1300 : i32 to index
          %swap3A_1302 = arith.index_cast %add3A_1276 : i32 to index
          %swap3A_1303 = arith.constant 16 : index
          %swap3A_1304 = tpu.vector_load %arg8[%swap3A_1301, %swap3A_1302, %swap3A_1303] {strides = array<i32>} : memref<2x160x128xf32, #tpu.memory_space<vmem>>, vector<16xf32>,
          tpu.vector_store %arg8[%swap3A_1301, %swap3A_1302, %swap3A_1303], %add3A_1299 {strides = array<i32>} : memref<2x160x128xf32, #tpu.memory_space<vmem>>, vector<16xf32>,
          %get3A_1305 = arith.constant 1 : i32
          %get3A_1306 = arith.index_cast %get3A_1305 : i32 to index
          %get3A_1307 = arith.index_cast %add3A_1276 : i32 to index
          %get3A_1308 = arith.constant 32 : index
          %get3A_1309 = tpu.vector_load %arg7[%get3A_1306, %get3A_1307, %get3A_1308] {strides = array<i32>} : memref<2x160x128xf32, #tpu.memory_space<vmem>>, vector<16xf32>,
          %mul3A_1310 = vector.broadcast %squeeze3A_1272 : f32 to vector<16xf32>
          %mul3A_1311 = arith.mulf %get3A_1309, %mul3A_1310 : vector<16xf32>
          %add3A_1312 = vector.broadcast %squeeze3A_1274 : f32 to vector<16xf32>
          %add3A_1313 = arith.addf %mul3A_1311, %add3A_1312 : vector<16xf32>
          %swap3A_1314 = arith.constant 1 : i32
          %swap3A_1315 = arith.index_cast %swap3A_1314 : i32 to index
          %swap3A_1316 = arith.index_cast %add3A_1276 : i32 to index
          %swap3A_1317 = arith.constant 32 : index
          %swap3A_1318 = tpu.vector_load %arg8[%swap3A_1315, %swap3A_1316, %swap3A_1317] {strides = array<i32>} : memref<2x160x128xf32, #tpu.memory_space<vmem>>, vector<16xf32>,
          tpu.vector_store %arg8[%swap3A_1315, %swap3A_1316, %swap3A_1317], %add3A_1313 {strides = array<i32>} : memref<2x160x128xf32, #tpu.memory_space<vmem>>, vector<16xf32>,
          %get3A_1319 = arith.constant 1 : i32
          %get3A_1320 = arith.index_cast %get3A_1319 : i32 to index
          %get3A_1321 = arith.index_cast %add3A_1276 : i32 to index
          %get3A_1322 = arith.constant 48 : index
          %get3A_1323 = tpu.vector_load %arg7[%get3A_1320, %get3A_1321, %get3A_1322] {strides = array<i32>} : memref<2x160x128xf32, #tpu.memory_space<vmem>>, vector<16xf32>,
          %mul3A_1324 = vector.broadcast %squeeze3A_1272 : f32 to vector<16xf32>
          %mul3A_1325 = arith.mulf %get3A_1323, %mul3A_1324 : vector<16xf32>
          %add3A_1326 = vector.broadcast %squeeze3A_1274 : f32 to vector<16xf32>
          %add3A_1327 = arith.addf %mul3A_1325, %add3A_1326 : vector<16xf32>
          %swap3A_1328 = arith.constant 1 : i32
          %swap3A_1329 = arith.index_cast %swap3A_1328 : i32 to index
          %swap3A_1330 = arith.index_cast %add3A_1276 : i32 to index
          %swap3A_1331 = arith.constant 48 : index
          %swap3A_1332 = tpu.vector_load %arg8[%swap3A_1329, %swap3A_1330, %swap3A_1331] {strides = array<i32>} : memref<2x160x128xf32, #tpu.memory_space<vmem>>, vector<16xf32>,
          tpu.vector_store %arg8[%swap3A_1329, %swap3A_1330, %swap3A_1331], %add3A_1327 {strides = array<i32>} : memref<2x160x128xf32, #tpu.memory_space<vmem>>, vector<16xf32>,
          %get3A_1333 = arith.constant 1 : i32
          %get3A_1334 = arith.index_cast %get3A_1333 : i32 to index
          %get3A_1335 = arith.index_cast %add3A_1276 : i32 to index
          %get3A_1336 = arith.constant 64 : index
          %get3A_1337 = tpu.vector_load %arg7[%get3A_1334, %get3A_1335, %get3A_1336] {strides = array<i32>} : memref<2x160x128xf32, #tpu.memory_space<vmem>>, vector<16xf32>,
          %mul3A_1338 = vector.broadcast %squeeze3A_1272 : f32 to vector<16xf32>
          %mul3A_1339 = arith.mulf %get3A_1337, %mul3A_1338 : vector<16xf32>
          %add3A_1340 = vector.broadcast %squeeze3A_1274 : f32 to vector<16xf32>
          %add3A_1341 = arith.addf %mul3A_1339, %add3A_1340 : vector<16xf32>
          %swap3A_1342 = arith.constant 1 : i32
          %swap3A_1343 = arith.index_cast %swap3A_1342 : i32 to index
          %swap3A_1344 = arith.index_cast %add3A_1276 : i32 to index
          %swap3A_1345 = arith.constant 64 : index
          %swap3A_1346 = tpu.vector_load %arg8[%swap3A_1343, %swap3A_1344, %swap3A_1345] {strides = array<i32>} : memref<2x160x128xf32, #tpu.memory_space<vmem>>, vector<16xf32>,
          tpu.vector_store %arg8[%swap3A_1343, %swap3A_1344, %swap3A_1345], %add3A_1341 {strides = array<i32>} : memref<2x160x128xf32, #tpu.memory_space<vmem>>, vector<16xf32>,
          %get3A_1347 = arith.constant 1 : i32
          %get3A_1348 = arith.index_cast %get3A_1347 : i32 to index
          %get3A_1349 = arith.index_cast %add3A_1276 : i32 to index
          %get3A_1350 = arith.constant 80 : index
          %get3A_1351 = tpu.vector_load %arg7[%get3A_1348, %get3A_1349, %get3A_1350] {strides = array<i32>} : memref<2x160x128xf32, #tpu.memory_space<vmem>>, vector<16xf32>,
          %mul3A_1352 = vector.broadcast %squeeze3A_1272 : f32 to vector<16xf32>
          %mul3A_1353 = arith.mulf %get3A_1351, %mul3A_1352 : vector<16xf32>
          %add3A_1354 = vector.broadcast %squeeze3A_1274 : f32 to vector<16xf32>
          %add3A_1355 = arith.addf %mul3A_1353, %add3A_1354 : vector<16xf32>
          %swap3A_1356 = arith.constant 1 : i32
          %swap3A_1357 = arith.index_cast %swap3A_1356 : i32 to index
          %swap3A_1358 = arith.index_cast %add3A_1276 : i32 to index
          %swap3A_1359 = arith.constant 80 : index
          %swap3A_1360 = tpu.vector_load %arg8[%swap3A_1357, %swap3A_1358, %swap3A_1359] {strides = array<i32>} : memref<2x160x128xf32, #tpu.memory_space<vmem>>, vector<16xf32>,
          tpu.vector_store %arg8[%swap3A_1357, %swap3A_1358, %swap3A_1359], %add3A_1355 {strides = array<i32>} : memref<2x160x128xf32, #tpu.memory_space<vmem>>, vector<16xf32>,
          %get3A_1361 = arith.constant 1 : i32
          %get3A_1362 = arith.index_cast %get3A_1361 : i32 to index
          %get3A_1363 = arith.index_cast %add3A_1276 : i32 to index
          %get3A_1364 = arith.constant 96 : index
          %get3A_1365 = tpu.vector_load %arg7[%get3A_1362, %get3A_1363, %get3A_1364] {strides = array<i32>} : memref<2x160x128xf32, #tpu.memory_space<vmem>>, vector<16xf32>,
          %mul3A_1366 = vector.broadcast %squeeze3A_1272 : f32 to vector<16xf32>
          %mul3A_1367 = arith.mulf %get3A_1365, %mul3A_1366 : vector<16xf32>
          %add3A_1368 = vector.broadcast %squeeze3A_1274 : f32 to vector<16xf32>
          %add3A_1369 = arith.addf %mul3A_1367, %add3A_1368 : vector<16xf32>
          %swap3A_1370 = arith.constant 1 : i32
          %swap3A_1371 = arith.index_cast %swap3A_1370 : i32 to index
          %swap3A_1372 = arith.index_cast %add3A_1276 : i32 to index
          %swap3A_1373 = arith.constant 96 : index
          %swap3A_1374 = tpu.vector_load %arg8[%swap3A_1371, %swap3A_1372, %swap3A_1373] {strides = array<i32>} : memref<2x160x128xf32, #tpu.memory_space<vmem>>, vector<16xf32>,
          tpu.vector_store %arg8[%swap3A_1371, %swap3A_1372, %swap3A_1373], %add3A_1369 {strides = array<i32>} : memref<2x160x128xf32, #tpu.memory_space<vmem>>, vector<16xf32>,
          %get3A_1375 = arith.constant 1 : i32
          %get3A_1376 = arith.index_cast %get3A_1375 : i32 to index
          %get3A_1377 = arith.index_cast %add3A_1276 : i32 to index
          %get3A_1378 = arith.constant 112 : index
          %get3A_1379 = tpu.vector_load %arg7[%get3A_1376, %get3A_1377, %get3A_1378] {strides = array<i32>} : memref<2x160x128xf32, #tpu.memory_space<vmem>>, vector<16xf32>,
          %mul3A_1380 = vector.broadcast %squeeze3A_1272 : f32 to vector<16xf32>
          %mul3A_1381 = arith.mulf %get3A_1379, %mul3A_1380 : vector<16xf32>
          %add3A_1382 = vector.broadcast %squeeze3A_1274 : f32 to vector<16xf32>
          %add3A_1383 = arith.addf %mul3A_1381, %add3A_1382 : vector<16xf32>
          %swap3A_1384 = arith.constant 1 : i32
          %swap3A_1385 = arith.index_cast %swap3A_1384 : i32 to index
          %swap3A_1386 = arith.index_cast %add3A_1276 : i32 to index
          %swap3A_1387 = arith.constant 112 : index
          %swap3A_1388 = tpu.vector_load %arg8[%swap3A_1385, %swap3A_1386, %swap3A_1387] {strides = array<i32>} : memref<2x160x128xf32, #tpu.memory_space<vmem>>, vector<16xf32>,
          tpu.vector_store %arg8[%swap3A_1385, %swap3A_1386, %swap3A_1387], %add3A_1383 {strides = array<i32>} : memref<2x160x128xf32, #tpu.memory_space<vmem>>, vector<16xf32>,
          %slice3A_1389 = vector.extract_strided_slice %gather3A {offsets = [10], sizes = [1], strides = [1]} : vector<16xf32> to vector<1xf32>
          %squeeze3A_1390 = vector.extract %slice3A_1389[0] : f32 from vector<1xf32>
          %slice3A_1391 = vector.extract_strided_slice %gather3A_209 {offsets = [10], sizes = [1], strides = [1]} : vector<16xf32> to vector<1xf32>
          %squeeze3A_1392 = vector.extract %slice3A_1391[0] : f32 from vector<1xf32>
          %add3A_1393 = arith.constant 10 : i32
          %add3A_1394 = arith.addi %mul3A_211, %add3A_1393 : i32
          %get3A_1395 = arith.constant 1 : i32
          %get3A_1396 = arith.index_cast %get3A_1395 : i32 to index
          %get3A_1397 = arith.index_cast %add3A_1394 : i32 to index
          %get3A_1398 = arith.constant 0 : index
          %get3A_1399 = tpu.vector_load %arg7[%get3A_1396, %get3A_1397, %get3A_1398] {strides = array<i32>} : memref<2x160x128xf32, #tpu.memory_space<vmem>>, vector<16xf32>,
          %mul3A_1400 = vector.broadcast %squeeze3A_1390 : f32 to vector<16xf32>
          %mul3A_1401 = arith.mulf %get3A_1399, %mul3A_1400 : vector<16xf32>
          %add3A_1402 = vector.broadcast %squeeze3A_1392 : f32 to vector<16xf32>
          %add3A_1403 = arith.addf %mul3A_1401, %add3A_1402 : vector<16xf32>
          %swap3A_1404 = arith.constant 1 : i32
          %swap3A_1405 = arith.index_cast %swap3A_1404 : i32 to index
          %swap3A_1406 = arith.index_cast %add3A_1394 : i32 to index
          %swap3A_1407 = arith.constant 0 : index
          %swap3A_1408 = tpu.vector_load %arg8[%swap3A_1405, %swap3A_1406, %swap3A_1407] {strides = array<i32>} : memref<2x160x128xf32, #tpu.memory_space<vmem>>, vector<16xf32>,
          tpu.vector_store %arg8[%swap3A_1405, %swap3A_1406, %swap3A_1407], %add3A_1403 {strides = array<i32>} : memref<2x160x128xf32, #tpu.memory_space<vmem>>, vector<16xf32>,
          %get3A_1409 = arith.constant 1 : i32
          %get3A_1410 = arith.index_cast %get3A_1409 : i32 to index
          %get3A_1411 = arith.index_cast %add3A_1394 : i32 to index
          %get3A_1412 = arith.constant 16 : index
          %get3A_1413 = tpu.vector_load %arg7[%get3A_1410, %get3A_1411, %get3A_1412] {strides = array<i32>} : memref<2x160x128xf32, #tpu.memory_space<vmem>>, vector<16xf32>,
          %mul3A_1414 = vector.broadcast %squeeze3A_1390 : f32 to vector<16xf32>
          %mul3A_1415 = arith.mulf %get3A_1413, %mul3A_1414 : vector<16xf32>
          %add3A_1416 = vector.broadcast %squeeze3A_1392 : f32 to vector<16xf32>
          %add3A_1417 = arith.addf %mul3A_1415, %add3A_1416 : vector<16xf32>
          %swap3A_1418 = arith.constant 1 : i32
          %swap3A_1419 = arith.index_cast %swap3A_1418 : i32 to index
          %swap3A_1420 = arith.index_cast %add3A_1394 : i32 to index
          %swap3A_1421 = arith.constant 16 : index
          %swap3A_1422 = tpu.vector_load %arg8[%swap3A_1419, %swap3A_1420, %swap3A_1421] {strides = array<i32>} : memref<2x160x128xf32, #tpu.memory_space<vmem>>, vector<16xf32>,
          tpu.vector_store %arg8[%swap3A_1419, %swap3A_1420, %swap3A_1421], %add3A_1417 {strides = array<i32>} : memref<2x160x128xf32, #tpu.memory_space<vmem>>, vector<16xf32>,
          %get3A_1423 = arith.constant 1 : i32
          %get3A_1424 = arith.index_cast %get3A_1423 : i32 to index
          %get3A_1425 = arith.index_cast %add3A_1394 : i32 to index
          %get3A_1426 = arith.constant 32 : index
          %get3A_1427 = tpu.vector_load %arg7[%get3A_1424, %get3A_1425, %get3A_1426] {strides = array<i32>} : memref<2x160x128xf32, #tpu.memory_space<vmem>>, vector<16xf32>,
          %mul3A_1428 = vector.broadcast %squeeze3A_1390 : f32 to vector<16xf32>
          %mul3A_1429 = arith.mulf %get3A_1427, %mul3A_1428 : vector<16xf32>
          %add3A_1430 = vector.broadcast %squeeze3A_1392 : f32 to vector<16xf32>
          %add3A_1431 = arith.addf %mul3A_1429, %add3A_1430 : vector<16xf32>
          %swap3A_1432 = arith.constant 1 : i32
          %swap3A_1433 = arith.index_cast %swap3A_1432 : i32 to index
          %swap3A_1434 = arith.index_cast %add3A_1394 : i32 to index
          %swap3A_1435 = arith.constant 32 : index
          %swap3A_1436 = tpu.vector_load %arg8[%swap3A_1433, %swap3A_1434, %swap3A_1435] {strides = array<i32>} : memref<2x160x128xf32, #tpu.memory_space<vmem>>, vector<16xf32>,
          tpu.vector_store %arg8[%swap3A_1433, %swap3A_1434, %swap3A_1435], %add3A_1431 {strides = array<i32>} : memref<2x160x128xf32, #tpu.memory_space<vmem>>, vector<16xf32>,
          %get3A_1437 = arith.constant 1 : i32
          %get3A_1438 = arith.index_cast %get3A_1437 : i32 to index
          %get3A_1439 = arith.index_cast %add3A_1394 : i32 to index
          %get3A_1440 = arith.constant 48 : index
          %get3A_1441 = tpu.vector_load %arg7[%get3A_1438, %get3A_1439, %get3A_1440] {strides = array<i32>} : memref<2x160x128xf32, #tpu.memory_space<vmem>>, vector<16xf32>,
          %mul3A_1442 = vector.broadcast %squeeze3A_1390 : f32 to vector<16xf32>
          %mul3A_1443 = arith.mulf %get3A_1441, %mul3A_1442 : vector<16xf32>
          %add3A_1444 = vector.broadcast %squeeze3A_1392 : f32 to vector<16xf32>
          %add3A_1445 = arith.addf %mul3A_1443, %add3A_1444 : vector<16xf32>
          %swap3A_1446 = arith.constant 1 : i32
          %swap3A_1447 = arith.index_cast %swap3A_1446 : i32 to index
          %swap3A_1448 = arith.index_cast %add3A_1394 : i32 to index
          %swap3A_1449 = arith.constant 48 : index
          %swap3A_1450 = tpu.vector_load %arg8[%swap3A_1447, %swap3A_1448, %swap3A_1449] {strides = array<i32>} : memref<2x160x128xf32, #tpu.memory_space<vmem>>, vector<16xf32>,
          tpu.vector_store %arg8[%swap3A_1447, %swap3A_1448, %swap3A_1449], %add3A_1445 {strides = array<i32>} : memref<2x160x128xf32, #tpu.memory_space<vmem>>, vector<16xf32>,
          %get3A_1451 = arith.constant 1 : i32
          %get3A_1452 = arith.index_cast %get3A_1451 : i32 to index
          %get3A_1453 = arith.index_cast %add3A_1394 : i32 to index
          %get3A_1454 = arith.constant 64 : index
          %get3A_1455 = tpu.vector_load %arg7[%get3A_1452, %get3A_1453, %get3A_1454] {strides = array<i32>} : memref<2x160x128xf32, #tpu.memory_space<vmem>>, vector<16xf32>,
          %mul3A_1456 = vector.broadcast %squeeze3A_1390 : f32 to vector<16xf32>
          %mul3A_1457 = arith.mulf %get3A_1455, %mul3A_1456 : vector<16xf32>
          %add3A_1458 = vector.broadcast %squeeze3A_1392 : f32 to vector<16xf32>
          %add3A_1459 = arith.addf %mul3A_1457, %add3A_1458 : vector<16xf32>
          %swap3A_1460 = arith.constant 1 : i32
          %swap3A_1461 = arith.index_cast %swap3A_1460 : i32 to index
          %swap3A_1462 = arith.index_cast %add3A_1394 : i32 to index
          %swap3A_1463 = arith.constant 64 : index
          %swap3A_1464 = tpu.vector_load %arg8[%swap3A_1461, %swap3A_1462, %swap3A_1463] {strides = array<i32>} : memref<2x160x128xf32, #tpu.memory_space<vmem>>, vector<16xf32>,
          tpu.vector_store %arg8[%swap3A_1461, %swap3A_1462, %swap3A_1463], %add3A_1459 {strides = array<i32>} : memref<2x160x128xf32, #tpu.memory_space<vmem>>, vector<16xf32>,
          %get3A_1465 = arith.constant 1 : i32
          %get3A_1466 = arith.index_cast %get3A_1465 : i32 to index
          %get3A_1467 = arith.index_cast %add3A_1394 : i32 to index
          %get3A_1468 = arith.constant 80 : index
          %get3A_1469 = tpu.vector_load %arg7[%get3A_1466, %get3A_1467, %get3A_1468] {strides = array<i32>} : memref<2x160x128xf32, #tpu.memory_space<vmem>>, vector<16xf32>,
          %mul3A_1470 = vector.broadcast %squeeze3A_1390 : f32 to vector<16xf32>
          %mul3A_1471 = arith.mulf %get3A_1469, %mul3A_1470 : vector<16xf32>
          %add3A_1472 = vector.broadcast %squeeze3A_1392 : f32 to vector<16xf32>
          %add3A_1473 = arith.addf %mul3A_1471, %add3A_1472 : vector<16xf32>
          %swap3A_1474 = arith.constant 1 : i32
          %swap3A_1475 = arith.index_cast %swap3A_1474 : i32 to index
          %swap3A_1476 = arith.index_cast %add3A_1394 : i32 to index
          %swap3A_1477 = arith.constant 80 : index
          %swap3A_1478 = tpu.vector_load %arg8[%swap3A_1475, %swap3A_1476, %swap3A_1477] {strides = array<i32>} : memref<2x160x128xf32, #tpu.memory_space<vmem>>, vector<16xf32>,
          tpu.vector_store %arg8[%swap3A_1475, %swap3A_1476, %swap3A_1477], %add3A_1473 {strides = array<i32>} : memref<2x160x128xf32, #tpu.memory_space<vmem>>, vector<16xf32>,
          %get3A_1479 = arith.constant 1 : i32
          %get3A_1480 = arith.index_cast %get3A_1479 : i32 to index
          %get3A_1481 = arith.index_cast %add3A_1394 : i32 to index
          %get3A_1482 = arith.constant 96 : index
          %get3A_1483 = tpu.vector_load %arg7[%get3A_1480, %get3A_1481, %get3A_1482] {strides = array<i32>} : memref<2x160x128xf32, #tpu.memory_space<vmem>>, vector<16xf32>,
          %mul3A_1484 = vector.broadcast %squeeze3A_1390 : f32 to vector<16xf32>
          %mul3A_1485 = arith.mulf %get3A_1483, %mul3A_1484 : vector<16xf32>
          %add3A_1486 = vector.broadcast %squeeze3A_1392 : f32 to vector<16xf32>
          %add3A_1487 = arith.addf %mul3A_1485, %add3A_1486 : vector<16xf32>
          %swap3A_1488 = arith.constant 1 : i32
          %swap3A_1489 = arith.index_cast %swap3A_1488 : i32 to index
          %swap3A_1490 = arith.index_cast %add3A_1394 : i32 to index
          %swap3A_1491 = arith.constant 96 : index
          %swap3A_1492 = tpu.vector_load %arg8[%swap3A_1489, %swap3A_1490, %swap3A_1491] {strides = array<i32>} : memref<2x160x128xf32, #tpu.memory_space<vmem>>, vector<16xf32>,
          tpu.vector_store %arg8[%swap3A_1489, %swap3A_1490, %swap3A_1491], %add3A_1487 {strides = array<i32>} : memref<2x160x128xf32, #tpu.memory_space<vmem>>, vector<16xf32>,
          %get3A_1493 = arith.constant 1 : i32
          %get3A_1494 = arith.index_cast %get3A_1493 : i32 to index
          %get3A_1495 = arith.index_cast %add3A_1394 : i32 to index
          %get3A_1496 = arith.constant 112 : index
          %get3A_1497 = tpu.vector_load %arg7[%get3A_1494, %get3A_1495, %get3A_1496] {strides = array<i32>} : memref<2x160x128xf32, #tpu.memory_space<vmem>>, vector<16xf32>,
          %mul3A_1498 = vector.broadcast %squeeze3A_1390 : f32 to vector<16xf32>
          %mul3A_1499 = arith.mulf %get3A_1497, %mul3A_1498 : vector<16xf32>
          %add3A_1500 = vector.broadcast %squeeze3A_1392 : f32 to vector<16xf32>
          %add3A_1501 = arith.addf %mul3A_1499, %add3A_1500 : vector<16xf32>
          %swap3A_1502 = arith.constant 1 : i32
          %swap3A_1503 = arith.index_cast %swap3A_1502 : i32 to index
          %swap3A_1504 = arith.index_cast %add3A_1394 : i32 to index
          %swap3A_1505 = arith.constant 112 : index
          %swap3A_1506 = tpu.vector_load %arg8[%swap3A_1503, %swap3A_1504, %swap3A_1505] {strides = array<i32>} : memref<2x160x128xf32, #tpu.memory_space<vmem>>, vector<16xf32>,
          tpu.vector_store %arg8[%swap3A_1503, %swap3A_1504, %swap3A_1505], %add3A_1501 {strides = array<i32>} : memref<2x160x128xf32, #tpu.memory_space<vmem>>, vector<16xf32>,
          %slice3A_1507 = vector.extract_strided_slice %gather3A {offsets = [11], sizes = [1], strides = [1]} : vector<16xf32> to vector<1xf32>
          %squeeze3A_1508 = vector.extract %slice3A_1507[0] : f32 from vector<1xf32>
          %slice3A_1509 = vector.extract_strided_slice %gather3A_209 {offsets = [11], sizes = [1], strides = [1]} : vector<16xf32> to vector<1xf32>
          %squeeze3A_1510 = vector.extract %slice3A_1509[0] : f32 from vector<1xf32>
          %add3A_1511 = arith.constant 11 : i32
          %add3A_1512 = arith.addi %mul3A_211, %add3A_1511 : i32
          %get3A_1513 = arith.constant 1 : i32
          %get3A_1514 = arith.index_cast %get3A_1513 : i32 to index
          %get3A_1515 = arith.index_cast %add3A_1512 : i32 to index
          %get3A_1516 = arith.constant 0 : index
          %get3A_1517 = tpu.vector_load %arg7[%get3A_1514, %get3A_1515, %get3A_1516] {strides = array<i32>} : memref<2x160x128xf32, #tpu.memory_space<vmem>>, vector<16xf32>,
          %mul3A_1518 = vector.broadcast %squeeze3A_1508 : f32 to vector<16xf32>
          %mul3A_1519 = arith.mulf %get3A_1517, %mul3A_1518 : vector<16xf32>
          %add3A_1520 = vector.broadcast %squeeze3A_1510 : f32 to vector<16xf32>
          %add3A_1521 = arith.addf %mul3A_1519, %add3A_1520 : vector<16xf32>
          %swap3A_1522 = arith.constant 1 : i32
          %swap3A_1523 = arith.index_cast %swap3A_1522 : i32 to index
          %swap3A_1524 = arith.index_cast %add3A_1512 : i32 to index
          %swap3A_1525 = arith.constant 0 : index
          %swap3A_1526 = tpu.vector_load %arg8[%swap3A_1523, %swap3A_1524, %swap3A_1525] {strides = array<i32>} : memref<2x160x128xf32, #tpu.memory_space<vmem>>, vector<16xf32>,
          tpu.vector_store %arg8[%swap3A_1523, %swap3A_1524, %swap3A_1525], %add3A_1521 {strides = array<i32>} : memref<2x160x128xf32, #tpu.memory_space<vmem>>, vector<16xf32>,
          %get3A_1527 = arith.constant 1 : i32
          %get3A_1528 = arith.index_cast %get3A_1527 : i32 to index
          %get3A_1529 = arith.index_cast %add3A_1512 : i32 to index
          %get3A_1530 = arith.constant 16 : index
          %get3A_1531 = tpu.vector_load %arg7[%get3A_1528, %get3A_1529, %get3A_1530] {strides = array<i32>} : memref<2x160x128xf32, #tpu.memory_space<vmem>>, vector<16xf32>,
          %mul3A_1532 = vector.broadcast %squeeze3A_1508 : f32 to vector<16xf32>
          %mul3A_1533 = arith.mulf %get3A_1531, %mul3A_1532 : vector<16xf32>
          %add3A_1534 = vector.broadcast %squeeze3A_1510 : f32 to vector<16xf32>
          %add3A_1535 = arith.addf %mul3A_1533, %add3A_1534 : vector<16xf32>
          %swap3A_1536 = arith.constant 1 : i32
          %swap3A_1537 = arith.index_cast %swap3A_1536 : i32 to index
          %swap3A_1538 = arith.index_cast %add3A_1512 : i32 to index
          %swap3A_1539 = arith.constant 16 : index
          %swap3A_1540 = tpu.vector_load %arg8[%swap3A_1537, %swap3A_1538, %swap3A_1539] {strides = array<i32>} : memref<2x160x128xf32, #tpu.memory_space<vmem>>, vector<16xf32>,
          tpu.vector_store %arg8[%swap3A_1537, %swap3A_1538, %swap3A_1539], %add3A_1535 {strides = array<i32>} : memref<2x160x128xf32, #tpu.memory_space<vmem>>, vector<16xf32>,
          %get3A_1541 = arith.constant 1 : i32
          %get3A_1542 = arith.index_cast %get3A_1541 : i32 to index
          %get3A_1543 = arith.index_cast %add3A_1512 : i32 to index
          %get3A_1544 = arith.constant 32 : index
          %get3A_1545 = tpu.vector_load %arg7[%get3A_1542, %get3A_1543, %get3A_1544] {strides = array<i32>} : memref<2x160x128xf32, #tpu.memory_space<vmem>>, vector<16xf32>,
          %mul3A_1546 = vector.broadcast %squeeze3A_1508 : f32 to vector<16xf32>
          %mul3A_1547 = arith.mulf %get3A_1545, %mul3A_1546 : vector<16xf32>
          %add3A_1548 = vector.broadcast %squeeze3A_1510 : f32 to vector<16xf32>
          %add3A_1549 = arith.addf %mul3A_1547, %add3A_1548 : vector<16xf32>
          %swap3A_1550 = arith.constant 1 : i32
          %swap3A_1551 = arith.index_cast %swap3A_1550 : i32 to index
          %swap3A_1552 = arith.index_cast %add3A_1512 : i32 to index
          %swap3A_1553 = arith.constant 32 : index
          %swap3A_1554 = tpu.vector_load %arg8[%swap3A_1551, %swap3A_1552, %swap3A_1553] {strides = array<i32>} : memref<2x160x128xf32, #tpu.memory_space<vmem>>, vector<16xf32>,
          tpu.vector_store %arg8[%swap3A_1551, %swap3A_1552, %swap3A_1553], %add3A_1549 {strides = array<i32>} : memref<2x160x128xf32, #tpu.memory_space<vmem>>, vector<16xf32>,
          %get3A_1555 = arith.constant 1 : i32
          %get3A_1556 = arith.index_cast %get3A_1555 : i32 to index
          %get3A_1557 = arith.index_cast %add3A_1512 : i32 to index
          %get3A_1558 = arith.constant 48 : index
          %get3A_1559 = tpu.vector_load %arg7[%get3A_1556, %get3A_1557, %get3A_1558] {strides = array<i32>} : memref<2x160x128xf32, #tpu.memory_space<vmem>>, vector<16xf32>,
          %mul3A_1560 = vector.broadcast %squeeze3A_1508 : f32 to vector<16xf32>
          %mul3A_1561 = arith.mulf %get3A_1559, %mul3A_1560 : vector<16xf32>
          %add3A_1562 = vector.broadcast %squeeze3A_1510 : f32 to vector<16xf32>
          %add3A_1563 = arith.addf %mul3A_1561, %add3A_1562 : vector<16xf32>
          %swap3A_1564 = arith.constant 1 : i32
          %swap3A_1565 = arith.index_cast %swap3A_1564 : i32 to index
          %swap3A_1566 = arith.index_cast %add3A_1512 : i32 to index
          %swap3A_1567 = arith.constant 48 : index
          %swap3A_1568 = tpu.vector_load %arg8[%swap3A_1565, %swap3A_1566, %swap3A_1567] {strides = array<i32>} : memref<2x160x128xf32, #tpu.memory_space<vmem>>, vector<16xf32>,
          tpu.vector_store %arg8[%swap3A_1565, %swap3A_1566, %swap3A_1567], %add3A_1563 {strides = array<i32>} : memref<2x160x128xf32, #tpu.memory_space<vmem>>, vector<16xf32>,
          %get3A_1569 = arith.constant 1 : i32
          %get3A_1570 = arith.index_cast %get3A_1569 : i32 to index
          %get3A_1571 = arith.index_cast %add3A_1512 : i32 to index
          %get3A_1572 = arith.constant 64 : index
          %get3A_1573 = tpu.vector_load %arg7[%get3A_1570, %get3A_1571, %get3A_1572] {strides = array<i32>} : memref<2x160x128xf32, #tpu.memory_space<vmem>>, vector<16xf32>,
          %mul3A_1574 = vector.broadcast %squeeze3A_1508 : f32 to vector<16xf32>
          %mul3A_1575 = arith.mulf %get3A_1573, %mul3A_1574 : vector<16xf32>
          %add3A_1576 = vector.broadcast %squeeze3A_1510 : f32 to vector<16xf32>
          %add3A_1577 = arith.addf %mul3A_1575, %add3A_1576 : vector<16xf32>
          %swap3A_1578 = arith.constant 1 : i32
          %swap3A_1579 = arith.index_cast %swap3A_1578 : i32 to index
          %swap3A_1580 = arith.index_cast %add3A_1512 : i32 to index
          %swap3A_1581 = arith.constant 64 : index
          %swap3A_1582 = tpu.vector_load %arg8[%swap3A_1579, %swap3A_1580, %swap3A_1581] {strides = array<i32>} : memref<2x160x128xf32, #tpu.memory_space<vmem>>, vector<16xf32>,
          tpu.vector_store %arg8[%swap3A_1579, %swap3A_1580, %swap3A_1581], %add3A_1577 {strides = array<i32>} : memref<2x160x128xf32, #tpu.memory_space<vmem>>, vector<16xf32>,
          %get3A_1583 = arith.constant 1 : i32
          %get3A_1584 = arith.index_cast %get3A_1583 : i32 to index
          %get3A_1585 = arith.index_cast %add3A_1512 : i32 to index
          %get3A_1586 = arith.constant 80 : index
          %get3A_1587 = tpu.vector_load %arg7[%get3A_1584, %get3A_1585, %get3A_1586] {strides = array<i32>} : memref<2x160x128xf32, #tpu.memory_space<vmem>>, vector<16xf32>,
          %mul3A_1588 = vector.broadcast %squeeze3A_1508 : f32 to vector<16xf32>
          %mul3A_1589 = arith.mulf %get3A_1587, %mul3A_1588 : vector<16xf32>
          %add3A_1590 = vector.broadcast %squeeze3A_1510 : f32 to vector<16xf32>
          %add3A_1591 = arith.addf %mul3A_1589, %add3A_1590 : vector<16xf32>
          %swap3A_1592 = arith.constant 1 : i32
          %swap3A_1593 = arith.index_cast %swap3A_1592 : i32 to index
          %swap3A_1594 = arith.index_cast %add3A_1512 : i32 to index
          %swap3A_1595 = arith.constant 80 : index
          %swap3A_1596 = tpu.vector_load %arg8[%swap3A_1593, %swap3A_1594, %swap3A_1595] {strides = array<i32>} : memref<2x160x128xf32, #tpu.memory_space<vmem>>, vector<16xf32>,
          tpu.vector_store %arg8[%swap3A_1593, %swap3A_1594, %swap3A_1595], %add3A_1591 {strides = array<i32>} : memref<2x160x128xf32, #tpu.memory_space<vmem>>, vector<16xf32>,
          %get3A_1597 = arith.constant 1 : i32
          %get3A_1598 = arith.index_cast %get3A_1597 : i32 to index
          %get3A_1599 = arith.index_cast %add3A_1512 : i32 to index
          %get3A_1600 = arith.constant 96 : index
          %get3A_1601 = tpu.vector_load %arg7[%get3A_1598, %get3A_1599, %get3A_1600] {strides = array<i32>} : memref<2x160x128xf32, #tpu.memory_space<vmem>>, vector<16xf32>,
          %mul3A_1602 = vector.broadcast %squeeze3A_1508 : f32 to vector<16xf32>
          %mul3A_1603 = arith.mulf %get3A_1601, %mul3A_1602 : vector<16xf32>
          %add3A_1604 = vector.broadcast %squeeze3A_1510 : f32 to vector<16xf32>
          %add3A_1605 = arith.addf %mul3A_1603, %add3A_1604 : vector<16xf32>
          %swap3A_1606 = arith.constant 1 : i32
          %swap3A_1607 = arith.index_cast %swap3A_1606 : i32 to index
          %swap3A_1608 = arith.index_cast %add3A_1512 : i32 to index
          %swap3A_1609 = arith.constant 96 : index
          %swap3A_1610 = tpu.vector_load %arg8[%swap3A_1607, %swap3A_1608, %swap3A_1609] {strides = array<i32>} : memref<2x160x128xf32, #tpu.memory_space<vmem>>, vector<16xf32>,
          tpu.vector_store %arg8[%swap3A_1607, %swap3A_1608, %swap3A_1609], %add3A_1605 {strides = array<i32>} : memref<2x160x128xf32, #tpu.memory_space<vmem>>, vector<16xf32>,
          %get3A_1611 = arith.constant 1 : i32
          %get3A_1612 = arith.index_cast %get3A_1611 : i32 to index
          %get3A_1613 = arith.index_cast %add3A_1512 : i32 to index
          %get3A_1614 = arith.constant 112 : index
          %get3A_1615 = tpu.vector_load %arg7[%get3A_1612, %get3A_1613, %get3A_1614] {strides = array<i32>} : memref<2x160x128xf32, #tpu.memory_space<vmem>>, vector<16xf32>,
          %mul3A_1616 = vector.broadcast %squeeze3A_1508 : f32 to vector<16xf32>
          %mul3A_1617 = arith.mulf %get3A_1615, %mul3A_1616 : vector<16xf32>
          %add3A_1618 = vector.broadcast %squeeze3A_1510 : f32 to vector<16xf32>
          %add3A_1619 = arith.addf %mul3A_1617, %add3A_1618 : vector<16xf32>
          %swap3A_1620 = arith.constant 1 : i32
          %swap3A_1621 = arith.index_cast %swap3A_1620 : i32 to index
          %swap3A_1622 = arith.index_cast %add3A_1512 : i32 to index
          %swap3A_1623 = arith.constant 112 : index
          %swap3A_1624 = tpu.vector_load %arg8[%swap3A_1621, %swap3A_1622, %swap3A_1623] {strides = array<i32>} : memref<2x160x128xf32, #tpu.memory_space<vmem>>, vector<16xf32>,
          tpu.vector_store %arg8[%swap3A_1621, %swap3A_1622, %swap3A_1623], %add3A_1619 {strides = array<i32>} : memref<2x160x128xf32, #tpu.memory_space<vmem>>, vector<16xf32>,
          %slice3A_1625 = vector.extract_strided_slice %gather3A {offsets = [12], sizes = [1], strides = [1]} : vector<16xf32> to vector<1xf32>
          %squeeze3A_1626 = vector.extract %slice3A_1625[0] : f32 from vector<1xf32>
          %slice3A_1627 = vector.extract_strided_slice %gather3A_209 {offsets = [12], sizes = [1], strides = [1]} : vector<16xf32> to vector<1xf32>
          %squeeze3A_1628 = vector.extract %slice3A_1627[0] : f32 from vector<1xf32>
          %add3A_1629 = arith.constant 12 : i32
          %add3A_1630 = arith.addi %mul3A_211, %add3A_1629 : i32
          %get3A_1631 = arith.constant 1 : i32
          %get3A_1632 = arith.index_cast %get3A_1631 : i32 to index
          %get3A_1633 = arith.index_cast %add3A_1630 : i32 to index
          %get3A_1634 = arith.constant 0 : index
          %get3A_1635 = tpu.vector_load %arg7[%get3A_1632, %get3A_1633, %get3A_1634] {strides = array<i32>} : memref<2x160x128xf32, #tpu.memory_space<vmem>>, vector<16xf32>,
          %mul3A_1636 = vector.broadcast %squeeze3A_1626 : f32 to vector<16xf32>
          %mul3A_1637 = arith.mulf %get3A_1635, %mul3A_1636 : vector<16xf32>
          %add3A_1638 = vector.broadcast %squeeze3A_1628 : f32 to vector<16xf32>
          %add3A_1639 = arith.addf %mul3A_1637, %add3A_1638 : vector<16xf32>
          %swap3A_1640 = arith.constant 1 : i32
          %swap3A_1641 = arith.index_cast %swap3A_1640 : i32 to index
          %swap3A_1642 = arith.index_cast %add3A_1630 : i32 to index
          %swap3A_1643 = arith.constant 0 : index
          %swap3A_1644 = tpu.vector_load %arg8[%swap3A_1641, %swap3A_1642, %swap3A_1643] {strides = array<i32>} : memref<2x160x128xf32, #tpu.memory_space<vmem>>, vector<16xf32>,
          tpu.vector_store %arg8[%swap3A_1641, %swap3A_1642, %swap3A_1643], %add3A_1639 {strides = array<i32>} : memref<2x160x128xf32, #tpu.memory_space<vmem>>, vector<16xf32>,
          %get3A_1645 = arith.constant 1 : i32
          %get3A_1646 = arith.index_cast %get3A_1645 : i32 to index
          %get3A_1647 = arith.index_cast %add3A_1630 : i32 to index
          %get3A_1648 = arith.constant 16 : index
          %get3A_1649 = tpu.vector_load %arg7[%get3A_1646, %get3A_1647, %get3A_1648] {strides = array<i32>} : memref<2x160x128xf32, #tpu.memory_space<vmem>>, vector<16xf32>,
          %mul3A_1650 = vector.broadcast %squeeze3A_1626 : f32 to vector<16xf32>
          %mul3A_1651 = arith.mulf %get3A_1649, %mul3A_1650 : vector<16xf32>
          %add3A_1652 = vector.broadcast %squeeze3A_1628 : f32 to vector<16xf32>
          %add3A_1653 = arith.addf %mul3A_1651, %add3A_1652 : vector<16xf32>
          %swap3A_1654 = arith.constant 1 : i32
          %swap3A_1655 = arith.index_cast %swap3A_1654 : i32 to index
          %swap3A_1656 = arith.index_cast %add3A_1630 : i32 to index
          %swap3A_1657 = arith.constant 16 : index
          %swap3A_1658 = tpu.vector_load %arg8[%swap3A_1655, %swap3A_1656, %swap3A_1657] {strides = array<i32>} : memref<2x160x128xf32, #tpu.memory_space<vmem>>, vector<16xf32>,
          tpu.vector_store %arg8[%swap3A_1655, %swap3A_1656, %swap3A_1657], %add3A_1653 {strides = array<i32>} : memref<2x160x128xf32, #tpu.memory_space<vmem>>, vector<16xf32>,
          %get3A_1659 = arith.constant 1 : i32
          %get3A_1660 = arith.index_cast %get3A_1659 : i32 to index
          %get3A_1661 = arith.index_cast %add3A_1630 : i32 to index
          %get3A_1662 = arith.constant 32 : index
          %get3A_1663 = tpu.vector_load %arg7[%get3A_1660, %get3A_1661, %get3A_1662] {strides = array<i32>} : memref<2x160x128xf32, #tpu.memory_space<vmem>>, vector<16xf32>,
          %mul3A_1664 = vector.broadcast %squeeze3A_1626 : f32 to vector<16xf32>
          %mul3A_1665 = arith.mulf %get3A_1663, %mul3A_1664 : vector<16xf32>
          %add3A_1666 = vector.broadcast %squeeze3A_1628 : f32 to vector<16xf32>
          %add3A_1667 = arith.addf %mul3A_1665, %add3A_1666 : vector<16xf32>
          %swap3A_1668 = arith.constant 1 : i32
          %swap3A_1669 = arith.index_cast %swap3A_1668 : i32 to index
          %swap3A_1670 = arith.index_cast %add3A_1630 : i32 to index
          %swap3A_1671 = arith.constant 32 : index
          %swap3A_1672 = tpu.vector_load %arg8[%swap3A_1669, %swap3A_1670, %swap3A_1671] {strides = array<i32>} : memref<2x160x128xf32, #tpu.memory_space<vmem>>, vector<16xf32>,
          tpu.vector_store %arg8[%swap3A_1669, %swap3A_1670, %swap3A_1671], %add3A_1667 {strides = array<i32>} : memref<2x160x128xf32, #tpu.memory_space<vmem>>, vector<16xf32>,
          %get3A_1673 = arith.constant 1 : i32
          %get3A_1674 = arith.index_cast %get3A_1673 : i32 to index
          %get3A_1675 = arith.index_cast %add3A_1630 : i32 to index
          %get3A_1676 = arith.constant 48 : index
          %get3A_1677 = tpu.vector_load %arg7[%get3A_1674, %get3A_1675, %get3A_1676] {strides = array<i32>} : memref<2x160x128xf32, #tpu.memory_space<vmem>>, vector<16xf32>,
          %mul3A_1678 = vector.broadcast %squeeze3A_1626 : f32 to vector<16xf32>
          %mul3A_1679 = arith.mulf %get3A_1677, %mul3A_1678 : vector<16xf32>
          %add3A_1680 = vector.broadcast %squeeze3A_1628 : f32 to vector<16xf32>
          %add3A_1681 = arith.addf %mul3A_1679, %add3A_1680 : vector<16xf32>
          %swap3A_1682 = arith.constant 1 : i32
          %swap3A_1683 = arith.index_cast %swap3A_1682 : i32 to index
          %swap3A_1684 = arith.index_cast %add3A_1630 : i32 to index
          %swap3A_1685 = arith.constant 48 : index
          %swap3A_1686 = tpu.vector_load %arg8[%swap3A_1683, %swap3A_1684, %swap3A_1685] {strides = array<i32>} : memref<2x160x128xf32, #tpu.memory_space<vmem>>, vector<16xf32>,
          tpu.vector_store %arg8[%swap3A_1683, %swap3A_1684, %swap3A_1685], %add3A_1681 {strides = array<i32>} : memref<2x160x128xf32, #tpu.memory_space<vmem>>, vector<16xf32>,
          %get3A_1687 = arith.constant 1 : i32
          %get3A_1688 = arith.index_cast %get3A_1687 : i32 to index
          %get3A_1689 = arith.index_cast %add3A_1630 : i32 to index
          %get3A_1690 = arith.constant 64 : index
          %get3A_1691 = tpu.vector_load %arg7[%get3A_1688, %get3A_1689, %get3A_1690] {strides = array<i32>} : memref<2x160x128xf32, #tpu.memory_space<vmem>>, vector<16xf32>,
          %mul3A_1692 = vector.broadcast %squeeze3A_1626 : f32 to vector<16xf32>
          %mul3A_1693 = arith.mulf %get3A_1691, %mul3A_1692 : vector<16xf32>
          %add3A_1694 = vector.broadcast %squeeze3A_1628 : f32 to vector<16xf32>
          %add3A_1695 = arith.addf %mul3A_1693, %add3A_1694 : vector<16xf32>
          %swap3A_1696 = arith.constant 1 : i32
          %swap3A_1697 = arith.index_cast %swap3A_1696 : i32 to index
          %swap3A_1698 = arith.index_cast %add3A_1630 : i32 to index
          %swap3A_1699 = arith.constant 64 : index
          %swap3A_1700 = tpu.vector_load %arg8[%swap3A_1697, %swap3A_1698, %swap3A_1699] {strides = array<i32>} : memref<2x160x128xf32, #tpu.memory_space<vmem>>, vector<16xf32>,
          tpu.vector_store %arg8[%swap3A_1697, %swap3A_1698, %swap3A_1699], %add3A_1695 {strides = array<i32>} : memref<2x160x128xf32, #tpu.memory_space<vmem>>, vector<16xf32>,
          %get3A_1701 = arith.constant 1 : i32
          %get3A_1702 = arith.index_cast %get3A_1701 : i32 to index
          %get3A_1703 = arith.index_cast %add3A_1630 : i32 to index
          %get3A_1704 = arith.constant 80 : index
          %get3A_1705 = tpu.vector_load %arg7[%get3A_1702, %get3A_1703, %get3A_1704] {strides = array<i32>} : memref<2x160x128xf32, #tpu.memory_space<vmem>>, vector<16xf32>,
          %mul3A_1706 = vector.broadcast %squeeze3A_1626 : f32 to vector<16xf32>
          %mul3A_1707 = arith.mulf %get3A_1705, %mul3A_1706 : vector<16xf32>
          %add3A_1708 = vector.broadcast %squeeze3A_1628 : f32 to vector<16xf32>
          %add3A_1709 = arith.addf %mul3A_1707, %add3A_1708 : vector<16xf32>
          %swap3A_1710 = arith.constant 1 : i32
          %swap3A_1711 = arith.index_cast %swap3A_1710 : i32 to index
          %swap3A_1712 = arith.index_cast %add3A_1630 : i32 to index
          %swap3A_1713 = arith.constant 80 : index
          %swap3A_1714 = tpu.vector_load %arg8[%swap3A_1711, %swap3A_1712, %swap3A_1713] {strides = array<i32>} : memref<2x160x128xf32, #tpu.memory_space<vmem>>, vector<16xf32>,
          tpu.vector_store %arg8[%swap3A_1711, %swap3A_1712, %swap3A_1713], %add3A_1709 {strides = array<i32>} : memref<2x160x128xf32, #tpu.memory_space<vmem>>, vector<16xf32>,
          %get3A_1715 = arith.constant 1 : i32
          %get3A_1716 = arith.index_cast %get3A_1715 : i32 to index
          %get3A_1717 = arith.index_cast %add3A_1630 : i32 to index
          %get3A_1718 = arith.constant 96 : index
          %get3A_1719 = tpu.vector_load %arg7[%get3A_1716, %get3A_1717, %get3A_1718] {strides = array<i32>} : memref<2x160x128xf32, #tpu.memory_space<vmem>>, vector<16xf32>,
          %mul3A_1720 = vector.broadcast %squeeze3A_1626 : f32 to vector<16xf32>
          %mul3A_1721 = arith.mulf %get3A_1719, %mul3A_1720 : vector<16xf32>
          %add3A_1722 = vector.broadcast %squeeze3A_1628 : f32 to vector<16xf32>
          %add3A_1723 = arith.addf %mul3A_1721, %add3A_1722 : vector<16xf32>
          %swap3A_1724 = arith.constant 1 : i32
          %swap3A_1725 = arith.index_cast %swap3A_1724 : i32 to index
          %swap3A_1726 = arith.index_cast %add3A_1630 : i32 to index
          %swap3A_1727 = arith.constant 96 : index
          %swap3A_1728 = tpu.vector_load %arg8[%swap3A_1725, %swap3A_1726, %swap3A_1727] {strides = array<i32>} : memref<2x160x128xf32, #tpu.memory_space<vmem>>, vector<16xf32>,
          tpu.vector_store %arg8[%swap3A_1725, %swap3A_1726, %swap3A_1727], %add3A_1723 {strides = array<i32>} : memref<2x160x128xf32, #tpu.memory_space<vmem>>, vector<16xf32>,
          %get3A_1729 = arith.constant 1 : i32
          %get3A_1730 = arith.index_cast %get3A_1729 : i32 to index
          %get3A_1731 = arith.index_cast %add3A_1630 : i32 to index
          %get3A_1732 = arith.constant 112 : index
          %get3A_1733 = tpu.vector_load %arg7[%get3A_1730, %get3A_1731, %get3A_1732] {strides = array<i32>} : memref<2x160x128xf32, #tpu.memory_space<vmem>>, vector<16xf32>,
          %mul3A_1734 = vector.broadcast %squeeze3A_1626 : f32 to vector<16xf32>
          %mul3A_1735 = arith.mulf %get3A_1733, %mul3A_1734 : vector<16xf32>
          %add3A_1736 = vector.broadcast %squeeze3A_1628 : f32 to vector<16xf32>
          %add3A_1737 = arith.addf %mul3A_1735, %add3A_1736 : vector<16xf32>
          %swap3A_1738 = arith.constant 1 : i32
          %swap3A_1739 = arith.index_cast %swap3A_1738 : i32 to index
          %swap3A_1740 = arith.index_cast %add3A_1630 : i32 to index
          %swap3A_1741 = arith.constant 112 : index
          %swap3A_1742 = tpu.vector_load %arg8[%swap3A_1739, %swap3A_1740, %swap3A_1741] {strides = array<i32>} : memref<2x160x128xf32, #tpu.memory_space<vmem>>, vector<16xf32>,
          tpu.vector_store %arg8[%swap3A_1739, %swap3A_1740, %swap3A_1741], %add3A_1737 {strides = array<i32>} : memref<2x160x128xf32, #tpu.memory_space<vmem>>, vector<16xf32>,
          %slice3A_1743 = vector.extract_strided_slice %gather3A {offsets = [13], sizes = [1], strides = [1]} : vector<16xf32> to vector<1xf32>
          %squeeze3A_1744 = vector.extract %slice3A_1743[0] : f32 from vector<1xf32>
          %slice3A_1745 = vector.extract_strided_slice %gather3A_209 {offsets = [13], sizes = [1], strides = [1]} : vector<16xf32> to vector<1xf32>
          %squeeze3A_1746 = vector.extract %slice3A_1745[0] : f32 from vector<1xf32>
          %add3A_1747 = arith.constant 13 : i32
          %add3A_1748 = arith.addi %mul3A_211, %add3A_1747 : i32
          %get3A_1749 = arith.constant 1 : i32
          %get3A_1750 = arith.index_cast %get3A_1749 : i32 to index
          %get3A_1751 = arith.index_cast %add3A_1748 : i32 to index
          %get3A_1752 = arith.constant 0 : index
          %get3A_1753 = tpu.vector_load %arg7[%get3A_1750, %get3A_1751, %get3A_1752] {strides = array<i32>} : memref<2x160x128xf32, #tpu.memory_space<vmem>>, vector<16xf32>,
          %mul3A_1754 = vector.broadcast %squeeze3A_1744 : f32 to vector<16xf32>
          %mul3A_1755 = arith.mulf %get3A_1753, %mul3A_1754 : vector<16xf32>
          %add3A_1756 = vector.broadcast %squeeze3A_1746 : f32 to vector<16xf32>
          %add3A_1757 = arith.addf %mul3A_1755, %add3A_1756 : vector<16xf32>
          %swap3A_1758 = arith.constant 1 : i32
          %swap3A_1759 = arith.index_cast %swap3A_1758 : i32 to index
          %swap3A_1760 = arith.index_cast %add3A_1748 : i32 to index
          %swap3A_1761 = arith.constant 0 : index
          %swap3A_1762 = tpu.vector_load %arg8[%swap3A_1759, %swap3A_1760, %swap3A_1761] {strides = array<i32>} : memref<2x160x128xf32, #tpu.memory_space<vmem>>, vector<16xf32>,
          tpu.vector_store %arg8[%swap3A_1759, %swap3A_1760, %swap3A_1761], %add3A_1757 {strides = array<i32>} : memref<2x160x128xf32, #tpu.memory_space<vmem>>, vector<16xf32>,
          %get3A_1763 = arith.constant 1 : i32
          %get3A_1764 = arith.index_cast %get3A_1763 : i32 to index
          %get3A_1765 = arith.index_cast %add3A_1748 : i32 to index
          %get3A_1766 = arith.constant 16 : index
          %get3A_1767 = tpu.vector_load %arg7[%get3A_1764, %get3A_1765, %get3A_1766] {strides = array<i32>} : memref<2x160x128xf32, #tpu.memory_space<vmem>>, vector<16xf32>,
          %mul3A_1768 = vector.broadcast %squeeze3A_1744 : f32 to vector<16xf32>
          %mul3A_1769 = arith.mulf %get3A_1767, %mul3A_1768 : vector<16xf32>
          %add3A_1770 = vector.broadcast %squeeze3A_1746 : f32 to vector<16xf32>
          %add3A_1771 = arith.addf %mul3A_1769, %add3A_1770 : vector<16xf32>
          %swap3A_1772 = arith.constant 1 : i32
          %swap3A_1773 = arith.index_cast %swap3A_1772 : i32 to index
          %swap3A_1774 = arith.index_cast %add3A_1748 : i32 to index
          %swap3A_1775 = arith.constant 16 : index
          %swap3A_1776 = tpu.vector_load %arg8[%swap3A_1773, %swap3A_1774, %swap3A_1775] {strides = array<i32>} : memref<2x160x128xf32, #tpu.memory_space<vmem>>, vector<16xf32>,
          tpu.vector_store %arg8[%swap3A_1773, %swap3A_1774, %swap3A_1775], %add3A_1771 {strides = array<i32>} : memref<2x160x128xf32, #tpu.memory_space<vmem>>, vector<16xf32>,
          %get3A_1777 = arith.constant 1 : i32
          %get3A_1778 = arith.index_cast %get3A_1777 : i32 to index
          %get3A_1779 = arith.index_cast %add3A_1748 : i32 to index
          %get3A_1780 = arith.constant 32 : index
          %get3A_1781 = tpu.vector_load %arg7[%get3A_1778, %get3A_1779, %get3A_1780] {strides = array<i32>} : memref<2x160x128xf32, #tpu.memory_space<vmem>>, vector<16xf32>,
          %mul3A_1782 = vector.broadcast %squeeze3A_1744 : f32 to vector<16xf32>
          %mul3A_1783 = arith.mulf %get3A_1781, %mul3A_1782 : vector<16xf32>
          %add3A_1784 = vector.broadcast %squeeze3A_1746 : f32 to vector<16xf32>
          %add3A_1785 = arith.addf %mul3A_1783, %add3A_1784 : vector<16xf32>
          %swap3A_1786 = arith.constant 1 : i32
          %swap3A_1787 = arith.index_cast %swap3A_1786 : i32 to index
          %swap3A_1788 = arith.index_cast %add3A_1748 : i32 to index
          %swap3A_1789 = arith.constant 32 : index
          %swap3A_1790 = tpu.vector_load %arg8[%swap3A_1787, %swap3A_1788, %swap3A_1789] {strides = array<i32>} : memref<2x160x128xf32, #tpu.memory_space<vmem>>, vector<16xf32>,
          tpu.vector_store %arg8[%swap3A_1787, %swap3A_1788, %swap3A_1789], %add3A_1785 {strides = array<i32>} : memref<2x160x128xf32, #tpu.memory_space<vmem>>, vector<16xf32>,
          %get3A_1791 = arith.constant 1 : i32
          %get3A_1792 = arith.index_cast %get3A_1791 : i32 to index
          %get3A_1793 = arith.index_cast %add3A_1748 : i32 to index
          %get3A_1794 = arith.constant 48 : index
          %get3A_1795 = tpu.vector_load %arg7[%get3A_1792, %get3A_1793, %get3A_1794] {strides = array<i32>} : memref<2x160x128xf32, #tpu.memory_space<vmem>>, vector<16xf32>,
          %mul3A_1796 = vector.broadcast %squeeze3A_1744 : f32 to vector<16xf32>
          %mul3A_1797 = arith.mulf %get3A_1795, %mul3A_1796 : vector<16xf32>
          %add3A_1798 = vector.broadcast %squeeze3A_1746 : f32 to vector<16xf32>
          %add3A_1799 = arith.addf %mul3A_1797, %add3A_1798 : vector<16xf32>
          %swap3A_1800 = arith.constant 1 : i32
          %swap3A_1801 = arith.index_cast %swap3A_1800 : i32 to index
          %swap3A_1802 = arith.index_cast %add3A_1748 : i32 to index
          %swap3A_1803 = arith.constant 48 : index
          %swap3A_1804 = tpu.vector_load %arg8[%swap3A_1801, %swap3A_1802, %swap3A_1803] {strides = array<i32>} : memref<2x160x128xf32, #tpu.memory_space<vmem>>, vector<16xf32>,
          tpu.vector_store %arg8[%swap3A_1801, %swap3A_1802, %swap3A_1803], %add3A_1799 {strides = array<i32>} : memref<2x160x128xf32, #tpu.memory_space<vmem>>, vector<16xf32>,
          %get3A_1805 = arith.constant 1 : i32
          %get3A_1806 = arith.index_cast %get3A_1805 : i32 to index
          %get3A_1807 = arith.index_cast %add3A_1748 : i32 to index
          %get3A_1808 = arith.constant 64 : index
          %get3A_1809 = tpu.vector_load %arg7[%get3A_1806, %get3A_1807, %get3A_1808] {strides = array<i32>} : memref<2x160x128xf32, #tpu.memory_space<vmem>>, vector<16xf32>,
          %mul3A_1810 = vector.broadcast %squeeze3A_1744 : f32 to vector<16xf32>
          %mul3A_1811 = arith.mulf %get3A_1809, %mul3A_1810 : vector<16xf32>
          %add3A_1812 = vector.broadcast %squeeze3A_1746 : f32 to vector<16xf32>
          %add3A_1813 = arith.addf %mul3A_1811, %add3A_1812 : vector<16xf32>
          %swap3A_1814 = arith.constant 1 : i32
          %swap3A_1815 = arith.index_cast %swap3A_1814 : i32 to index
          %swap3A_1816 = arith.index_cast %add3A_1748 : i32 to index
          %swap3A_1817 = arith.constant 64 : index
          %swap3A_1818 = tpu.vector_load %arg8[%swap3A_1815, %swap3A_1816, %swap3A_1817] {strides = array<i32>} : memref<2x160x128xf32, #tpu.memory_space<vmem>>, vector<16xf32>,
          tpu.vector_store %arg8[%swap3A_1815, %swap3A_1816, %swap3A_1817], %add3A_1813 {strides = array<i32>} : memref<2x160x128xf32, #tpu.memory_space<vmem>>, vector<16xf32>,
          %get3A_1819 = arith.constant 1 : i32
          %get3A_1820 = arith.index_cast %get3A_1819 : i32 to index
          %get3A_1821 = arith.index_cast %add3A_1748 : i32 to index
          %get3A_1822 = arith.constant 80 : index
          %get3A_1823 = tpu.vector_load %arg7[%get3A_1820, %get3A_1821, %get3A_1822] {strides = array<i32>} : memref<2x160x128xf32, #tpu.memory_space<vmem>>, vector<16xf32>,
          %mul3A_1824 = vector.broadcast %squeeze3A_1744 : f32 to vector<16xf32>
          %mul3A_1825 = arith.mulf %get3A_1823, %mul3A_1824 : vector<16xf32>
          %add3A_1826 = vector.broadcast %squeeze3A_1746 : f32 to vector<16xf32>
          %add3A_1827 = arith.addf %mul3A_1825, %add3A_1826 : vector<16xf32>
          %swap3A_1828 = arith.constant 1 : i32
          %swap3A_1829 = arith.index_cast %swap3A_1828 : i32 to index
          %swap3A_1830 = arith.index_cast %add3A_1748 : i32 to index
          %swap3A_1831 = arith.constant 80 : index
          %swap3A_1832 = tpu.vector_load %arg8[%swap3A_1829, %swap3A_1830, %swap3A_1831] {strides = array<i32>} : memref<2x160x128xf32, #tpu.memory_space<vmem>>, vector<16xf32>,
          tpu.vector_store %arg8[%swap3A_1829, %swap3A_1830, %swap3A_1831], %add3A_1827 {strides = array<i32>} : memref<2x160x128xf32, #tpu.memory_space<vmem>>, vector<16xf32>,
          %get3A_1833 = arith.constant 1 : i32
          %get3A_1834 = arith.index_cast %get3A_1833 : i32 to index
          %get3A_1835 = arith.index_cast %add3A_1748 : i32 to index
          %get3A_1836 = arith.constant 96 : index
          %get3A_1837 = tpu.vector_load %arg7[%get3A_1834, %get3A_1835, %get3A_1836] {strides = array<i32>} : memref<2x160x128xf32, #tpu.memory_space<vmem>>, vector<16xf32>,
          %mul3A_1838 = vector.broadcast %squeeze3A_1744 : f32 to vector<16xf32>
          %mul3A_1839 = arith.mulf %get3A_1837, %mul3A_1838 : vector<16xf32>
          %add3A_1840 = vector.broadcast %squeeze3A_1746 : f32 to vector<16xf32>
          %add3A_1841 = arith.addf %mul3A_1839, %add3A_1840 : vector<16xf32>
          %swap3A_1842 = arith.constant 1 : i32
          %swap3A_1843 = arith.index_cast %swap3A_1842 : i32 to index
          %swap3A_1844 = arith.index_cast %add3A_1748 : i32 to index
          %swap3A_1845 = arith.constant 96 : index
          %swap3A_1846 = tpu.vector_load %arg8[%swap3A_1843, %swap3A_1844, %swap3A_1845] {strides = array<i32>} : memref<2x160x128xf32, #tpu.memory_space<vmem>>, vector<16xf32>,
          tpu.vector_store %arg8[%swap3A_1843, %swap3A_1844, %swap3A_1845], %add3A_1841 {strides = array<i32>} : memref<2x160x128xf32, #tpu.memory_space<vmem>>, vector<16xf32>,
          %get3A_1847 = arith.constant 1 : i32
          %get3A_1848 = arith.index_cast %get3A_1847 : i32 to index
          %get3A_1849 = arith.index_cast %add3A_1748 : i32 to index
          %get3A_1850 = arith.constant 112 : index
          %get3A_1851 = tpu.vector_load %arg7[%get3A_1848, %get3A_1849, %get3A_1850] {strides = array<i32>} : memref<2x160x128xf32, #tpu.memory_space<vmem>>, vector<16xf32>,
          %mul3A_1852 = vector.broadcast %squeeze3A_1744 : f32 to vector<16xf32>
          %mul3A_1853 = arith.mulf %get3A_1851, %mul3A_1852 : vector<16xf32>
          %add3A_1854 = vector.broadcast %squeeze3A_1746 : f32 to vector<16xf32>
          %add3A_1855 = arith.addf %mul3A_1853, %add3A_1854 : vector<16xf32>
          %swap3A_1856 = arith.constant 1 : i32
          %swap3A_1857 = arith.index_cast %swap3A_1856 : i32 to index
          %swap3A_1858 = arith.index_cast %add3A_1748 : i32 to index
          %swap3A_1859 = arith.constant 112 : index
          %swap3A_1860 = tpu.vector_load %arg8[%swap3A_1857, %swap3A_1858, %swap3A_1859] {strides = array<i32>} : memref<2x160x128xf32, #tpu.memory_space<vmem>>, vector<16xf32>,
          tpu.vector_store %arg8[%swap3A_1857, %swap3A_1858, %swap3A_1859], %add3A_1855 {strides = array<i32>} : memref<2x160x128xf32, #tpu.memory_space<vmem>>, vector<16xf32>,
          %slice3A_1861 = vector.extract_strided_slice %gather3A {offsets = [14], sizes = [1], strides = [1]} : vector<16xf32> to vector<1xf32>
          %squeeze3A_1862 = vector.extract %slice3A_1861[0] : f32 from vector<1xf32>
          %slice3A_1863 = vector.extract_strided_slice %gather3A_209 {offsets = [14], sizes = [1], strides = [1]} : vector<16xf32> to vector<1xf32>
          %squeeze3A_1864 = vector.extract %slice3A_1863[0] : f32 from vector<1xf32>
          %add3A_1865 = arith.constant 14 : i32
          %add3A_1866 = arith.addi %mul3A_211, %add3A_1865 : i32
          %get3A_1867 = arith.constant 1 : i32
          %get3A_1868 = arith.index_cast %get3A_1867 : i32 to index
          %get3A_1869 = arith.index_cast %add3A_1866 : i32 to index
          %get3A_1870 = arith.constant 0 : index
          %get3A_1871 = tpu.vector_load %arg7[%get3A_1868, %get3A_1869, %get3A_1870] {strides = array<i32>} : memref<2x160x128xf32, #tpu.memory_space<vmem>>, vector<16xf32>,
          %mul3A_1872 = vector.broadcast %squeeze3A_1862 : f32 to vector<16xf32>
          %mul3A_1873 = arith.mulf %get3A_1871, %mul3A_1872 : vector<16xf32>
          %add3A_1874 = vector.broadcast %squeeze3A_1864 : f32 to vector<16xf32>
          %add3A_1875 = arith.addf %mul3A_1873, %add3A_1874 : vector<16xf32>
          %swap3A_1876 = arith.constant 1 : i32
          %swap3A_1877 = arith.index_cast %swap3A_1876 : i32 to index
          %swap3A_1878 = arith.index_cast %add3A_1866 : i32 to index
          %swap3A_1879 = arith.constant 0 : index
          %swap3A_1880 = tpu.vector_load %arg8[%swap3A_1877, %swap3A_1878, %swap3A_1879] {strides = array<i32>} : memref<2x160x128xf32, #tpu.memory_space<vmem>>, vector<16xf32>,
          tpu.vector_store %arg8[%swap3A_1877, %swap3A_1878, %swap3A_1879], %add3A_1875 {strides = array<i32>} : memref<2x160x128xf32, #tpu.memory_space<vmem>>, vector<16xf32>,
          %get3A_1881 = arith.constant 1 : i32
          %get3A_1882 = arith.index_cast %get3A_1881 : i32 to index
          %get3A_1883 = arith.index_cast %add3A_1866 : i32 to index
          %get3A_1884 = arith.constant 16 : index
          %get3A_1885 = tpu.vector_load %arg7[%get3A_1882, %get3A_1883, %get3A_1884] {strides = array<i32>} : memref<2x160x128xf32, #tpu.memory_space<vmem>>, vector<16xf32>,
          %mul3A_1886 = vector.broadcast %squeeze3A_1862 : f32 to vector<16xf32>
          %mul3A_1887 = arith.mulf %get3A_1885, %mul3A_1886 : vector<16xf32>
          %add3A_1888 = vector.broadcast %squeeze3A_1864 : f32 to vector<16xf32>
          %add3A_1889 = arith.addf %mul3A_1887, %add3A_1888 : vector<16xf32>
          %swap3A_1890 = arith.constant 1 : i32
          %swap3A_1891 = arith.index_cast %swap3A_1890 : i32 to index
          %swap3A_1892 = arith.index_cast %add3A_1866 : i32 to index
          %swap3A_1893 = arith.constant 16 : index
          %swap3A_1894 = tpu.vector_load %arg8[%swap3A_1891, %swap3A_1892, %swap3A_1893] {strides = array<i32>} : memref<2x160x128xf32, #tpu.memory_space<vmem>>, vector<16xf32>,
          tpu.vector_store %arg8[%swap3A_1891, %swap3A_1892, %swap3A_1893], %add3A_1889 {strides = array<i32>} : memref<2x160x128xf32, #tpu.memory_space<vmem>>, vector<16xf32>,
          %get3A_1895 = arith.constant 1 : i32
          %get3A_1896 = arith.index_cast %get3A_1895 : i32 to index
          %get3A_1897 = arith.index_cast %add3A_1866 : i32 to index
          %get3A_1898 = arith.constant 32 : index
          %get3A_1899 = tpu.vector_load %arg7[%get3A_1896, %get3A_1897, %get3A_1898] {strides = array<i32>} : memref<2x160x128xf32, #tpu.memory_space<vmem>>, vector<16xf32>,
          %mul3A_1900 = vector.broadcast %squeeze3A_1862 : f32 to vector<16xf32>
          %mul3A_1901 = arith.mulf %get3A_1899, %mul3A_1900 : vector<16xf32>
          %add3A_1902 = vector.broadcast %squeeze3A_1864 : f32 to vector<16xf32>
          %add3A_1903 = arith.addf %mul3A_1901, %add3A_1902 : vector<16xf32>
          %swap3A_1904 = arith.constant 1 : i32
          %swap3A_1905 = arith.index_cast %swap3A_1904 : i32 to index
          %swap3A_1906 = arith.index_cast %add3A_1866 : i32 to index
          %swap3A_1907 = arith.constant 32 : index
          %swap3A_1908 = tpu.vector_load %arg8[%swap3A_1905, %swap3A_1906, %swap3A_1907] {strides = array<i32>} : memref<2x160x128xf32, #tpu.memory_space<vmem>>, vector<16xf32>,
          tpu.vector_store %arg8[%swap3A_1905, %swap3A_1906, %swap3A_1907], %add3A_1903 {strides = array<i32>} : memref<2x160x128xf32, #tpu.memory_space<vmem>>, vector<16xf32>,
          %get3A_1909 = arith.constant 1 : i32
          %get3A_1910 = arith.index_cast %get3A_1909 : i32 to index
          %get3A_1911 = arith.index_cast %add3A_1866 : i32 to index
          %get3A_1912 = arith.constant 48 : index
          %get3A_1913 = tpu.vector_load %arg7[%get3A_1910, %get3A_1911, %get3A_1912] {strides = array<i32>} : memref<2x160x128xf32, #tpu.memory_space<vmem>>, vector<16xf32>,
          %mul3A_1914 = vector.broadcast %squeeze3A_1862 : f32 to vector<16xf32>
          %mul3A_1915 = arith.mulf %get3A_1913, %mul3A_1914 : vector<16xf32>
          %add3A_1916 = vector.broadcast %squeeze3A_1864 : f32 to vector<16xf32>
          %add3A_1917 = arith.addf %mul3A_1915, %add3A_1916 : vector<16xf32>
          %swap3A_1918 = arith.constant 1 : i32
          %swap3A_1919 = arith.index_cast %swap3A_1918 : i32 to index
          %swap3A_1920 = arith.index_cast %add3A_1866 : i32 to index
          %swap3A_1921 = arith.constant 48 : index
          %swap3A_1922 = tpu.vector_load %arg8[%swap3A_1919, %swap3A_1920, %swap3A_1921] {strides = array<i32>} : memref<2x160x128xf32, #tpu.memory_space<vmem>>, vector<16xf32>,
          tpu.vector_store %arg8[%swap3A_1919, %swap3A_1920, %swap3A_1921], %add3A_1917 {strides = array<i32>} : memref<2x160x128xf32, #tpu.memory_space<vmem>>, vector<16xf32>,
          %get3A_1923 = arith.constant 1 : i32
          %get3A_1924 = arith.index_cast %get3A_1923 : i32 to index
          %get3A_1925 = arith.index_cast %add3A_1866 : i32 to index
          %get3A_1926 = arith.constant 64 : index
          %get3A_1927 = tpu.vector_load %arg7[%get3A_1924, %get3A_1925, %get3A_1926] {strides = array<i32>} : memref<2x160x128xf32, #tpu.memory_space<vmem>>, vector<16xf32>,
          %mul3A_1928 = vector.broadcast %squeeze3A_1862 : f32 to vector<16xf32>
          %mul3A_1929 = arith.mulf %get3A_1927, %mul3A_1928 : vector<16xf32>
          %add3A_1930 = vector.broadcast %squeeze3A_1864 : f32 to vector<16xf32>
          %add3A_1931 = arith.addf %mul3A_1929, %add3A_1930 : vector<16xf32>
          %swap3A_1932 = arith.constant 1 : i32
          %swap3A_1933 = arith.index_cast %swap3A_1932 : i32 to index
          %swap3A_1934 = arith.index_cast %add3A_1866 : i32 to index
          %swap3A_1935 = arith.constant 64 : index
          %swap3A_1936 = tpu.vector_load %arg8[%swap3A_1933, %swap3A_1934, %swap3A_1935] {strides = array<i32>} : memref<2x160x128xf32, #tpu.memory_space<vmem>>, vector<16xf32>,
          tpu.vector_store %arg8[%swap3A_1933, %swap3A_1934, %swap3A_1935], %add3A_1931 {strides = array<i32>} : memref<2x160x128xf32, #tpu.memory_space<vmem>>, vector<16xf32>,
          %get3A_1937 = arith.constant 1 : i32
          %get3A_1938 = arith.index_cast %get3A_1937 : i32 to index
          %get3A_1939 = arith.index_cast %add3A_1866 : i32 to index
          %get3A_1940 = arith.constant 80 : index
          %get3A_1941 = tpu.vector_load %arg7[%get3A_1938, %get3A_1939, %get3A_1940] {strides = array<i32>} : memref<2x160x128xf32, #tpu.memory_space<vmem>>, vector<16xf32>,
          %mul3A_1942 = vector.broadcast %squeeze3A_1862 : f32 to vector<16xf32>
          %mul3A_1943 = arith.mulf %get3A_1941, %mul3A_1942 : vector<16xf32>
          %add3A_1944 = vector.broadcast %squeeze3A_1864 : f32 to vector<16xf32>
          %add3A_1945 = arith.addf %mul3A_1943, %add3A_1944 : vector<16xf32>
          %swap3A_1946 = arith.constant 1 : i32
          %swap3A_1947 = arith.index_cast %swap3A_1946 : i32 to index
          %swap3A_1948 = arith.index_cast %add3A_1866 : i32 to index
          %swap3A_1949 = arith.constant 80 : index
          %swap3A_1950 = tpu.vector_load %arg8[%swap3A_1947, %swap3A_1948, %swap3A_1949] {strides = array<i32>} : memref<2x160x128xf32, #tpu.memory_space<vmem>>, vector<16xf32>,
          tpu.vector_store %arg8[%swap3A_1947, %swap3A_1948, %swap3A_1949], %add3A_1945 {strides = array<i32>} : memref<2x160x128xf32, #tpu.memory_space<vmem>>, vector<16xf32>,
          %get3A_1951 = arith.constant 1 : i32
          %get3A_1952 = arith.index_cast %get3A_1951 : i32 to index
          %get3A_1953 = arith.index_cast %add3A_1866 : i32 to index
          %get3A_1954 = arith.constant 96 : index
          %get3A_1955 = tpu.vector_load %arg7[%get3A_1952, %get3A_1953, %get3A_1954] {strides = array<i32>} : memref<2x160x128xf32, #tpu.memory_space<vmem>>, vector<16xf32>,
          %mul3A_1956 = vector.broadcast %squeeze3A_1862 : f32 to vector<16xf32>
          %mul3A_1957 = arith.mulf %get3A_1955, %mul3A_1956 : vector<16xf32>
          %add3A_1958 = vector.broadcast %squeeze3A_1864 : f32 to vector<16xf32>
          %add3A_1959 = arith.addf %mul3A_1957, %add3A_1958 : vector<16xf32>
          %swap3A_1960 = arith.constant 1 : i32
          %swap3A_1961 = arith.index_cast %swap3A_1960 : i32 to index
          %swap3A_1962 = arith.index_cast %add3A_1866 : i32 to index
          %swap3A_1963 = arith.constant 96 : index
          %swap3A_1964 = tpu.vector_load %arg8[%swap3A_1961, %swap3A_1962, %swap3A_1963] {strides = array<i32>} : memref<2x160x128xf32, #tpu.memory_space<vmem>>, vector<16xf32>,
          tpu.vector_store %arg8[%swap3A_1961, %swap3A_1962, %swap3A_1963], %add3A_1959 {strides = array<i32>} : memref<2x160x128xf32, #tpu.memory_space<vmem>>, vector<16xf32>,
          %get3A_1965 = arith.constant 1 : i32
          %get3A_1966 = arith.index_cast %get3A_1965 : i32 to index
          %get3A_1967 = arith.index_cast %add3A_1866 : i32 to index
          %get3A_1968 = arith.constant 112 : index
          %get3A_1969 = tpu.vector_load %arg7[%get3A_1966, %get3A_1967, %get3A_1968] {strides = array<i32>} : memref<2x160x128xf32, #tpu.memory_space<vmem>>, vector<16xf32>,
          %mul3A_1970 = vector.broadcast %squeeze3A_1862 : f32 to vector<16xf32>
          %mul3A_1971 = arith.mulf %get3A_1969, %mul3A_1970 : vector<16xf32>
          %add3A_1972 = vector.broadcast %squeeze3A_1864 : f32 to vector<16xf32>
          %add3A_1973 = arith.addf %mul3A_1971, %add3A_1972 : vector<16xf32>
          %swap3A_1974 = arith.constant 1 : i32
          %swap3A_1975 = arith.index_cast %swap3A_1974 : i32 to index
          %swap3A_1976 = arith.index_cast %add3A_1866 : i32 to index
          %swap3A_1977 = arith.constant 112 : index
          %swap3A_1978 = tpu.vector_load %arg8[%swap3A_1975, %swap3A_1976, %swap3A_1977] {strides = array<i32>} : memref<2x160x128xf32, #tpu.memory_space<vmem>>, vector<16xf32>,
          tpu.vector_store %arg8[%swap3A_1975, %swap3A_1976, %swap3A_1977], %add3A_1973 {strides = array<i32>} : memref<2x160x128xf32, #tpu.memory_space<vmem>>, vector<16xf32>,
          %slice3A_1979 = vector.extract_strided_slice %gather3A {offsets = [15], sizes = [1], strides = [1]} : vector<16xf32> to vector<1xf32>
          %squeeze3A_1980 = vector.extract %slice3A_1979[0] : f32 from vector<1xf32>
          %slice3A_1981 = vector.extract_strided_slice %gather3A_209 {offsets = [15], sizes = [1], strides = [1]} : vector<16xf32> to vector<1xf32>
          %squeeze3A_1982 = vector.extract %slice3A_1981[0] : f32 from vector<1xf32>
          %add3A_1983 = arith.constant 15 : i32
          %add3A_1984 = arith.addi %mul3A_211, %add3A_1983 : i32
          %get3A_1985 = arith.constant 1 : i32
          %get3A_1986 = arith.index_cast %get3A_1985 : i32 to index
          %get3A_1987 = arith.index_cast %add3A_1984 : i32 to index
          %get3A_1988 = arith.constant 0 : index
          %get3A_1989 = tpu.vector_load %arg7[%get3A_1986, %get3A_1987, %get3A_1988] {strides = array<i32>} : memref<2x160x128xf32, #tpu.memory_space<vmem>>, vector<16xf32>,
          %mul3A_1990 = vector.broadcast %squeeze3A_1980 : f32 to vector<16xf32>
          %mul3A_1991 = arith.mulf %get3A_1989, %mul3A_1990 : vector<16xf32>
          %add3A_1992 = vector.broadcast %squeeze3A_1982 : f32 to vector<16xf32>
          %add3A_1993 = arith.addf %mul3A_1991, %add3A_1992 : vector<16xf32>
          %swap3A_1994 = arith.constant 1 : i32
          %swap3A_1995 = arith.index_cast %swap3A_1994 : i32 to index
          %swap3A_1996 = arith.index_cast %add3A_1984 : i32 to index
          %swap3A_1997 = arith.constant 0 : index
          %swap3A_1998 = tpu.vector_load %arg8[%swap3A_1995, %swap3A_1996, %swap3A_1997] {strides = array<i32>} : memref<2x160x128xf32, #tpu.memory_space<vmem>>, vector<16xf32>,
          tpu.vector_store %arg8[%swap3A_1995, %swap3A_1996, %swap3A_1997], %add3A_1993 {strides = array<i32>} : memref<2x160x128xf32, #tpu.memory_space<vmem>>, vector<16xf32>,
          %get3A_1999 = arith.constant 1 : i32
          %get3A_2000 = arith.index_cast %get3A_1999 : i32 to index
          %get3A_2001 = arith.index_cast %add3A_1984 : i32 to index
          %get3A_2002 = arith.constant 16 : index
          %get3A_2003 = tpu.vector_load %arg7[%get3A_2000, %get3A_2001, %get3A_2002] {strides = array<i32>} : memref<2x160x128xf32, #tpu.memory_space<vmem>>, vector<16xf32>,
          %mul3A_2004 = vector.broadcast %squeeze3A_1980 : f32 to vector<16xf32>
          %mul3A_2005 = arith.mulf %get3A_2003, %mul3A_2004 : vector<16xf32>
          %add3A_2006 = vector.broadcast %squeeze3A_1982 : f32 to vector<16xf32>
          %add3A_2007 = arith.addf %mul3A_2005, %add3A_2006 : vector<16xf32>
          %swap3A_2008 = arith.constant 1 : i32
          %swap3A_2009 = arith.index_cast %swap3A_2008 : i32 to index
          %swap3A_2010 = arith.index_cast %add3A_1984 : i32 to index
          %swap3A_2011 = arith.constant 16 : index
          %swap3A_2012 = tpu.vector_load %arg8[%swap3A_2009, %swap3A_2010, %swap3A_2011] {strides = array<i32>} : memref<2x160x128xf32, #tpu.memory_space<vmem>>, vector<16xf32>,
          tpu.vector_store %arg8[%swap3A_2009, %swap3A_2010, %swap3A_2011], %add3A_2007 {strides = array<i32>} : memref<2x160x128xf32, #tpu.memory_space<vmem>>, vector<16xf32>,
          %get3A_2013 = arith.constant 1 : i32
          %get3A_2014 = arith.index_cast %get3A_2013 : i32 to index
          %get3A_2015 = arith.index_cast %add3A_1984 : i32 to index
          %get3A_2016 = arith.constant 32 : index
          %get3A_2017 = tpu.vector_load %arg7[%get3A_2014, %get3A_2015, %get3A_2016] {strides = array<i32>} : memref<2x160x128xf32, #tpu.memory_space<vmem>>, vector<16xf32>,
          %mul3A_2018 = vector.broadcast %squeeze3A_1980 : f32 to vector<16xf32>
          %mul3A_2019 = arith.mulf %get3A_2017, %mul3A_2018 : vector<16xf32>
          %add3A_2020 = vector.broadcast %squeeze3A_1982 : f32 to vector<16xf32>
          %add3A_2021 = arith.addf %mul3A_2019, %add3A_2020 : vector<16xf32>
          %swap3A_2022 = arith.constant 1 : i32
          %swap3A_2023 = arith.index_cast %swap3A_2022 : i32 to index
          %swap3A_2024 = arith.index_cast %add3A_1984 : i32 to index
          %swap3A_2025 = arith.constant 32 : index
          %swap3A_2026 = tpu.vector_load %arg8[%swap3A_2023, %swap3A_2024, %swap3A_2025] {strides = array<i32>} : memref<2x160x128xf32, #tpu.memory_space<vmem>>, vector<16xf32>,
          tpu.vector_store %arg8[%swap3A_2023, %swap3A_2024, %swap3A_2025], %add3A_2021 {strides = array<i32>} : memref<2x160x128xf32, #tpu.memory_space<vmem>>, vector<16xf32>,
          %get3A_2027 = arith.constant 1 : i32
          %get3A_2028 = arith.index_cast %get3A_2027 : i32 to index
          %get3A_2029 = arith.index_cast %add3A_1984 : i32 to index
          %get3A_2030 = arith.constant 48 : index
          %get3A_2031 = tpu.vector_load %arg7[%get3A_2028, %get3A_2029, %get3A_2030] {strides = array<i32>} : memref<2x160x128xf32, #tpu.memory_space<vmem>>, vector<16xf32>,
          %mul3A_2032 = vector.broadcast %squeeze3A_1980 : f32 to vector<16xf32>
          %mul3A_2033 = arith.mulf %get3A_2031, %mul3A_2032 : vector<16xf32>
          %add3A_2034 = vector.broadcast %squeeze3A_1982 : f32 to vector<16xf32>
          %add3A_2035 = arith.addf %mul3A_2033, %add3A_2034 : vector<16xf32>
          %swap3A_2036 = arith.constant 1 : i32
          %swap3A_2037 = arith.index_cast %swap3A_2036 : i32 to index
          %swap3A_2038 = arith.index_cast %add3A_1984 : i32 to index
          %swap3A_2039 = arith.constant 48 : index
          %swap3A_2040 = tpu.vector_load %arg8[%swap3A_2037, %swap3A_2038, %swap3A_2039] {strides = array<i32>} : memref<2x160x128xf32, #tpu.memory_space<vmem>>, vector<16xf32>,
          tpu.vector_store %arg8[%swap3A_2037, %swap3A_2038, %swap3A_2039], %add3A_2035 {strides = array<i32>} : memref<2x160x128xf32, #tpu.memory_space<vmem>>, vector<16xf32>,
          %get3A_2041 = arith.constant 1 : i32
          %get3A_2042 = arith.index_cast %get3A_2041 : i32 to index
          %get3A_2043 = arith.index_cast %add3A_1984 : i32 to index
          %get3A_2044 = arith.constant 64 : index
          %get3A_2045 = tpu.vector_load %arg7[%get3A_2042, %get3A_2043, %get3A_2044] {strides = array<i32>} : memref<2x160x128xf32, #tpu.memory_space<vmem>>, vector<16xf32>,
          %mul3A_2046 = vector.broadcast %squeeze3A_1980 : f32 to vector<16xf32>
          %mul3A_2047 = arith.mulf %get3A_2045, %mul3A_2046 : vector<16xf32>
          %add3A_2048 = vector.broadcast %squeeze3A_1982 : f32 to vector<16xf32>
          %add3A_2049 = arith.addf %mul3A_2047, %add3A_2048 : vector<16xf32>
          %swap3A_2050 = arith.constant 1 : i32
          %swap3A_2051 = arith.index_cast %swap3A_2050 : i32 to index
          %swap3A_2052 = arith.index_cast %add3A_1984 : i32 to index
          %swap3A_2053 = arith.constant 64 : index
          %swap3A_2054 = tpu.vector_load %arg8[%swap3A_2051, %swap3A_2052, %swap3A_2053] {strides = array<i32>} : memref<2x160x128xf32, #tpu.memory_space<vmem>>, vector<16xf32>,
          tpu.vector_store %arg8[%swap3A_2051, %swap3A_2052, %swap3A_2053], %add3A_2049 {strides = array<i32>} : memref<2x160x128xf32, #tpu.memory_space<vmem>>, vector<16xf32>,
          %get3A_2055 = arith.constant 1 : i32
          %get3A_2056 = arith.index_cast %get3A_2055 : i32 to index
          %get3A_2057 = arith.index_cast %add3A_1984 : i32 to index
          %get3A_2058 = arith.constant 80 : index
          %get3A_2059 = tpu.vector_load %arg7[%get3A_2056, %get3A_2057, %get3A_2058] {strides = array<i32>} : memref<2x160x128xf32, #tpu.memory_space<vmem>>, vector<16xf32>,
          %mul3A_2060 = vector.broadcast %squeeze3A_1980 : f32 to vector<16xf32>
          %mul3A_2061 = arith.mulf %get3A_2059, %mul3A_2060 : vector<16xf32>
          %add3A_2062 = vector.broadcast %squeeze3A_1982 : f32 to vector<16xf32>
          %add3A_2063 = arith.addf %mul3A_2061, %add3A_2062 : vector<16xf32>
          %swap3A_2064 = arith.constant 1 : i32
          %swap3A_2065 = arith.index_cast %swap3A_2064 : i32 to index
          %swap3A_2066 = arith.index_cast %add3A_1984 : i32 to index
          %swap3A_2067 = arith.constant 80 : index
          %swap3A_2068 = tpu.vector_load %arg8[%swap3A_2065, %swap3A_2066, %swap3A_2067] {strides = array<i32>} : memref<2x160x128xf32, #tpu.memory_space<vmem>>, vector<16xf32>,
          tpu.vector_store %arg8[%swap3A_2065, %swap3A_2066, %swap3A_2067], %add3A_2063 {strides = array<i32>} : memref<2x160x128xf32, #tpu.memory_space<vmem>>, vector<16xf32>,
          %get3A_2069 = arith.constant 1 : i32
          %get3A_2070 = arith.index_cast %get3A_2069 : i32 to index
          %get3A_2071 = arith.index_cast %add3A_1984 : i32 to index
          %get3A_2072 = arith.constant 96 : index
          %get3A_2073 = tpu.vector_load %arg7[%get3A_2070, %get3A_2071, %get3A_2072] {strides = array<i32>} : memref<2x160x128xf32, #tpu.memory_space<vmem>>, vector<16xf32>,
          %mul3A_2074 = vector.broadcast %squeeze3A_1980 : f32 to vector<16xf32>
          %mul3A_2075 = arith.mulf %get3A_2073, %mul3A_2074 : vector<16xf32>
          %add3A_2076 = vector.broadcast %squeeze3A_1982 : f32 to vector<16xf32>
          %add3A_2077 = arith.addf %mul3A_2075, %add3A_2076 : vector<16xf32>
          %swap3A_2078 = arith.constant 1 : i32
          %swap3A_2079 = arith.index_cast %swap3A_2078 : i32 to index
          %swap3A_2080 = arith.index_cast %add3A_1984 : i32 to index
          %swap3A_2081 = arith.constant 96 : index
          %swap3A_2082 = tpu.vector_load %arg8[%swap3A_2079, %swap3A_2080, %swap3A_2081] {strides = array<i32>} : memref<2x160x128xf32, #tpu.memory_space<vmem>>, vector<16xf32>,
          tpu.vector_store %arg8[%swap3A_2079, %swap3A_2080, %swap3A_2081], %add3A_2077 {strides = array<i32>} : memref<2x160x128xf32, #tpu.memory_space<vmem>>, vector<16xf32>,
          %get3A_2083 = arith.constant 1 : i32
          %get3A_2084 = arith.index_cast %get3A_2083 : i32 to index
          %get3A_2085 = arith.index_cast %add3A_1984 : i32 to index
          %get3A_2086 = arith.constant 112 : index
          %get3A_2087 = tpu.vector_load %arg7[%get3A_2084, %get3A_2085, %get3A_2086] {strides = array<i32>} : memref<2x160x128xf32, #tpu.memory_space<vmem>>, vector<16xf32>,
          %mul3A_2088 = vector.broadcast %squeeze3A_1980 : f32 to vector<16xf32>
          %mul3A_2089 = arith.mulf %get3A_2087, %mul3A_2088 : vector<16xf32>
          %add3A_2090 = vector.broadcast %squeeze3A_1982 : f32 to vector<16xf32>
          %add3A_2091 = arith.addf %mul3A_2089, %add3A_2090 : vector<16xf32>
          %swap3A_2092 = arith.constant 1 : i32
          %swap3A_2093 = arith.index_cast %swap3A_2092 : i32 to index
          %swap3A_2094 = arith.index_cast %add3A_1984 : i32 to index
          %swap3A_2095 = arith.constant 112 : index
          %swap3A_2096 = tpu.vector_load %arg8[%swap3A_2093, %swap3A_2094, %swap3A_2095] {strides = array<i32>} : memref<2x160x128xf32, #tpu.memory_space<vmem>>, vector<16xf32>,
          tpu.vector_store %arg8[%swap3A_2093, %swap3A_2094, %swap3A_2095], %add3A_2091 {strides = array<i32>} : memref<2x160x128xf32, #tpu.memory_space<vmem>>, vector<16xf32>,
        }
        %scan3A_204 = arith.constant 10 : i32
      } else {
      }
      %mul3A_169 = arith.constant 32 : i32
      %mul3A_170 = arith.muli %add3A_133, %mul3A_169 : i32
      %add3A_171 = arith.addi %add3A, %mul3A_170 : i32
      %mul3A_172 = arith.constant 32 : i32
      %mul3A_173 = arith.muli %add3A_133, %mul3A_172 : i32
      %add3A_174 = arith.addi %add3A, %mul3A_173 : i32
      %ge3A_175 = arith.constant 0 : i32
      %ge3A_176 = arith.cmpi sge, %add3A_133, %ge3A_175 : i32
      %lt3A_177 = arith.constant 625 : i32
      %lt3A_178 = arith.cmpi slt, %add3A_174, %lt3A_177 : i32
      %and3A_179 = arith.andi %ge3A_176, %lt3A_178 : i1
      %convert_element_type3A_180 = arith.extui %and3A_179 : i1 to i32
      %cond3A_181 = arith.constant 0 : i32
      %cond3A_182 = arith.cmpi ne, %convert_element_type3A_180, %cond3A_181 : i32
      scf.if %cond3A_182 {
        %mul3A_199 = arith.constant 160 : i32
        %mul3A_200 = arith.muli %add3A_171, %mul3A_199 : i32
        %dma_start3A = arith.constant 1 : i32
        %dma_start3A_201 = arith.constant 0 : i32
        %dma_start3A_202 = arith.constant 0 : i32
        %dma_start3A_203 = tpu.memref_slice %arg8[%dma_start3A, %dma_start3A_201, %dma_start3A_202] : memref<2x160x128xf32, #tpu.memory_space<vmem>> -> memref<1x160x128xf32, #tpu.memory_space<vmem>>
        %dma_start3A_204 = tpu.memref_squeeze %dma_start3A_203 : memref<1x160x128xf32, #tpu.memory_space<vmem>> -> memref<160x128xf32, #tpu.memory_space<vmem>>
        %dma_start3A_205 = arith.constant 0 : i32
        %dma_start3A_206 = tpu.memref_slice %arg6[%mul3A_200, %dma_start3A_205] : memref<100000x128xf32, #tpu.memory_space<hbm>> -> memref<160x128xf32, #tpu.memory_space<hbm>>
        %dma_start3A_207 = arith.constant 0 : i32
        %dma_start3A_208 = tpu.memref_slice %arg6[%mul3A_200, %dma_start3A_207] : memref<100000x128xf32, #tpu.memory_space<hbm>> -> memref<160x128xf32, #tpu.memory_space<hbm>>
        %dma_start3A_209 = arith.constant 0 : i32
        %dma_start3A_210 = arith.constant 0 : i32
        %dma_start3A_211 = tpu.memref_slice %arg8[%dma_start3A, %dma_start3A_209, %dma_start3A_210] : memref<2x160x128xf32, #tpu.memory_space<vmem>> -> memref<1x160x128xf32, #tpu.memory_space<vmem>>
        %dma_start3A_212 = tpu.memref_squeeze %dma_start3A_211 : memref<1x160x128xf32, #tpu.memory_space<vmem>> -> memref<160x128xf32, #tpu.memory_space<vmem>>
        tpu.enqueue_dma source(%dma_start3A_212 : memref<160x128xf32, #tpu.memory_space<vmem>>) target(%dma_start3A_208 : memref<160x128xf32, #tpu.memory_space<hbm>>) target_semaphore(%arg16 : memref<!tpu.dma_semaphore, #tpu.memory_space<semaphore_mem>>)
      } else {
      }
      %add3A_183 = arith.constant 2 : i32
      %add3A_184 = arith.addi %add3A_133, %add3A_183 : i32
      %mul3A_185 = arith.constant 32 : i32
      %mul3A_186 = arith.muli %add3A_184, %mul3A_185 : i32
      %add3A_187 = arith.addi %add3A, %mul3A_186 : i32
      %mul3A_188 = arith.constant 32 : i32
      %mul3A_189 = arith.muli %add3A_184, %mul3A_188 : i32
      %add3A_190 = arith.addi %add3A, %mul3A_189 : i32
      %ge3A_191 = arith.constant 0 : i32
      %ge3A_192 = arith.cmpi sge, %add3A_184, %ge3A_191 : i32
      %lt3A_193 = arith.constant 625 : i32
      %lt3A_194 = arith.cmpi slt, %add3A_190, %lt3A_193 : i32
      %and3A_195 = arith.andi %ge3A_192, %lt3A_194 : i1
      %convert_element_type3A_196 = arith.extui %and3A_195 : i1 to i32
      %cond3A_197 = arith.constant 0 : i32
      %cond3A_198 = arith.cmpi ne, %convert_element_type3A_196, %cond3A_197 : i32
      scf.if %cond3A_198 {
        %mul3A_199 = arith.constant 160 : i32
        %mul3A_200 = arith.muli %add3A_187, %mul3A_199 : i32
        %dma_start3A = arith.constant 1 : i32
        %dma_start3A_201 = arith.constant 0 : i32
        %dma_start3A_202 = arith.constant 0 : i32
        %dma_start3A_203 = tpu.memref_slice %arg7[%dma_start3A, %dma_start3A_201, %dma_start3A_202] : memref<2x160x128xf32, #tpu.memory_space<vmem>> -> memref<1x160x128xf32, #tpu.memory_space<vmem>>
        %dma_start3A_204 = tpu.memref_squeeze %dma_start3A_203 : memref<1x160x128xf32, #tpu.memory_space<vmem>> -> memref<160x128xf32, #tpu.memory_space<vmem>>
        %dma_start3A_205 = arith.constant 0 : i32
        %dma_start3A_206 = tpu.memref_slice %arg2[%mul3A_200, %dma_start3A_205] : memref<100000x128xf32, #tpu.memory_space<hbm>> -> memref<160x128xf32, #tpu.memory_space<hbm>>
        %dma_start3A_207 = arith.constant 0 : i32
        %dma_start3A_208 = arith.constant 0 : i32
        %dma_start3A_209 = tpu.memref_slice %arg7[%dma_start3A, %dma_start3A_207, %dma_start3A_208] : memref<2x160x128xf32, #tpu.memory_space<vmem>> -> memref<1x160x128xf32, #tpu.memory_space<vmem>>
        %dma_start3A_210 = tpu.memref_squeeze %dma_start3A_209 : memref<1x160x128xf32, #tpu.memory_space<vmem>> -> memref<160x128xf32, #tpu.memory_space<vmem>>
        %dma_start3A_211 = arith.constant 0 : i32
        %dma_start3A_212 = tpu.memref_slice %arg2[%mul3A_200, %dma_start3A_211] : memref<100000x128xf32, #tpu.memory_space<hbm>> -> memref<160x128xf32, #tpu.memory_space<hbm>>
        tpu.enqueue_dma source(%dma_start3A_212 : memref<160x128xf32, #tpu.memory_space<hbm>>) target(%dma_start3A_210 : memref<160x128xf32, #tpu.memory_space<vmem>>) target_semaphore(%arg14 : memref<!tpu.dma_semaphore, #tpu.memory_space<semaphore_mem>>)
        %dma_start3A_213 = tpu.memref_slice %arg3[%mul3A_200] : memref<100000xi32, #tpu.memory_space<hbm>> -> memref<160xi32, #tpu.memory_space<hbm>>
        %dma_start3A_214 = tpu.memref_slice %arg3[%mul3A_200] : memref<100000xi32, #tpu.memory_space<hbm>> -> memref<160xi32, #tpu.memory_space<hbm>>
        tpu.enqueue_dma source(%dma_start3A_214 : memref<160xi32, #tpu.memory_space<hbm>>) target(%arg10 : memref<160xi32, #tpu.memory_space<vmem>>) target_semaphore(%arg14 : memref<!tpu.dma_semaphore, #tpu.memory_space<semaphore_mem>>)
      } else {
      }
    }
    %scan3A_34 = arith.constant 10 : i32
    %mul3A_35 = arith.constant 18 : i32
    %mul3A_36 = arith.constant 32 : i32
    %mul3A_37 = arith.muli %mul3A_35, %mul3A_36 : i32
    %add3A_38 = arith.addi %add3A, %mul3A_37 : i32
    %ge3A_39 = arith.constant 18 : i32
    %ge3A_40 = arith.constant 0 : i32
    %ge3A_41 = arith.cmpi sge, %ge3A_39, %ge3A_40 : i32
    %lt3A_42 = arith.constant 625 : i32
    %lt3A_43 = arith.cmpi slt, %add3A_38, %lt3A_42 : i32
    %and3A_44 = arith.andi %ge3A_41, %lt3A_43 : i1
    %convert_element_type3A_45 = arith.extui %and3A_44 : i1 to i32
    %cond3A_46 = arith.constant 0 : i32
    %cond3A_47 = arith.cmpi ne, %convert_element_type3A_45, %cond3A_46 : i32
    scf.if %cond3A_47 {
      %dma_wait3A = arith.constant 0 : i32
      %dma_wait3A_61 = arith.constant 0 : i32
      %dma_wait3A_62 = arith.constant 0 : i32
      %dma_wait3A_63 = tpu.memref_slice %arg8[%dma_wait3A, %dma_wait3A_61, %dma_wait3A_62] : memref<2x160x128xf32, #tpu.memory_space<vmem>> -> memref<1x160x128xf32, #tpu.memory_space<vmem>>
      %dma_wait3A_64 = tpu.memref_squeeze %dma_wait3A_63 : memref<1x160x128xf32, #tpu.memory_space<vmem>> -> memref<160x128xf32, #tpu.memory_space<vmem>>
      %dma_wait3A_65 = arith.constant 0 : i32
      %dma_wait3A_66 = arith.constant 0 : i32
      %dma_wait3A_67 = tpu.memref_slice %arg6[%dma_wait3A_65, %dma_wait3A_66] : memref<100000x128xf32, #tpu.memory_space<hbm>> -> memref<160x128xf32, #tpu.memory_space<hbm>>
      %dma_wait3A_68 = arith.constant 0 : i32
      %dma_wait3A_69 = arith.constant 0 : i32
      %dma_wait3A_70 = tpu.memref_slice %arg6[%dma_wait3A_68, %dma_wait3A_69] : memref<100000x128xf32, #tpu.memory_space<hbm>> -> memref<160x128xf32, #tpu.memory_space<hbm>>
      %dma_wait3A_71 = arith.constant 0 : i32
      %dma_wait3A_72 = arith.constant 0 : i32
      %dma_wait3A_73 = tpu.memref_slice %arg8[%dma_wait3A, %dma_wait3A_71, %dma_wait3A_72] : memref<2x160x128xf32, #tpu.memory_space<vmem>> -> memref<1x160x128xf32, #tpu.memory_space<vmem>>
      %dma_wait3A_74 = tpu.memref_squeeze %dma_wait3A_73 : memref<1x160x128xf32, #tpu.memory_space<vmem>> -> memref<160x128xf32, #tpu.memory_space<vmem>>
      tpu.wait_dma2 semaphore(%arg15 : memref<!tpu.dma_semaphore, #tpu.memory_space<semaphore_mem>>) src(%dma_wait3A_74 : memref<160x128xf32, #tpu.memory_space<vmem>>) dst(%dma_wait3A_70 : memref<160x128xf32, #tpu.memory_space<hbm>>)
    } else {
    }
    %mul3A_48 = arith.constant 19 : i32
    %mul3A_49 = arith.constant 32 : i32
    %mul3A_50 = arith.muli %mul3A_48, %mul3A_49 : i32
    %add3A_51 = arith.addi %add3A, %mul3A_50 : i32
    %ge3A_52 = arith.constant 19 : i32
    %ge3A_53 = arith.constant 0 : i32
    %ge3A_54 = arith.cmpi sge, %ge3A_52, %ge3A_53 : i32
    %lt3A_55 = arith.constant 625 : i32
    %lt3A_56 = arith.cmpi slt, %add3A_51, %lt3A_55 : i32
    %and3A_57 = arith.andi %ge3A_54, %lt3A_56 : i1
    %convert_element_type3A_58 = arith.extui %and3A_57 : i1 to i32
    %cond3A_59 = arith.constant 0 : i32
    %cond3A_60 = arith.cmpi ne, %convert_element_type3A_58, %cond3A_59 : i32
    scf.if %cond3A_60 {
      %dma_wait3A = arith.constant 1 : i32
      %dma_wait3A_61 = arith.constant 0 : i32
      %dma_wait3A_62 = arith.constant 0 : i32
      %dma_wait3A_63 = tpu.memref_slice %arg8[%dma_wait3A, %dma_wait3A_61, %dma_wait3A_62] : memref<2x160x128xf32, #tpu.memory_space<vmem>> -> memref<1x160x128xf32, #tpu.memory_space<vmem>>
      %dma_wait3A_64 = tpu.memref_squeeze %dma_wait3A_63 : memref<1x160x128xf32, #tpu.memory_space<vmem>> -> memref<160x128xf32, #tpu.memory_space<vmem>>
      %dma_wait3A_65 = arith.constant 0 : i32
      %dma_wait3A_66 = arith.constant 0 : i32
      %dma_wait3A_67 = tpu.memref_slice %arg6[%dma_wait3A_65, %dma_wait3A_66] : memref<100000x128xf32, #tpu.memory_space<hbm>> -> memref<160x128xf32, #tpu.memory_space<hbm>>
      %dma_wait3A_68 = arith.constant 0 : i32
      %dma_wait3A_69 = arith.constant 0 : i32
      %dma_wait3A_70 = tpu.memref_slice %arg6[%dma_wait3A_68, %dma_wait3A_69] : memref<100000x128xf32, #tpu.memory_space<hbm>> -> memref<160x128xf32, #tpu.memory_space<hbm>>
      %dma_wait3A_71 = arith.constant 0 : i32
      %dma_wait3A_72 = arith.constant 0 : i32
      %dma_wait3A_73 = tpu.memref_slice %arg8[%dma_wait3A, %dma_wait3A_71, %dma_wait3A_72] : memref<2x160x128xf32, #tpu.memory_space<vmem>> -> memref<1x160x128xf32, #tpu.memory_space<vmem>>
      %dma_wait3A_74 = tpu.memref_squeeze %dma_wait3A_73 : memref<1x160x128xf32, #tpu.memory_space<vmem>> -> memref<160x128xf32, #tpu.memory_space<vmem>>
      tpu.wait_dma2 semaphore(%arg16 : memref<!tpu.dma_semaphore, #tpu.memory_space<semaphore_mem>>) src(%dma_wait3A_74 : memref<160x128xf32, #tpu.memory_space<vmem>>) dst(%dma_wait3A_70 : memref<160x128xf32, #tpu.memory_space<hbm>>)
    } else {
    }
    return
  }
}

</mosaic_0001>

<sc_bundles>
// kernel: _scale_shift.3.cloned.1.call-start
scs
__scs_entry_jumppad:
0x0: {  	(pc) =	sbr.rel $0x88, $3  }
0x1: {  	(tag) =	ssettag $0x0;
	lr =	simm.s32 $0x1  }
0x2: {  	[smem:$0x3F9D] =	sst lr;
	_ =	strace $0xD0000000  }
0x3: {  	_ = 	snop  }
0x4: {  	_ = 	snop  }
0x5: {  	_ = 	snop  }
0x6: {  	_ = 	snop  }
0x7: {  	_ = 	snop  }
__scs_overlays_trampoline_lowered:
0x8: {  	[smem:$0x3FAC] =	sst s0  }
0x9: {  	[smem:$0x3FAD] =	sst s1  }
0xa: {  	[smem:$0x3FAE] =	sst s2  }
0xb: {  	[smem:$0x3FAF] =	sst s3  }
0xc: {  	[smem:$0x3FB0] =	sst s4  }
0xd: {  	[smem:$0x3FB1] =	sst s5  }
0xe: {  	[smem:$0x3FB2] =	sst s6  }
0xf: {  	[smem:$0x3FB3] =	sst s7  }
0x10: {  	[smem:$0x3FB4] =	sst s8  }
0x11: {  	[smem:$0x3FB5] =	sst s9;
	s0 =	simm.s32 @!p0 $0x0  }
0x12: {  	s1 =	sld [smem:$0x3F9B];
	s0 =	simm.s32 @p0 $0x1  }
0x13: {  	[smem:$0x3FB6] =	sst s0;
	s0 =	simm.s32 @!p1 $0x0  }
0x14: {  	s2 =	sld [smem:$0x3F9A];
	s0 =	simm.s32 @p1 $0x1  }
0x15: {  	[smem:$0x3FB7] =	sst s0;
	s0 =	simm.s32 @!p2 $0x0  }
0x16: {  	s3 =	sld [smem:$0x3FDB];
	s0 =	simm.s32 @p2 $0x1  }
0x17: {  	s4 =	simm.s32 $0x1BF5;
	[smem:$0x3FB9] =	sst s0  }
0x18: {  	s0 =	sld [smem:$0x3F9C];
	_ =	swait.ge [sflag:s4], $0x0  }
0x19: {  	s7 =	sld [smem:$0x3F9D]  }
0x1a: {  	s8 =	sadd.s32 $0xFFFFE003, lr  }
0x1b: {  	s9 =	sadd.s32 $0xFFFFFEF7, lr;
	s5 =	simm.s32 $0xFFFFFFFF;
	p2 =	slt.u32 s8, $0xFFFFF086  }
0x1c: {  	p1 =	slt.u32 s9, $0xF7A;
	s5 =	simm.s32 @!p2 $0x0  }
0x1d: {  	s5 =	simm.s32 @p1 $0x1;
	p0 =	seq.s32 s7, s2  }
0x1e: {  	s7 =	smul.u32 @!p0 $0xF7A, s2;
	p2 =	seq.s32 @!p0 s5, $0x0  }
0x1f: {  	s9 =	smul.u32 $0xF7A, s1;
	s8 =	simm.s32 @!p0 $0x1BF5;
	p2 =	por !p2, p0  }
0x20: {  	[sflag:s8] =	ssyncset.s32 @!p0 $0xFFFFF086;
	s6 =	sadd.s32 @!p0 s3, s7;
	s7 =	simm.s32 @!p0 $0x108  }
0x21: {  	s3 =	sadd.s32 s3, s9;
	s6 =	sadd.s32 @!p0 $0x88, s6;
	s7 =	simm.s32 @p2 $0x1082  }
0x22: {  	[simem:s7], [sflag:s8] =	dma.local @!p0 [hbm:s6], $0xF7A  }
0x23: {  	s9 =	sor.u32 $0xD0000000, s2;
	s6 =	simm.s32 $0x108;
	_ =	swait.ge @!p0 [sflag:s8], $0x0  }
0x24: {  	s3 =	sadd.s32 $0x88, s3;
	s6 =	simm.s32 @!p1 $0x1082;
	[sflag:s4] =	ssyncset.s32 $0xFFFFF086  }
0x25: {  	[simem:s6], [sflag:s4] =	dma.local [hbm:s3], $0xF7A  }
0x26: {  	[smem:$0x3F9D] =	sst s1;
	(tag) =	ssettag s2;
	_ =	strace s9  }
0x27: {  	s1 =	sld [smem:$0x3FAD]  }
0x28: {  	s2 =	sld [smem:$0x3FAE]  }
0x29: {  	s4 =	sld [smem:$0x3FB0]  }
0x2a: {  	p0 =	seq.s32 s5, $0x0;
	s5 =	sld [smem:$0x3FB1]  }
0x2b: {  	s6 =	sld [smem:$0x3FB2]  }
0x2c: {  	s7 =	sld [smem:$0x3FB3]  }
0x2d: {  	s3 =	simm.s32 $0x108;
	s8 =	sld [smem:$0x3FB4]  }
0x2e: {  	s3 =	simm.s32 @!p0 $0x1082;
	s9 =	sld [smem:$0x3FB5]  }
0x2f: {  	lr =	sadd.s32 s0, s3;
	s0 =	sld [smem:$0x3FAC]  }
0x30: {  	s3 =	sld [smem:$0x3FAF]  }
0x31: {  	[smem:$0x3FB8] =	sst s10  }
0x32: {  	s10 =	sld [smem:$0x3FB6];
	_ =	sdelay $0x3  }
0x33: {  	p0 =	seq.s32 s10, $0x1;
	s10 =	sld [smem:$0x3FB8];
	_ =	sdelay $0x3  }
0x34: {  	[smem:$0x3FB8] =	sst s10  }
0x35: {  	s10 =	sld [smem:$0x3FB7];
	_ =	sdelay $0x3  }
0x36: {  	p1 =	seq.s32 s10, $0x1;
	s10 =	sld [smem:$0x3FB8];
	_ =	sdelay $0x3  }
0x37: {  	[smem:$0x3FB8] =	sst s10  }
0x38: {  	s10 =	sld [smem:$0x3FB9]  }
0x39: {  	_ = 	snop;
	(pc) =	sbr.ind lr, $3  }
0x3a: {  	_ = 	snop  }
0x3b: {  	_ = 	snop  }
0x3c: {  	p2 =	seq.s32 s10, $0x1;
	s10 =	sld [smem:$0x3FB8]  }
0x3d: {  	_ =	shalt  }
0x3e: {  	_ =	shalt  }
0x3f: {  	_ =	shalt  }
0x40: {  	_ =	shalt  }
0x41: {  	_ =	shalt  }
0x42: {  	_ =	shalt  }
0x43: {  	_ =	shalt  }
0x44: {  	_ =	shalt  }
0x45: {  	_ =	shalt  }
0x46: {  	_ =	shalt  }
0x47: {  	_ =	shalt  }
0x48: {  	_ =	shalt  }
0x49: {  	_ =	shalt  }
0x4a: {  	_ =	shalt  }
0x4b: {  	_ =	shalt  }
0x4c: {  	_ =	shalt  }
0x4d: {  	_ =	shalt  }
0x4e: {  	_ =	shalt  }
0x4f: {  	_ =	shalt  }
0x50: {  	_ =	shalt  }
0x51: {  	_ =	shalt  }
0x52: {  	_ =	shalt  }
0x53: {  	_ =	shalt  }
0x54: {  	_ =	shalt  }
0x55: {  	_ =	shalt  }
0x56: {  	_ =	shalt  }
0x57: {  	_ =	shalt  }
0x58: {  	_ =	shalt  }
0x59: {  	_ =	shalt  }
0x5a: {  	_ =	shalt  }
0x5b: {  	_ =	shalt  }
0x5c: {  	_ =	shalt  }
0x5d: {  	_ =	shalt  }
0x5e: {  	_ =	shalt  }
0x5f: {  	_ =	shalt  }
0x60: {  	_ =	shalt  }
0x61: {  	_ =	shalt  }
0x62: {  	_ =	shalt  }
0x63: {  	_ =	shalt  }
0x64: {  	_ =	shalt  }
0x65: {  	_ =	shalt  }
0x66: {  	_ =	shalt  }
0x67: {  	_ =	shalt  }
0x68: {  	_ =	shalt  }
0x69: {  	_ =	shalt  }
0x6a: {  	_ =	shalt  }
0x6b: {  	_ =	shalt  }
0x6c: {  	_ =	shalt  }
0x6d: {  	_ =	shalt  }
0x6e: {  	_ =	shalt  }
0x6f: {  	_ =	shalt  }
0x70: {  	_ =	shalt  }
0x71: {  	_ =	shalt  }
0x72: {  	_ =	shalt  }
0x73: {  	_ =	shalt  }
0x74: {  	_ =	shalt  }
0x75: {  	_ =	shalt  }
0x76: {  	_ =	shalt  }
0x77: {  	_ =	shalt  }
0x78: {  	_ =	shalt  }
0x79: {  	_ =	shalt  }
0x7a: {  	_ =	shalt  }
0x7b: {  	_ =	shalt  }
0x7c: {  	_ =	shalt  }
0x7d: {  	_ =	shalt  }
0x7e: {  	_ =	shalt  }
0x7f: {  	_ =	shalt  }
0x80: {  	_ =	shalt  }
0x81: {  	_ =	shalt  }
0x82: {  	_ =	shalt  }
0x83: {  	_ =	shalt  }
0x84: {  	_ =	shalt  }
0x85: {  	_ =	shalt  }
0x86: {  	_ =	shalt  }
0x87: {  	_ =	shalt  }
.Lfunc_end0:
.L_simem_size_0:
called_computation_lowered:
.L_overlay_start_0:
0x88: {  	s2 =	sld [smem:$0x3FD9]  }
0x89: {  	s3 =	sld [smem:$0x3FFE];
	_ =	sdelay $0x1  }
0x8a: {  	s1 =	srdreg.scid  }
0x8b: {  	s0 =	sand.u32 $0x1, s1  }
0x8c: {  	s18 =	sshll.u32 s0, $0xA;
	s2 =	sadd.s32 s3, s2  }
0x8d: {  	s2 =	sadd.s32 s2, s18  }
0x8e: {  	[smem:$0x3FC4] =	sst s2  }
0x8f: {  	_ = 	snop  }
0x90: {  	s2 =	sld [smem:$0x3FC9]  }
0x91: {  	s19 =	sld [smem:$0x3FC8]  }
0x92: {  	s4 =	sld [smem:$0x3FC7]  }
0x93: {  	s5 =	sld [smem:$0x3FC6]  }
0x94: {  	s6 =	sld [smem:$0x3FD0];
	(tm) =	ssettm $0x1  }
0x95: {  	s7 =	sld [smem:$0x3FFB];
	_ =	sdelay $0x3  }
0x96: {  	_ =	strace s7  }
0x97: {  	s7 =	sld [smem:$0x3FFC];
	_ =	sdelay $0x3  }
0x98: {  	_ =	strace s7  }
0x99: {  	s7 =	sld [smem:$0x3FFD];
	_ =	sdelay $0x3  }
0x9a: {  	_ =	strace s7  }
0x9b: {  	_ =	strace $0x8FFFFFFF  }
0x9c: {  	s20 =	sld [smem:$0x3FDB];
	_ =	sdelay $0x1  }
0x9d: {  	s8 =	simm.s32 $_scs_section_size  }
0x9e: {  	s9 =	simm.s32 $_size__tile_overlayer_lowered;
	s10 =	simm.s32 $_tile_overlayer_lowered  }
0x9f: {  	s23 =	simm.s32 $0x1BFF;
	s22 =	sshll.u32 s10, $0x1;
	s7 =	sadd.s32 s8, s20  }
0xa0: {  	s11 =	simm.s32 $0x0;
	s21 =	sshll.u32 s9, $0x1;
	s9 =	sadd.s32 s22, s7  }
0xa1: {  	[timem:s11], [sflag:s23] =	dma.local [hbm:s9], s21  }
0xa2: {  	_ =	swait.ge [sflag:s23], s21  }
0xa3: {  	s8 =	ssub.s32 $0x0, s21;
	[sflag:s23] =	ssyncset.done $0x0  }
0xa4: {  	[sflag:s23] =	ssyncadd.s32 s8;
	_ =	sdelay $0x1  }
0xa5: {  	s24 =	simm.s32 $0x1B8B  }
0xa6: {  	_ =	swait.ge [sflag:s24], $0x1  }
0xa7: {  	[sflag:s24] =	ssyncset.done $0x0  }
0xa8: {  	s25 =	simm.s32 $0x1B8E;
	[sflag:s24] =	ssyncadd.s32 $0xFFFFFFFF  }
0xa9: {  	s26 =	simm.s32 $execute0_lowered;
	[smem:$0x3FD2] =	sst s25  }
0xaa: {  	s8 =	sshll.u32 s26, $0x1;
	_ =	strace $0x80000046;
	[dreg:$0x1] =	wrdreg $0xFFFFFFFF  }
0xab: {  	s28 =	simm.s32 $_size_execute0_lowered;
	s7 =	sadd.s32 s7, s8;
	[dreg:$0x0] =	wrdreg $0x0  }
0xac: {  	s8 =	sshll.u32 s28, $0x1;
	[dreg:$0x2] =	wrdreg s7  }
0xad: {  	[dreg:$0x3] =	wrdreg s8  }
0xae: {  	[dreg:$0x4] =	wrdreg $0xC0  }
0xaf: {  	_ =	task [dreg:s11], $0x5FFFF  }
0xb0: {  	[dreg:$0x1] =	wrdreg $0xFFFFFFFF  }
0xb1: {  	[dreg:$0x0] =	wrdreg $0x60  }
0xb2: {  	[dreg:$0x2] =	wrdreg s2  }
0xb3: {  	[dreg:$0x3] =	wrdreg s19  }
0xb4: {  	[dreg:$0x4] =	wrdreg s4  }
0xb5: {  	[dreg:$0x5] =	wrdreg s5  }
0xb6: {  	[dreg:$0x6] =	wrdreg s6  }
0xb7: {  	[dreg:$0x7] =	wrdreg $0x9  }
0xb8: {  	_ =	task.clear_ibuf [dreg:s11], $0x8FFFF;
	_ =	strace $0x90000046  }
0xb9: {  	s29 =	simm.s32 $0x9;
	_ =	strace $0x80000048  }
0xba: {  	_ =	swait.ge [sflag:s29], $0x1  }
0xbb: {  	[sflag:s29] =	ssyncadd.s32 $0xFFFFFFFF  }
0xbc: {  	_ =	strace $0x90000048  }
0xbd: {  	_ =	sfence  }
0xbe: {  	s30 =	sld [smem:$0x0];
	_ =	sdelay $0x2  }
0xbf: {  	s31 =	sshll.u32 s1, $0xD;
	s1 =	sshrl.u32 s1, $0x2  }
0xc0: {  	s3 =	sand.u32 $0x4000, s31;
	s1 =	sadd.s32 s1, s30  }
0xc1: {  	s0 =	sor.u32 s3, s0;
	s1 =	sshll.u32 s1, $0x11  }
0xc2: {  	s0 =	sor.u32 s1, s0  }
0xc3: {  	s0 =	sadd.s32 $0x8F2B, s0  }
0xc4: {  	[sflag:s0] =	ssyncadd.remote.s32 $0x1  }
0xc5: {  	_ =	sfence.sel $0xFFFF  }
0xc6: {  	[dreg:$0x0] =	wrdreg $0xFFFFFFFF;
	(pc) =	sbr.abs _section_cstart, $3  }
0xc7: {  	[dreg:$0x1] =	wrdreg $0xFFFFFFFF  }
0xc8: {  	_ =	task.clear_ibuf [dreg:s11], $0x2FFFF;
	_ =	strace $0x9FFFFFFF  }
0xc9: {  	(tm) =	ssettm $0x7FFFFFFF  }
tec
execute0_lowered:
.L_overlay_start_1:
0x0: {  	(tag) =	ssettag $0x1  }
0x1: {  	s1 =	rddreg [dreg:$0x0]  }
0x2: {  	s2 =	rddreg [dreg:$0x1]  }
0x3: {  	s0 =	srdreg.scid;
	s5 =	rddreg [dreg:$0x3]  }
0x4: {  	s3 =	stileid.u32;
	s7 =	rddreg [dreg:$0x4];
	s8 =	simm.s32 $0x0  }
0x5: {  	s16 =	simm.s32 $0x14200;
	s17 =	simm.s32 $0x5;
	s18 =	simm.s32 $0x14280  }
0x6: {  	s19 =	simm.s32 $0x14000;
	s20 =	simm.s32 $0x5000;
	s21 =	simm.s32 $0x14100  }
0x7: {  	s22 =	simm.s32 $0x1;
	s0 =	sand.u32 $0x1, s0;
	s3 =	sshll.u32 s3, $0x1  }
0x8: {  	s23 =	simm.s32 $0xA000;
	s24 =	simm.s32 $0xF000;
	s6 =	sor.u32 s0, s3  }
0x9: {  	s25 =	simm.s32 $0x3;
	s26 =	simm.s32 $0x0;
	s3 =	smul.u32 $0xA00, s6  }
0xa: {  	[smem:$0x7FF] =	sst s8;
	s0 =	ssub.s32 $0x2, s0;
	s4 =	smul.u32 $0x14, s6  }
.Ltmp0:
0xb: {  	_ =	strace $0x80000047;
	s9 =	sor.u32 $0x20, s6;
	(pc) =	sbr.rel .LBB2_1-.Ltmp0, $4  }
0xc: {  	s10 =	sshrl.u32 s0, $0x1;
	s13 =	sor.u32 $0x40, s6;
	s11 =	smul.u32 $0xA00, s9  }
0xd: {  	s14 =	sor.u32 $0x60, s6;
	p0 =	sgt.u32 s6, $0x10;
	s12 =	smul.u32 $0x14, s9  }
0xe: {  	s0 =	ssub.s32 s0, s10;
	s9 =	sadd.s32 s1, s3;
	s10 =	sadd.s32 s2, s4  }
0xf: {  	s15 =	smax.u32 s0, $0x1;
	s11 =	sadd.s32 s1, s11;
	s12 =	sadd.s32 s2, s12  }
.LBB2_9:
0x10: {  	s26 =	sadd.s32 $0x1, s26  }
0x11: {  	_ =	swait.ge [sflag:s25], $0x5000;
	p1 =	sne.s32 s26, s15  }
.Ltmp1:
0x12: {  	[sflag:s25] =	ssyncset.done $0x0;
	(pc) =	sbr.rel @!p1 .LBB2_10-.Ltmp1, $4  }
0x13: {  	s0 =	simm.s32 @!p0 $0x4;
	[sflag:s25] =	ssyncadd.s32 $0xFFFFB000  }
0x14: {  	_ =	swait.ge @!p0 [sflag:s0], $0x5000  }
0x15: {  	[sflag:s0] =	ssyncset.done @!p0 $0x0  }
0x16: {  	[sflag:s0] =	ssyncadd.s32 @!p0 $0xFFFFB000  }
.LBB2_1:
0x17: {  	s0 =	rddreg [dreg:$0x2]  }
0x18: {  	[tilespmem:s16], [sflag:$0x5] =	stream.linear.gather [hbm4b:s0+s8], $0x80, $0x38;
	[tilespmem:$0x14300] =	vst v63  }
0x19: {  	_ =	swait.ge [sflag:s17], $0x80  }
0x1a: {  	[sflag:s17] =	ssyncset.done $0x0  }
0x1b: {  	[sflag:s17] =	ssyncadd.s32 $0xFFFFFF80  }
0x1c: {  	[tilespmem:s18], [sflag:$0x5] =	stream.linear.gather [hbm4b:s5+s8], $0x80, $0x38;
	[tilespmem:$0x14300] =	vst v63  }
0x1d: {  	_ =	swait.ge [sflag:s17], $0x80  }
0x1e: {  	[sflag:s17] =	ssyncset.done $0x0  }
0x1f: {  	[sflag:s17] =	ssyncadd.s32 $0xFFFFFF80  }
0x20: {  	[tilespmem:s8], [sflag:$0x1] =	stream.linear.gather [hbm4b:s9+s8], $0x5000, $0x38;
	[tilespmem:$0x14300] =	vst v63  }
0x21: {  	_ = 	snop  }
0x22: {  	[tilespmem:s19], [sflag:$0x1] =	stream.linear.gather [hbm4b:s10+s8], $0xA0, $0x38;
	[tilespmem:$0x14300] =	vst v63  }
.Ltmp2:
0x23: {  	_ = 	snop;
	(pc) =	sbr.rel .LBB2_2-.Ltmp2, $4  }
0x24: {  	_ = 	snop  }
0x25: {  	[tilespmem:s20], [sflag:$0x2] =	stream.linear.gather [hbm4b:s11+s8], $0x5000, $0x38;
	[tilespmem:$0x14300] =	vst v63  }
0x26: {  	s28 =	simm.s32 $0x0  }
0x27: {  	[tilespmem:s21], [sflag:$0x2] =	stream.linear.gather [hbm4b:s12+s8], $0xA0, $0x38;
	[tilespmem:$0x14300] =	vst v63  }
.LBB2_8:
0x28: {  	s0 =	sadd.s32 s14, s29  }
0x29: {  	p1 =	sgt.u32 s0, $0x270  }
0x2a: {  	s3 =	smul.u32 @!p1 $0xA00, s0  }
0x2b: {  	s4 =	simm.s32 @!p1 $0x0  }
0x2c: {  	s29 =	simm.s32 @!p1 $0x5000;
	s0 =	smul.u32 @!p1 $0x14, s0;
	s3 =	sadd.s32 @!p1 s1, s3  }
0x2d: {  	[tilespmem:s29], [sflag:$0x2] =	stream.linear.gather @!p1 [hbm4b:s3+s4], $0x5000, $0x38;
	[tilespmem:$0x14300] =	vst v63  }
0x2e: {  	s28 =	sadd.s32 $0x1, s28;
	s0 =	sadd.s32 @!p1 s2, s0;
	s3 =	simm.s32 @!p1 $0x14100  }
0x2f: {  	[tilespmem:s3], [sflag:$0x2] =	stream.linear.gather @!p1 [hbm4b:s0+s4], $0xA0, $0x38;
	[tilespmem:$0x14300] =	vst v63  }
0x30: {  	p1 =	sne.s32 s28, $0xA  }
.Ltmp3:
0x31: {  	_ = 	snop;
	(pc) =	sbr.rel @!p1 .LBB2_9-.Ltmp3, $1  }
0x32: {  	_ =	sdelay $0x3  }
.LBB2_2:
0x33: {  	_ =	swait.ge [sflag:s22], $0x5000  }
0x34: {  	[sflag:s22] =	ssyncset.done $0x0  }
0x35: {  	[sflag:s22] =	ssyncadd.s32 $0xFFFFB000  }
0x36: {  	_ =	swait.ge [sflag:s22], $0xA0  }
0x37: {  	p1 =	seq.s32 s28, $0x0;
	[sflag:s22] =	ssyncset.done $0x0  }
0x38: {  	s0 =	simm.s32 @!p1 $0x3;
	[sflag:s22] =	ssyncadd.s32 $0xFFFFFF60  }
0x39: {  	_ =	swait.ge @!p1 [sflag:s0], $0x5000  }
0x3a: {  	s4 =	simm.s32 $0x0;
	[sflag:s0] =	ssyncset.done @!p1 $0x0  }
0x3b: {  	[sflag:s0] =	ssyncadd.s32 @!p1 $0xFFFFB000;
	s0 =	sand.u32 $0x3FFFFFF0, s4  }
0x3c: {  	s30 =	simm.s32 $0x0;
	v0 =	vld [tilespmem:s0+$0x14000]  }
0x3d: {  	v2 =	vld [tilespmem:s30+$0x0]  }
0x3e: {  	v3 =	vld [tilespmem:s30+$0x10]  }
0x3f: {  	v5 =	vld [tilespmem:s30+$0x20]  }
0x40: {  	v6 =	vld [tilespmem:s30+$0x30]  }
0x41: {  	v7 =	vld [tilespmem:s30+$0x40]  }
0x42: {  	v8 =	vld [tilespmem:s30+$0x50]  }
0x43: {  	v9 =	vld [tilespmem:s30+$0x60]  }
0x44: {  	v1 =	vld.idx.msk [tilespmem:v0+s16+$0x0], $0xffff  }
0x45: {  	v10 =	vld [tilespmem:s30+$0x70]  }
0x46: {  	v0 =	vld.idx.msk [tilespmem:v0+s18+$0x0], $0xffff  }
0x47: {  	v11 =	vld [tilespmem:s30+$0x80]  }
0x48: {  	v12 =	vld [tilespmem:s30+$0x90]  }
0x49: {  	v19 =	vld [tilespmem:s30+$0xA0];
	v18 =	vbroadcast v1, $0x0  }
0x4a: {  	v20 =	vld [tilespmem:s30+$0xB0]  }
0x4b: {  	v21 =	vld [tilespmem:s30+$0xC0];
	v23 =	vbroadcast v0, $0x0;
	v3 =	vmul.f32 v3, v18  }
0x4c: {  	v27 =	vld [tilespmem:s30+$0xD0];
	v2 =	vmul.f32 v2, v18  }
0x4d: {  	v28 =	vld [tilespmem:s30+$0xE0];
	v3 =	vadd.f32 v3, v23  }
0x4e: {  	v43 =	vld [tilespmem:s30+$0x190];
	v5 =	vmul.f32 v5, v18;
	v2 =	vadd.f32 v2, v23  }
0x4f: {  	v29 =	vld [tilespmem:s30+$0xF0];
	[tilespmem:s30+$0xA010] =	vst v3;
	v3 =	vmul.f32 v7, v18  }
0x50: {  	v30 =	vld [tilespmem:s30+$0x100];
	v5 =	vadd.f32 v5, v23;
	[tilespmem:s30+$0xA000] =	vst v2;
	v2 =	vmul.f32 v6, v18  }
0x51: {  	v31 =	vld [tilespmem:s30+$0x110];
	v53 =	vbroadcast v1, $0x3;
	v6 =	vmul.f32 v8, v18;
	v3 =	vadd.f32 v3, v23  }
0x52: {  	v32 =	vld [tilespmem:s30+$0x120];
	v55 =	vbroadcast v0, $0x3;
	[tilespmem:s30+$0xA020] =	vst v5;
	v8 =	vmul.f32 v10, v18;
	v2 =	vadd.f32 v2, v23  }
0x53: {  	v46 =	vld [tilespmem:s30+$0x1C0];
	v56 =	vmul.f32 v43, v53;
	v7 =	vadd.f32 v6, v23;
	[tilespmem:s30+$0xA040] =	vst v3;
	v3 =	vbroadcast v1, $0x1  }
0x54: {  	v13 =	vld [tilespmem:s30+$0x1E0];
	v8 =	vadd.f32 v8, v23;
	[tilespmem:s30+$0xA030] =	vst v2;
	v2 =	vmul.f32 v9, v18  }
0x55: {  	v40 =	vld [tilespmem:s30+$0x160];
	v57 =	vadd.f32 v56, v55;
	[tilespmem:s30+$0xA050] =	vst v7;
	v9 =	vbroadcast v0, $0x1;
	v7 =	vmul.f32 v11, v3  }
0x56: {  	v41 =	vld [tilespmem:s30+$0x170];
	[tilespmem:s30+$0xA070] =	vst v8;
	v2 =	vadd.f32 v2, v23;
	v8 =	vmul.f32 v19, v3  }
0x57: {  	v35 =	vld [tilespmem:s30+$0x210];
	[tilespmem:s30+$0xA190] =	vst v57;
	v10 =	vmul.f32 v21, v3;
	v7 =	vadd.f32 v7, v9  }
0x58: {  	v33 =	vld [tilespmem:s30+$0x130];
	v58 =	vmul.f32 v46, v53;
	v21 =	vbroadcast v1, $0x2;
	[tilespmem:s30+$0xA060] =	vst v2;
	v8 =	vadd.f32 v8, v9  }
0x59: {  	v38 =	vld [tilespmem:s30+$0x140];
	v62 =	vbroadcast v1, $0x4;
	v61 =	vmul.f32 v13, v53;
	v10 =	vadd.f32 v10, v9;
	[tilespmem:s30+$0xA080] =	vst v7  }
0x5a: {  	v39 =	vld [tilespmem:s30+$0x150];
	v2 =	vmul.f32 v12, v3;
	v52 =	vmul.f32 v40, v21;
	v40 =	vadd.f32 v58, v55;
	[tilespmem:s30+$0xA0A0] =	vst v8  }
0x5b: {  	v4 =	vld [tilespmem:s30+$0x240];
	v11 =	vmul.f32 v28, v3;
	v54 =	vmul.f32 v41, v21;
	v41 =	vadd.f32 v61, v55;
	[tilespmem:s30+$0xA0C0] =	vst v10  }
0x5c: {  	v16 =	vld [tilespmem:s30+$0x270];
	v63 =	vbroadcast v0, $0x4;
	v46 =	vmul.f32 v35, v62;
	v2 =	vadd.f32 v2, v9;
	[tilespmem:s30+$0xA1C0] =	vst v40  }
0x5d: {  	v42 =	vld [tilespmem:s30+$0x180];
	v7 =	vmul.f32 v20, v3;
	v10 =	vadd.f32 v11, v9;
	[tilespmem:s30+$0xA1E0] =	vst v41  }
0x5e: {  	v44 =	vld [tilespmem:s30+$0x1A0];
	v8 =	vmul.f32 v27, v3;
	v41 =	vadd.f32 v46, v63;
	[tilespmem:s30+$0xA090] =	vst v2  }
0x5f: {  	v45 =	vld [tilespmem:s30+$0x1B0];
	v3 =	vmul.f32 v29, v3;
	v7 =	vadd.f32 v7, v9;
	[tilespmem:s30+$0xA0E0] =	vst v10  }
0x60: {  	v47 =	vld [tilespmem:s30+$0x1D0];
	v49 =	vmul.f32 v4, v62;
	v12 =	vadd.f32 v8, v9;
	[tilespmem:s30+$0xA210] =	vst v41  }
0x61: {  	v22 =	vld [tilespmem:s30+$0x1F0];
	v40 =	vmul.f32 v16, v62;
	v3 =	vadd.f32 v3, v9;
	[tilespmem:s30+$0xA0B0] =	vst v7  }
0x62: {  	v34 =	vld [tilespmem:s30+$0x200];
	v11 =	vmul.f32 v30, v21;
	v41 =	vadd.f32 v49, v63;
	[tilespmem:s30+$0xA0D0] =	vst v12;
	v12 =	vbroadcast v0, $0x2  }
0x63: {  	v36 =	vld [tilespmem:s30+$0x220];
	v9 =	vmul.f32 v31, v21;
	v40 =	vadd.f32 v40, v63;
	[tilespmem:s30+$0xA0F0] =	vst v3  }
0x64: {  	v37 =	vld [tilespmem:s30+$0x230];
	v3 =	vmul.f32 v32, v21;
	[tilespmem:s30+$0xA240] =	vst v41;
	v10 =	vadd.f32 v11, v12  }
0x65: {  	v14 =	vld [tilespmem:s30+$0x250];
	[tilespmem:s30+$0xA270] =	vst v40;
	v9 =	vadd.f32 v9, v12  }
0x66: {  	v15 =	vld [tilespmem:s30+$0x260];
	v3 =	vadd.f32 v3, v12;
	v11 =	vmul.f32 v38, v21;
	[tilespmem:s30+$0xA100] =	vst v10  }
0x67: {  	v17 =	vld [tilespmem:s30+$0x280];
	v30 =	vadd.f32 v52, v12;
	v38 =	vmul.f32 v22, v53;
	[tilespmem:s30+$0xA110] =	vst v9  }
0x68: {  	v24 =	vld [tilespmem:s30+$0x2D0];
	[tilespmem:s30+$0xA120] =	vst v3;
	v3 =	vmul.f32 v39, v21;
	v11 =	vadd.f32 v11, v12  }
0x69: {  	v25 =	vld [tilespmem:s30+$0x2E0];
	v10 =	vmul.f32 v33, v21;
	[tilespmem:s30+$0xA160] =	vst v30;
	v38 =	vadd.f32 v38, v55  }
0x6a: {  	v26 =	vld [tilespmem:s30+$0x2F0];
	v3 =	vadd.f32 v3, v12;
	[tilespmem:s30+$0xA140] =	vst v11  }
0x6b: {  	v60 =	vmul.f32 v47, v53;
	v13 =	vld [tilespmem:s30+$0x420];
	v47 =	vmul.f32 v36, v62;
	v10 =	vadd.f32 v10, v12;
	[tilespmem:s30+$0xA1F0] =	vst v38  }
0x6c: {  	v35 =	vld [tilespmem:s30+$0x450];
	v12 =	vadd.f32 v54, v12;
	[tilespmem:s30+$0xA150] =	vst v3;
	v3 =	vmul.f32 v42, v53  }
0x6d: {  	v36 =	vld [tilespmem:s30+$0x460];
	v38 =	vadd.f32 v47, v63;
	[tilespmem:s30+$0xA130] =	vst v10  }
0x6e: {  	v50 =	vmul.f32 v14, v62;
	v5 =	vld [tilespmem:s30+$0x290];
	[tilespmem:s30+$0xA170] =	vst v12;
	v3 =	vadd.f32 v3, v55  }
0x6f: {  	v48 =	vmul.f32 v37, v62;
	v6 =	vld [tilespmem:s30+$0x2A0];
	v12 =	vmul.f32 v44, v53;
	v42 =	vadd.f32 v60, v55;
	[tilespmem:s30+$0xA220] =	vst v38  }
0x70: {  	v37 =	vld [tilespmem:s30+$0x470];
	v52 =	vbroadcast v1, $0x5;
	v38 =	vadd.f32 v50, v63;
	[tilespmem:s30+$0xA180] =	vst v3;
	v3 =	vmul.f32 v45, v53  }
0x71: {  	v4 =	vld [tilespmem:s30+$0x480];
	v12 =	vadd.f32 v12, v55;
	[tilespmem:s30+$0xA1D0] =	vst v42;
	v45 =	vmul.f32 v34, v62  }
0x72: {  	v18 =	vld [tilespmem:s30+$0x2B0];
	v17 =	vmul.f32 v17, v52;
	[tilespmem:s30+$0xA250] =	vst v38;
	v53 =	vbroadcast v0, $0x5;
	v59 =	vadd.f32 v3, v55  }
0x73: {  	v14 =	vld [tilespmem:s30+$0x490];
	v5 =	vmul.f32 v5, v52;
	[tilespmem:s30+$0xA1A0] =	vst v12;
	v39 =	vadd.f32 v45, v63  }
0x74: {  	v23 =	vld [tilespmem:s30+$0x2C0];
	v6 =	vmul.f32 v6, v52;
	v17 =	vadd.f32 v17, v53;
	[tilespmem:s30+$0xA1B0] =	vst v59  }
0x75: {  	v29 =	vld [tilespmem:s30+$0x360];
	v56 =	vmul.f32 v26, v52;
	v5 =	vadd.f32 v5, v53;
	[tilespmem:s30+$0xA200] =	vst v39  }
0x76: {  	v2 =	vld [tilespmem:s30+$0x300];
	v6 =	vadd.f32 v6, v53;
	[tilespmem:s30+$0xA280] =	vst v17  }
0x77: {  	v7 =	vld [tilespmem:s30+$0x310];
	v18 =	vmul.f32 v18, v52;
	v60 =	vadd.f32 v56, v53;
	[tilespmem:s30+$0xA290] =	vst v5  }
0x78: {  	v51 =	vmul.f32 v15, v62;
	v8 =	vld [tilespmem:s30+$0x320];
	v39 =	vadd.f32 v48, v63;
	[tilespmem:s30+$0xA2A0] =	vst v6  }
0x79: {  	v58 =	vbroadcast v1, $0x6;
	v9 =	vld [tilespmem:s30+$0x380];
	v5 =	vmul.f32 v23, v52;
	v23 =	vadd.f32 v18, v53;
	[tilespmem:s30+$0xA2F0] =	vst v60  }
0x7a: {  	v30 =	vld [tilespmem:s30+$0x3C0];
	v6 =	vmul.f32 v24, v52;
	[tilespmem:s30+$0xA230] =	vst v39;
	v39 =	vadd.f32 v51, v63  }
0x7b: {  	v31 =	vld [tilespmem:s30+$0x3D0];
	v2 =	vmul.f32 v2, v58;
	v59 =	vbroadcast v0, $0x6;
	v54 =	vadd.f32 v5, v53;
	[tilespmem:s30+$0xA2B0] =	vst v23  }
0x7c: {  	v46 =	vbroadcast v1, $0x7;
	v32 =	vld [tilespmem:s30+$0x3E0];
	v7 =	vmul.f32 v7, v58;
	v55 =	vadd.f32 v6, v53;
	[tilespmem:s30+$0xA260] =	vst v39  }
0x7d: {  	v28 =	vld [tilespmem:s30+$0x350];
	v8 =	vmul.f32 v8, v58;
	v2 =	vadd.f32 v2, v59;
	[tilespmem:s30+$0xA2C0] =	vst v54  }
0x7e: {  	v27 =	vld [tilespmem:s30+$0x340];
	v49 =	vmul.f32 v9, v46;
	v48 =	vbroadcast v0, $0x7;
	v7 =	vadd.f32 v7, v59;
	[tilespmem:s30+$0xA2D0] =	vst v55  }
0x7f: {  	v20 =	vld [tilespmem:s30+$0x370];
	v30 =	vmul.f32 v30, v46;
	v8 =	vadd.f32 v8, v59;
	[tilespmem:s30+$0xA300] =	vst v2  }
0x80: {  	v31 =	vmul.f32 v31, v46;
	v21 =	vld [tilespmem:s30+$0x3B0];
	v63 =	vmul.f32 v29, v58;
	v29 =	vadd.f32 v49, v48;
	[tilespmem:s30+$0xA310] =	vst v7  }
0x81: {  	v33 =	vld [tilespmem:s30+$0x3F0];
	v32 =	vmul.f32 v32, v46;
	v30 =	vadd.f32 v30, v48;
	[tilespmem:s30+$0xA320] =	vst v8  }
0x82: {  	v19 =	vld [tilespmem:s30+$0x330];
	v23 =	vmul.f32 v25, v52;
	v31 =	vadd.f32 v31, v48;
	[tilespmem:s30+$0xA380] =	vst v29  }
0x83: {  	v15 =	vld [tilespmem:s30+$0x4A0];
	v32 =	vadd.f32 v32, v48;
	[tilespmem:s30+$0xA3C0] =	vst v30  }
0x84: {  	v16 =	vld [tilespmem:s30+$0x4B0];
	v47 =	vmul.f32 v20, v58;
	v57 =	vadd.f32 v23, v53;
	[tilespmem:s30+$0xA3D0] =	vst v31  }
0x85: {  	v10 =	vld [tilespmem:s30+$0x390];
	v52 =	vmul.f32 v21, v46;
	v7 =	vmul.f32 v27, v58;
	v27 =	vadd.f32 v63, v59;
	[tilespmem:s30+$0xA3E0] =	vst v32  }
0x86: {  	v11 =	vld [tilespmem:s30+$0x3A0];
	v33 =	vmul.f32 v33, v46;
	v8 =	vmul.f32 v28, v58;
	v28 =	vadd.f32 v47, v59;
	[tilespmem:s30+$0xA2E0] =	vst v57  }
0x87: {  	v3 =	vld [tilespmem:s30+$0x400];
	v2 =	vmul.f32 v19, v58;
	v29 =	vadd.f32 v52, v48;
	[tilespmem:s30+$0xA360] =	vst v27  }
0x88: {  	v12 =	vld [tilespmem:s30+$0x410];
	v54 =	vadd.f32 v33, v48;
	[tilespmem:s30+$0xA370] =	vst v28  }
0x89: {  	v40 =	vld [tilespmem:s30+$0x4E0];
	v61 =	vadd.f32 v2, v59;
	[tilespmem:s30+$0xA3B0] =	vst v29  }
0x8a: {  	v22 =	vld [tilespmem:s30+$0x430];
	v50 =	vmul.f32 v10, v46;
	v53 =	vbroadcast v1, $0x8;
	v62 =	vadd.f32 v7, v59;
	[tilespmem:s30+$0xA3F0] =	vst v54  }
0x8b: {  	v34 =	vld [tilespmem:s30+$0x440];
	v51 =	vmul.f32 v11, v46;
	v45 =	vadd.f32 v8, v59;
	[tilespmem:s30+$0xA330] =	vst v61  }
0x8c: {  	v26 =	vld [tilespmem:s30+$0x560];
	v55 =	vbroadcast v0, $0x8;
	v27 =	vadd.f32 v50, v48;
	v56 =	vmul.f32 v3, v53;
	[tilespmem:s30+$0xA340] =	vst v62  }
0x8d: {  	v20 =	vld [tilespmem:s30+$0x5B0];
	v28 =	vadd.f32 v51, v48;
	v57 =	vmul.f32 v12, v53;
	[tilespmem:s30+$0xA350] =	vst v45  }
0x8e: {  	v9 =	vld [tilespmem:s30+$0x5C0];
	v13 =	vmul.f32 v13, v53;
	[tilespmem:s30+$0xA390] =	vst v27;
	v41 =	vadd.f32 v56, v55  }
0x8f: {  	v38 =	vld [tilespmem:s30+$0x4C0];
	v58 =	vmul.f32 v22, v53;
	[tilespmem:s30+$0xA3A0] =	vst v28;
	v32 =	vadd.f32 v57, v55;
	v62 =	vbroadcast v1, $0x9  }
0x90: {  	v39 =	vld [tilespmem:s30+$0x4D0];
	v59 =	vmul.f32 v34, v53;
	v13 =	vadd.f32 v13, v55;
	[tilespmem:s30+$0xA400] =	vst v41  }
0x91: {  	v42 =	vld [tilespmem:s30+$0x6C0];
	v63 =	vbroadcast v0, $0x9;
	v60 =	vadd.f32 v58, v55;
	[tilespmem:s30+$0xA410] =	vst v32;
	v15 =	vmul.f32 v15, v62  }
0x92: {  	v10 =	vld [tilespmem:s30+$0x5D0];
	v35 =	vmul.f32 v35, v53;
	v61 =	vadd.f32 v59, v55;
	[tilespmem:s30+$0xA420] =	vst v13  }
0x93: {  	v17 =	vld [tilespmem:s30+$0x4F0];
	v36 =	vmul.f32 v36, v53;
	[tilespmem:s30+$0xA430] =	vst v60;
	v15 =	vadd.f32 v15, v63  }
0x94: {  	v18 =	vld [tilespmem:s30+$0x500];
	v37 =	vmul.f32 v37, v53;
	v35 =	vadd.f32 v35, v55;
	[tilespmem:s30+$0xA440] =	vst v61  }
0x95: {  	v5 =	vld [tilespmem:s30+$0x510];
	v36 =	vadd.f32 v36, v55;
	[tilespmem:s30+$0xA4A0] =	vst v15;
	v15 =	vmul.f32 v39, v62  }
0x96: {  	v24 =	vld [tilespmem:s30+$0x540];
	v33 =	vadd.f32 v37, v55;
	[tilespmem:s30+$0xA450] =	vst v35;
	v4 =	vmul.f32 v4, v62  }
0x97: {  	v6 =	vld [tilespmem:s30+$0x520];
	v53 =	vbroadcast v1, $0xA;
	[tilespmem:s30+$0xA460] =	vst v36;
	v14 =	vmul.f32 v14, v62;
	v15 =	vadd.f32 v15, v63  }
0x98: {  	v23 =	vld [tilespmem:s30+$0x530];
	[tilespmem:s30+$0xA470] =	vst v33;
	v17 =	vmul.f32 v17, v62;
	v4 =	vadd.f32 v4, v63  }
0x99: {  	v25 =	vld [tilespmem:s30+$0x550];
	v14 =	vadd.f32 v14, v63;
	[tilespmem:s30+$0xA4D0] =	vst v15;
	v15 =	vmul.f32 v18, v53;
	v18 =	vbroadcast v0, $0xA  }
0x9a: {  	v11 =	vld [tilespmem:s30+$0x5E0];
	v5 =	vmul.f32 v5, v53;
	v17 =	vadd.f32 v17, v63;
	[tilespmem:s30+$0xA480] =	vst v4  }
0x9b: {  	v21 =	vld [tilespmem:s30+$0x5F0];
	v52 =	vmul.f32 v40, v62;
	[tilespmem:s30+$0xA490] =	vst v14;
	v15 =	vadd.f32 v15, v18  }
0x9c: {  	v49 =	vld [tilespmem:s30+$0x6E0];
	v6 =	vmul.f32 v6, v53;
	[tilespmem:s30+$0xA4F0] =	vst v17;
	v5 =	vadd.f32 v5, v18  }
0x9d: {  	v19 =	vld [tilespmem:s30+$0x570];
	v14 =	vmul.f32 v38, v62;
	v38 =	vadd.f32 v52, v63;
	[tilespmem:s30+$0xA500] =	vst v15;
	v15 =	vmul.f32 v23, v53  }
0x9e: {  	v30 =	vld [tilespmem:s30+$0x630];
	v6 =	vadd.f32 v6, v18;
	[tilespmem:s30+$0xA510] =	vst v5;
	v5 =	vmul.f32 v24, v53  }
0x9f: {  	v2 =	vld [tilespmem:s30+$0x580];
	v4 =	vmul.f32 v16, v62;
	[tilespmem:s30+$0xA4E0] =	vst v38;
	v15 =	vadd.f32 v15, v18  }
0xa0: {  	v7 =	vld [tilespmem:s30+$0x590];
	[tilespmem:s30+$0xA520] =	vst v6;
	v17 =	vadd.f32 v5, v18  }
0xa1: {  	v8 =	vld [tilespmem:s30+$0x5A0];
	v16 =	vadd.f32 v4, v63;
	v6 =	vmul.f32 v25, v53;
	[tilespmem:s30+$0xA530] =	vst v15;
	v15 =	vmul.f32 v26, v53  }
0xa2: {  	v31 =	vld [tilespmem:s30+$0x660];
	v51 =	vadd.f32 v14, v63;
	[tilespmem:s30+$0xA540] =	vst v17;
	v17 =	vmul.f32 v19, v53;
	v19 =	vbroadcast v1, $0xB  }
0xa3: {  	v29 =	vld [tilespmem:s30+$0x620];
	v60 =	vbroadcast v0, $0xB;
	[tilespmem:s30+$0xA4B0] =	vst v16;
	v25 =	vadd.f32 v6, v18  }
0xa4: {  	v3 =	vld [tilespmem:s30+$0x640];
	[tilespmem:s30+$0xA4C0] =	vst v51;
	v15 =	vadd.f32 v15, v18;
	v17 =	vadd.f32 v17, v18;
	v18 =	vmul.f32 v2, v19  }
0xa5: {  	v12 =	vld [tilespmem:s30+$0x650];
	[tilespmem:s30+$0xA550] =	vst v25;
	v7 =	vmul.f32 v7, v19  }
0xa6: {  	v22 =	vld [tilespmem:s30+$0x670];
	v8 =	vmul.f32 v8, v19;
	[tilespmem:s30+$0xA560] =	vst v15;
	v15 =	vadd.f32 v18, v60  }
0xa7: {  	v27 =	vld [tilespmem:s30+$0x600];
	v9 =	vmul.f32 v9, v19;
	[tilespmem:s30+$0xA570] =	vst v17;
	v7 =	vadd.f32 v7, v60  }
0xa8: {  	v28 =	vld [tilespmem:s30+$0x610];
	v8 =	vadd.f32 v8, v60;
	[tilespmem:s30+$0xA580] =	vst v15;
	v15 =	vmul.f32 v20, v19  }
0xa9: {  	v34 =	vld [tilespmem:s30+$0x6A0];
	v10 =	vmul.f32 v10, v19;
	v9 =	vadd.f32 v9, v60;
	[tilespmem:s30+$0xA590] =	vst v7  }
0xaa: {  	v48 =	vld [tilespmem:s30+$0x6D0];
	v11 =	vmul.f32 v11, v19;
	[tilespmem:s30+$0xA5A0] =	vst v8;
	v7 =	vadd.f32 v15, v60;
	v15 =	vbroadcast v1, $0xC  }
0xab: {  	v50 =	vld [tilespmem:s30+$0x6F0];
	v10 =	vadd.f32 v10, v60;
	v8 =	vmul.f32 v21, v19;
	[tilespmem:s30+$0xA5C0] =	vst v9  }
0xac: {  	v54 =	vld [tilespmem:s30+$0x730];
	v11 =	vadd.f32 v11, v60;
	[tilespmem:s30+$0xA5B0] =	vst v7;
	v7 =	vbroadcast v0, $0xC;
	v17 =	vmul.f32 v27, v15  }
0xad: {  	v55 =	vld [tilespmem:s30+$0x740];
	[tilespmem:s30+$0xA5D0] =	vst v10;
	v8 =	vadd.f32 v8, v60;
	v9 =	vmul.f32 v28, v15  }
0xae: {  	v56 =	vld [tilespmem:s30+$0x750];
	[tilespmem:s30+$0xA5E0] =	vst v11;
	v10 =	vmul.f32 v29, v15;
	v17 =	vadd.f32 v17, v7  }
0xaf: {  	v32 =	vld [tilespmem:s30+$0x690];
	v11 =	vmul.f32 v30, v15;
	[tilespmem:s30+$0xA5F0] =	vst v8;
	v9 =	vadd.f32 v9, v7  }
0xb0: {  	v13 =	vld [tilespmem:s30+$0x680];
	v3 =	vmul.f32 v3, v15;
	v8 =	vadd.f32 v10, v7;
	[tilespmem:s30+$0xA600] =	vst v17  }
0xb1: {  	v57 =	vld [tilespmem:s30+$0x760];
	v10 =	vmul.f32 v12, v15;
	v11 =	vadd.f32 v11, v7;
	v12 =	vbroadcast v1, $0xD;
	[tilespmem:s30+$0xA610] =	vst v9  }
0xb2: {  	v35 =	vld [tilespmem:s30+$0x6B0];
	v3 =	vadd.f32 v3, v7;
	v9 =	vmul.f32 v31, v15;
	[tilespmem:s30+$0xA620] =	vst v8;
	v8 =	vmul.f32 v22, v15  }
0xb3: {  	v58 =	vld [tilespmem:s30+$0x780];
	v10 =	vadd.f32 v10, v7;
	[tilespmem:s30+$0xA630] =	vst v11;
	v11 =	vbroadcast v0, $0xD  }
0xb4: {  	v59 =	vld [tilespmem:s30+$0x7B0];
	[tilespmem:s30+$0xA640] =	vst v3;
	v9 =	vadd.f32 v9, v7;
	v3 =	vadd.f32 v8, v7;
	v7 =	vmul.f32 v32, v12  }
0xb5: {  	v61 =	vld [tilespmem:s30+$0x7D0];
	v13 =	vmul.f32 v13, v12;
	[tilespmem:s30+$0xA650] =	vst v10  }
0xb6: {  	v62 =	vld [tilespmem:s30+$0x7E0];
	v8 =	vmul.f32 v34, v12;
	[tilespmem:s30+$0xA660] =	vst v9;
	v7 =	vadd.f32 v7, v11  }
0xb7: {  	v4 =	vld [tilespmem:s30+$0x700];
	v10 =	vadd.f32 v13, v11;
	[tilespmem:s30+$0xA670] =	vst v3;
	v3 =	vmul.f32 v35, v12  }
0xb8: {  	v14 =	vld [tilespmem:s30+$0x710];
	v8 =	vadd.f32 v8, v11;
	[tilespmem:s30+$0xA690] =	vst v7;
	v7 =	vmul.f32 v42, v12  }
0xb9: {  	v63 =	vld [tilespmem:s30+$0x7F0];
	[tilespmem:s30+$0xA680] =	vst v10;
	v3 =	vadd.f32 v3, v11  }
0xba: {  	s0 =	simm.s32 $0x800;
	v16 =	vld [tilespmem:s30+$0x720];
	[tilespmem:s30+$0xA6A0] =	vst v8;
	v8 =	vmul.f32 v48, v12;
	v7 =	vadd.f32 v7, v11  }
0xbb: {  	v17 =	vld [tilespmem:s0+$0x0];
	[tilespmem:s30+$0xA6B0] =	vst v3;
	v3 =	vmul.f32 v49, v12  }
0xbc: {  	v10 =	vbroadcast v1, $0xE;
	v8 =	vadd.f32 v8, v11;
	v15 =	vld [tilespmem:s0+$0x10];
	[tilespmem:s30+$0xA6C0] =	vst v7;
	v7 =	vmul.f32 v50, v12  }
0xbd: {  	v23 =	vld [tilespmem:s30+$0x770];
	v3 =	vadd.f32 v3, v11  }
0xbe: {  	v4 =	vmul.f32 v4, v10;
	v18 =	vld [tilespmem:s0+$0x20];
	[tilespmem:s30+$0xA6D0] =	vst v8;
	v8 =	vbroadcast v0, $0xE;
	v7 =	vadd.f32 v7, v11  }
0xbf: {  	v19 =	vld [tilespmem:s0+$0x30];
	[tilespmem:s30+$0xA6E0] =	vst v3;
	v3 =	vmul.f32 v14, v10  }
0xc0: {  	v21 =	vld [tilespmem:s0+$0x40];
	v4 =	vadd.f32 v4, v8;
	[tilespmem:s30+$0xA6F0] =	vst v7;
	v7 =	vmul.f32 v16, v10  }
0xc1: {  	v5 =	vld [tilespmem:s30+$0x790];
	v3 =	vadd.f32 v3, v8  }
0xc2: {  	v20 =	vld [tilespmem:s0+$0x50];
	[tilespmem:s30+$0xA700] =	vst v4;
	v4 =	vmul.f32 v54, v10;
	v7 =	vadd.f32 v7, v8  }
0xc3: {  	v16 =	vld [tilespmem:s0+$0x60];
	[tilespmem:s30+$0xA710] =	vst v3;
	v3 =	vmul.f32 v55, v10  }
0xc4: {  	v13 =	vld [tilespmem:s0+$0x70];
	v4 =	vadd.f32 v4, v8;
	[tilespmem:s30+$0xA720] =	vst v7;
	v7 =	vmul.f32 v56, v10  }
0xc5: {  	v6 =	vld [tilespmem:s30+$0x7A0];
	v3 =	vadd.f32 v3, v8  }
0xc6: {  	v1 =	vbroadcast v1, $0xF;
	v14 =	vld [tilespmem:s0+$0x80];
	[tilespmem:s30+$0xA730] =	vst v4;
	v4 =	vmul.f32 v57, v10;
	v7 =	vadd.f32 v7, v8  }
0xc7: {  	v11 =	vld [tilespmem:s0+$0x90];
	[tilespmem:s30+$0xA740] =	vst v3;
	v3 =	vmul.f32 v23, v10  }
0xc8: {  	v0 =	vbroadcast v0, $0xF;
	v9 =	vld [tilespmem:s0+$0xA0];
	v4 =	vadd.f32 v4, v8;
	[tilespmem:s30+$0xA750] =	vst v7;
	v7 =	vmul.f32 v58, v1  }
0xc9: {  	v2 =	vld [tilespmem:s30+$0x7C0];
	v3 =	vadd.f32 v3, v8  }
0xca: {  	v12 =	vld [tilespmem:s0+$0xB0];
	[tilespmem:s30+$0xA760] =	vst v4;
	v4 =	vmul.f32 v5, v1;
	v5 =	vadd.f32 v7, v0  }
0xcb: {  	v10 =	vld [tilespmem:s0+$0xC0];
	[tilespmem:s30+$0xA770] =	vst v3;
	v3 =	vmul.f32 v6, v1  }
0xcc: {  	v8 =	vld [tilespmem:s0+$0xD0];
	v4 =	vadd.f32 v4, v0;
	[tilespmem:s30+$0xA780] =	vst v5;
	v5 =	vmul.f32 v59, v1  }
0xcd: {  	v3 =	vadd.f32 v3, v0  }
0xce: {  	v2 =	vmul.f32 v2, v1;
	v6 =	vld [tilespmem:s0+$0xE0];
	[tilespmem:s30+$0xA790] =	vst v4;
	v4 =	vadd.f32 v5, v0  }
0xcf: {  	v22 =	vmul.f32 v61, v1;
	v7 =	vld [tilespmem:s0+$0xF0];
	[tilespmem:s30+$0xA7A0] =	vst v3  }
0xd0: {  	v2 =	vadd.f32 v2, v0;
	v5 =	vld [tilespmem:s0+$0x100];
	[tilespmem:s30+$0xA7B0] =	vst v4;
	v4 =	vmul.f32 v62, v1  }
0xd1: {  	v22 =	vadd.f32 v22, v0;
	v1 =	vmul.f32 v63, v1  }
0xd2: {  	v3 =	vld [tilespmem:s0+$0x110];
	[tilespmem:s30+$0xA7C0] =	vst v2;
	v23 =	vadd.f32 v4, v0  }
0xd3: {  	s29 =	sshll.u32 s28, $0x6;
	v2 =	vld [tilespmem:s0+$0x120];
	[tilespmem:s30+$0xA7D0] =	vst v22;
	v0 =	vadd.f32 v1, v0  }
0xd4: {  	s3 =	simm.s32 $0x10;
	s31 =	sor.u32 s6, s29;
	s4 =	simm.s32 $0x2;
	v4 =	vld [tilespmem:s0+$0x130];
	[tilespmem:s30+$0xA7E0] =	vst v23  }
.LBB2_3:
0xd5: {  	p2 =	sne.s32 s4, $0x9;
	s3 =	sand.u32 $0x3FFFFFF0, s3;
	v33 =	vld [tilespmem:s0+$0x140];
	[tilespmem:s30+$0xA7F0] =	vst v0;
	s30 =	smov.u32 s0  }
0xd6: {  	v0 =	vld [tilespmem:s3+$0x14000]  }
0xd7: {  	v34 =	vld [tilespmem:s30+$0x150]  }
0xd8: {  	v35 =	vld [tilespmem:s30+$0x160]  }
0xd9: {  	v36 =	vld [tilespmem:s30+$0x170]  }
0xda: {  	v37 =	vld [tilespmem:s30+$0x180]  }
0xdb: {  	v30 =	vld [tilespmem:s30+$0x190]  }
0xdc: {  	v31 =	vld [tilespmem:s30+$0x1A0]  }
0xdd: {  	v27 =	vld [tilespmem:s30+$0x1B0]  }
0xde: {  	v1 =	vld.idx.msk [tilespmem:v0+s16+$0x0], $0xffff  }
0xdf: {  	v32 =	vld [tilespmem:s30+$0x1C0]  }
0xe0: {  	v0 =	vld.idx.msk [tilespmem:v0+s18+$0x0], $0xffff  }
0xe1: {  	v29 =	vld [tilespmem:s30+$0x1D0]  }
0xe2: {  	v26 =	vld [tilespmem:s30+$0x1E0]  }
0xe3: {  	v25 =	vld [tilespmem:s30+$0x1F0]  }
0xe4: {  	v38 =	vbroadcast v1, $0x0;
	v39 =	vbroadcast v1, $0x1;
	v22 =	vld [tilespmem:s30+$0x200]  }
0xe5: {  	v40 =	vbroadcast v1, $0x2;
	v28 =	vbroadcast v1, $0x3;
	v23 =	vld [tilespmem:s30+$0x210]  }
0xe6: {  	v41 =	vmul.f32 v17, v38;
	v42 =	vbroadcast v0, $0x0;
	v17 =	vld [tilespmem:s30+$0x220]  }
0xe7: {  	v15 =	vmul.f32 v15, v38;
	v43 =	vmul.f32 v18, v38;
	v24 =	vld [tilespmem:s30+$0x230]  }
0xe8: {  	v19 =	vmul.f32 v19, v38;
	v21 =	vmul.f32 v21, v38;
	v41 =	vadd.f32 v41, v42;
	v18 =	vld [tilespmem:s30+$0x240]  }
0xe9: {  	v20 =	vmul.f32 v20, v38;
	v44 =	vadd.f32 v15, v42;
	v43 =	vadd.f32 v43, v42;
	v15 =	vld [tilespmem:s30+$0x250]  }
0xea: {  	v19 =	vadd.f32 v19, v42;
	v21 =	vadd.f32 v21, v42;
	[tilespmem:s30+$0xA000] =	vst v41;
	v41 =	vmul.f32 v16, v38;
	v16 =	vld [tilespmem:s30+$0x260]  }
0xeb: {  	v14 =	vmul.f32 v14, v39;
	v20 =	vadd.f32 v20, v42;
	v38 =	vmul.f32 v13, v38;
	[tilespmem:s30+$0xA010] =	vst v44;
	v13 =	vld [tilespmem:s30+$0x270]  }
0xec: {  	v44 =	vmul.f32 v11, v39;
	[tilespmem:s30+$0xA020] =	vst v43;
	v41 =	vadd.f32 v41, v42;
	v43 =	vbroadcast v0, $0x1;
	v11 =	vld [tilespmem:s30+$0x280]  }
0xed: {  	v12 =	vmul.f32 v12, v39;
	[tilespmem:s30+$0xA030] =	vst v19;
	v19 =	vadd.f32 v38, v42;
	v38 =	vmul.f32 v9, v39;
	v9 =	vld [tilespmem:s30+$0x290]  }
0xee: {  	v42 =	vmul.f32 v10, v39;
	[tilespmem:s30+$0xA040] =	vst v21;
	v14 =	vadd.f32 v14, v43;
	v21 =	vadd.f32 v44, v43;
	v10 =	vld [tilespmem:s30+$0x2A0]  }
0xef: {  	v12 =	vadd.f32 v12, v43;
	[tilespmem:s30+$0xA050] =	vst v20;
	v20 =	vadd.f32 v38, v43;
	v38 =	vmul.f32 v8, v39;
	v8 =	vld [tilespmem:s30+$0x2B0]  }
0xf0: {  	v7 =	vmul.f32 v7, v39;
	[tilespmem:s30+$0xA060] =	vst v41;
	v41 =	vadd.f32 v42, v43;
	v42 =	vmul.f32 v6, v39;
	v6 =	vld [tilespmem:s30+$0x2C0]  }
0xf1: {  	v5 =	vmul.f32 v5, v40;
	[tilespmem:s30+$0xA070] =	vst v19;
	v19 =	vadd.f32 v38, v43;
	v38 =	vbroadcast v0, $0x2;
	v39 =	vld [tilespmem:s30+$0x2D0]  }
0xf2: {  	v3 =	vmul.f32 v3, v40;
	v7 =	vadd.f32 v7, v43;
	[tilespmem:s30+$0xA080] =	vst v14;
	v14 =	vadd.f32 v42, v43;
	v42 =	vld [tilespmem:s30+$0x2E0]  }
0xf3: {  	v4 =	vmul.f32 v4, v40;
	[tilespmem:s30+$0xA090] =	vst v21;
	v5 =	vadd.f32 v5, v38;
	v21 =	vmul.f32 v2, v40;
	v43 =	vld [tilespmem:s30+$0x2F0]  }
0xf4: {  	v33 =	vmul.f32 v33, v40;
	v34 =	vmul.f32 v34, v40;
	[tilespmem:s30+$0xA0A0] =	vst v20;
	v20 =	vadd.f32 v3, v38;
	v2 =	vld [tilespmem:s30+$0x300]  }
0xf5: {  	v4 =	vadd.f32 v4, v38;
	[tilespmem:s30+$0xA0B0] =	vst v12;
	v12 =	vadd.f32 v21, v38;
	v21 =	vmul.f32 v35, v40;
	v3 =	vld [tilespmem:s30+$0x310]  }
0xf6: {  	v33 =	vadd.f32 v33, v38;
	v34 =	vadd.f32 v34, v38;
	v35 =	vmul.f32 v36, v40;
	[tilespmem:s30+$0xA0C0] =	vst v41;
	v36 =	vld [tilespmem:s30+$0x320]  }
0xf7: {  	[tilespmem:s30+$0xA0D0] =	vst v19;
	v19 =	vadd.f32 v21, v38;
	v21 =	vmul.f32 v37, v28;
	v37 =	vbroadcast v0, $0x3;
	v40 =	vld [tilespmem:s30+$0x330]  }
0xf8: {  	v30 =	vmul.f32 v30, v28;
	v31 =	vmul.f32 v31, v28;
	[tilespmem:s30+$0xA0E0] =	vst v14;
	v14 =	vadd.f32 v35, v38;
	v35 =	vld [tilespmem:s30+$0x340]  }
0xf9: {  	[tilespmem:s30+$0xA0F0] =	vst v7;
	v7 =	vadd.f32 v21, v37;
	v21 =	vmul.f32 v27, v28;
	v27 =	vmul.f32 v32, v28;
	v32 =	vld [tilespmem:s30+$0x350]  }
0xfa: {  	v29 =	vmul.f32 v29, v28;
	[tilespmem:s30+$0xA100] =	vst v5;
	v5 =	vadd.f32 v30, v37;
	v30 =	vadd.f32 v31, v37;
	v31 =	vld [tilespmem:s30+$0x360]  }
0xfb: {  	v26 =	vmul.f32 v26, v28;
	[tilespmem:s30+$0xA110] =	vst v20;
	v20 =	vadd.f32 v21, v37;
	v21 =	vadd.f32 v27, v37;
	v27 =	vld [tilespmem:s30+$0x370]  }
0xfc: {  	v25 =	vmul.f32 v25, v28;
	v28 =	vbroadcast v1, $0x4;
	[tilespmem:s30+$0xA120] =	vst v12;
	v12 =	vadd.f32 v29, v37;
	v29 =	vld [tilespmem:s30+$0x380]  }
0xfd: {  	v38 =	vbroadcast v1, $0x5;
	[tilespmem:s30+$0xA130] =	vst v4;
	v4 =	vadd.f32 v26, v37;
	v26 =	vbroadcast v0, $0x4;
	v41 =	vld [tilespmem:s30+$0x390]  }
0xfe: {  	v25 =	vadd.f32 v25, v37;
	v22 =	vmul.f32 v22, v28;
	v23 =	vmul.f32 v23, v28;
	[tilespmem:s30+$0xA140] =	vst v33;
	v33 =	vld [tilespmem:s30+$0x3A0]  }
0xff: {  	v17 =	vmul.f32 v17, v28;
	v24 =	vmul.f32 v24, v28;
	[tilespmem:s30+$0xA150] =	vst v34;
	v34 =	vld [tilespmem:s30+$0x3B0]  }
0x100: {  	v18 =	vmul.f32 v18, v28;
	[tilespmem:s30+$0xA160] =	vst v19;
	v19 =	vadd.f32 v22, v26;
	v22 =	vadd.f32 v23, v26;
	v23 =	vld [tilespmem:s30+$0x3C0]  }
0x101: {  	v15 =	vmul.f32 v15, v28;
	[tilespmem:s30+$0xA170] =	vst v14;
	v14 =	vadd.f32 v17, v26;
	v17 =	vadd.f32 v24, v26;
	v24 =	vld [tilespmem:s30+$0x3D0]  }
0x102: {  	v16 =	vmul.f32 v16, v28;
	v13 =	vmul.f32 v13, v28;
	[tilespmem:s30+$0xA180] =	vst v7;
	v7 =	vadd.f32 v18, v26;
	v18 =	vld [tilespmem:s30+$0x3E0]  }
0x103: {  	v11 =	vmul.f32 v11, v38;
	[tilespmem:s30+$0xA190] =	vst v5;
	v5 =	vadd.f32 v15, v26;
	v15 =	vbroadcast v0, $0x5;
	v28 =	vld [tilespmem:s30+$0x3F0]  }
0x104: {  	v9 =	vmul.f32 v9, v38;
	v16 =	vadd.f32 v16, v26;
	v13 =	vadd.f32 v13, v26;
	[tilespmem:s30+$0xA1A0] =	vst v30;
	v26 =	vld [tilespmem:s30+$0x400]  }
0x105: {  	v10 =	vmul.f32 v10, v38;
	v8 =	vmul.f32 v8, v38;
	[tilespmem:s30+$0xA1B0] =	vst v20;
	v11 =	vadd.f32 v11, v15;
	v20 =	vld [tilespmem:s30+$0x410]  }
0x106: {  	v6 =	vmul.f32 v6, v38;
	v9 =	vadd.f32 v9, v15;
	[tilespmem:s30+$0xA1C0] =	vst v21;
	v21 =	vmul.f32 v39, v38;
	v30 =	vld [tilespmem:s30+$0x420]  }
0x107: {  	v10 =	vadd.f32 v10, v15;
	v8 =	vadd.f32 v8, v15;
	[tilespmem:s30+$0xA1D0] =	vst v12;
	v12 =	vmul.f32 v42, v38;
	v37 =	vld [tilespmem:s30+$0x430]  }
0x108: {  	[tilespmem:s30+$0xA1E0] =	vst v4;
	v4 =	vadd.f32 v6, v15;
	v6 =	vadd.f32 v21, v15;
	v21 =	vmul.f32 v43, v38;
	v38 =	vld [tilespmem:s30+$0x440]  }
0x109: {  	v39 =	vbroadcast v0, $0x6;
	[tilespmem:s30+$0xA1F0] =	vst v25;
	v12 =	vadd.f32 v12, v15;
	v25 =	vbroadcast v1, $0x6;
	v42 =	vld [tilespmem:s30+$0x450]  }
0x10a: {  	[tilespmem:s30+$0xA200] =	vst v19;
	v15 =	vadd.f32 v21, v15;
	v19 =	vbroadcast v1, $0x7;
	v21 =	vbroadcast v0, $0x7;
	v43 =	vld [tilespmem:s30+$0x460]  }
0x10b: {  	[tilespmem:s30+$0xA210] =	vst v22;
	v2 =	vmul.f32 v2, v25;
	v3 =	vmul.f32 v3, v25;
	v22 =	vld [tilespmem:s30+$0x470]  }
0x10c: {  	[tilespmem:s30+$0xA220] =	vst v14;
	v14 =	vmul.f32 v36, v25;
	v36 =	vmul.f32 v40, v25;
	v40 =	vld [tilespmem:s30+$0x480]  }
0x10d: {  	[tilespmem:s30+$0xA230] =	vst v17;
	v2 =	vadd.f32 v2, v39;
	v3 =	vadd.f32 v3, v39;
	v17 =	vmul.f32 v35, v25;
	v35 =	vld [tilespmem:s30+$0x490]  }
0x10e: {  	v32 =	vmul.f32 v32, v25;
	[tilespmem:s30+$0xA240] =	vst v7;
	v7 =	vadd.f32 v14, v39;
	v14 =	vadd.f32 v36, v39;
	v36 =	vld [tilespmem:s30+$0x4A0]  }
0x10f: {  	[tilespmem:s30+$0xA250] =	vst v5;
	v5 =	vadd.f32 v17, v39;
	v17 =	vmul.f32 v31, v25;
	v25 =	vmul.f32 v27, v25;
	v27 =	vld [tilespmem:s30+$0x4B0]  }
0x110: {  	v29 =	vmul.f32 v29, v19;
	v31 =	vmul.f32 v41, v19;
	[tilespmem:s30+$0xA260] =	vst v16;
	v16 =	vadd.f32 v32, v39;
	v32 =	vld [tilespmem:s30+$0x4C0]  }
0x111: {  	[tilespmem:s30+$0xA270] =	vst v13;
	v13 =	vadd.f32 v17, v39;
	v17 =	vadd.f32 v25, v39;
	v25 =	vmul.f32 v33, v19;
	v33 =	vld [tilespmem:s30+$0x4D0]  }
0x112: {  	[tilespmem:s30+$0xA280] =	vst v11;
	v11 =	vadd.f32 v29, v21;
	v29 =	vadd.f32 v31, v21;
	v31 =	vmul.f32 v34, v19;
	v34 =	vld [tilespmem:s30+$0x4E0]  }
0x113: {  	v23 =	vmul.f32 v23, v19;
	v24 =	vmul.f32 v24, v19;
	[tilespmem:s30+$0xA290] =	vst v9;
	v9 =	vadd.f32 v25, v21;
	v25 =	vld [tilespmem:s30+$0x4F0]  }
0x114: {  	v18 =	vmul.f32 v18, v19;
	v19 =	vmul.f32 v28, v19;
	[tilespmem:s30+$0xA2A0] =	vst v10;
	v10 =	vadd.f32 v31, v21;
	v28 =	vld [tilespmem:s30+$0x500]  }
0x115: {  	[tilespmem:s30+$0xA2B0] =	vst v8;
	v8 =	vadd.f32 v23, v21;
	v23 =	vadd.f32 v24, v21;
	v24 =	vbroadcast v1, $0x8;
	v31 =	vld [tilespmem:s30+$0x510]  }
0x116: {  	[tilespmem:s30+$0xA2C0] =	vst v4;
	v4 =	vadd.f32 v18, v21;
	v18 =	vadd.f32 v19, v21;
	v19 =	vbroadcast v0, $0x8;
	v21 =	vld [tilespmem:s30+$0x520]  }
0x117: {  	[tilespmem:s30+$0xA2D0] =	vst v6;
	v6 =	vmul.f32 v26, v24;
	v20 =	vmul.f32 v20, v24;
	v26 =	vld [tilespmem:s30+$0x530]  }
0x118: {  	[tilespmem:s30+$0xA2E0] =	vst v12;
	v12 =	vmul.f32 v30, v24;
	v30 =	vmul.f32 v37, v24;
	v37 =	vld [tilespmem:s30+$0x540]  }
0x119: {  	[tilespmem:s30+$0xA2F0] =	vst v15;
	v6 =	vadd.f32 v6, v19;
	v15 =	vadd.f32 v20, v19;
	v20 =	vmul.f32 v38, v24;
	v38 =	vld [tilespmem:s30+$0x550]  }
0x11a: {  	[tilespmem:s30+$0xA300] =	vst v2;
	v2 =	vadd.f32 v12, v19;
	v12 =	vadd.f32 v30, v19;
	v30 =	vmul.f32 v42, v24;
	v39 =	vld [tilespmem:s30+$0x560]  }
0x11b: {  	v22 =	vmul.f32 v22, v24;
	[tilespmem:s30+$0xA310] =	vst v3;
	v3 =	vadd.f32 v20, v19;
	v20 =	vmul.f32 v43, v24;
	v24 =	vld [tilespmem:s30+$0x570]  }
0x11c: {  	v41 =	vbroadcast v0, $0x9;
	[tilespmem:s30+$0xA320] =	vst v7;
	v30 =	vadd.f32 v30, v19;
	v7 =	vbroadcast v1, $0x9;
	v42 =	vld [tilespmem:s30+$0x580]  }
0x11d: {  	[tilespmem:s30+$0xA330] =	vst v14;
	v14 =	vadd.f32 v20, v19;
	v19 =	vadd.f32 v22, v19;
	v20 =	vbroadcast v1, $0xA;
	v22 =	vld [tilespmem:s30+$0x590]  }
0x11e: {  	[tilespmem:s30+$0xA340] =	vst v5;
	v5 =	vmul.f32 v40, v7;
	v35 =	vmul.f32 v35, v7;
	v40 =	vld [tilespmem:s30+$0x5A0]  }
0x11f: {  	v27 =	vmul.f32 v27, v7;
	[tilespmem:s30+$0xA350] =	vst v16;
	v16 =	vmul.f32 v36, v7;
	v36 =	vld [tilespmem:s30+$0x5B0]  }
0x120: {  	[tilespmem:s30+$0xA360] =	vst v13;
	v13 =	vadd.f32 v5, v41;
	v35 =	vadd.f32 v35, v41;
	v5 =	vmul.f32 v32, v7;
	v32 =	vld [tilespmem:s30+$0x5C0]  }
0x121: {  	[tilespmem:s30+$0xA370] =	vst v17;
	v16 =	vadd.f32 v16, v41;
	v17 =	vadd.f32 v27, v41;
	v27 =	vmul.f32 v33, v7;
	v33 =	vld [tilespmem:s30+$0x5D0]  }
0x122: {  	[tilespmem:s30+$0xA380] =	vst v11;
	v43 =	vadd.f32 v5, v41;
	v5 =	vmul.f32 v34, v7;
	v7 =	vmul.f32 v25, v7;
	v11 =	vld [tilespmem:s30+$0x5E0]  }
0x123: {  	[tilespmem:s30+$0xA390] =	vst v29;
	v25 =	vadd.f32 v27, v41;
	v27 =	vmul.f32 v28, v20;
	v28 =	vbroadcast v0, $0xA;
	v29 =	vld [tilespmem:s30+$0x5F0]  }
0x124: {  	[tilespmem:s30+$0xA3A0] =	vst v9;
	v34 =	vadd.f32 v5, v41;
	v41 =	vadd.f32 v7, v41;
	v5 =	vmul.f32 v31, v20;
	v9 =	vld [tilespmem:s30+$0x600]  }
0x125: {  	v7 =	vmul.f32 v21, v20;
	[tilespmem:s30+$0xA3B0] =	vst v10;
	v27 =	vadd.f32 v27, v28;
	v10 =	vmul.f32 v26, v20;
	v21 =	vld [tilespmem:s30+$0x610]  }
0x126: {  	[tilespmem:s30+$0xA3C0] =	vst v8;
	v26 =	vadd.f32 v5, v28;
	v5 =	vmul.f32 v37, v20;
	v8 =	vmul.f32 v38, v20;
	v31 =	vld [tilespmem:s30+$0x620]  }
0x127: {  	[tilespmem:s30+$0xA3D0] =	vst v23;
	v23 =	vadd.f32 v7, v28;
	v37 =	vadd.f32 v10, v28;
	v7 =	vmul.f32 v39, v20;
	v38 =	vld [tilespmem:s30+$0x630]  }
0x128: {  	[tilespmem:s30+$0xA3E0] =	vst v4;
	v39 =	vadd.f32 v5, v28;
	v4 =	vadd.f32 v8, v28;
	v8 =	vmul.f32 v24, v20;
	v20 =	vld [tilespmem:s30+$0x640]  }
0x129: {  	v10 =	vbroadcast v1, $0xB;
	[tilespmem:s30+$0xA3F0] =	vst v18;
	v5 =	vadd.f32 v7, v28;
	v18 =	vbroadcast v0, $0xB;
	v24 =	vld [tilespmem:s30+$0x650]  }
0x12a: {  	v44 =	vbroadcast v0, $0xC;
	[tilespmem:s30+$0xA400] =	vst v6;
	v6 =	vadd.f32 v8, v28;
	v28 =	vbroadcast v1, $0xC;
	v45 =	vld [tilespmem:s30+$0x660]  }
0x12b: {  	v7 =	vmul.f32 v42, v10;
	v8 =	vmul.f32 v22, v10;
	[tilespmem:s30+$0xA410] =	vst v15;
	v15 =	vld [tilespmem:s30+$0x670]  }
0x12c: {  	v22 =	vmul.f32 v36, v10;
	[tilespmem:s30+$0xA420] =	vst v2;
	v2 =	vmul.f32 v40, v10;
	v36 =	vld [tilespmem:s30+$0x680]  }
0x12d: {  	v40 =	vadd.f32 v7, v18;
	v42 =	vadd.f32 v8, v18;
	v8 =	vmul.f32 v32, v10;
	[tilespmem:s30+$0xA430] =	vst v12;
	v32 =	vld [tilespmem:s30+$0x690]  }
0x12e: {  	v7 =	vadd.f32 v22, v18;
	[tilespmem:s30+$0xA440] =	vst v3;
	v46 =	vadd.f32 v2, v18;
	v2 =	vmul.f32 v33, v10;
	v22 =	vld [tilespmem:s30+$0x6A0]  }
0x12f: {  	v8 =	vadd.f32 v8, v18;
	v3 =	vmul.f32 v11, v10;
	v11 =	vmul.f32 v29, v10;
	[tilespmem:s30+$0xA450] =	vst v30;
	v29 =	vld [tilespmem:s30+$0x6B0]  }
0x130: {  	v9 =	vmul.f32 v9, v28;
	[tilespmem:s30+$0xA460] =	vst v14;
	v10 =	vadd.f32 v2, v18;
	v14 =	vmul.f32 v21, v28;
	v21 =	vld [tilespmem:s30+$0x6C0]  }
0x131: {  	v12 =	vadd.f32 v3, v18;
	v2 =	vadd.f32 v11, v18;
	v11 =	vmul.f32 v31, v28;
	[tilespmem:s30+$0xA470] =	vst v19;
	v18 =	vld [tilespmem:s30+$0x6D0]  }
0x132: {  	v9 =	vadd.f32 v9, v44;
	[tilespmem:s30+$0xA480] =	vst v13;
	v3 =	vadd.f32 v14, v44;
	v13 =	vmul.f32 v38, v28;
	v14 =	vld [tilespmem:s30+$0x6E0]  }
0x133: {  	v19 =	vmul.f32 v20, v28;
	v20 =	vmul.f32 v24, v28;
	v11 =	vadd.f32 v11, v44;
	[tilespmem:s30+$0xA490] =	vst v35;
	v24 =	vld [tilespmem:s30+$0x6F0]  }
0x134: {  	v15 =	vmul.f32 v15, v28;
	[tilespmem:s30+$0xA4A0] =	vst v16;
	v13 =	vadd.f32 v13, v44;
	v16 =	vmul.f32 v45, v28;
	v28 =	vld [tilespmem:s30+$0x700]  }
0x135: {  	[tilespmem:s30+$0xA4B0] =	vst v17;
	v17 =	vadd.f32 v19, v44;
	v19 =	vadd.f32 v20, v44;
	v20 =	vbroadcast v1, $0xD;
	v30 =	vld [tilespmem:s30+$0x710]  }
0x136: {  	v31 =	vbroadcast v0, $0xD;
	v15 =	vadd.f32 v15, v44;
	[tilespmem:s30+$0xA4C0] =	vst v43;
	v16 =	vadd.f32 v16, v44;
	v33 =	vld [tilespmem:s30+$0x720]  }
0x137: {  	[tilespmem:s30+$0xA4D0] =	vst v25;
	v25 =	vmul.f32 v36, v20;
	v32 =	vmul.f32 v32, v20;
	v35 =	vld [tilespmem:s30+$0x730]  }
0x138: {  	v22 =	vmul.f32 v22, v20;
	v29 =	vmul.f32 v29, v20;
	[tilespmem:s30+$0xA4E0] =	vst v34;
	v34 =	vld [tilespmem:s30+$0x740]  }
0x139: {  	v21 =	vmul.f32 v21, v20;
	[tilespmem:s30+$0xA4F0] =	vst v41;
	v25 =	vadd.f32 v25, v31;
	v32 =	vadd.f32 v32, v31;
	v36 =	vld [tilespmem:s30+$0x750]  }
0x13a: {  	v18 =	vmul.f32 v18, v20;
	v22 =	vadd.f32 v22, v31;
	[tilespmem:s30+$0xA500] =	vst v27;
	v27 =	vadd.f32 v29, v31;
	v29 =	vld [tilespmem:s30+$0x760]  }
0x13b: {  	v14 =	vmul.f32 v14, v20;
	v20 =	vmul.f32 v24, v20;
	v21 =	vadd.f32 v21, v31;
	[tilespmem:s30+$0xA510] =	vst v26;
	v24 =	vld [tilespmem:s30+$0x770]  }
0x13c: {  	v26 =	vbroadcast v0, $0xE;
	[tilespmem:s30+$0xA520] =	vst v23;
	v23 =	vadd.f32 v18, v31;
	v18 =	vbroadcast v1, $0xE;
	v38 =	vld [tilespmem:s30+$0x780]  }
0x13d: {  	v14 =	vadd.f32 v14, v31;
	v20 =	vadd.f32 v20, v31;
	v1 =	vbroadcast v1, $0xF;
	[tilespmem:s30+$0xA530] =	vst v37;
	v31 =	vld [tilespmem:s30+$0x790]  }
0x13e: {  	[tilespmem:s30+$0xA540] =	vst v39;
	v28 =	vmul.f32 v28, v18;
	v30 =	vmul.f32 v30, v18;
	v37 =	vld [tilespmem:s30+$0x7A0]  }
0x13f: {  	[tilespmem:s30+$0xA550] =	vst v4;
	v4 =	vmul.f32 v33, v18;
	v33 =	vmul.f32 v35, v18;
	v35 =	vld [tilespmem:s30+$0x7B0]  }
0x140: {  	[tilespmem:s30+$0xA560] =	vst v5;
	v5 =	vadd.f32 v28, v26;
	v28 =	vadd.f32 v30, v26;
	v30 =	vmul.f32 v34, v18;
	v34 =	vld [tilespmem:s30+$0x7C0]  }
0x141: {  	[tilespmem:s30+$0xA570] =	vst v6;
	v4 =	vadd.f32 v4, v26;
	v6 =	vadd.f32 v33, v26;
	v33 =	vmul.f32 v36, v18;
	v36 =	vld [tilespmem:s30+$0x7D0]  }
0x142: {  	v29 =	vmul.f32 v29, v18;
	v18 =	vmul.f32 v24, v18;
	[tilespmem:s30+$0xA580] =	vst v40;
	v30 =	vadd.f32 v30, v26;
	v24 =	vld [tilespmem:s30+$0x7E0]  }
0x143: {  	v0 =	vbroadcast v0, $0xF;
	v38 =	vmul.f32 v38, v1;
	[tilespmem:s30+$0xA590] =	vst v42;
	v33 =	vadd.f32 v33, v26;
	v39 =	vld [tilespmem:s30+$0x7F0]  }
0x144: {  	v29 =	vadd.f32 v29, v26;
	v26 =	vadd.f32 v18, v26;
	v18 =	vmul.f32 v31, v1;
	[tilespmem:s30+$0xA5A0] =	vst v46  }
0x145: {  	v31 =	vmul.f32 v37, v1;
	v35 =	vmul.f32 v35, v1;
	[tilespmem:s30+$0xA5B0] =	vst v7;
	v7 =	vadd.f32 v38, v0  }
0x146: {  	v37 =	vadd.f32 v18, v0;
	[tilespmem:s30+$0xA5C0] =	vst v8;
	v8 =	vmul.f32 v34, v1;
	v18 =	vmul.f32 v36, v1  }
0x147: {  	v31 =	vadd.f32 v31, v0;
	v34 =	vadd.f32 v35, v0;
	[tilespmem:s30+$0xA5D0] =	vst v10;
	v10 =	vmul.f32 v24, v1  }
0x148: {  	[tilespmem:s30+$0xA5E0] =	vst v12;
	v24 =	vadd.f32 v8, v0;
	v35 =	vadd.f32 v18, v0;
	v1 =	vmul.f32 v39, v1  }
0x149: {  	[tilespmem:s30+$0xA5F0] =	vst v2;
	v36 =	vadd.f32 v10, v0  }
0x14a: {  	[tilespmem:s30+$0xA600] =	vst v9;
	v0 =	vadd.f32 v1, v0  }
0x14b: {  	[tilespmem:s30+$0xA610] =	vst v3  }
0x14c: {  	[tilespmem:s30+$0xA620] =	vst v11  }
0x14d: {  	[tilespmem:s30+$0xA630] =	vst v13  }
0x14e: {  	[tilespmem:s30+$0xA640] =	vst v17  }
0x14f: {  	[tilespmem:s30+$0xA650] =	vst v19  }
0x150: {  	[tilespmem:s30+$0xA660] =	vst v16  }
0x151: {  	[tilespmem:s30+$0xA670] =	vst v15  }
0x152: {  	[tilespmem:s30+$0xA680] =	vst v25  }
0x153: {  	[tilespmem:s30+$0xA690] =	vst v32  }
0x154: {  	s0 =	sshll.u32 s4, $0xB;
	[tilespmem:s30+$0xA6A0] =	vst v22  }
0x155: {  	v17 =	vld [tilespmem:s0+$0x0];
	[tilespmem:s30+$0xA6B0] =	vst v27  }
0x156: {  	v15 =	vld [tilespmem:s0+$0x10];
	[tilespmem:s30+$0xA6C0] =	vst v21  }
0x157: {  	v18 =	vld [tilespmem:s0+$0x20];
	[tilespmem:s30+$0xA6D0] =	vst v23  }
0x158: {  	v19 =	vld [tilespmem:s0+$0x30];
	[tilespmem:s30+$0xA6E0] =	vst v14  }
0x159: {  	v21 =	vld [tilespmem:s0+$0x40];
	[tilespmem:s30+$0xA6F0] =	vst v20  }
0x15a: {  	v20 =	vld [tilespmem:s0+$0x50];
	[tilespmem:s30+$0xA700] =	vst v5  }
0x15b: {  	v16 =	vld [tilespmem:s0+$0x60];
	[tilespmem:s30+$0xA710] =	vst v28  }
0x15c: {  	v13 =	vld [tilespmem:s0+$0x70];
	[tilespmem:s30+$0xA720] =	vst v4  }
0x15d: {  	v14 =	vld [tilespmem:s0+$0x80];
	[tilespmem:s30+$0xA730] =	vst v6  }
0x15e: {  	v11 =	vld [tilespmem:s0+$0x90];
	[tilespmem:s30+$0xA740] =	vst v30  }
0x15f: {  	v9 =	vld [tilespmem:s0+$0xA0];
	[tilespmem:s30+$0xA750] =	vst v33  }
0x160: {  	v12 =	vld [tilespmem:s0+$0xB0];
	[tilespmem:s30+$0xA760] =	vst v29  }
0x161: {  	v10 =	vld [tilespmem:s0+$0xC0];
	[tilespmem:s30+$0xA770] =	vst v26  }
0x162: {  	v8 =	vld [tilespmem:s0+$0xD0];
	[tilespmem:s30+$0xA780] =	vst v7  }
0x163: {  	v6 =	vld [tilespmem:s0+$0xE0];
	[tilespmem:s30+$0xA790] =	vst v37  }
.Ltmp4:
0x164: {  	v7 =	vld [tilespmem:s0+$0xF0];
	[tilespmem:s30+$0xA7A0] =	vst v31;
	(pc) =	sbr.rel @p2 .LBB2_3-.Ltmp4, $4  }
0x165: {  	v5 =	vld [tilespmem:s0+$0x100];
	[tilespmem:s30+$0xA7B0] =	vst v34  }
0x166: {  	v3 =	vld [tilespmem:s0+$0x110];
	[tilespmem:s30+$0xA7C0] =	vst v24  }
0x167: {  	v2 =	vld [tilespmem:s0+$0x120];
	[tilespmem:s30+$0xA7D0] =	vst v35  }
0x168: {  	s3 =	sshll.u32 s4, $0x4;
	s4 =	sadd.s32 $0x1, s4;
	v4 =	vld [tilespmem:s0+$0x130];
	[tilespmem:s30+$0xA7E0] =	vst v36  }
0x169: {  	v22 =	vld [tilespmem:s0+$0x140];
	s3 =	sand.u32 $0x3FFFFFF0, s3;
	[tilespmem:s30+$0xA7F0] =	vst v0  }
0x16a: {  	v0 =	vld [tilespmem:s3+$0x14000];
	_ =	sdelay $0x7  }
0x16b: {  	v1 =	vld.idx.msk [tilespmem:v0+s16+$0x0], $0xffff;
	_ =	sdelay $0x1  }
0x16c: {  	v0 =	vld.idx.msk [tilespmem:v0+s18+$0x0], $0xffff;
	_ =	sdelay $0x2  }
0x16d: {  	v26 =	vbroadcast v1, $0x0;
	_ =	sdelay $0x1  }
0x16e: {  	v27 =	vbroadcast v0, $0x0;
	v17 =	vmul.f32 v17, v26  }
0x16f: {  	v15 =	vmul.f32 v15, v26  }
0x170: {  	v18 =	vmul.f32 v18, v26;
	v17 =	vadd.f32 v17, v27  }
0x171: {  	v19 =	vmul.f32 v19, v26;
	v15 =	vadd.f32 v15, v27  }
0x172: {  	v32 =	vmul.f32 v21, v26;
	v18 =	vadd.f32 v18, v27;
	[tilespmem:s0+$0xA000] =	vst v17  }
0x173: {  	v20 =	vmul.f32 v20, v26;
	v19 =	vadd.f32 v19, v27;
	[tilespmem:s0+$0xA010] =	vst v15  }
0x174: {  	v49 =	vbroadcast v1, $0x1;
	v48 =	vmul.f32 v16, v26;
	v21 =	vadd.f32 v32, v27;
	[tilespmem:s0+$0xA020] =	vst v18  }
0x175: {  	v13 =	vmul.f32 v13, v26;
	v20 =	vadd.f32 v20, v27;
	[tilespmem:s0+$0xA030] =	vst v19  }
0x176: {  	v30 =	vbroadcast v0, $0x1;
	v14 =	vmul.f32 v14, v49;
	v50 =	vadd.f32 v48, v27;
	[tilespmem:s0+$0xA040] =	vst v21  }
0x177: {  	v11 =	vmul.f32 v11, v49;
	v13 =	vadd.f32 v13, v27;
	[tilespmem:s0+$0xA050] =	vst v20  }
0x178: {  	v9 =	vmul.f32 v9, v49;
	v14 =	vadd.f32 v14, v30;
	[tilespmem:s0+$0xA060] =	vst v50  }
0x179: {  	v12 =	vmul.f32 v12, v49;
	v11 =	vadd.f32 v11, v30;
	[tilespmem:s0+$0xA070] =	vst v13  }
0x17a: {  	v33 =	vld [tilespmem:s0+$0x150];
	v10 =	vmul.f32 v10, v49;
	v9 =	vadd.f32 v9, v30;
	[tilespmem:s0+$0xA080] =	vst v14  }
0x17b: {  	v34 =	vld [tilespmem:s0+$0x160];
	v52 =	vmul.f32 v8, v49;
	v51 =	vadd.f32 v12, v30;
	[tilespmem:s0+$0xA090] =	vst v11  }
0x17c: {  	v35 =	vld [tilespmem:s0+$0x170];
	v54 =	vbroadcast v1, $0x2;
	v53 =	vmul.f32 v6, v49;
	v10 =	vadd.f32 v10, v30;
	[tilespmem:s0+$0xA0A0] =	vst v9  }
0x17d: {  	v42 =	vld [tilespmem:s0+$0x1E0];
	v7 =	vmul.f32 v7, v49;
	v12 =	vadd.f32 v52, v30;
	[tilespmem:s0+$0xA0B0] =	vst v51  }
0x17e: {  	v36 =	vld [tilespmem:s0+$0x180];
	v56 =	vbroadcast v0, $0x2;
	v5 =	vmul.f32 v5, v54;
	v55 =	vadd.f32 v53, v30;
	[tilespmem:s0+$0xA0C0] =	vst v10  }
0x17f: {  	v43 =	vld [tilespmem:s0+$0x190];
	v3 =	vmul.f32 v3, v54;
	v7 =	vadd.f32 v7, v30;
	[tilespmem:s0+$0xA0D0] =	vst v12  }
0x180: {  	v44 =	vld [tilespmem:s0+$0x1A0];
	v60 =	vbroadcast v1, $0x3;
	v2 =	vmul.f32 v2, v54;
	v5 =	vadd.f32 v5, v56;
	[tilespmem:s0+$0xA0E0] =	vst v55  }
0x181: {  	v45 =	vld [tilespmem:s0+$0x1B0];
	v4 =	vmul.f32 v4, v54;
	v3 =	vadd.f32 v3, v56;
	[tilespmem:s0+$0xA0F0] =	vst v7  }
0x182: {  	v47 =	vld [tilespmem:s0+$0x1D0];
	v63 =	vbroadcast v0, $0x3;
	v42 =	vmul.f32 v42, v60;
	v2 =	vadd.f32 v2, v56;
	[tilespmem:s0+$0xA100] =	vst v5  }
0x183: {  	v46 =	vld [tilespmem:s0+$0x1C0];
	v57 =	vmul.f32 v22, v54;
	v4 =	vadd.f32 v4, v56;
	[tilespmem:s0+$0xA110] =	vst v3  }
0x184: {  	v23 =	vld [tilespmem:s0+$0x1F0];
	v58 =	vmul.f32 v33, v54;
	v42 =	vadd.f32 v42, v63;
	[tilespmem:s0+$0xA120] =	vst v2  }
0x185: {  	v37 =	vld [tilespmem:s0+$0x200];
	v59 =	vmul.f32 v34, v54;
	v3 =	vadd.f32 v57, v56;
	[tilespmem:s0+$0xA130] =	vst v4  }
0x186: {  	v38 =	vld [tilespmem:s0+$0x210];
	v61 =	vmul.f32 v35, v54;
	v2 =	vadd.f32 v58, v56;
	[tilespmem:s0+$0xA1E0] =	vst v42  }
0x187: {  	v39 =	vld [tilespmem:s0+$0x220];
	v53 =	vmul.f32 v47, v60;
	v4 =	vadd.f32 v59, v56;
	[tilespmem:s0+$0xA140] =	vst v3  }
0x188: {  	v40 =	vld [tilespmem:s0+$0x230];
	v62 =	vmul.f32 v36, v60;
	v11 =	vadd.f32 v61, v56;
	[tilespmem:s0+$0xA150] =	vst v2  }
0x189: {  	v24 =	vld [tilespmem:s0+$0x250];
	v48 =	vmul.f32 v43, v60;
	v14 =	vadd.f32 v53, v63;
	[tilespmem:s0+$0xA160] =	vst v4  }
0x18a: {  	v25 =	vld [tilespmem:s0+$0x260];
	v49 =	vmul.f32 v44, v60;
	v54 =	vbroadcast v1, $0x4;
	v2 =	vadd.f32 v62, v63;
	[tilespmem:s0+$0xA170] =	vst v11  }
0x18b: {  	v41 =	vld [tilespmem:s0+$0x240];
	v50 =	vmul.f32 v45, v60;
	v4 =	vadd.f32 v48, v63;
	[tilespmem:s0+$0xA1D0] =	vst v14  }
0x18c: {  	v28 =	vld [tilespmem:s0+$0x2E0];
	v55 =	vbroadcast v0, $0x4;
	v56 =	vmul.f32 v37, v54;
	v11 =	vadd.f32 v49, v63;
	[tilespmem:s0+$0xA180] =	vst v2  }
0x18d: {  	v29 =	vld [tilespmem:s0+$0x2F0];
	v57 =	vmul.f32 v38, v54;
	v52 =	vadd.f32 v50, v63;
	[tilespmem:s0+$0xA190] =	vst v4  }
0x18e: {  	v31 =	vld [tilespmem:s0+$0x350];
	v24 =	vmul.f32 v24, v54;
	v13 =	vadd.f32 v56, v55;
	[tilespmem:s0+$0xA1A0] =	vst v11  }
0x18f: {  	v26 =	vld [tilespmem:s0+$0x2C0];
	v25 =	vmul.f32 v25, v54;
	v14 =	vadd.f32 v57, v55;
	[tilespmem:s0+$0xA1B0] =	vst v52  }
0x190: {  	v16 =	vld [tilespmem:s0+$0x2A0];
	v51 =	vmul.f32 v46, v60;
	v24 =	vadd.f32 v24, v55;
	[tilespmem:s0+$0xA200] =	vst v13  }
0x191: {  	v8 =	vld [tilespmem:s0+$0x310];
	v3 =	vmul.f32 v23, v60;
	v25 =	vadd.f32 v25, v55;
	[tilespmem:s0+$0xA210] =	vst v14  }
0x192: {  	v27 =	vld [tilespmem:s0+$0x2D0];
	v59 =	vmul.f32 v40, v54;
	v61 =	vbroadcast v1, $0x5;
	v4 =	vadd.f32 v51, v63;
	[tilespmem:s0+$0xA250] =	vst v24  }
0x193: {  	v30 =	vld [tilespmem:s0+$0x340];
	v60 =	vmul.f32 v41, v54;
	v3 =	vadd.f32 v3, v63;
	[tilespmem:s0+$0xA260] =	vst v25  }
0x194: {  	v32 =	vld [tilespmem:s0+$0x360];
	v62 =	vbroadcast v0, $0x5;
	v43 =	vmul.f32 v26, v61;
	v13 =	vadd.f32 v59, v55;
	[tilespmem:s0+$0xA1C0] =	vst v4  }
0x195: {  	v18 =	vld [tilespmem:s0+$0x280];
	v48 =	vmul.f32 v28, v61;
	v14 =	vadd.f32 v60, v55;
	[tilespmem:s0+$0xA1F0] =	vst v3  }
0x196: {  	v15 =	vld [tilespmem:s0+$0x290];
	v49 =	vmul.f32 v29, v61;
	v50 =	vbroadcast v1, $0x6;
	v47 =	vadd.f32 v43, v62;
	[tilespmem:s0+$0xA230] =	vst v13  }
0x197: {  	v19 =	vld [tilespmem:s0+$0x2B0];
	v58 =	vmul.f32 v39, v54;
	v26 =	vadd.f32 v48, v62;
	[tilespmem:s0+$0xA240] =	vst v14  }
0x198: {  	v9 =	vld [tilespmem:s0+$0x300];
	v51 =	vbroadcast v0, $0x6;
	v52 =	vadd.f32 v49, v62;
	v57 =	vmul.f32 v30, v50;
	[tilespmem:s0+$0xA2C0] =	vst v47  }
0x199: {  	v21 =	vld [tilespmem:s0+$0x370];
	v32 =	vmul.f32 v32, v50;
	v3 =	vadd.f32 v58, v55;
	[tilespmem:s0+$0xA2E0] =	vst v26  }
0x19a: {  	v17 =	vld [tilespmem:s0+$0x270];
	v18 =	vmul.f32 v18, v61;
	[tilespmem:s0+$0xA2F0] =	vst v52;
	v59 =	vadd.f32 v57, v51  }
0x19b: {  	v6 =	vld [tilespmem:s0+$0x320];
	v15 =	vmul.f32 v15, v61;
	v32 =	vadd.f32 v32, v51;
	[tilespmem:s0+$0xA220] =	vst v3  }
0x19c: {  	v20 =	vld [tilespmem:s0+$0x330];
	v24 =	vmul.f32 v19, v61;
	v18 =	vadd.f32 v18, v62;
	[tilespmem:s0+$0xA340] =	vst v59  }
0x19d: {  	v22 =	vld [tilespmem:s0+$0x3B0];
	v53 =	vmul.f32 v9, v50;
	v15 =	vadd.f32 v15, v62;
	[tilespmem:s0+$0xA360] =	vst v32  }
0x19e: {  	v34 =	vld [tilespmem:s0+$0x3D0];
	v63 =	vmul.f32 v16, v61;
	v28 =	vmul.f32 v21, v50;
	v16 =	vadd.f32 v24, v62;
	[tilespmem:s0+$0xA280] =	vst v18  }
0x19f: {  	v35 =	vld [tilespmem:s0+$0x3E0];
	v46 =	vmul.f32 v27, v61;
	v4 =	vmul.f32 v17, v54;
	v27 =	vadd.f32 v53, v51;
	[tilespmem:s0+$0xA290] =	vst v15  }
0x1a0: {  	v10 =	vld [tilespmem:s0+$0x3A0];
	v8 =	vmul.f32 v8, v50;
	v28 =	vadd.f32 v28, v51;
	[tilespmem:s0+$0xA2B0] =	vst v16  }
0x1a1: {  	v12 =	vld [tilespmem:s0+$0x420];
	v60 =	vbroadcast v1, $0x7;
	v56 =	vmul.f32 v20, v50;
	v4 =	vadd.f32 v4, v55;
	[tilespmem:s0+$0xA300] =	vst v27  }
0x1a2: {  	v37 =	vld [tilespmem:s0+$0x440];
	v58 =	vmul.f32 v31, v50;
	v55 =	vadd.f32 v8, v51;
	[tilespmem:s0+$0xA370] =	vst v28  }
0x1a3: {  	v38 =	vld [tilespmem:s0+$0x450];
	v61 =	vbroadcast v0, $0x7;
	v47 =	vmul.f32 v34, v60;
	v8 =	vadd.f32 v56, v51;
	[tilespmem:s0+$0xA270] =	vst v4  }
0x1a4: {  	v39 =	vld [tilespmem:s0+$0x460];
	v54 =	vmul.f32 v6, v50;
	v48 =	vmul.f32 v35, v60;
	v30 =	vadd.f32 v58, v51;
	[tilespmem:s0+$0xA310] =	vst v55  }
0x1a5: {  	v40 =	vld [tilespmem:s0+$0x470];
	v44 =	vmul.f32 v10, v60;
	v50 =	vbroadcast v1, $0x8;
	v32 =	vadd.f32 v47, v61;
	[tilespmem:s0+$0xA330] =	vst v8  }
0x1a6: {  	v36 =	vld [tilespmem:s0+$0x3F0];
	v34 =	vadd.f32 v48, v61;
	[tilespmem:s0+$0xA350] =	vst v30  }
0x1a7: {  	v7 =	vld [tilespmem:s0+$0x390];
	v52 =	vbroadcast v0, $0x8;
	v12 =	vmul.f32 v12, v50;
	v28 =	vadd.f32 v44, v61;
	[tilespmem:s0+$0xA3D0] =	vst v32  }
0x1a8: {  	v33 =	vld [tilespmem:s0+$0x3C0];
	v57 =	vmul.f32 v38, v50;
	v4 =	vadd.f32 v63, v62;
	[tilespmem:s0+$0xA3E0] =	vst v34  }
0x1a9: {  	v5 =	vld [tilespmem:s0+$0x380];
	v58 =	vmul.f32 v39, v50;
	v12 =	vadd.f32 v12, v52;
	[tilespmem:s0+$0xA3A0] =	vst v28  }
0x1aa: {  	v42 =	vld [tilespmem:s0+$0x4E0];
	v56 =	vmul.f32 v37, v50;
	v59 =	vmul.f32 v40, v50;
	v37 =	vadd.f32 v57, v52;
	[tilespmem:s0+$0xA2A0] =	vst v4  }
0x1ab: {  	v23 =	vld [tilespmem:s0+$0x430];
	v38 =	vadd.f32 v58, v52;
	[tilespmem:s0+$0xA420] =	vst v12  }
0x1ac: {  	v41 =	vld [tilespmem:s0+$0x4D0];
	v49 =	vmul.f32 v36, v60;
	v63 =	vmul.f32 v7, v60;
	v36 =	vadd.f32 v59, v52;
	[tilespmem:s0+$0xA450] =	vst v37  }
0x1ad: {  	v2 =	vld [tilespmem:s0+$0x400];
	v4 =	vadd.f32 v46, v62;
	[tilespmem:s0+$0xA460] =	vst v38  }
0x1ae: {  	v11 =	vld [tilespmem:s0+$0x410];
	v62 =	vmul.f32 v5, v60;
	v29 =	vadd.f32 v63, v61;
	[tilespmem:s0+$0xA470] =	vst v36  }
0x1af: {  	v19 =	vld [tilespmem:s0+$0x500];
	v46 =	vmul.f32 v33, v60;
	[tilespmem:s0+$0xA2D0] =	vst v4;
	v4 =	vadd.f32 v54, v51  }
0x1b0: {  	v15 =	vld [tilespmem:s0+$0x510];
	v30 =	vadd.f32 v62, v61;
	[tilespmem:s0+$0xA390] =	vst v29  }
0x1b1: {  	v45 =	vmul.f32 v22, v60;
	v16 =	vld [tilespmem:s0+$0x520];
	v33 =	vadd.f32 v46, v61;
	[tilespmem:s0+$0xA320] =	vst v4  }
0x1b2: {  	v24 =	vld [tilespmem:s0+$0x530];
	v47 =	vbroadcast v1, $0xA;
	v53 =	vmul.f32 v2, v50;
	v51 =	vadd.f32 v49, v61;
	[tilespmem:s0+$0xA380] =	vst v30  }
0x1b3: {  	v9 =	vld [tilespmem:s0+$0x540];
	v54 =	vmul.f32 v11, v50;
	v30 =	vadd.f32 v45, v61;
	[tilespmem:s0+$0xA3C0] =	vst v33  }
0x1b4: {  	v26 =	vld [tilespmem:s0+$0x550];
	v19 =	vmul.f32 v19, v47;
	v49 =	vbroadcast v0, $0xA;
	v33 =	vadd.f32 v53, v52;
	[tilespmem:s0+$0xA3F0] =	vst v51  }
0x1b5: {  	v27 =	vld [tilespmem:s0+$0x560];
	v15 =	vmul.f32 v15, v47;
	v34 =	vadd.f32 v54, v52;
	[tilespmem:s0+$0xA3B0] =	vst v30  }
0x1b6: {  	v20 =	vld [tilespmem:s0+$0x570];
	v16 =	vmul.f32 v16, v47;
	v19 =	vadd.f32 v19, v49;
	[tilespmem:s0+$0xA400] =	vst v33  }
0x1b7: {  	v25 =	vld [tilespmem:s0+$0x4C0];
	v24 =	vmul.f32 v24, v47;
	v15 =	vadd.f32 v15, v49;
	[tilespmem:s0+$0xA410] =	vst v34  }
0x1b8: {  	v21 =	vld [tilespmem:s0+$0x5B0];
	v9 =	vmul.f32 v9, v47;
	v16 =	vadd.f32 v16, v49;
	[tilespmem:s0+$0xA500] =	vst v19  }
0x1b9: {  	v3 =	vld [tilespmem:s0+$0x480];
	v26 =	vmul.f32 v26, v47;
	v24 =	vadd.f32 v24, v49;
	[tilespmem:s0+$0xA510] =	vst v15  }
0x1ba: {  	v13 =	vld [tilespmem:s0+$0x490];
	v27 =	vmul.f32 v27, v47;
	v9 =	vadd.f32 v9, v49;
	[tilespmem:s0+$0xA520] =	vst v16  }
0x1bb: {  	v14 =	vld [tilespmem:s0+$0x4A0];
	v20 =	vmul.f32 v20, v47;
	v26 =	vadd.f32 v26, v49;
	[tilespmem:s0+$0xA530] =	vst v24  }
0x1bc: {  	v17 =	vld [tilespmem:s0+$0x4B0];
	v55 =	vmul.f32 v23, v50;
	v60 =	vbroadcast v1, $0x9;
	v27 =	vadd.f32 v27, v49;
	[tilespmem:s0+$0xA540] =	vst v9  }
0x1bd: {  	v6 =	vld [tilespmem:s0+$0x590];
	v20 =	vadd.f32 v20, v49;
	[tilespmem:s0+$0xA550] =	vst v26  }
0x1be: {  	v10 =	vld [tilespmem:s0+$0x5E0];
	v62 =	vmul.f32 v3, v60;
	v61 =	vbroadcast v0, $0x9;
	v33 =	vadd.f32 v55, v52;
	[tilespmem:s0+$0xA560] =	vst v27  }
0x1bf: {  	v18 =	vld [tilespmem:s0+$0x4F0];
	v63 =	vmul.f32 v13, v60;
	v34 =	vadd.f32 v56, v52;
	[tilespmem:s0+$0xA570] =	vst v20  }
0x1c0: {  	v22 =	vld [tilespmem:s0+$0x5F0];
	v43 =	vmul.f32 v14, v60;
	v39 =	vadd.f32 v62, v61;
	[tilespmem:s0+$0xA430] =	vst v33  }
0x1c1: {  	v8 =	vld [tilespmem:s0+$0x5A0];
	v17 =	vmul.f32 v17, v60;
	v38 =	vadd.f32 v63, v61;
	[tilespmem:s0+$0xA440] =	vst v34  }
0x1c2: {  	v31 =	vld [tilespmem:s0+$0x630];
	v25 =	vmul.f32 v25, v60;
	v36 =	vadd.f32 v43, v61;
	[tilespmem:s0+$0xA480] =	vst v39  }
0x1c3: {  	v5 =	vld [tilespmem:s0+$0x5C0];
	v46 =	vmul.f32 v42, v60;
	v50 =	vbroadcast v1, $0xB;
	v44 =	vadd.f32 v17, v61;
	[tilespmem:s0+$0xA490] =	vst v38  }
0x1c4: {  	v35 =	vld [tilespmem:s0+$0x6B0];
	v18 =	vmul.f32 v18, v60;
	v25 =	vadd.f32 v25, v61;
	[tilespmem:s0+$0xA4A0] =	vst v36  }
0x1c5: {  	v7 =	vld [tilespmem:s0+$0x5D0];
	v51 =	vbroadcast v0, $0xB;
	v6 =	vmul.f32 v6, v50;
	v48 =	vadd.f32 v46, v61;
	[tilespmem:s0+$0xA4B0] =	vst v44  }
0x1c6: {  	v2 =	vld [tilespmem:s0+$0x640];
	v8 =	vmul.f32 v8, v50;
	v18 =	vadd.f32 v18, v61;
	[tilespmem:s0+$0xA4C0] =	vst v25  }
0x1c7: {  	v28 =	vld [tilespmem:s0+$0x600];
	v10 =	vmul.f32 v10, v50;
	v6 =	vadd.f32 v6, v51;
	[tilespmem:s0+$0xA4E0] =	vst v48  }
0x1c8: {  	v32 =	vld [tilespmem:s0+$0x660];
	v5 =	vmul.f32 v5, v50;
	v8 =	vadd.f32 v8, v51;
	[tilespmem:s0+$0xA4F0] =	vst v18  }
0x1c9: {  	v23 =	vld [tilespmem:s0+$0x670];
	v45 =	vmul.f32 v41, v60;
	v10 =	vadd.f32 v10, v51;
	[tilespmem:s0+$0xA590] =	vst v6  }
0x1ca: {  	v29 =	vld [tilespmem:s0+$0x610];
	v53 =	vmul.f32 v7, v50;
	v54 =	vbroadcast v1, $0xC;
	v5 =	vadd.f32 v5, v51;
	[tilespmem:s0+$0xA5A0] =	vst v8  }
0x1cb: {  	v11 =	vld [tilespmem:s0+$0x650];
	v55 =	vmul.f32 v22, v50;
	v36 =	vadd.f32 v45, v61;
	[tilespmem:s0+$0xA5E0] =	vst v10  }
0x1cc: {  	v4 =	vld [tilespmem:s0+$0x580];
	v56 =	vbroadcast v0, $0xC;
	v57 =	vmul.f32 v28, v54;
	v6 =	vadd.f32 v53, v51;
	[tilespmem:s0+$0xA5C0] =	vst v5  }
0x1cd: {  	v12 =	vld [tilespmem:s0+$0x680];
	v60 =	vmul.f32 v31, v54;
	v8 =	vadd.f32 v55, v51;
	[tilespmem:s0+$0xA4D0] =	vst v36  }
0x1ce: {  	v3 =	vld [tilespmem:s0+$0x6C0];
	v2 =	vmul.f32 v2, v54;
	v22 =	vadd.f32 v57, v56;
	[tilespmem:s0+$0xA5D0] =	vst v6  }
0x1cf: {  	v13 =	vld [tilespmem:s0+$0x6D0];
	v58 =	vmul.f32 v29, v54;
	v10 =	vadd.f32 v60, v56;
	[tilespmem:s0+$0xA5F0] =	vst v8  }
0x1d0: {  	v14 =	vld [tilespmem:s0+$0x6E0];
	v61 =	vmul.f32 v11, v54;
	v2 =	vadd.f32 v2, v56;
	[tilespmem:s0+$0xA600] =	vst v22  }
0x1d1: {  	v30 =	vld [tilespmem:s0+$0x620];
	v4 =	vmul.f32 v4, v50;
	v5 =	vadd.f32 v58, v56;
	[tilespmem:s0+$0xA630] =	vst v10  }
0x1d2: {  	v17 =	vld [tilespmem:s0+$0x700];
	v62 =	vmul.f32 v32, v54;
	v63 =	vbroadcast v1, $0xD;
	v8 =	vadd.f32 v61, v56;
	[tilespmem:s0+$0xA640] =	vst v2  }
0x1d3: {  	v15 =	vld [tilespmem:s0+$0x770];
	v52 =	vmul.f32 v21, v50;
	v22 =	vmul.f32 v23, v54;
	v4 =	vadd.f32 v4, v51;
	[tilespmem:s0+$0xA610] =	vst v5  }
0x1d4: {  	v21 =	vld [tilespmem:s0+$0x7E0];
	v12 =	vmul.f32 v12, v63;
	v23 =	vbroadcast v0, $0xD;
	v5 =	vadd.f32 v62, v56;
	[tilespmem:s0+$0xA650] =	vst v8  }
0x1d5: {  	v41 =	vbroadcast v1, $0xE;
	v33 =	vld [tilespmem:s0+$0x690];
	v28 =	vadd.f32 v22, v56;
	[tilespmem:s0+$0xA580] =	vst v4  }
0x1d6: {  	v43 =	vbroadcast v0, $0xE;
	v34 =	vld [tilespmem:s0+$0x6A0];
	v59 =	vmul.f32 v30, v54;
	v31 =	vadd.f32 v12, v23;
	[tilespmem:s0+$0xA660] =	vst v5  }
0x1d7: {  	v1 =	vbroadcast v1, $0xF;
	v38 =	vld [tilespmem:s0+$0x6F0];
	v32 =	vmul.f32 v35, v63;
	v4 =	vadd.f32 v52, v51;
	[tilespmem:s0+$0xA670] =	vst v28  }
0x1d8: {  	v35 =	vmul.f32 v13, v63;
	v44 =	vmul.f32 v17, v41;
	v6 =	vadd.f32 v59, v56;
	[tilespmem:s0+$0xA680] =	vst v31  }
0x1d9: {  	v40 =	vmul.f32 v14, v63;
	v53 =	vmul.f32 v15, v41;
	v5 =	vadd.f32 v32, v23;
	[tilespmem:s0+$0xA5B0] =	vst v4  }
0x1da: {  	v0 =	vbroadcast v0, $0xF;
	v62 =	vmul.f32 v21, v1;
	v48 =	vadd.f32 v44, v43;
	[tilespmem:s0+$0xA620] =	vst v6  }
0x1db: {  	v39 =	vld [tilespmem:s0+$0x710];
	v29 =	vmul.f32 v33, v63;
	v30 =	vmul.f32 v34, v63;
	v56 =	vadd.f32 v53, v43;
	[tilespmem:s0+$0xA6B0] =	vst v5  }
0x1dc: {  	v18 =	vld [tilespmem:s0+$0x750];
	v33 =	vmul.f32 v3, v63;
	v42 =	vmul.f32 v38, v63;
	v63 =	vadd.f32 v62, v0;
	[tilespmem:s0+$0xA700] =	vst v48  }
0x1dd: {  	v24 =	vld [tilespmem:s0+$0x790];
	v4 =	vadd.f32 v29, v23;
	[tilespmem:s0+$0xA770] =	vst v56  }
0x1de: {  	v34 =	vadd.f32 v30, v23;
	[tilespmem:s0+$0xA7E0] =	vst v63  }
0x1df: {  	v25 =	vld [tilespmem:s0+$0x720];
	v2 =	vadd.f32 v33, v23;
	[tilespmem:s0+$0xA690] =	vst v4  }
0x1e0: {  	v37 =	vld [tilespmem:s0+$0x740];
	v46 =	vmul.f32 v39, v41;
	v6 =	vadd.f32 v35, v23;
	[tilespmem:s0+$0xA6A0] =	vst v34  }
0x1e1: {  	v19 =	vld [tilespmem:s0+$0x760];
	v51 =	vmul.f32 v18, v41;
	v45 =	vadd.f32 v42, v23;
	[tilespmem:s0+$0xA6C0] =	vst v2  }
0x1e2: {  	v36 =	vld [tilespmem:s0+$0x730];
	v57 =	vmul.f32 v24, v1;
	v3 =	vadd.f32 v46, v43;
	[tilespmem:s0+$0xA6D0] =	vst v6  }
0x1e3: {  	v9 =	vld [tilespmem:s0+$0x7A0];
	v54 =	vadd.f32 v51, v43;
	[tilespmem:s0+$0xA6F0] =	vst v45  }
0x1e4: {  	v26 =	vld [tilespmem:s0+$0x7B0];
	v47 =	vmul.f32 v25, v41;
	v5 =	vadd.f32 v57, v0;
	[tilespmem:s0+$0xA710] =	vst v3  }
0x1e5: {  	v16 =	vld [tilespmem:s0+$0x780];
	v50 =	vmul.f32 v37, v41;
	v4 =	vadd.f32 v40, v23;
	[tilespmem:s0+$0xA750] =	vst v54  }
0x1e6: {  	v27 =	vld [tilespmem:s0+$0x7C0];
	v52 =	vmul.f32 v19, v41;
	v6 =	vadd.f32 v47, v43;
	[tilespmem:s0+$0xA790] =	vst v5  }
0x1e7: {  	v20 =	vld [tilespmem:s0+$0x7D0];
	v49 =	vmul.f32 v36, v41;
	v2 =	vadd.f32 v50, v43;
	[tilespmem:s0+$0xA6E0] =	vst v4  }
0x1e8: {  	v7 =	vld [tilespmem:s0+$0x7F0];
	v58 =	vmul.f32 v9, v1;
	v3 =	vadd.f32 v52, v43;
	[tilespmem:s0+$0xA720] =	vst v6  }
0x1e9: {  	v59 =	vmul.f32 v26, v1;
	v4 =	vadd.f32 v49, v43;
	[tilespmem:s0+$0xA740] =	vst v2  }
0x1ea: {  	v55 =	vmul.f32 v16, v1;
	[tilespmem:s0+$0xA760] =	vst v3;
	v6 =	vadd.f32 v58, v0  }
0x1eb: {  	v60 =	vmul.f32 v27, v1;
	v3 =	vadd.f32 v59, v0;
	[tilespmem:s0+$0xA730] =	vst v4  }
0x1ec: {  	v61 =	vmul.f32 v20, v1;
	v4 =	vadd.f32 v55, v0;
	[tilespmem:s0+$0xA7A0] =	vst v6  }
0x1ed: {  	v1 =	vmul.f32 v7, v1;
	v2 =	vadd.f32 v60, v0;
	[tilespmem:s0+$0xA7B0] =	vst v3  }
0x1ee: {  	[tilespmem:s0+$0xA780] =	vst v4;
	v4 =	vadd.f32 v61, v0  }
0x1ef: {  	s4 =	sadd.s32 s13, s29;
	s3 =	smul.u32 $0xA00, s31;
	[tilespmem:s0+$0xA7C0] =	vst v2;
	v0 =	vadd.f32 v1, v0  }
0x1f0: {  	p2 =	sgt.u32 s4, $0x270;
	[tilespmem:s0+$0xA7D0] =	vst v4  }
0x1f1: {  	[tilespmem:s0+$0xA7F0] =	vst v0;
	s0 =	sadd.s32 s7, s3;
	s3 =	smul.u32 @!p2 $0xA00, s4  }
0x1f2: {  	[hbm4b:s0+s8] =	stream.linear.scatter [tilespmem:s23], [sflag:$0x3], $0x5000, $0x38;
	[tilespmem:$0x14300] =	vst v63  }
0x1f3: {  	s4 =	smul.u32 @!p2 $0x14, s4;
	s0 =	sadd.s32 @!p2 s1, s3;
	s3 =	simm.s32 @!p2 $0x0  }
0x1f4: {  	[tilespmem:s3], [sflag:$0x1] =	stream.linear.gather @!p2 [hbm4b:s0+s3], $0x5000, $0x38;
	[tilespmem:$0x14300] =	vst v63  }
0x1f5: {  	s30 =	sor.u32 $0x20, s31;
	s0 =	sadd.s32 @!p2 s2, s4;
	s4 =	simm.s32 @!p2 $0x14000  }
0x1f6: {  	[tilespmem:s4], [sflag:$0x1] =	stream.linear.gather @!p2 [hbm4b:s0+s3], $0xA0, $0x38;
	[tilespmem:$0x14300] =	vst v63  }
0x1f7: {  	p2 =	sgt.u32 s30, $0x270  }
0x1f8: {  	s0 =	simm.s32 @!p2 $0x2  }
0x1f9: {  	_ =	swait.ge @!p2 [sflag:s0], $0x5000  }
0x1fa: {  	[sflag:s0] =	ssyncset.done @!p2 $0x0  }
0x1fb: {  	[sflag:s0] =	ssyncadd.s32 @!p2 $0xFFFFB000  }
0x1fc: {  	_ =	swait.ge @!p2 [sflag:s0], $0xA0  }
.Ltmp5:
0x1fd: {  	[sflag:s0] =	ssyncset.done @!p2 $0x0;
	(pc) =	sbr.rel @p2 .LBB2_8-.Ltmp5, $4  }
0x1fe: {  	[sflag:s0] =	ssyncadd.s32 @!p2 $0xFFFFFF60;
	s0 =	simm.s32 @!p1 $0x4  }
0x1ff: {  	_ =	swait.ge @!p1 [sflag:s0], $0x5000  }
0x200: {  	[sflag:s0] =	ssyncset.done @!p1 $0x0  }
0x201: {  	[sflag:s0] =	ssyncadd.s32 @!p1 $0xFFFFB000  }
0x202: {  	s0 =	simm.s32 $0x0  }
0x203: {  	s0 =	sand.u32 $0x3FFFFFF0, s0  }
0x204: {  	s31 =	simm.s32 $0x0;
	v0 =	vld [tilespmem:s0+$0x14100]  }
0x205: {  	v2 =	vld [tilespmem:s31+$0x5000]  }
0x206: {  	v3 =	vld [tilespmem:s31+$0x5010]  }
0x207: {  	v5 =	vld [tilespmem:s31+$0x5020]  }
0x208: {  	v6 =	vld [tilespmem:s31+$0x5030]  }
0x209: {  	v7 =	vld [tilespmem:s31+$0x5040]  }
0x20a: {  	v8 =	vld [tilespmem:s31+$0x5050]  }
0x20b: {  	v9 =	vld [tilespmem:s31+$0x5060]  }
0x20c: {  	v1 =	vld.idx.msk [tilespmem:v0+s16+$0x0], $0xffff  }
0x20d: {  	v10 =	vld [tilespmem:s31+$0x5070]  }
0x20e: {  	v0 =	vld.idx.msk [tilespmem:v0+s18+$0x0], $0xffff  }
0x20f: {  	v11 =	vld [tilespmem:s31+$0x5080]  }
0x210: {  	v12 =	vld [tilespmem:s31+$0x5090]  }
0x211: {  	v19 =	vld [tilespmem:s31+$0x50A0];
	v18 =	vbroadcast v1, $0x0  }
0x212: {  	v20 =	vld [tilespmem:s31+$0x50B0]  }
0x213: {  	v21 =	vld [tilespmem:s31+$0x50C0];
	v23 =	vbroadcast v0, $0x0;
	v3 =	vmul.f32 v3, v18  }
0x214: {  	v27 =	vld [tilespmem:s31+$0x50D0];
	v2 =	vmul.f32 v2, v18  }
0x215: {  	v28 =	vld [tilespmem:s31+$0x50E0];
	v3 =	vadd.f32 v3, v23  }
0x216: {  	v43 =	vld [tilespmem:s31+$0x5190];
	v5 =	vmul.f32 v5, v18;
	v2 =	vadd.f32 v2, v23  }
0x217: {  	v29 =	vld [tilespmem:s31+$0x50F0];
	[tilespmem:s31+$0xF010] =	vst v3;
	v3 =	vmul.f32 v7, v18  }
0x218: {  	v30 =	vld [tilespmem:s31+$0x5100];
	v5 =	vadd.f32 v5, v23;
	[tilespmem:s31+$0xF000] =	vst v2;
	v2 =	vmul.f32 v6, v18  }
0x219: {  	v31 =	vld [tilespmem:s31+$0x5110];
	v53 =	vbroadcast v1, $0x3;
	v6 =	vmul.f32 v8, v18;
	v3 =	vadd.f32 v3, v23  }
0x21a: {  	v32 =	vld [tilespmem:s31+$0x5120];
	v55 =	vbroadcast v0, $0x3;
	[tilespmem:s31+$0xF020] =	vst v5;
	v8 =	vmul.f32 v10, v18;
	v2 =	vadd.f32 v2, v23  }
0x21b: {  	v46 =	vld [tilespmem:s31+$0x51C0];
	v56 =	vmul.f32 v43, v53;
	v7 =	vadd.f32 v6, v23;
	[tilespmem:s31+$0xF040] =	vst v3;
	v3 =	vbroadcast v1, $0x1  }
0x21c: {  	v13 =	vld [tilespmem:s31+$0x51E0];
	v8 =	vadd.f32 v8, v23;
	[tilespmem:s31+$0xF030] =	vst v2;
	v2 =	vmul.f32 v9, v18  }
0x21d: {  	v40 =	vld [tilespmem:s31+$0x5160];
	v57 =	vadd.f32 v56, v55;
	[tilespmem:s31+$0xF050] =	vst v7;
	v9 =	vbroadcast v0, $0x1;
	v7 =	vmul.f32 v11, v3  }
0x21e: {  	v41 =	vld [tilespmem:s31+$0x5170];
	[tilespmem:s31+$0xF070] =	vst v8;
	v2 =	vadd.f32 v2, v23;
	v8 =	vmul.f32 v19, v3  }
0x21f: {  	v35 =	vld [tilespmem:s31+$0x5210];
	[tilespmem:s31+$0xF190] =	vst v57;
	v10 =	vmul.f32 v21, v3;
	v7 =	vadd.f32 v7, v9  }
0x220: {  	v33 =	vld [tilespmem:s31+$0x5130];
	v58 =	vmul.f32 v46, v53;
	v21 =	vbroadcast v1, $0x2;
	[tilespmem:s31+$0xF060] =	vst v2;
	v8 =	vadd.f32 v8, v9  }
0x221: {  	v38 =	vld [tilespmem:s31+$0x5140];
	v62 =	vbroadcast v1, $0x4;
	v61 =	vmul.f32 v13, v53;
	v10 =	vadd.f32 v10, v9;
	[tilespmem:s31+$0xF080] =	vst v7  }
0x222: {  	v39 =	vld [tilespmem:s31+$0x5150];
	v2 =	vmul.f32 v12, v3;
	v52 =	vmul.f32 v40, v21;
	v40 =	vadd.f32 v58, v55;
	[tilespmem:s31+$0xF0A0] =	vst v8  }
0x223: {  	v4 =	vld [tilespmem:s31+$0x5240];
	v11 =	vmul.f32 v28, v3;
	v54 =	vmul.f32 v41, v21;
	v41 =	vadd.f32 v61, v55;
	[tilespmem:s31+$0xF0C0] =	vst v10  }
0x224: {  	v16 =	vld [tilespmem:s31+$0x5270];
	v63 =	vbroadcast v0, $0x4;
	v46 =	vmul.f32 v35, v62;
	v2 =	vadd.f32 v2, v9;
	[tilespmem:s31+$0xF1C0] =	vst v40  }
0x225: {  	v42 =	vld [tilespmem:s31+$0x5180];
	v7 =	vmul.f32 v20, v3;
	v10 =	vadd.f32 v11, v9;
	[tilespmem:s31+$0xF1E0] =	vst v41  }
0x226: {  	v44 =	vld [tilespmem:s31+$0x51A0];
	v8 =	vmul.f32 v27, v3;
	v41 =	vadd.f32 v46, v63;
	[tilespmem:s31+$0xF090] =	vst v2  }
0x227: {  	v45 =	vld [tilespmem:s31+$0x51B0];
	v3 =	vmul.f32 v29, v3;
	v7 =	vadd.f32 v7, v9;
	[tilespmem:s31+$0xF0E0] =	vst v10  }
0x228: {  	v47 =	vld [tilespmem:s31+$0x51D0];
	v49 =	vmul.f32 v4, v62;
	v12 =	vadd.f32 v8, v9;
	[tilespmem:s31+$0xF210] =	vst v41  }
0x229: {  	v22 =	vld [tilespmem:s31+$0x51F0];
	v40 =	vmul.f32 v16, v62;
	v3 =	vadd.f32 v3, v9;
	[tilespmem:s31+$0xF0B0] =	vst v7  }
0x22a: {  	v34 =	vld [tilespmem:s31+$0x5200];
	v11 =	vmul.f32 v30, v21;
	v41 =	vadd.f32 v49, v63;
	[tilespmem:s31+$0xF0D0] =	vst v12;
	v12 =	vbroadcast v0, $0x2  }
0x22b: {  	v36 =	vld [tilespmem:s31+$0x5220];
	v9 =	vmul.f32 v31, v21;
	v40 =	vadd.f32 v40, v63;
	[tilespmem:s31+$0xF0F0] =	vst v3  }
0x22c: {  	v37 =	vld [tilespmem:s31+$0x5230];
	v3 =	vmul.f32 v32, v21;
	[tilespmem:s31+$0xF240] =	vst v41;
	v10 =	vadd.f32 v11, v12  }
0x22d: {  	v14 =	vld [tilespmem:s31+$0x5250];
	[tilespmem:s31+$0xF270] =	vst v40;
	v9 =	vadd.f32 v9, v12  }
0x22e: {  	v15 =	vld [tilespmem:s31+$0x5260];
	v3 =	vadd.f32 v3, v12;
	v11 =	vmul.f32 v38, v21;
	[tilespmem:s31+$0xF100] =	vst v10  }
0x22f: {  	v17 =	vld [tilespmem:s31+$0x5280];
	v30 =	vadd.f32 v52, v12;
	v38 =	vmul.f32 v22, v53;
	[tilespmem:s31+$0xF110] =	vst v9  }
0x230: {  	v24 =	vld [tilespmem:s31+$0x52D0];
	[tilespmem:s31+$0xF120] =	vst v3;
	v3 =	vmul.f32 v39, v21;
	v11 =	vadd.f32 v11, v12  }
0x231: {  	v25 =	vld [tilespmem:s31+$0x52E0];
	v10 =	vmul.f32 v33, v21;
	[tilespmem:s31+$0xF160] =	vst v30;
	v38 =	vadd.f32 v38, v55  }
0x232: {  	v26 =	vld [tilespmem:s31+$0x52F0];
	v3 =	vadd.f32 v3, v12;
	[tilespmem:s31+$0xF140] =	vst v11  }
0x233: {  	v60 =	vmul.f32 v47, v53;
	v13 =	vld [tilespmem:s31+$0x5420];
	v47 =	vmul.f32 v36, v62;
	v10 =	vadd.f32 v10, v12;
	[tilespmem:s31+$0xF1F0] =	vst v38  }
0x234: {  	v35 =	vld [tilespmem:s31+$0x5450];
	v12 =	vadd.f32 v54, v12;
	[tilespmem:s31+$0xF150] =	vst v3;
	v3 =	vmul.f32 v42, v53  }
0x235: {  	v36 =	vld [tilespmem:s31+$0x5460];
	v38 =	vadd.f32 v47, v63;
	[tilespmem:s31+$0xF130] =	vst v10  }
0x236: {  	v50 =	vmul.f32 v14, v62;
	v5 =	vld [tilespmem:s31+$0x5290];
	[tilespmem:s31+$0xF170] =	vst v12;
	v3 =	vadd.f32 v3, v55  }
0x237: {  	v48 =	vmul.f32 v37, v62;
	v6 =	vld [tilespmem:s31+$0x52A0];
	v12 =	vmul.f32 v44, v53;
	v42 =	vadd.f32 v60, v55;
	[tilespmem:s31+$0xF220] =	vst v38  }
0x238: {  	v37 =	vld [tilespmem:s31+$0x5470];
	v52 =	vbroadcast v1, $0x5;
	v38 =	vadd.f32 v50, v63;
	[tilespmem:s31+$0xF180] =	vst v3;
	v3 =	vmul.f32 v45, v53  }
0x239: {  	v4 =	vld [tilespmem:s31+$0x5480];
	v12 =	vadd.f32 v12, v55;
	[tilespmem:s31+$0xF1D0] =	vst v42;
	v45 =	vmul.f32 v34, v62  }
0x23a: {  	v18 =	vld [tilespmem:s31+$0x52B0];
	v17 =	vmul.f32 v17, v52;
	[tilespmem:s31+$0xF250] =	vst v38;
	v53 =	vbroadcast v0, $0x5;
	v59 =	vadd.f32 v3, v55  }
0x23b: {  	v14 =	vld [tilespmem:s31+$0x5490];
	v5 =	vmul.f32 v5, v52;
	[tilespmem:s31+$0xF1A0] =	vst v12;
	v39 =	vadd.f32 v45, v63  }
0x23c: {  	v23 =	vld [tilespmem:s31+$0x52C0];
	v6 =	vmul.f32 v6, v52;
	v17 =	vadd.f32 v17, v53;
	[tilespmem:s31+$0xF1B0] =	vst v59  }
0x23d: {  	v29 =	vld [tilespmem:s31+$0x5360];
	v56 =	vmul.f32 v26, v52;
	v5 =	vadd.f32 v5, v53;
	[tilespmem:s31+$0xF200] =	vst v39  }
0x23e: {  	v2 =	vld [tilespmem:s31+$0x5300];
	v6 =	vadd.f32 v6, v53;
	[tilespmem:s31+$0xF280] =	vst v17  }
0x23f: {  	v7 =	vld [tilespmem:s31+$0x5310];
	v18 =	vmul.f32 v18, v52;
	v60 =	vadd.f32 v56, v53;
	[tilespmem:s31+$0xF290] =	vst v5  }
0x240: {  	v51 =	vmul.f32 v15, v62;
	v8 =	vld [tilespmem:s31+$0x5320];
	v39 =	vadd.f32 v48, v63;
	[tilespmem:s31+$0xF2A0] =	vst v6  }
0x241: {  	v58 =	vbroadcast v1, $0x6;
	v9 =	vld [tilespmem:s31+$0x5380];
	v5 =	vmul.f32 v23, v52;
	v23 =	vadd.f32 v18, v53;
	[tilespmem:s31+$0xF2F0] =	vst v60  }
0x242: {  	v30 =	vld [tilespmem:s31+$0x53C0];
	v6 =	vmul.f32 v24, v52;
	[tilespmem:s31+$0xF230] =	vst v39;
	v39 =	vadd.f32 v51, v63  }
0x243: {  	v31 =	vld [tilespmem:s31+$0x53D0];
	v2 =	vmul.f32 v2, v58;
	v59 =	vbroadcast v0, $0x6;
	v54 =	vadd.f32 v5, v53;
	[tilespmem:s31+$0xF2B0] =	vst v23  }
0x244: {  	v46 =	vbroadcast v1, $0x7;
	v32 =	vld [tilespmem:s31+$0x53E0];
	v7 =	vmul.f32 v7, v58;
	v55 =	vadd.f32 v6, v53;
	[tilespmem:s31+$0xF260] =	vst v39  }
0x245: {  	v28 =	vld [tilespmem:s31+$0x5350];
	v8 =	vmul.f32 v8, v58;
	v2 =	vadd.f32 v2, v59;
	[tilespmem:s31+$0xF2C0] =	vst v54  }
0x246: {  	v27 =	vld [tilespmem:s31+$0x5340];
	v49 =	vmul.f32 v9, v46;
	v48 =	vbroadcast v0, $0x7;
	v7 =	vadd.f32 v7, v59;
	[tilespmem:s31+$0xF2D0] =	vst v55  }
0x247: {  	v20 =	vld [tilespmem:s31+$0x5370];
	v30 =	vmul.f32 v30, v46;
	v8 =	vadd.f32 v8, v59;
	[tilespmem:s31+$0xF300] =	vst v2  }
0x248: {  	v31 =	vmul.f32 v31, v46;
	v21 =	vld [tilespmem:s31+$0x53B0];
	v63 =	vmul.f32 v29, v58;
	v29 =	vadd.f32 v49, v48;
	[tilespmem:s31+$0xF310] =	vst v7  }
0x249: {  	v33 =	vld [tilespmem:s31+$0x53F0];
	v32 =	vmul.f32 v32, v46;
	v30 =	vadd.f32 v30, v48;
	[tilespmem:s31+$0xF320] =	vst v8  }
0x24a: {  	v19 =	vld [tilespmem:s31+$0x5330];
	v23 =	vmul.f32 v25, v52;
	v31 =	vadd.f32 v31, v48;
	[tilespmem:s31+$0xF380] =	vst v29  }
0x24b: {  	v15 =	vld [tilespmem:s31+$0x54A0];
	v32 =	vadd.f32 v32, v48;
	[tilespmem:s31+$0xF3C0] =	vst v30  }
0x24c: {  	v16 =	vld [tilespmem:s31+$0x54B0];
	v47 =	vmul.f32 v20, v58;
	v57 =	vadd.f32 v23, v53;
	[tilespmem:s31+$0xF3D0] =	vst v31  }
0x24d: {  	v10 =	vld [tilespmem:s31+$0x5390];
	v52 =	vmul.f32 v21, v46;
	v7 =	vmul.f32 v27, v58;
	v27 =	vadd.f32 v63, v59;
	[tilespmem:s31+$0xF3E0] =	vst v32  }
0x24e: {  	v11 =	vld [tilespmem:s31+$0x53A0];
	v33 =	vmul.f32 v33, v46;
	v8 =	vmul.f32 v28, v58;
	v28 =	vadd.f32 v47, v59;
	[tilespmem:s31+$0xF2E0] =	vst v57  }
0x24f: {  	v3 =	vld [tilespmem:s31+$0x5400];
	v2 =	vmul.f32 v19, v58;
	v29 =	vadd.f32 v52, v48;
	[tilespmem:s31+$0xF360] =	vst v27  }
0x250: {  	v12 =	vld [tilespmem:s31+$0x5410];
	v54 =	vadd.f32 v33, v48;
	[tilespmem:s31+$0xF370] =	vst v28  }
0x251: {  	v40 =	vld [tilespmem:s31+$0x54E0];
	v61 =	vadd.f32 v2, v59;
	[tilespmem:s31+$0xF3B0] =	vst v29  }
0x252: {  	v22 =	vld [tilespmem:s31+$0x5430];
	v50 =	vmul.f32 v10, v46;
	v53 =	vbroadcast v1, $0x8;
	v62 =	vadd.f32 v7, v59;
	[tilespmem:s31+$0xF3F0] =	vst v54  }
0x253: {  	v34 =	vld [tilespmem:s31+$0x5440];
	v51 =	vmul.f32 v11, v46;
	v45 =	vadd.f32 v8, v59;
	[tilespmem:s31+$0xF330] =	vst v61  }
0x254: {  	v26 =	vld [tilespmem:s31+$0x5560];
	v55 =	vbroadcast v0, $0x8;
	v27 =	vadd.f32 v50, v48;
	v56 =	vmul.f32 v3, v53;
	[tilespmem:s31+$0xF340] =	vst v62  }
0x255: {  	v20 =	vld [tilespmem:s31+$0x55B0];
	v28 =	vadd.f32 v51, v48;
	v57 =	vmul.f32 v12, v53;
	[tilespmem:s31+$0xF350] =	vst v45  }
0x256: {  	v9 =	vld [tilespmem:s31+$0x55C0];
	v13 =	vmul.f32 v13, v53;
	[tilespmem:s31+$0xF390] =	vst v27;
	v41 =	vadd.f32 v56, v55  }
0x257: {  	v38 =	vld [tilespmem:s31+$0x54C0];
	v58 =	vmul.f32 v22, v53;
	[tilespmem:s31+$0xF3A0] =	vst v28;
	v32 =	vadd.f32 v57, v55;
	v62 =	vbroadcast v1, $0x9  }
0x258: {  	v39 =	vld [tilespmem:s31+$0x54D0];
	v59 =	vmul.f32 v34, v53;
	v13 =	vadd.f32 v13, v55;
	[tilespmem:s31+$0xF400] =	vst v41  }
0x259: {  	v42 =	vld [tilespmem:s31+$0x56C0];
	v63 =	vbroadcast v0, $0x9;
	v60 =	vadd.f32 v58, v55;
	[tilespmem:s31+$0xF410] =	vst v32;
	v15 =	vmul.f32 v15, v62  }
0x25a: {  	v10 =	vld [tilespmem:s31+$0x55D0];
	v35 =	vmul.f32 v35, v53;
	v61 =	vadd.f32 v59, v55;
	[tilespmem:s31+$0xF420] =	vst v13  }
0x25b: {  	v17 =	vld [tilespmem:s31+$0x54F0];
	v36 =	vmul.f32 v36, v53;
	[tilespmem:s31+$0xF430] =	vst v60;
	v15 =	vadd.f32 v15, v63  }
0x25c: {  	v18 =	vld [tilespmem:s31+$0x5500];
	v37 =	vmul.f32 v37, v53;
	v35 =	vadd.f32 v35, v55;
	[tilespmem:s31+$0xF440] =	vst v61  }
0x25d: {  	v5 =	vld [tilespmem:s31+$0x5510];
	v36 =	vadd.f32 v36, v55;
	[tilespmem:s31+$0xF4A0] =	vst v15;
	v15 =	vmul.f32 v39, v62  }
0x25e: {  	v24 =	vld [tilespmem:s31+$0x5540];
	v33 =	vadd.f32 v37, v55;
	[tilespmem:s31+$0xF450] =	vst v35;
	v4 =	vmul.f32 v4, v62  }
0x25f: {  	v6 =	vld [tilespmem:s31+$0x5520];
	v53 =	vbroadcast v1, $0xA;
	[tilespmem:s31+$0xF460] =	vst v36;
	v14 =	vmul.f32 v14, v62;
	v15 =	vadd.f32 v15, v63  }
0x260: {  	v23 =	vld [tilespmem:s31+$0x5530];
	[tilespmem:s31+$0xF470] =	vst v33;
	v17 =	vmul.f32 v17, v62;
	v4 =	vadd.f32 v4, v63  }
0x261: {  	v25 =	vld [tilespmem:s31+$0x5550];
	v14 =	vadd.f32 v14, v63;
	[tilespmem:s31+$0xF4D0] =	vst v15;
	v15 =	vmul.f32 v18, v53;
	v18 =	vbroadcast v0, $0xA  }
0x262: {  	v11 =	vld [tilespmem:s31+$0x55E0];
	v5 =	vmul.f32 v5, v53;
	v17 =	vadd.f32 v17, v63;
	[tilespmem:s31+$0xF480] =	vst v4  }
0x263: {  	v21 =	vld [tilespmem:s31+$0x55F0];
	v52 =	vmul.f32 v40, v62;
	[tilespmem:s31+$0xF490] =	vst v14;
	v15 =	vadd.f32 v15, v18  }
0x264: {  	v49 =	vld [tilespmem:s31+$0x56E0];
	v6 =	vmul.f32 v6, v53;
	[tilespmem:s31+$0xF4F0] =	vst v17;
	v5 =	vadd.f32 v5, v18  }
0x265: {  	v19 =	vld [tilespmem:s31+$0x5570];
	v14 =	vmul.f32 v38, v62;
	v38 =	vadd.f32 v52, v63;
	[tilespmem:s31+$0xF500] =	vst v15;
	v15 =	vmul.f32 v23, v53  }
0x266: {  	v30 =	vld [tilespmem:s31+$0x5630];
	v6 =	vadd.f32 v6, v18;
	[tilespmem:s31+$0xF510] =	vst v5;
	v5 =	vmul.f32 v24, v53  }
0x267: {  	v2 =	vld [tilespmem:s31+$0x5580];
	v4 =	vmul.f32 v16, v62;
	[tilespmem:s31+$0xF4E0] =	vst v38;
	v15 =	vadd.f32 v15, v18  }
0x268: {  	v7 =	vld [tilespmem:s31+$0x5590];
	[tilespmem:s31+$0xF520] =	vst v6;
	v17 =	vadd.f32 v5, v18  }
0x269: {  	v8 =	vld [tilespmem:s31+$0x55A0];
	v16 =	vadd.f32 v4, v63;
	v6 =	vmul.f32 v25, v53;
	[tilespmem:s31+$0xF530] =	vst v15;
	v15 =	vmul.f32 v26, v53  }
0x26a: {  	v31 =	vld [tilespmem:s31+$0x5660];
	v51 =	vadd.f32 v14, v63;
	[tilespmem:s31+$0xF540] =	vst v17;
	v17 =	vmul.f32 v19, v53;
	v19 =	vbroadcast v1, $0xB  }
0x26b: {  	v29 =	vld [tilespmem:s31+$0x5620];
	v60 =	vbroadcast v0, $0xB;
	[tilespmem:s31+$0xF4B0] =	vst v16;
	v25 =	vadd.f32 v6, v18  }
0x26c: {  	v3 =	vld [tilespmem:s31+$0x5640];
	[tilespmem:s31+$0xF4C0] =	vst v51;
	v15 =	vadd.f32 v15, v18;
	v17 =	vadd.f32 v17, v18;
	v18 =	vmul.f32 v2, v19  }
0x26d: {  	v12 =	vld [tilespmem:s31+$0x5650];
	[tilespmem:s31+$0xF550] =	vst v25;
	v7 =	vmul.f32 v7, v19  }
0x26e: {  	v22 =	vld [tilespmem:s31+$0x5670];
	v8 =	vmul.f32 v8, v19;
	[tilespmem:s31+$0xF560] =	vst v15;
	v15 =	vadd.f32 v18, v60  }
0x26f: {  	v27 =	vld [tilespmem:s31+$0x5600];
	v9 =	vmul.f32 v9, v19;
	[tilespmem:s31+$0xF570] =	vst v17;
	v7 =	vadd.f32 v7, v60  }
0x270: {  	v28 =	vld [tilespmem:s31+$0x5610];
	v8 =	vadd.f32 v8, v60;
	[tilespmem:s31+$0xF580] =	vst v15;
	v15 =	vmul.f32 v20, v19  }
0x271: {  	v34 =	vld [tilespmem:s31+$0x56A0];
	v10 =	vmul.f32 v10, v19;
	v9 =	vadd.f32 v9, v60;
	[tilespmem:s31+$0xF590] =	vst v7  }
0x272: {  	v48 =	vld [tilespmem:s31+$0x56D0];
	v11 =	vmul.f32 v11, v19;
	[tilespmem:s31+$0xF5A0] =	vst v8;
	v7 =	vadd.f32 v15, v60;
	v15 =	vbroadcast v1, $0xC  }
0x273: {  	v50 =	vld [tilespmem:s31+$0x56F0];
	v10 =	vadd.f32 v10, v60;
	v8 =	vmul.f32 v21, v19;
	[tilespmem:s31+$0xF5C0] =	vst v9  }
0x274: {  	v54 =	vld [tilespmem:s31+$0x5730];
	v11 =	vadd.f32 v11, v60;
	[tilespmem:s31+$0xF5B0] =	vst v7;
	v7 =	vbroadcast v0, $0xC;
	v17 =	vmul.f32 v27, v15  }
0x275: {  	v55 =	vld [tilespmem:s31+$0x5740];
	[tilespmem:s31+$0xF5D0] =	vst v10;
	v8 =	vadd.f32 v8, v60;
	v9 =	vmul.f32 v28, v15  }
0x276: {  	v56 =	vld [tilespmem:s31+$0x5750];
	[tilespmem:s31+$0xF5E0] =	vst v11;
	v10 =	vmul.f32 v29, v15;
	v17 =	vadd.f32 v17, v7  }
0x277: {  	v32 =	vld [tilespmem:s31+$0x5690];
	v11 =	vmul.f32 v30, v15;
	[tilespmem:s31+$0xF5F0] =	vst v8;
	v9 =	vadd.f32 v9, v7  }
0x278: {  	v13 =	vld [tilespmem:s31+$0x5680];
	v3 =	vmul.f32 v3, v15;
	v8 =	vadd.f32 v10, v7;
	[tilespmem:s31+$0xF600] =	vst v17  }
0x279: {  	v57 =	vld [tilespmem:s31+$0x5760];
	v10 =	vmul.f32 v12, v15;
	v11 =	vadd.f32 v11, v7;
	v12 =	vbroadcast v1, $0xD;
	[tilespmem:s31+$0xF610] =	vst v9  }
0x27a: {  	v35 =	vld [tilespmem:s31+$0x56B0];
	v3 =	vadd.f32 v3, v7;
	v9 =	vmul.f32 v31, v15;
	[tilespmem:s31+$0xF620] =	vst v8;
	v8 =	vmul.f32 v22, v15  }
0x27b: {  	v58 =	vld [tilespmem:s31+$0x5780];
	v10 =	vadd.f32 v10, v7;
	[tilespmem:s31+$0xF630] =	vst v11;
	v11 =	vbroadcast v0, $0xD  }
0x27c: {  	v59 =	vld [tilespmem:s31+$0x57B0];
	[tilespmem:s31+$0xF640] =	vst v3;
	v9 =	vadd.f32 v9, v7;
	v3 =	vadd.f32 v8, v7;
	v7 =	vmul.f32 v32, v12  }
0x27d: {  	v61 =	vld [tilespmem:s31+$0x57D0];
	v13 =	vmul.f32 v13, v12;
	[tilespmem:s31+$0xF650] =	vst v10  }
0x27e: {  	v62 =	vld [tilespmem:s31+$0x57E0];
	v8 =	vmul.f32 v34, v12;
	[tilespmem:s31+$0xF660] =	vst v9;
	v7 =	vadd.f32 v7, v11  }
0x27f: {  	v4 =	vld [tilespmem:s31+$0x5700];
	v10 =	vadd.f32 v13, v11;
	[tilespmem:s31+$0xF670] =	vst v3;
	v3 =	vmul.f32 v35, v12  }
0x280: {  	v14 =	vld [tilespmem:s31+$0x5710];
	v8 =	vadd.f32 v8, v11;
	[tilespmem:s31+$0xF690] =	vst v7;
	v7 =	vmul.f32 v42, v12  }
0x281: {  	v63 =	vld [tilespmem:s31+$0x57F0];
	[tilespmem:s31+$0xF680] =	vst v10;
	v3 =	vadd.f32 v3, v11  }
0x282: {  	s0 =	simm.s32 $0x800;
	v16 =	vld [tilespmem:s31+$0x5720];
	[tilespmem:s31+$0xF6A0] =	vst v8;
	v8 =	vmul.f32 v48, v12;
	v7 =	vadd.f32 v7, v11  }
0x283: {  	v17 =	vld [tilespmem:s0+$0x5000];
	[tilespmem:s31+$0xF6B0] =	vst v3;
	v3 =	vmul.f32 v49, v12  }
0x284: {  	v10 =	vbroadcast v1, $0xE;
	v8 =	vadd.f32 v8, v11;
	v15 =	vld [tilespmem:s0+$0x5010];
	[tilespmem:s31+$0xF6C0] =	vst v7;
	v7 =	vmul.f32 v50, v12  }
0x285: {  	v23 =	vld [tilespmem:s31+$0x5770];
	v3 =	vadd.f32 v3, v11  }
0x286: {  	v4 =	vmul.f32 v4, v10;
	v18 =	vld [tilespmem:s0+$0x5020];
	[tilespmem:s31+$0xF6D0] =	vst v8;
	v8 =	vbroadcast v0, $0xE;
	v7 =	vadd.f32 v7, v11  }
0x287: {  	v19 =	vld [tilespmem:s0+$0x5030];
	[tilespmem:s31+$0xF6E0] =	vst v3;
	v3 =	vmul.f32 v14, v10  }
0x288: {  	v21 =	vld [tilespmem:s0+$0x5040];
	v4 =	vadd.f32 v4, v8;
	[tilespmem:s31+$0xF6F0] =	vst v7;
	v7 =	vmul.f32 v16, v10  }
0x289: {  	v5 =	vld [tilespmem:s31+$0x5790];
	v3 =	vadd.f32 v3, v8  }
0x28a: {  	v20 =	vld [tilespmem:s0+$0x5050];
	[tilespmem:s31+$0xF700] =	vst v4;
	v4 =	vmul.f32 v54, v10;
	v7 =	vadd.f32 v7, v8  }
0x28b: {  	v16 =	vld [tilespmem:s0+$0x5060];
	[tilespmem:s31+$0xF710] =	vst v3;
	v3 =	vmul.f32 v55, v10  }
0x28c: {  	v13 =	vld [tilespmem:s0+$0x5070];
	v4 =	vadd.f32 v4, v8;
	[tilespmem:s31+$0xF720] =	vst v7;
	v7 =	vmul.f32 v56, v10  }
0x28d: {  	v6 =	vld [tilespmem:s31+$0x57A0];
	v3 =	vadd.f32 v3, v8  }
0x28e: {  	v1 =	vbroadcast v1, $0xF;
	v14 =	vld [tilespmem:s0+$0x5080];
	[tilespmem:s31+$0xF730] =	vst v4;
	v4 =	vmul.f32 v57, v10;
	v7 =	vadd.f32 v7, v8  }
0x28f: {  	v11 =	vld [tilespmem:s0+$0x5090];
	[tilespmem:s31+$0xF740] =	vst v3;
	v3 =	vmul.f32 v23, v10  }
0x290: {  	v0 =	vbroadcast v0, $0xF;
	v9 =	vld [tilespmem:s0+$0x50A0];
	v4 =	vadd.f32 v4, v8;
	[tilespmem:s31+$0xF750] =	vst v7;
	v7 =	vmul.f32 v58, v1  }
0x291: {  	v2 =	vld [tilespmem:s31+$0x57C0];
	v3 =	vadd.f32 v3, v8  }
0x292: {  	v12 =	vld [tilespmem:s0+$0x50B0];
	[tilespmem:s31+$0xF760] =	vst v4;
	v4 =	vmul.f32 v5, v1;
	v5 =	vadd.f32 v7, v0  }
0x293: {  	v10 =	vld [tilespmem:s0+$0x50C0];
	[tilespmem:s31+$0xF770] =	vst v3;
	v3 =	vmul.f32 v6, v1  }
0x294: {  	v8 =	vld [tilespmem:s0+$0x50D0];
	v4 =	vadd.f32 v4, v0;
	[tilespmem:s31+$0xF780] =	vst v5;
	v5 =	vmul.f32 v59, v1  }
0x295: {  	v3 =	vadd.f32 v3, v0  }
0x296: {  	v2 =	vmul.f32 v2, v1;
	v6 =	vld [tilespmem:s0+$0x50E0];
	[tilespmem:s31+$0xF790] =	vst v4;
	v4 =	vadd.f32 v5, v0  }
0x297: {  	v22 =	vmul.f32 v61, v1;
	v7 =	vld [tilespmem:s0+$0x50F0];
	[tilespmem:s31+$0xF7A0] =	vst v3  }
0x298: {  	v2 =	vadd.f32 v2, v0;
	v5 =	vld [tilespmem:s0+$0x5100];
	[tilespmem:s31+$0xF7B0] =	vst v4;
	v4 =	vmul.f32 v62, v1  }
0x299: {  	v22 =	vadd.f32 v22, v0;
	v1 =	vmul.f32 v63, v1  }
0x29a: {  	v3 =	vld [tilespmem:s0+$0x5110];
	[tilespmem:s31+$0xF7C0] =	vst v2;
	v23 =	vadd.f32 v4, v0  }
0x29b: {  	v2 =	vld [tilespmem:s0+$0x5120];
	[tilespmem:s31+$0xF7D0] =	vst v22;
	v0 =	vadd.f32 v1, v0  }
0x29c: {  	s3 =	simm.s32 $0x10;
	s4 =	simm.s32 $0x2;
	v4 =	vld [tilespmem:s0+$0x5130];
	[tilespmem:s31+$0xF7E0] =	vst v23  }
.LBB2_6:
0x29d: {  	p1 =	sne.s32 s4, $0x9;
	s3 =	sand.u32 $0x3FFFFFF0, s3;
	v33 =	vld [tilespmem:s0+$0x5140];
	[tilespmem:s31+$0xF7F0] =	vst v0;
	s31 =	smov.u32 s0  }
0x29e: {  	v0 =	vld [tilespmem:s3+$0x14100]  }
0x29f: {  	v34 =	vld [tilespmem:s31+$0x5150]  }
0x2a0: {  	v35 =	vld [tilespmem:s31+$0x5160]  }
0x2a1: {  	v36 =	vld [tilespmem:s31+$0x5170]  }
0x2a2: {  	v37 =	vld [tilespmem:s31+$0x5180]  }
0x2a3: {  	v30 =	vld [tilespmem:s31+$0x5190]  }
0x2a4: {  	v31 =	vld [tilespmem:s31+$0x51A0]  }
0x2a5: {  	v27 =	vld [tilespmem:s31+$0x51B0]  }
0x2a6: {  	v1 =	vld.idx.msk [tilespmem:v0+s16+$0x0], $0xffff  }
0x2a7: {  	v32 =	vld [tilespmem:s31+$0x51C0]  }
0x2a8: {  	v0 =	vld.idx.msk [tilespmem:v0+s18+$0x0], $0xffff  }
0x2a9: {  	v29 =	vld [tilespmem:s31+$0x51D0]  }
0x2aa: {  	v26 =	vld [tilespmem:s31+$0x51E0]  }
0x2ab: {  	v25 =	vld [tilespmem:s31+$0x51F0]  }
0x2ac: {  	v38 =	vbroadcast v1, $0x0;
	v39 =	vbroadcast v1, $0x1;
	v22 =	vld [tilespmem:s31+$0x5200]  }
0x2ad: {  	v40 =	vbroadcast v1, $0x2;
	v28 =	vbroadcast v1, $0x3;
	v23 =	vld [tilespmem:s31+$0x5210]  }
0x2ae: {  	v41 =	vmul.f32 v17, v38;
	v42 =	vbroadcast v0, $0x0;
	v17 =	vld [tilespmem:s31+$0x5220]  }
0x2af: {  	v15 =	vmul.f32 v15, v38;
	v43 =	vmul.f32 v18, v38;
	v24 =	vld [tilespmem:s31+$0x5230]  }
0x2b0: {  	v19 =	vmul.f32 v19, v38;
	v21 =	vmul.f32 v21, v38;
	v41 =	vadd.f32 v41, v42;
	v18 =	vld [tilespmem:s31+$0x5240]  }
0x2b1: {  	v20 =	vmul.f32 v20, v38;
	v44 =	vadd.f32 v15, v42;
	v43 =	vadd.f32 v43, v42;
	v15 =	vld [tilespmem:s31+$0x5250]  }
0x2b2: {  	v19 =	vadd.f32 v19, v42;
	v21 =	vadd.f32 v21, v42;
	[tilespmem:s31+$0xF000] =	vst v41;
	v41 =	vmul.f32 v16, v38;
	v16 =	vld [tilespmem:s31+$0x5260]  }
0x2b3: {  	v14 =	vmul.f32 v14, v39;
	v20 =	vadd.f32 v20, v42;
	v38 =	vmul.f32 v13, v38;
	[tilespmem:s31+$0xF010] =	vst v44;
	v13 =	vld [tilespmem:s31+$0x5270]  }
0x2b4: {  	v44 =	vmul.f32 v11, v39;
	[tilespmem:s31+$0xF020] =	vst v43;
	v41 =	vadd.f32 v41, v42;
	v43 =	vbroadcast v0, $0x1;
	v11 =	vld [tilespmem:s31+$0x5280]  }
0x2b5: {  	v12 =	vmul.f32 v12, v39;
	[tilespmem:s31+$0xF030] =	vst v19;
	v19 =	vadd.f32 v38, v42;
	v38 =	vmul.f32 v9, v39;
	v9 =	vld [tilespmem:s31+$0x5290]  }
0x2b6: {  	v42 =	vmul.f32 v10, v39;
	[tilespmem:s31+$0xF040] =	vst v21;
	v14 =	vadd.f32 v14, v43;
	v21 =	vadd.f32 v44, v43;
	v10 =	vld [tilespmem:s31+$0x52A0]  }
0x2b7: {  	v12 =	vadd.f32 v12, v43;
	[tilespmem:s31+$0xF050] =	vst v20;
	v20 =	vadd.f32 v38, v43;
	v38 =	vmul.f32 v8, v39;
	v8 =	vld [tilespmem:s31+$0x52B0]  }
0x2b8: {  	v7 =	vmul.f32 v7, v39;
	[tilespmem:s31+$0xF060] =	vst v41;
	v41 =	vadd.f32 v42, v43;
	v42 =	vmul.f32 v6, v39;
	v6 =	vld [tilespmem:s31+$0x52C0]  }
0x2b9: {  	v5 =	vmul.f32 v5, v40;
	[tilespmem:s31+$0xF070] =	vst v19;
	v19 =	vadd.f32 v38, v43;
	v38 =	vbroadcast v0, $0x2;
	v39 =	vld [tilespmem:s31+$0x52D0]  }
0x2ba: {  	v3 =	vmul.f32 v3, v40;
	v7 =	vadd.f32 v7, v43;
	[tilespmem:s31+$0xF080] =	vst v14;
	v14 =	vadd.f32 v42, v43;
	v42 =	vld [tilespmem:s31+$0x52E0]  }
0x2bb: {  	v4 =	vmul.f32 v4, v40;
	[tilespmem:s31+$0xF090] =	vst v21;
	v5 =	vadd.f32 v5, v38;
	v21 =	vmul.f32 v2, v40;
	v43 =	vld [tilespmem:s31+$0x52F0]  }
0x2bc: {  	v33 =	vmul.f32 v33, v40;
	v34 =	vmul.f32 v34, v40;
	[tilespmem:s31+$0xF0A0] =	vst v20;
	v20 =	vadd.f32 v3, v38;
	v2 =	vld [tilespmem:s31+$0x5300]  }
0x2bd: {  	v4 =	vadd.f32 v4, v38;
	[tilespmem:s31+$0xF0B0] =	vst v12;
	v12 =	vadd.f32 v21, v38;
	v21 =	vmul.f32 v35, v40;
	v3 =	vld [tilespmem:s31+$0x5310]  }
0x2be: {  	v33 =	vadd.f32 v33, v38;
	v34 =	vadd.f32 v34, v38;
	v35 =	vmul.f32 v36, v40;
	[tilespmem:s31+$0xF0C0] =	vst v41;
	v36 =	vld [tilespmem:s31+$0x5320]  }
0x2bf: {  	[tilespmem:s31+$0xF0D0] =	vst v19;
	v19 =	vadd.f32 v21, v38;
	v21 =	vmul.f32 v37, v28;
	v37 =	vbroadcast v0, $0x3;
	v40 =	vld [tilespmem:s31+$0x5330]  }
0x2c0: {  	v30 =	vmul.f32 v30, v28;
	v31 =	vmul.f32 v31, v28;
	[tilespmem:s31+$0xF0E0] =	vst v14;
	v14 =	vadd.f32 v35, v38;
	v35 =	vld [tilespmem:s31+$0x5340]  }
0x2c1: {  	[tilespmem:s31+$0xF0F0] =	vst v7;
	v7 =	vadd.f32 v21, v37;
	v21 =	vmul.f32 v27, v28;
	v27 =	vmul.f32 v32, v28;
	v32 =	vld [tilespmem:s31+$0x5350]  }
0x2c2: {  	v29 =	vmul.f32 v29, v28;
	[tilespmem:s31+$0xF100] =	vst v5;
	v5 =	vadd.f32 v30, v37;
	v30 =	vadd.f32 v31, v37;
	v31 =	vld [tilespmem:s31+$0x5360]  }
0x2c3: {  	v26 =	vmul.f32 v26, v28;
	[tilespmem:s31+$0xF110] =	vst v20;
	v20 =	vadd.f32 v21, v37;
	v21 =	vadd.f32 v27, v37;
	v27 =	vld [tilespmem:s31+$0x5370]  }
0x2c4: {  	v25 =	vmul.f32 v25, v28;
	v28 =	vbroadcast v1, $0x4;
	[tilespmem:s31+$0xF120] =	vst v12;
	v12 =	vadd.f32 v29, v37;
	v29 =	vld [tilespmem:s31+$0x5380]  }
0x2c5: {  	v38 =	vbroadcast v1, $0x5;
	[tilespmem:s31+$0xF130] =	vst v4;
	v4 =	vadd.f32 v26, v37;
	v26 =	vbroadcast v0, $0x4;
	v41 =	vld [tilespmem:s31+$0x5390]  }
0x2c6: {  	v25 =	vadd.f32 v25, v37;
	v22 =	vmul.f32 v22, v28;
	v23 =	vmul.f32 v23, v28;
	[tilespmem:s31+$0xF140] =	vst v33;
	v33 =	vld [tilespmem:s31+$0x53A0]  }
0x2c7: {  	v17 =	vmul.f32 v17, v28;
	v24 =	vmul.f32 v24, v28;
	[tilespmem:s31+$0xF150] =	vst v34;
	v34 =	vld [tilespmem:s31+$0x53B0]  }
0x2c8: {  	v18 =	vmul.f32 v18, v28;
	[tilespmem:s31+$0xF160] =	vst v19;
	v19 =	vadd.f32 v22, v26;
	v22 =	vadd.f32 v23, v26;
	v23 =	vld [tilespmem:s31+$0x53C0]  }
0x2c9: {  	v15 =	vmul.f32 v15, v28;
	[tilespmem:s31+$0xF170] =	vst v14;
	v14 =	vadd.f32 v17, v26;
	v17 =	vadd.f32 v24, v26;
	v24 =	vld [tilespmem:s31+$0x53D0]  }
0x2ca: {  	v16 =	vmul.f32 v16, v28;
	v13 =	vmul.f32 v13, v28;
	[tilespmem:s31+$0xF180] =	vst v7;
	v7 =	vadd.f32 v18, v26;
	v18 =	vld [tilespmem:s31+$0x53E0]  }
0x2cb: {  	v11 =	vmul.f32 v11, v38;
	[tilespmem:s31+$0xF190] =	vst v5;
	v5 =	vadd.f32 v15, v26;
	v15 =	vbroadcast v0, $0x5;
	v28 =	vld [tilespmem:s31+$0x53F0]  }
0x2cc: {  	v9 =	vmul.f32 v9, v38;
	v16 =	vadd.f32 v16, v26;
	v13 =	vadd.f32 v13, v26;
	[tilespmem:s31+$0xF1A0] =	vst v30;
	v26 =	vld [tilespmem:s31+$0x5400]  }
0x2cd: {  	v10 =	vmul.f32 v10, v38;
	v8 =	vmul.f32 v8, v38;
	[tilespmem:s31+$0xF1B0] =	vst v20;
	v11 =	vadd.f32 v11, v15;
	v20 =	vld [tilespmem:s31+$0x5410]  }
0x2ce: {  	v6 =	vmul.f32 v6, v38;
	v9 =	vadd.f32 v9, v15;
	[tilespmem:s31+$0xF1C0] =	vst v21;
	v21 =	vmul.f32 v39, v38;
	v30 =	vld [tilespmem:s31+$0x5420]  }
0x2cf: {  	v10 =	vadd.f32 v10, v15;
	v8 =	vadd.f32 v8, v15;
	[tilespmem:s31+$0xF1D0] =	vst v12;
	v12 =	vmul.f32 v42, v38;
	v37 =	vld [tilespmem:s31+$0x5430]  }
0x2d0: {  	[tilespmem:s31+$0xF1E0] =	vst v4;
	v4 =	vadd.f32 v6, v15;
	v6 =	vadd.f32 v21, v15;
	v21 =	vmul.f32 v43, v38;
	v38 =	vld [tilespmem:s31+$0x5440]  }
0x2d1: {  	v39 =	vbroadcast v0, $0x6;
	[tilespmem:s31+$0xF1F0] =	vst v25;
	v12 =	vadd.f32 v12, v15;
	v25 =	vbroadcast v1, $0x6;
	v42 =	vld [tilespmem:s31+$0x5450]  }
0x2d2: {  	[tilespmem:s31+$0xF200] =	vst v19;
	v15 =	vadd.f32 v21, v15;
	v19 =	vbroadcast v1, $0x7;
	v21 =	vbroadcast v0, $0x7;
	v43 =	vld [tilespmem:s31+$0x5460]  }
0x2d3: {  	[tilespmem:s31+$0xF210] =	vst v22;
	v2 =	vmul.f32 v2, v25;
	v3 =	vmul.f32 v3, v25;
	v22 =	vld [tilespmem:s31+$0x5470]  }
0x2d4: {  	[tilespmem:s31+$0xF220] =	vst v14;
	v14 =	vmul.f32 v36, v25;
	v36 =	vmul.f32 v40, v25;
	v40 =	vld [tilespmem:s31+$0x5480]  }
0x2d5: {  	[tilespmem:s31+$0xF230] =	vst v17;
	v2 =	vadd.f32 v2, v39;
	v3 =	vadd.f32 v3, v39;
	v17 =	vmul.f32 v35, v25;
	v35 =	vld [tilespmem:s31+$0x5490]  }
0x2d6: {  	v32 =	vmul.f32 v32, v25;
	[tilespmem:s31+$0xF240] =	vst v7;
	v7 =	vadd.f32 v14, v39;
	v14 =	vadd.f32 v36, v39;
	v36 =	vld [tilespmem:s31+$0x54A0]  }
0x2d7: {  	[tilespmem:s31+$0xF250] =	vst v5;
	v5 =	vadd.f32 v17, v39;
	v17 =	vmul.f32 v31, v25;
	v25 =	vmul.f32 v27, v25;
	v27 =	vld [tilespmem:s31+$0x54B0]  }
0x2d8: {  	v29 =	vmul.f32 v29, v19;
	v31 =	vmul.f32 v41, v19;
	[tilespmem:s31+$0xF260] =	vst v16;
	v16 =	vadd.f32 v32, v39;
	v32 =	vld [tilespmem:s31+$0x54C0]  }
0x2d9: {  	[tilespmem:s31+$0xF270] =	vst v13;
	v13 =	vadd.f32 v17, v39;
	v17 =	vadd.f32 v25, v39;
	v25 =	vmul.f32 v33, v19;
	v33 =	vld [tilespmem:s31+$0x54D0]  }
0x2da: {  	[tilespmem:s31+$0xF280] =	vst v11;
	v11 =	vadd.f32 v29, v21;
	v29 =	vadd.f32 v31, v21;
	v31 =	vmul.f32 v34, v19;
	v34 =	vld [tilespmem:s31+$0x54E0]  }
0x2db: {  	v23 =	vmul.f32 v23, v19;
	v24 =	vmul.f32 v24, v19;
	[tilespmem:s31+$0xF290] =	vst v9;
	v9 =	vadd.f32 v25, v21;
	v25 =	vld [tilespmem:s31+$0x54F0]  }
0x2dc: {  	v18 =	vmul.f32 v18, v19;
	v19 =	vmul.f32 v28, v19;
	[tilespmem:s31+$0xF2A0] =	vst v10;
	v10 =	vadd.f32 v31, v21;
	v28 =	vld [tilespmem:s31+$0x5500]  }
0x2dd: {  	[tilespmem:s31+$0xF2B0] =	vst v8;
	v8 =	vadd.f32 v23, v21;
	v23 =	vadd.f32 v24, v21;
	v24 =	vbroadcast v1, $0x8;
	v31 =	vld [tilespmem:s31+$0x5510]  }
0x2de: {  	[tilespmem:s31+$0xF2C0] =	vst v4;
	v4 =	vadd.f32 v18, v21;
	v18 =	vadd.f32 v19, v21;
	v19 =	vbroadcast v0, $0x8;
	v21 =	vld [tilespmem:s31+$0x5520]  }
0x2df: {  	[tilespmem:s31+$0xF2D0] =	vst v6;
	v6 =	vmul.f32 v26, v24;
	v20 =	vmul.f32 v20, v24;
	v26 =	vld [tilespmem:s31+$0x5530]  }
0x2e0: {  	[tilespmem:s31+$0xF2E0] =	vst v12;
	v12 =	vmul.f32 v30, v24;
	v30 =	vmul.f32 v37, v24;
	v37 =	vld [tilespmem:s31+$0x5540]  }
0x2e1: {  	[tilespmem:s31+$0xF2F0] =	vst v15;
	v6 =	vadd.f32 v6, v19;
	v15 =	vadd.f32 v20, v19;
	v20 =	vmul.f32 v38, v24;
	v38 =	vld [tilespmem:s31+$0x5550]  }
0x2e2: {  	[tilespmem:s31+$0xF300] =	vst v2;
	v2 =	vadd.f32 v12, v19;
	v12 =	vadd.f32 v30, v19;
	v30 =	vmul.f32 v42, v24;
	v39 =	vld [tilespmem:s31+$0x5560]  }
0x2e3: {  	v22 =	vmul.f32 v22, v24;
	[tilespmem:s31+$0xF310] =	vst v3;
	v3 =	vadd.f32 v20, v19;
	v20 =	vmul.f32 v43, v24;
	v24 =	vld [tilespmem:s31+$0x5570]  }
0x2e4: {  	v41 =	vbroadcast v0, $0x9;
	[tilespmem:s31+$0xF320] =	vst v7;
	v30 =	vadd.f32 v30, v19;
	v7 =	vbroadcast v1, $0x9;
	v42 =	vld [tilespmem:s31+$0x5580]  }
0x2e5: {  	[tilespmem:s31+$0xF330] =	vst v14;
	v14 =	vadd.f32 v20, v19;
	v19 =	vadd.f32 v22, v19;
	v20 =	vbroadcast v1, $0xA;
	v22 =	vld [tilespmem:s31+$0x5590]  }
0x2e6: {  	[tilespmem:s31+$0xF340] =	vst v5;
	v5 =	vmul.f32 v40, v7;
	v35 =	vmul.f32 v35, v7;
	v40 =	vld [tilespmem:s31+$0x55A0]  }
0x2e7: {  	v27 =	vmul.f32 v27, v7;
	[tilespmem:s31+$0xF350] =	vst v16;
	v16 =	vmul.f32 v36, v7;
	v36 =	vld [tilespmem:s31+$0x55B0]  }
0x2e8: {  	[tilespmem:s31+$0xF360] =	vst v13;
	v13 =	vadd.f32 v5, v41;
	v35 =	vadd.f32 v35, v41;
	v5 =	vmul.f32 v32, v7;
	v32 =	vld [tilespmem:s31+$0x55C0]  }
0x2e9: {  	[tilespmem:s31+$0xF370] =	vst v17;
	v16 =	vadd.f32 v16, v41;
	v17 =	vadd.f32 v27, v41;
	v27 =	vmul.f32 v33, v7;
	v33 =	vld [tilespmem:s31+$0x55D0]  }
0x2ea: {  	[tilespmem:s31+$0xF380] =	vst v11;
	v43 =	vadd.f32 v5, v41;
	v5 =	vmul.f32 v34, v7;
	v7 =	vmul.f32 v25, v7;
	v11 =	vld [tilespmem:s31+$0x55E0]  }
0x2eb: {  	[tilespmem:s31+$0xF390] =	vst v29;
	v25 =	vadd.f32 v27, v41;
	v27 =	vmul.f32 v28, v20;
	v28 =	vbroadcast v0, $0xA;
	v29 =	vld [tilespmem:s31+$0x55F0]  }
0x2ec: {  	[tilespmem:s31+$0xF3A0] =	vst v9;
	v34 =	vadd.f32 v5, v41;
	v41 =	vadd.f32 v7, v41;
	v5 =	vmul.f32 v31, v20;
	v9 =	vld [tilespmem:s31+$0x5600]  }
0x2ed: {  	v7 =	vmul.f32 v21, v20;
	[tilespmem:s31+$0xF3B0] =	vst v10;
	v27 =	vadd.f32 v27, v28;
	v10 =	vmul.f32 v26, v20;
	v21 =	vld [tilespmem:s31+$0x5610]  }
0x2ee: {  	[tilespmem:s31+$0xF3C0] =	vst v8;
	v26 =	vadd.f32 v5, v28;
	v5 =	vmul.f32 v37, v20;
	v8 =	vmul.f32 v38, v20;
	v31 =	vld [tilespmem:s31+$0x5620]  }
0x2ef: {  	[tilespmem:s31+$0xF3D0] =	vst v23;
	v23 =	vadd.f32 v7, v28;
	v37 =	vadd.f32 v10, v28;
	v7 =	vmul.f32 v39, v20;
	v38 =	vld [tilespmem:s31+$0x5630]  }
0x2f0: {  	[tilespmem:s31+$0xF3E0] =	vst v4;
	v39 =	vadd.f32 v5, v28;
	v4 =	vadd.f32 v8, v28;
	v8 =	vmul.f32 v24, v20;
	v20 =	vld [tilespmem:s31+$0x5640]  }
0x2f1: {  	v10 =	vbroadcast v1, $0xB;
	[tilespmem:s31+$0xF3F0] =	vst v18;
	v5 =	vadd.f32 v7, v28;
	v18 =	vbroadcast v0, $0xB;
	v24 =	vld [tilespmem:s31+$0x5650]  }
0x2f2: {  	v44 =	vbroadcast v0, $0xC;
	[tilespmem:s31+$0xF400] =	vst v6;
	v6 =	vadd.f32 v8, v28;
	v28 =	vbroadcast v1, $0xC;
	v45 =	vld [tilespmem:s31+$0x5660]  }
0x2f3: {  	v7 =	vmul.f32 v42, v10;
	v8 =	vmul.f32 v22, v10;
	[tilespmem:s31+$0xF410] =	vst v15;
	v15 =	vld [tilespmem:s31+$0x5670]  }
0x2f4: {  	v22 =	vmul.f32 v36, v10;
	[tilespmem:s31+$0xF420] =	vst v2;
	v2 =	vmul.f32 v40, v10;
	v36 =	vld [tilespmem:s31+$0x5680]  }
0x2f5: {  	v40 =	vadd.f32 v7, v18;
	v42 =	vadd.f32 v8, v18;
	v8 =	vmul.f32 v32, v10;
	[tilespmem:s31+$0xF430] =	vst v12;
	v32 =	vld [tilespmem:s31+$0x5690]  }
0x2f6: {  	v7 =	vadd.f32 v22, v18;
	[tilespmem:s31+$0xF440] =	vst v3;
	v46 =	vadd.f32 v2, v18;
	v2 =	vmul.f32 v33, v10;
	v22 =	vld [tilespmem:s31+$0x56A0]  }
0x2f7: {  	v8 =	vadd.f32 v8, v18;
	v3 =	vmul.f32 v11, v10;
	v11 =	vmul.f32 v29, v10;
	[tilespmem:s31+$0xF450] =	vst v30;
	v29 =	vld [tilespmem:s31+$0x56B0]  }
0x2f8: {  	v9 =	vmul.f32 v9, v28;
	[tilespmem:s31+$0xF460] =	vst v14;
	v10 =	vadd.f32 v2, v18;
	v14 =	vmul.f32 v21, v28;
	v21 =	vld [tilespmem:s31+$0x56C0]  }
0x2f9: {  	v12 =	vadd.f32 v3, v18;
	v2 =	vadd.f32 v11, v18;
	v11 =	vmul.f32 v31, v28;
	[tilespmem:s31+$0xF470] =	vst v19;
	v18 =	vld [tilespmem:s31+$0x56D0]  }
0x2fa: {  	v9 =	vadd.f32 v9, v44;
	[tilespmem:s31+$0xF480] =	vst v13;
	v3 =	vadd.f32 v14, v44;
	v13 =	vmul.f32 v38, v28;
	v14 =	vld [tilespmem:s31+$0x56E0]  }
0x2fb: {  	v19 =	vmul.f32 v20, v28;
	v20 =	vmul.f32 v24, v28;
	v11 =	vadd.f32 v11, v44;
	[tilespmem:s31+$0xF490] =	vst v35;
	v24 =	vld [tilespmem:s31+$0x56F0]  }
0x2fc: {  	v15 =	vmul.f32 v15, v28;
	[tilespmem:s31+$0xF4A0] =	vst v16;
	v13 =	vadd.f32 v13, v44;
	v16 =	vmul.f32 v45, v28;
	v28 =	vld [tilespmem:s31+$0x5700]  }
0x2fd: {  	[tilespmem:s31+$0xF4B0] =	vst v17;
	v17 =	vadd.f32 v19, v44;
	v19 =	vadd.f32 v20, v44;
	v20 =	vbroadcast v1, $0xD;
	v30 =	vld [tilespmem:s31+$0x5710]  }
0x2fe: {  	v31 =	vbroadcast v0, $0xD;
	v15 =	vadd.f32 v15, v44;
	[tilespmem:s31+$0xF4C0] =	vst v43;
	v16 =	vadd.f32 v16, v44;
	v33 =	vld [tilespmem:s31+$0x5720]  }
0x2ff: {  	[tilespmem:s31+$0xF4D0] =	vst v25;
	v25 =	vmul.f32 v36, v20;
	v32 =	vmul.f32 v32, v20;
	v35 =	vld [tilespmem:s31+$0x5730]  }
0x300: {  	v22 =	vmul.f32 v22, v20;
	v29 =	vmul.f32 v29, v20;
	[tilespmem:s31+$0xF4E0] =	vst v34;
	v34 =	vld [tilespmem:s31+$0x5740]  }
0x301: {  	v21 =	vmul.f32 v21, v20;
	[tilespmem:s31+$0xF4F0] =	vst v41;
	v25 =	vadd.f32 v25, v31;
	v32 =	vadd.f32 v32, v31;
	v36 =	vld [tilespmem:s31+$0x5750]  }
0x302: {  	v18 =	vmul.f32 v18, v20;
	v22 =	vadd.f32 v22, v31;
	[tilespmem:s31+$0xF500] =	vst v27;
	v27 =	vadd.f32 v29, v31;
	v29 =	vld [tilespmem:s31+$0x5760]  }
0x303: {  	v14 =	vmul.f32 v14, v20;
	v20 =	vmul.f32 v24, v20;
	v21 =	vadd.f32 v21, v31;
	[tilespmem:s31+$0xF510] =	vst v26;
	v24 =	vld [tilespmem:s31+$0x5770]  }
0x304: {  	v26 =	vbroadcast v0, $0xE;
	[tilespmem:s31+$0xF520] =	vst v23;
	v23 =	vadd.f32 v18, v31;
	v18 =	vbroadcast v1, $0xE;
	v38 =	vld [tilespmem:s31+$0x5780]  }
0x305: {  	v14 =	vadd.f32 v14, v31;
	v20 =	vadd.f32 v20, v31;
	v1 =	vbroadcast v1, $0xF;
	[tilespmem:s31+$0xF530] =	vst v37;
	v31 =	vld [tilespmem:s31+$0x5790]  }
0x306: {  	[tilespmem:s31+$0xF540] =	vst v39;
	v28 =	vmul.f32 v28, v18;
	v30 =	vmul.f32 v30, v18;
	v37 =	vld [tilespmem:s31+$0x57A0]  }
0x307: {  	[tilespmem:s31+$0xF550] =	vst v4;
	v4 =	vmul.f32 v33, v18;
	v33 =	vmul.f32 v35, v18;
	v35 =	vld [tilespmem:s31+$0x57B0]  }
0x308: {  	[tilespmem:s31+$0xF560] =	vst v5;
	v5 =	vadd.f32 v28, v26;
	v28 =	vadd.f32 v30, v26;
	v30 =	vmul.f32 v34, v18;
	v34 =	vld [tilespmem:s31+$0x57C0]  }
0x309: {  	[tilespmem:s31+$0xF570] =	vst v6;
	v4 =	vadd.f32 v4, v26;
	v6 =	vadd.f32 v33, v26;
	v33 =	vmul.f32 v36, v18;
	v36 =	vld [tilespmem:s31+$0x57D0]  }
0x30a: {  	v29 =	vmul.f32 v29, v18;
	v18 =	vmul.f32 v24, v18;
	[tilespmem:s31+$0xF580] =	vst v40;
	v30 =	vadd.f32 v30, v26;
	v24 =	vld [tilespmem:s31+$0x57E0]  }
0x30b: {  	v0 =	vbroadcast v0, $0xF;
	v38 =	vmul.f32 v38, v1;
	[tilespmem:s31+$0xF590] =	vst v42;
	v33 =	vadd.f32 v33, v26;
	v39 =	vld [tilespmem:s31+$0x57F0]  }
0x30c: {  	v29 =	vadd.f32 v29, v26;
	v26 =	vadd.f32 v18, v26;
	v18 =	vmul.f32 v31, v1;
	[tilespmem:s31+$0xF5A0] =	vst v46  }
0x30d: {  	v31 =	vmul.f32 v37, v1;
	v35 =	vmul.f32 v35, v1;
	[tilespmem:s31+$0xF5B0] =	vst v7;
	v7 =	vadd.f32 v38, v0  }
0x30e: {  	v37 =	vadd.f32 v18, v0;
	[tilespmem:s31+$0xF5C0] =	vst v8;
	v8 =	vmul.f32 v34, v1;
	v18 =	vmul.f32 v36, v1  }
0x30f: {  	v31 =	vadd.f32 v31, v0;
	v34 =	vadd.f32 v35, v0;
	[tilespmem:s31+$0xF5D0] =	vst v10;
	v10 =	vmul.f32 v24, v1  }
0x310: {  	[tilespmem:s31+$0xF5E0] =	vst v12;
	v24 =	vadd.f32 v8, v0;
	v35 =	vadd.f32 v18, v0;
	v1 =	vmul.f32 v39, v1  }
0x311: {  	[tilespmem:s31+$0xF5F0] =	vst v2;
	v36 =	vadd.f32 v10, v0  }
0x312: {  	[tilespmem:s31+$0xF600] =	vst v9;
	v0 =	vadd.f32 v1, v0  }
0x313: {  	[tilespmem:s31+$0xF610] =	vst v3  }
0x314: {  	[tilespmem:s31+$0xF620] =	vst v11  }
0x315: {  	[tilespmem:s31+$0xF630] =	vst v13  }
0x316: {  	[tilespmem:s31+$0xF640] =	vst v17  }
0x317: {  	[tilespmem:s31+$0xF650] =	vst v19  }
0x318: {  	[tilespmem:s31+$0xF660] =	vst v16  }
0x319: {  	[tilespmem:s31+$0xF670] =	vst v15  }
0x31a: {  	[tilespmem:s31+$0xF680] =	vst v25  }
0x31b: {  	[tilespmem:s31+$0xF690] =	vst v32  }
0x31c: {  	s0 =	sshll.u32 s4, $0xB;
	[tilespmem:s31+$0xF6A0] =	vst v22  }
0x31d: {  	v17 =	vld [tilespmem:s0+$0x5000];
	[tilespmem:s31+$0xF6B0] =	vst v27  }
0x31e: {  	v15 =	vld [tilespmem:s0+$0x5010];
	[tilespmem:s31+$0xF6C0] =	vst v21  }
0x31f: {  	v18 =	vld [tilespmem:s0+$0x5020];
	[tilespmem:s31+$0xF6D0] =	vst v23  }
0x320: {  	v19 =	vld [tilespmem:s0+$0x5030];
	[tilespmem:s31+$0xF6E0] =	vst v14  }
0x321: {  	v21 =	vld [tilespmem:s0+$0x5040];
	[tilespmem:s31+$0xF6F0] =	vst v20  }
0x322: {  	v20 =	vld [tilespmem:s0+$0x5050];
	[tilespmem:s31+$0xF700] =	vst v5  }
0x323: {  	v16 =	vld [tilespmem:s0+$0x5060];
	[tilespmem:s31+$0xF710] =	vst v28  }
0x324: {  	v13 =	vld [tilespmem:s0+$0x5070];
	[tilespmem:s31+$0xF720] =	vst v4  }
0x325: {  	v14 =	vld [tilespmem:s0+$0x5080];
	[tilespmem:s31+$0xF730] =	vst v6  }
0x326: {  	v11 =	vld [tilespmem:s0+$0x5090];
	[tilespmem:s31+$0xF740] =	vst v30  }
0x327: {  	v9 =	vld [tilespmem:s0+$0x50A0];
	[tilespmem:s31+$0xF750] =	vst v33  }
0x328: {  	v12 =	vld [tilespmem:s0+$0x50B0];
	[tilespmem:s31+$0xF760] =	vst v29  }
0x329: {  	v10 =	vld [tilespmem:s0+$0x50C0];
	[tilespmem:s31+$0xF770] =	vst v26  }
0x32a: {  	v8 =	vld [tilespmem:s0+$0x50D0];
	[tilespmem:s31+$0xF780] =	vst v7  }
0x32b: {  	v6 =	vld [tilespmem:s0+$0x50E0];
	[tilespmem:s31+$0xF790] =	vst v37  }
.Ltmp6:
0x32c: {  	v7 =	vld [tilespmem:s0+$0x50F0];
	[tilespmem:s31+$0xF7A0] =	vst v31;
	(pc) =	sbr.rel @p1 .LBB2_6-.Ltmp6, $4  }
0x32d: {  	v5 =	vld [tilespmem:s0+$0x5100];
	[tilespmem:s31+$0xF7B0] =	vst v34  }
0x32e: {  	v3 =	vld [tilespmem:s0+$0x5110];
	[tilespmem:s31+$0xF7C0] =	vst v24  }
0x32f: {  	v2 =	vld [tilespmem:s0+$0x5120];
	[tilespmem:s31+$0xF7D0] =	vst v35  }
0x330: {  	s3 =	sshll.u32 s4, $0x4;
	s4 =	sadd.s32 $0x1, s4;
	v4 =	vld [tilespmem:s0+$0x5130];
	[tilespmem:s31+$0xF7E0] =	vst v36  }
0x331: {  	v22 =	vld [tilespmem:s0+$0x5140];
	s3 =	sand.u32 $0x3FFFFFF0, s3;
	[tilespmem:s31+$0xF7F0] =	vst v0  }
0x332: {  	v0 =	vld [tilespmem:s3+$0x14100];
	_ =	sdelay $0x7  }
0x333: {  	v1 =	vld.idx.msk [tilespmem:v0+s16+$0x0], $0xffff;
	_ =	sdelay $0x1  }
0x334: {  	v0 =	vld.idx.msk [tilespmem:v0+s18+$0x0], $0xffff;
	_ =	sdelay $0x2  }
0x335: {  	v26 =	vbroadcast v1, $0x0;
	_ =	sdelay $0x1  }
0x336: {  	v27 =	vbroadcast v0, $0x0;
	v17 =	vmul.f32 v17, v26  }
0x337: {  	v15 =	vmul.f32 v15, v26  }
0x338: {  	v18 =	vmul.f32 v18, v26;
	v17 =	vadd.f32 v17, v27  }
0x339: {  	v19 =	vmul.f32 v19, v26;
	v15 =	vadd.f32 v15, v27  }
0x33a: {  	v32 =	vmul.f32 v21, v26;
	v18 =	vadd.f32 v18, v27;
	[tilespmem:s0+$0xF000] =	vst v17  }
0x33b: {  	v20 =	vmul.f32 v20, v26;
	v19 =	vadd.f32 v19, v27;
	[tilespmem:s0+$0xF010] =	vst v15  }
0x33c: {  	v49 =	vbroadcast v1, $0x1;
	v48 =	vmul.f32 v16, v26;
	v21 =	vadd.f32 v32, v27;
	[tilespmem:s0+$0xF020] =	vst v18  }
0x33d: {  	v13 =	vmul.f32 v13, v26;
	v20 =	vadd.f32 v20, v27;
	[tilespmem:s0+$0xF030] =	vst v19  }
0x33e: {  	v30 =	vbroadcast v0, $0x1;
	v14 =	vmul.f32 v14, v49;
	v50 =	vadd.f32 v48, v27;
	[tilespmem:s0+$0xF040] =	vst v21  }
0x33f: {  	v11 =	vmul.f32 v11, v49;
	v13 =	vadd.f32 v13, v27;
	[tilespmem:s0+$0xF050] =	vst v20  }
0x340: {  	v9 =	vmul.f32 v9, v49;
	v14 =	vadd.f32 v14, v30;
	[tilespmem:s0+$0xF060] =	vst v50  }
0x341: {  	v12 =	vmul.f32 v12, v49;
	v11 =	vadd.f32 v11, v30;
	[tilespmem:s0+$0xF070] =	vst v13  }
0x342: {  	v33 =	vld [tilespmem:s0+$0x5150];
	v10 =	vmul.f32 v10, v49;
	v9 =	vadd.f32 v9, v30;
	[tilespmem:s0+$0xF080] =	vst v14  }
0x343: {  	v34 =	vld [tilespmem:s0+$0x5160];
	v52 =	vmul.f32 v8, v49;
	v51 =	vadd.f32 v12, v30;
	[tilespmem:s0+$0xF090] =	vst v11  }
0x344: {  	v35 =	vld [tilespmem:s0+$0x5170];
	v54 =	vbroadcast v1, $0x2;
	v53 =	vmul.f32 v6, v49;
	v10 =	vadd.f32 v10, v30;
	[tilespmem:s0+$0xF0A0] =	vst v9  }
0x345: {  	v42 =	vld [tilespmem:s0+$0x51E0];
	v7 =	vmul.f32 v7, v49;
	v12 =	vadd.f32 v52, v30;
	[tilespmem:s0+$0xF0B0] =	vst v51  }
0x346: {  	v36 =	vld [tilespmem:s0+$0x5180];
	v56 =	vbroadcast v0, $0x2;
	v5 =	vmul.f32 v5, v54;
	v55 =	vadd.f32 v53, v30;
	[tilespmem:s0+$0xF0C0] =	vst v10  }
0x347: {  	v43 =	vld [tilespmem:s0+$0x5190];
	v3 =	vmul.f32 v3, v54;
	v7 =	vadd.f32 v7, v30;
	[tilespmem:s0+$0xF0D0] =	vst v12  }
0x348: {  	v44 =	vld [tilespmem:s0+$0x51A0];
	v60 =	vbroadcast v1, $0x3;
	v2 =	vmul.f32 v2, v54;
	v5 =	vadd.f32 v5, v56;
	[tilespmem:s0+$0xF0E0] =	vst v55  }
0x349: {  	v45 =	vld [tilespmem:s0+$0x51B0];
	v4 =	vmul.f32 v4, v54;
	v3 =	vadd.f32 v3, v56;
	[tilespmem:s0+$0xF0F0] =	vst v7  }
0x34a: {  	v47 =	vld [tilespmem:s0+$0x51D0];
	v63 =	vbroadcast v0, $0x3;
	v42 =	vmul.f32 v42, v60;
	v2 =	vadd.f32 v2, v56;
	[tilespmem:s0+$0xF100] =	vst v5  }
0x34b: {  	v46 =	vld [tilespmem:s0+$0x51C0];
	v57 =	vmul.f32 v22, v54;
	v4 =	vadd.f32 v4, v56;
	[tilespmem:s0+$0xF110] =	vst v3  }
0x34c: {  	v23 =	vld [tilespmem:s0+$0x51F0];
	v58 =	vmul.f32 v33, v54;
	v42 =	vadd.f32 v42, v63;
	[tilespmem:s0+$0xF120] =	vst v2  }
0x34d: {  	v37 =	vld [tilespmem:s0+$0x5200];
	v59 =	vmul.f32 v34, v54;
	v3 =	vadd.f32 v57, v56;
	[tilespmem:s0+$0xF130] =	vst v4  }
0x34e: {  	v38 =	vld [tilespmem:s0+$0x5210];
	v61 =	vmul.f32 v35, v54;
	v2 =	vadd.f32 v58, v56;
	[tilespmem:s0+$0xF1E0] =	vst v42  }
0x34f: {  	v39 =	vld [tilespmem:s0+$0x5220];
	v53 =	vmul.f32 v47, v60;
	v4 =	vadd.f32 v59, v56;
	[tilespmem:s0+$0xF140] =	vst v3  }
0x350: {  	v40 =	vld [tilespmem:s0+$0x5230];
	v62 =	vmul.f32 v36, v60;
	v11 =	vadd.f32 v61, v56;
	[tilespmem:s0+$0xF150] =	vst v2  }
0x351: {  	v24 =	vld [tilespmem:s0+$0x5250];
	v48 =	vmul.f32 v43, v60;
	v14 =	vadd.f32 v53, v63;
	[tilespmem:s0+$0xF160] =	vst v4  }
0x352: {  	v25 =	vld [tilespmem:s0+$0x5260];
	v49 =	vmul.f32 v44, v60;
	v54 =	vbroadcast v1, $0x4;
	v2 =	vadd.f32 v62, v63;
	[tilespmem:s0+$0xF170] =	vst v11  }
0x353: {  	v41 =	vld [tilespmem:s0+$0x5240];
	v50 =	vmul.f32 v45, v60;
	v4 =	vadd.f32 v48, v63;
	[tilespmem:s0+$0xF1D0] =	vst v14  }
0x354: {  	v28 =	vld [tilespmem:s0+$0x52E0];
	v55 =	vbroadcast v0, $0x4;
	v56 =	vmul.f32 v37, v54;
	v11 =	vadd.f32 v49, v63;
	[tilespmem:s0+$0xF180] =	vst v2  }
0x355: {  	v29 =	vld [tilespmem:s0+$0x52F0];
	v57 =	vmul.f32 v38, v54;
	v52 =	vadd.f32 v50, v63;
	[tilespmem:s0+$0xF190] =	vst v4  }
0x356: {  	v31 =	vld [tilespmem:s0+$0x5350];
	v24 =	vmul.f32 v24, v54;
	v13 =	vadd.f32 v56, v55;
	[tilespmem:s0+$0xF1A0] =	vst v11  }
0x357: {  	v26 =	vld [tilespmem:s0+$0x52C0];
	v25 =	vmul.f32 v25, v54;
	v14 =	vadd.f32 v57, v55;
	[tilespmem:s0+$0xF1B0] =	vst v52  }
0x358: {  	v16 =	vld [tilespmem:s0+$0x52A0];
	v51 =	vmul.f32 v46, v60;
	v24 =	vadd.f32 v24, v55;
	[tilespmem:s0+$0xF200] =	vst v13  }
0x359: {  	v8 =	vld [tilespmem:s0+$0x5310];
	v3 =	vmul.f32 v23, v60;
	v25 =	vadd.f32 v25, v55;
	[tilespmem:s0+$0xF210] =	vst v14  }
0x35a: {  	v27 =	vld [tilespmem:s0+$0x52D0];
	v59 =	vmul.f32 v40, v54;
	v61 =	vbroadcast v1, $0x5;
	v4 =	vadd.f32 v51, v63;
	[tilespmem:s0+$0xF250] =	vst v24  }
0x35b: {  	v30 =	vld [tilespmem:s0+$0x5340];
	v60 =	vmul.f32 v41, v54;
	v3 =	vadd.f32 v3, v63;
	[tilespmem:s0+$0xF260] =	vst v25  }
0x35c: {  	v32 =	vld [tilespmem:s0+$0x5360];
	v62 =	vbroadcast v0, $0x5;
	v43 =	vmul.f32 v26, v61;
	v13 =	vadd.f32 v59, v55;
	[tilespmem:s0+$0xF1C0] =	vst v4  }
0x35d: {  	v18 =	vld [tilespmem:s0+$0x5280];
	v48 =	vmul.f32 v28, v61;
	v14 =	vadd.f32 v60, v55;
	[tilespmem:s0+$0xF1F0] =	vst v3  }
0x35e: {  	v15 =	vld [tilespmem:s0+$0x5290];
	v49 =	vmul.f32 v29, v61;
	v50 =	vbroadcast v1, $0x6;
	v47 =	vadd.f32 v43, v62;
	[tilespmem:s0+$0xF230] =	vst v13  }
0x35f: {  	v19 =	vld [tilespmem:s0+$0x52B0];
	v58 =	vmul.f32 v39, v54;
	v26 =	vadd.f32 v48, v62;
	[tilespmem:s0+$0xF240] =	vst v14  }
0x360: {  	v9 =	vld [tilespmem:s0+$0x5300];
	v51 =	vbroadcast v0, $0x6;
	v52 =	vadd.f32 v49, v62;
	v57 =	vmul.f32 v30, v50;
	[tilespmem:s0+$0xF2C0] =	vst v47  }
0x361: {  	v21 =	vld [tilespmem:s0+$0x5370];
	v32 =	vmul.f32 v32, v50;
	v3 =	vadd.f32 v58, v55;
	[tilespmem:s0+$0xF2E0] =	vst v26  }
0x362: {  	v17 =	vld [tilespmem:s0+$0x5270];
	v18 =	vmul.f32 v18, v61;
	[tilespmem:s0+$0xF2F0] =	vst v52;
	v59 =	vadd.f32 v57, v51  }
0x363: {  	v6 =	vld [tilespmem:s0+$0x5320];
	v15 =	vmul.f32 v15, v61;
	v32 =	vadd.f32 v32, v51;
	[tilespmem:s0+$0xF220] =	vst v3  }
0x364: {  	v20 =	vld [tilespmem:s0+$0x5330];
	v24 =	vmul.f32 v19, v61;
	v18 =	vadd.f32 v18, v62;
	[tilespmem:s0+$0xF340] =	vst v59  }
0x365: {  	v22 =	vld [tilespmem:s0+$0x53B0];
	v53 =	vmul.f32 v9, v50;
	v15 =	vadd.f32 v15, v62;
	[tilespmem:s0+$0xF360] =	vst v32  }
0x366: {  	v34 =	vld [tilespmem:s0+$0x53D0];
	v63 =	vmul.f32 v16, v61;
	v28 =	vmul.f32 v21, v50;
	v16 =	vadd.f32 v24, v62;
	[tilespmem:s0+$0xF280] =	vst v18  }
0x367: {  	v35 =	vld [tilespmem:s0+$0x53E0];
	v46 =	vmul.f32 v27, v61;
	v4 =	vmul.f32 v17, v54;
	v27 =	vadd.f32 v53, v51;
	[tilespmem:s0+$0xF290] =	vst v15  }
0x368: {  	v10 =	vld [tilespmem:s0+$0x53A0];
	v8 =	vmul.f32 v8, v50;
	v28 =	vadd.f32 v28, v51;
	[tilespmem:s0+$0xF2B0] =	vst v16  }
0x369: {  	v12 =	vld [tilespmem:s0+$0x5420];
	v60 =	vbroadcast v1, $0x7;
	v56 =	vmul.f32 v20, v50;
	v4 =	vadd.f32 v4, v55;
	[tilespmem:s0+$0xF300] =	vst v27  }
0x36a: {  	v37 =	vld [tilespmem:s0+$0x5440];
	v58 =	vmul.f32 v31, v50;
	v55 =	vadd.f32 v8, v51;
	[tilespmem:s0+$0xF370] =	vst v28  }
0x36b: {  	v38 =	vld [tilespmem:s0+$0x5450];
	v61 =	vbroadcast v0, $0x7;
	v47 =	vmul.f32 v34, v60;
	v8 =	vadd.f32 v56, v51;
	[tilespmem:s0+$0xF270] =	vst v4  }
0x36c: {  	v39 =	vld [tilespmem:s0+$0x5460];
	v54 =	vmul.f32 v6, v50;
	v48 =	vmul.f32 v35, v60;
	v30 =	vadd.f32 v58, v51;
	[tilespmem:s0+$0xF310] =	vst v55  }
0x36d: {  	v40 =	vld [tilespmem:s0+$0x5470];
	v44 =	vmul.f32 v10, v60;
	v50 =	vbroadcast v1, $0x8;
	v32 =	vadd.f32 v47, v61;
	[tilespmem:s0+$0xF330] =	vst v8  }
0x36e: {  	v36 =	vld [tilespmem:s0+$0x53F0];
	v34 =	vadd.f32 v48, v61;
	[tilespmem:s0+$0xF350] =	vst v30  }
0x36f: {  	v7 =	vld [tilespmem:s0+$0x5390];
	v52 =	vbroadcast v0, $0x8;
	v12 =	vmul.f32 v12, v50;
	v28 =	vadd.f32 v44, v61;
	[tilespmem:s0+$0xF3D0] =	vst v32  }
0x370: {  	v33 =	vld [tilespmem:s0+$0x53C0];
	v57 =	vmul.f32 v38, v50;
	v4 =	vadd.f32 v63, v62;
	[tilespmem:s0+$0xF3E0] =	vst v34  }
0x371: {  	v5 =	vld [tilespmem:s0+$0x5380];
	v58 =	vmul.f32 v39, v50;
	v12 =	vadd.f32 v12, v52;
	[tilespmem:s0+$0xF3A0] =	vst v28  }
0x372: {  	v42 =	vld [tilespmem:s0+$0x54E0];
	v56 =	vmul.f32 v37, v50;
	v59 =	vmul.f32 v40, v50;
	v37 =	vadd.f32 v57, v52;
	[tilespmem:s0+$0xF2A0] =	vst v4  }
0x373: {  	v23 =	vld [tilespmem:s0+$0x5430];
	v38 =	vadd.f32 v58, v52;
	[tilespmem:s0+$0xF420] =	vst v12  }
0x374: {  	v41 =	vld [tilespmem:s0+$0x54D0];
	v49 =	vmul.f32 v36, v60;
	v63 =	vmul.f32 v7, v60;
	v36 =	vadd.f32 v59, v52;
	[tilespmem:s0+$0xF450] =	vst v37  }
0x375: {  	v2 =	vld [tilespmem:s0+$0x5400];
	v4 =	vadd.f32 v46, v62;
	[tilespmem:s0+$0xF460] =	vst v38  }
0x376: {  	v11 =	vld [tilespmem:s0+$0x5410];
	v62 =	vmul.f32 v5, v60;
	v29 =	vadd.f32 v63, v61;
	[tilespmem:s0+$0xF470] =	vst v36  }
0x377: {  	v19 =	vld [tilespmem:s0+$0x5500];
	v46 =	vmul.f32 v33, v60;
	[tilespmem:s0+$0xF2D0] =	vst v4;
	v4 =	vadd.f32 v54, v51  }
0x378: {  	v15 =	vld [tilespmem:s0+$0x5510];
	v30 =	vadd.f32 v62, v61;
	[tilespmem:s0+$0xF390] =	vst v29  }
0x379: {  	v45 =	vmul.f32 v22, v60;
	v16 =	vld [tilespmem:s0+$0x5520];
	v33 =	vadd.f32 v46, v61;
	[tilespmem:s0+$0xF320] =	vst v4  }
0x37a: {  	v24 =	vld [tilespmem:s0+$0x5530];
	v47 =	vbroadcast v1, $0xA;
	v53 =	vmul.f32 v2, v50;
	v51 =	vadd.f32 v49, v61;
	[tilespmem:s0+$0xF380] =	vst v30  }
0x37b: {  	v9 =	vld [tilespmem:s0+$0x5540];
	v54 =	vmul.f32 v11, v50;
	v30 =	vadd.f32 v45, v61;
	[tilespmem:s0+$0xF3C0] =	vst v33  }
0x37c: {  	v26 =	vld [tilespmem:s0+$0x5550];
	v19 =	vmul.f32 v19, v47;
	v49 =	vbroadcast v0, $0xA;
	v33 =	vadd.f32 v53, v52;
	[tilespmem:s0+$0xF3F0] =	vst v51  }
0x37d: {  	v27 =	vld [tilespmem:s0+$0x5560];
	v15 =	vmul.f32 v15, v47;
	v34 =	vadd.f32 v54, v52;
	[tilespmem:s0+$0xF3B0] =	vst v30  }
0x37e: {  	v20 =	vld [tilespmem:s0+$0x5570];
	v16 =	vmul.f32 v16, v47;
	v19 =	vadd.f32 v19, v49;
	[tilespmem:s0+$0xF400] =	vst v33  }
0x37f: {  	v25 =	vld [tilespmem:s0+$0x54C0];
	v24 =	vmul.f32 v24, v47;
	v15 =	vadd.f32 v15, v49;
	[tilespmem:s0+$0xF410] =	vst v34  }
0x380: {  	v21 =	vld [tilespmem:s0+$0x55B0];
	v9 =	vmul.f32 v9, v47;
	v16 =	vadd.f32 v16, v49;
	[tilespmem:s0+$0xF500] =	vst v19  }
0x381: {  	v3 =	vld [tilespmem:s0+$0x5480];
	v26 =	vmul.f32 v26, v47;
	v24 =	vadd.f32 v24, v49;
	[tilespmem:s0+$0xF510] =	vst v15  }
0x382: {  	v13 =	vld [tilespmem:s0+$0x5490];
	v27 =	vmul.f32 v27, v47;
	v9 =	vadd.f32 v9, v49;
	[tilespmem:s0+$0xF520] =	vst v16  }
0x383: {  	v14 =	vld [tilespmem:s0+$0x54A0];
	v20 =	vmul.f32 v20, v47;
	v26 =	vadd.f32 v26, v49;
	[tilespmem:s0+$0xF530] =	vst v24  }
0x384: {  	v17 =	vld [tilespmem:s0+$0x54B0];
	v55 =	vmul.f32 v23, v50;
	v60 =	vbroadcast v1, $0x9;
	v27 =	vadd.f32 v27, v49;
	[tilespmem:s0+$0xF540] =	vst v9  }
0x385: {  	v6 =	vld [tilespmem:s0+$0x5590];
	v20 =	vadd.f32 v20, v49;
	[tilespmem:s0+$0xF550] =	vst v26  }
0x386: {  	v10 =	vld [tilespmem:s0+$0x55E0];
	v62 =	vmul.f32 v3, v60;
	v61 =	vbroadcast v0, $0x9;
	v33 =	vadd.f32 v55, v52;
	[tilespmem:s0+$0xF560] =	vst v27  }
0x387: {  	v18 =	vld [tilespmem:s0+$0x54F0];
	v63 =	vmul.f32 v13, v60;
	v34 =	vadd.f32 v56, v52;
	[tilespmem:s0+$0xF570] =	vst v20  }
0x388: {  	v22 =	vld [tilespmem:s0+$0x55F0];
	v43 =	vmul.f32 v14, v60;
	v39 =	vadd.f32 v62, v61;
	[tilespmem:s0+$0xF430] =	vst v33  }
0x389: {  	v8 =	vld [tilespmem:s0+$0x55A0];
	v17 =	vmul.f32 v17, v60;
	v38 =	vadd.f32 v63, v61;
	[tilespmem:s0+$0xF440] =	vst v34  }
0x38a: {  	v31 =	vld [tilespmem:s0+$0x5630];
	v25 =	vmul.f32 v25, v60;
	v36 =	vadd.f32 v43, v61;
	[tilespmem:s0+$0xF480] =	vst v39  }
0x38b: {  	v5 =	vld [tilespmem:s0+$0x55C0];
	v46 =	vmul.f32 v42, v60;
	v50 =	vbroadcast v1, $0xB;
	v44 =	vadd.f32 v17, v61;
	[tilespmem:s0+$0xF490] =	vst v38  }
0x38c: {  	v35 =	vld [tilespmem:s0+$0x56B0];
	v18 =	vmul.f32 v18, v60;
	v25 =	vadd.f32 v25, v61;
	[tilespmem:s0+$0xF4A0] =	vst v36  }
0x38d: {  	v7 =	vld [tilespmem:s0+$0x55D0];
	v51 =	vbroadcast v0, $0xB;
	v6 =	vmul.f32 v6, v50;
	v48 =	vadd.f32 v46, v61;
	[tilespmem:s0+$0xF4B0] =	vst v44  }
0x38e: {  	v2 =	vld [tilespmem:s0+$0x5640];
	v8 =	vmul.f32 v8, v50;
	v18 =	vadd.f32 v18, v61;
	[tilespmem:s0+$0xF4C0] =	vst v25  }
0x38f: {  	v28 =	vld [tilespmem:s0+$0x5600];
	v10 =	vmul.f32 v10, v50;
	v6 =	vadd.f32 v6, v51;
	[tilespmem:s0+$0xF4E0] =	vst v48  }
0x390: {  	v32 =	vld [tilespmem:s0+$0x5660];
	v5 =	vmul.f32 v5, v50;
	v8 =	vadd.f32 v8, v51;
	[tilespmem:s0+$0xF4F0] =	vst v18  }
0x391: {  	v23 =	vld [tilespmem:s0+$0x5670];
	v45 =	vmul.f32 v41, v60;
	v10 =	vadd.f32 v10, v51;
	[tilespmem:s0+$0xF590] =	vst v6  }
0x392: {  	v29 =	vld [tilespmem:s0+$0x5610];
	v53 =	vmul.f32 v7, v50;
	v54 =	vbroadcast v1, $0xC;
	v5 =	vadd.f32 v5, v51;
	[tilespmem:s0+$0xF5A0] =	vst v8  }
0x393: {  	v11 =	vld [tilespmem:s0+$0x5650];
	v55 =	vmul.f32 v22, v50;
	v36 =	vadd.f32 v45, v61;
	[tilespmem:s0+$0xF5E0] =	vst v10  }
0x394: {  	v4 =	vld [tilespmem:s0+$0x5580];
	v56 =	vbroadcast v0, $0xC;
	v57 =	vmul.f32 v28, v54;
	v6 =	vadd.f32 v53, v51;
	[tilespmem:s0+$0xF5C0] =	vst v5  }
0x395: {  	v12 =	vld [tilespmem:s0+$0x5680];
	v60 =	vmul.f32 v31, v54;
	v8 =	vadd.f32 v55, v51;
	[tilespmem:s0+$0xF4D0] =	vst v36  }
0x396: {  	v3 =	vld [tilespmem:s0+$0x56C0];
	v2 =	vmul.f32 v2, v54;
	v22 =	vadd.f32 v57, v56;
	[tilespmem:s0+$0xF5D0] =	vst v6  }
0x397: {  	v13 =	vld [tilespmem:s0+$0x56D0];
	v58 =	vmul.f32 v29, v54;
	v10 =	vadd.f32 v60, v56;
	[tilespmem:s0+$0xF5F0] =	vst v8  }
0x398: {  	v14 =	vld [tilespmem:s0+$0x56E0];
	v61 =	vmul.f32 v11, v54;
	v2 =	vadd.f32 v2, v56;
	[tilespmem:s0+$0xF600] =	vst v22  }
0x399: {  	v30 =	vld [tilespmem:s0+$0x5620];
	v4 =	vmul.f32 v4, v50;
	v5 =	vadd.f32 v58, v56;
	[tilespmem:s0+$0xF630] =	vst v10  }
0x39a: {  	v17 =	vld [tilespmem:s0+$0x5700];
	v62 =	vmul.f32 v32, v54;
	v63 =	vbroadcast v1, $0xD;
	v8 =	vadd.f32 v61, v56;
	[tilespmem:s0+$0xF640] =	vst v2  }
0x39b: {  	v15 =	vld [tilespmem:s0+$0x5770];
	v52 =	vmul.f32 v21, v50;
	v22 =	vmul.f32 v23, v54;
	v4 =	vadd.f32 v4, v51;
	[tilespmem:s0+$0xF610] =	vst v5  }
0x39c: {  	v21 =	vld [tilespmem:s0+$0x57E0];
	v12 =	vmul.f32 v12, v63;
	v23 =	vbroadcast v0, $0xD;
	v5 =	vadd.f32 v62, v56;
	[tilespmem:s0+$0xF650] =	vst v8  }
0x39d: {  	v41 =	vbroadcast v1, $0xE;
	v33 =	vld [tilespmem:s0+$0x5690];
	v28 =	vadd.f32 v22, v56;
	[tilespmem:s0+$0xF580] =	vst v4  }
0x39e: {  	v43 =	vbroadcast v0, $0xE;
	v34 =	vld [tilespmem:s0+$0x56A0];
	v59 =	vmul.f32 v30, v54;
	v31 =	vadd.f32 v12, v23;
	[tilespmem:s0+$0xF660] =	vst v5  }
0x39f: {  	v1 =	vbroadcast v1, $0xF;
	v38 =	vld [tilespmem:s0+$0x56F0];
	v32 =	vmul.f32 v35, v63;
	v4 =	vadd.f32 v52, v51;
	[tilespmem:s0+$0xF670] =	vst v28  }
0x3a0: {  	v35 =	vmul.f32 v13, v63;
	v44 =	vmul.f32 v17, v41;
	v6 =	vadd.f32 v59, v56;
	[tilespmem:s0+$0xF680] =	vst v31  }
0x3a1: {  	v40 =	vmul.f32 v14, v63;
	v53 =	vmul.f32 v15, v41;
	v5 =	vadd.f32 v32, v23;
	[tilespmem:s0+$0xF5B0] =	vst v4  }
0x3a2: {  	v0 =	vbroadcast v0, $0xF;
	v62 =	vmul.f32 v21, v1;
	v48 =	vadd.f32 v44, v43;
	[tilespmem:s0+$0xF620] =	vst v6  }
0x3a3: {  	v39 =	vld [tilespmem:s0+$0x5710];
	v29 =	vmul.f32 v33, v63;
	v30 =	vmul.f32 v34, v63;
	v56 =	vadd.f32 v53, v43;
	[tilespmem:s0+$0xF6B0] =	vst v5  }
0x3a4: {  	v18 =	vld [tilespmem:s0+$0x5750];
	v33 =	vmul.f32 v3, v63;
	v42 =	vmul.f32 v38, v63;
	v63 =	vadd.f32 v62, v0;
	[tilespmem:s0+$0xF700] =	vst v48  }
0x3a5: {  	v24 =	vld [tilespmem:s0+$0x5790];
	v4 =	vadd.f32 v29, v23;
	[tilespmem:s0+$0xF770] =	vst v56  }
0x3a6: {  	v34 =	vadd.f32 v30, v23;
	[tilespmem:s0+$0xF7E0] =	vst v63  }
0x3a7: {  	v25 =	vld [tilespmem:s0+$0x5720];
	v2 =	vadd.f32 v33, v23;
	[tilespmem:s0+$0xF690] =	vst v4  }
0x3a8: {  	v37 =	vld [tilespmem:s0+$0x5740];
	v46 =	vmul.f32 v39, v41;
	v6 =	vadd.f32 v35, v23;
	[tilespmem:s0+$0xF6A0] =	vst v34  }
0x3a9: {  	v19 =	vld [tilespmem:s0+$0x5760];
	v51 =	vmul.f32 v18, v41;
	v45 =	vadd.f32 v42, v23;
	[tilespmem:s0+$0xF6C0] =	vst v2  }
0x3aa: {  	v36 =	vld [tilespmem:s0+$0x5730];
	v57 =	vmul.f32 v24, v1;
	v3 =	vadd.f32 v46, v43;
	[tilespmem:s0+$0xF6D0] =	vst v6  }
0x3ab: {  	v9 =	vld [tilespmem:s0+$0x57A0];
	v54 =	vadd.f32 v51, v43;
	[tilespmem:s0+$0xF6F0] =	vst v45  }
0x3ac: {  	v26 =	vld [tilespmem:s0+$0x57B0];
	v47 =	vmul.f32 v25, v41;
	v5 =	vadd.f32 v57, v0;
	[tilespmem:s0+$0xF710] =	vst v3  }
0x3ad: {  	v16 =	vld [tilespmem:s0+$0x5780];
	v50 =	vmul.f32 v37, v41;
	v4 =	vadd.f32 v40, v23;
	[tilespmem:s0+$0xF750] =	vst v54  }
0x3ae: {  	v27 =	vld [tilespmem:s0+$0x57C0];
	v52 =	vmul.f32 v19, v41;
	v6 =	vadd.f32 v47, v43;
	[tilespmem:s0+$0xF790] =	vst v5  }
0x3af: {  	v20 =	vld [tilespmem:s0+$0x57D0];
	v49 =	vmul.f32 v36, v41;
	v2 =	vadd.f32 v50, v43;
	[tilespmem:s0+$0xF6E0] =	vst v4  }
0x3b0: {  	v7 =	vld [tilespmem:s0+$0x57F0];
	v58 =	vmul.f32 v9, v1;
	v3 =	vadd.f32 v52, v43;
	[tilespmem:s0+$0xF720] =	vst v6  }
0x3b1: {  	v59 =	vmul.f32 v26, v1;
	v4 =	vadd.f32 v49, v43;
	[tilespmem:s0+$0xF740] =	vst v2  }
0x3b2: {  	v55 =	vmul.f32 v16, v1;
	[tilespmem:s0+$0xF760] =	vst v3;
	v6 =	vadd.f32 v58, v0  }
0x3b3: {  	v60 =	vmul.f32 v27, v1;
	v3 =	vadd.f32 v59, v0;
	[tilespmem:s0+$0xF730] =	vst v4  }
0x3b4: {  	v61 =	vmul.f32 v20, v1;
	v4 =	vadd.f32 v55, v0;
	[tilespmem:s0+$0xF7A0] =	vst v6  }
0x3b5: {  	v1 =	vmul.f32 v7, v1;
	v2 =	vadd.f32 v60, v0;
	[tilespmem:s0+$0xF7B0] =	vst v3  }
.Ltmp7:
0x3b6: {  	[tilespmem:s0+$0xF780] =	vst v4;
	v4 =	vadd.f32 v61, v0;
	(pc) =	sbr.rel .LBB2_8-.Ltmp7, $4  }
0x3b7: {  	s30 =	smul.u32 $0xA00, s30;
	[tilespmem:s0+$0xF7C0] =	vst v2;
	v0 =	vadd.f32 v1, v0  }
0x3b8: {  	[tilespmem:s0+$0xF7D0] =	vst v4  }
0x3b9: {  	s31 =	sadd.s32 s7, s30;
	[tilespmem:s0+$0xF7F0] =	vst v0  }
0x3ba: {  	[hbm4b:s31+s8] =	stream.linear.scatter [tilespmem:s24], [sflag:$0x4], $0x5000, $0x38;
	[tilespmem:$0x14300] =	vst v63  }
.LBB2_10:
0x3bb: {  	_ =	sfence.sel $0x180000  }
0x3bc: {  	[bflag:$0x0] =	sbarrier.arrive $0xFFFF  }
0x3bd: {  	_ =	strace $0x90000047  }
0x3be: {  	s0 =	stileid.u32;
	[bflag:$0x2] =	sbarrier.arrive $0xFFFF  }
0x3bf: {  	p0 =	sne.s32 s0, $0x0;
	s0 =	rddreg [dreg:$0x5]  }
0x3c0: {  	s0 =	sadd.s32 @!p0 $0x100000, s0  }
0x3c1: {  	[sflag:s0] =	ssyncadd.tile.s32 @!p0 $0x1;
	_ =	shalt  }
.Lfunc_end2:
_tile_overlayer_lowered:
.L_overlay_start_2:
0x3c2: {  	(tag) =	ssettag $0x2  }
0x3c3: {  	s0 =	rddreg [dreg:$0x0];
	s2 =	stileid.u32  }
0x3c4: {  	s1 =	rddreg [dreg:$0x1];
	p0 =	sne.s32 s2, $0x0  }
0x3c5: {  	s3 =	rddreg [dreg:$0x2];
	[bflag:$0x3] =	sbarrier.arrive $0xFFFF;
	s2 =	simm.s32 @!p0 $0x1C05  }
0x3c6: {  	[timem:s3], [sflag:s2] =	dma.local @!p0 [hbm:s0], s1  }
0x3c7: {  	s0 =	simm.s32 @!p0 $0x5  }
0x3c8: {  	_ =	swait.ge @!p0 [sflag:s0], s1  }
0x3c9: {  	s1 =	ssub.s32 @!p0 $0x0, s1;
	[sflag:s0] =	ssyncset.done @!p0 $0x0  }
0x3ca: {  	[sflag:s0] =	ssyncadd.s32 @!p0 s1  }
0x3cb: {  	[bflag:$0x3] =	sbarrier.arrive $0xFFFF  }
0x3cc: {  	_ =	shalt  }

</sc_bundles>
